<compile_context>
chip_gen: v7x
topology: tpu7x:2x2x1
jax: 0.10.2.dev20260603
libtpu: 0.0.44.dev20260713+nightly
codegen_flags: <defaults>
</compile_context>

<pallas_src>
import functools

import jax
import jax.numpy as jnp
from jax import lax
from jax.experimental import pallas as pl
from jax.experimental.pallas import tpu as pltpu
from jax.experimental.pallas import tpu_sc as plsc

NC, NS, NL = 2, 16, 16
NW = NC * NS


def _mesh():
    return plsc.VectorSubcoreMesh(core_axis_name="c", subcore_axis_name="s")


def _sc_gather_rows(table, idx):
    N, = idx.shape
    D = table.shape[1]
    per_w = N // NW
    CH = 128
    nch = per_w // CH
    idx2 = idx.reshape(NW, nch, CH)

    NB = 4

    @functools.partial(
        pl.kernel,
        out_type=jax.ShapeDtypeStruct((N, D), jnp.float32),
        mesh=_mesh(),
        scratch_types=[
            pltpu.VMEM((nch, CH), jnp.int32),
        ] + [pltpu.VMEM((CH, D), jnp.float32)] * NB
          + [pltpu.SemaphoreType.DMA] * 2 * NB,
    )
    def k(table_h, idx_h, out_h, idx_v, *bs):
        bufs, gsems, osems = bs[:NB], bs[NB:2 * NB], bs[2 * NB:]
        w = lax.axis_index("c") * NS + lax.axis_index("s")
        pltpu.sync_copy(idx_h.at[w], idx_v)
        for p in range(NB):
            pltpu.async_copy(table_h.at[idx_v.at[p]], bufs[p], gsems[p])

        def body(jj, carry):
            for p in range(NB):
                j = NB * jj + p
                buf, gs, os = bufs[p], gsems[p], osems[p]
                pltpu.make_async_copy(out_h.at[pl.ds(0, CH)], buf, gs).wait()
                pltpu.async_copy(buf, out_h.at[pl.ds((w * nch + j) * CH, CH)], os)
                pltpu.make_async_copy(buf, out_h.at[pl.ds(0, CH)], os).wait()

                @pl.when(j + NB < nch)
                def _():
                    pltpu.async_copy(table_h.at[idx_v.at[j + NB]], buf, gs)
            return carry

        lax.fori_loop(0, nch // NB, body, 0)

    return k(table, idx2)


def _tc_front_body(mem, rs, h_ref, t_ref, r_ref, sub_ref, wr0_ref, wr1_ref,
                   wt_ref, ch_ref, ct_ref, n0_ref, n1_ref, r2_ref, encr_ref):
    TT = h_ref.shape[2]
    CHK = 512
    iota = lax.broadcasted_iota(jnp.int32, (CHK, mem), 1)
    iota_r = lax.broadcasted_iota(jnp.int32, (CHK, rs), 1)

    def step(i, accs):
        ah, at, ar = accs
        hh = h_ref[0, 0, pl.ds(i * CHK, CHK)]
        tt = t_ref[0, 0, pl.ds(i * CHK, CHK)]
        rr = r_ref[0, 0, pl.ds(i * CHK, CHK)]
        ah = ah + jnp.sum((hh[:, None] == iota).astype(jnp.float32), axis=0)
        at = at + jnp.sum((tt[:, None] == iota).astype(jnp.float32), axis=0)
        ar = ar + jnp.sum((rr[:, None] == iota_r).astype(jnp.float32), axis=0)
        return ah, at, ar

    z = jnp.zeros((mem,), jnp.float32)
    zr = jnp.zeros((rs,), jnp.float32)
    ah, at, ar = lax.fori_loop(0, TT // CHK, step, (z, z, zr))
    ch_ref[0, 0] = ah
    ct_ref[0, 0] = at
    sub = sub_ref[...]
    s1 = jnp.dot(sub, wr0_ref[...], preferred_element_type=jnp.float32)
    s2 = jnp.dot(s1, wr1_ref[...], preferred_element_type=jnp.float32)
    s2t = jnp.dot(s2, wt_ref[...], preferred_element_type=jnp.float32)
    rel = r_ref[0, 0]
    oh = (rel[:, None] == lax.broadcasted_iota(jnp.int32, (TT, rs), 1)
          ).astype(jnp.float32)
    n0_ref[0] = jnp.dot(oh, -sub, preferred_element_type=jnp.float32)
    n1_ref[0] = jnp.dot(oh, -s1, preferred_element_type=jnp.float32)
    r2_ref[0] = jnp.dot(oh, s2t, preferred_element_type=jnp.float32)
    encr_ref[0, 0] = jnp.dot(ar[None, :], s2t,
                             preferred_element_type=jnp.float32)[0]


def _tc_front(head, tail, relation, sub, Wr0, Wr1, Wtr, mem, rs):
    B, T = head.shape
    RS, D = sub.shape
    h3 = head.reshape(B, 1, T)
    t3 = tail.reshape(B, 1, T)
    r3 = relation.reshape(B, 1, T)
    ch, ct, n0, n1, r2, encr = pl.pallas_call(
        functools.partial(_tc_front_body, mem, rs),
        grid=(B,),
        in_specs=[pl.BlockSpec((1, 1, T), lambda i: (i, 0, 0))] * 3
        + [pl.BlockSpec((RS, D), lambda i: (0, 0)),
           pl.BlockSpec((D, D), lambda i: (0, 0)),
           pl.BlockSpec((D, D), lambda i: (0, 0)),
           pl.BlockSpec((D, D), lambda i: (0, 0))],
        out_specs=[pl.BlockSpec((1, 1, mem), lambda i: (i, 0, 0)),
                   pl.BlockSpec((1, 1, mem), lambda i: (i, 0, 0)),
                   pl.BlockSpec((1, T, D), lambda i: (i, 0, 0)),
                   pl.BlockSpec((1, T, D), lambda i: (i, 0, 0)),
                   pl.BlockSpec((1, T, D), lambda i: (i, 0, 0)),
                   pl.BlockSpec((1, 1, D), lambda i: (i, 0, 0))],
        out_shape=[jax.ShapeDtypeStruct((B, 1, mem), jnp.float32),
                   jax.ShapeDtypeStruct((B, 1, mem), jnp.float32),
                   jax.ShapeDtypeStruct((B, T, D), jnp.float32),
                   jax.ShapeDtypeStruct((B, T, D), jnp.float32),
                   jax.ShapeDtypeStruct((B, T, D), jnp.float32),
                   jax.ShapeDtypeStruct((B, 1, D), jnp.float32)],
    )(h3, t3, r3, sub, Wr0, Wr1, Wtr)
    return (ch.reshape(B * mem), ct.reshape(B * mem),
            n0.reshape(B * T, D), n1.reshape(B * T, D),
            r2.reshape(B * T, D), encr.reshape(B, D))


def _sc_scatter(hidden, negrel, idxh2, idxt2, head2, tail2, B, M, T):
    D = hidden.shape[1]
    CH = 128
    ncht = T // CH
    npt = ncht // NS
    MS = M // NS
    BPC = B // NC

    NR = BPC * npt

    @functools.partial(
        pl.kernel,
        out_type=jax.ShapeDtypeStruct((B * M, D), jnp.float32),
        mesh=_mesh(),
        scratch_types=[
            pltpu.VMEM((NR, CH), jnp.int32),
            pltpu.VMEM((NR, CH), jnp.int32),
            pltpu.VMEM((NR, CH), jnp.int32),
            pltpu.VMEM((NR, CH), jnp.int32),
            pltpu.VMEM((CH, D), jnp.float32),
            pltpu.VMEM((CH, D), jnp.float32),
            pltpu.VMEM((CH, D), jnp.float32),
            pltpu.VMEM((CH, D), jnp.float32),
            pltpu.VMEM((MS, D), jnp.float32),
            pltpu.VMEM_SHARED((M, D), jnp.float32),
            pltpu.VMEM_SHARED((M, D), jnp.float32),
            pltpu.SemaphoreType.DMA,
            pltpu.SemaphoreType.DMA,
            pltpu.SemaphoreType.DMA,
            pltpu.SemaphoreType.DMA,
        ],
    )
    def k(hid_h, nrel_h, idxh_h, idxt_h, hl_h, tl_h, out_h,
          idxh_v, idxt_v, hl_v, tl_v, b0, b1, b2, b3, zerov,
          accA, accB, s0, s1, s2, s3):
        c = lax.axis_index("c")
        s = lax.axis_index("s")
        w = c * NS + s
        zeros = jnp.zeros((NL,), jnp.float32)
        bufs = (b0, b1, b2, b3)
        sems = (s0, s1, s2, s3)
        sl_my = pl.ds(s * MS, MS)
        chains = ((idxh_v, tl_v, 0), (idxt_v, hl_v, 0),
                  (idxh_v, tl_v, 1), (idxt_v, hl_v, 1))

        def zbody(i, carry):
            zerov[i // (D // NL), pl.ds((i % (D // NL)) * NL, NL)] = zeros
            return carry
        lax.fori_loop(0, MS * D // NL, zbody, 0)

        pltpu.sync_copy(idxh_h.at[w], idxh_v)
        pltpu.sync_copy(idxt_h.at[w], idxt_v)
        pltpu.sync_copy(hl_h.at[w], hl_v)
        pltpu.sync_copy(tl_h.at[w], tl_v)
        pltpu.sync_copy(zerov, accA.at[sl_my])
        pltpu.sync_copy(zerov, accB.at[sl_my])
        plsc.subcore_barrier()

        for q, (_, _, j) in enumerate(chains):
            e0 = ((c * BPC * ncht) + s * npt + j) * CH
            pltpu.async_copy(nrel_h.at[pl.ds(e0, CH)], bufs[q], sems[q])

        def pair_body(ii, carry):
            for p, (acc, acco) in enumerate(((accA, accB), (accB, accA))):
                i = 2 * ii + p
                b = c * BPC + i
                gads = []
                for q, (gidx, _, j) in enumerate(chains):
                    pltpu.make_async_copy(nrel_h.at[pl.ds(0, CH)],
                                          bufs[q], sems[q]).wait()
                    gads.append(pltpu.async_copy(
                        hid_h.at[gidx.at[i * npt + j]], bufs[q], sems[q],
                        add=True))
                scs = []
                for q, (_, sidx, j) in enumerate(chains):
                    gads[q].wait()
                    scs.append(pltpu.async_copy(
                        bufs[q], acc.at[sidx.at[i * npt + j]], sems[q],
                        add=True))
                @pl.when(i > 0)
                def _():
                    pltpu.sync_copy(acco.at[sl_my],
                                    out_h.at[pl.ds((b - 1) * M + s * MS, MS)])
                    pltpu.sync_copy(zerov, acco.at[sl_my])
                for q in range(4):
                    scs[q].wait()
                @pl.when(i + 1 < BPC)
                def _():
                    for q, (_, _, j) in enumerate(chains):
                        e0 = ((b + 1) * ncht + s * npt + j) * CH
                        pltpu.async_copy(nrel_h.at[pl.ds(e0, CH)],
                                         bufs[q], sems[q])
                plsc.subcore_barrier()
            return carry

        lax.fori_loop(0, BPC // 2, pair_body, 0)
        pltpu.sync_copy(accB.at[sl_my],
                        out_h.at[pl.ds((c * BPC + BPC - 1) * M + s * MS, MS)])

    return k(hidden, negrel, idxh2, idxt2, head2, tail2)


def _sc_triple(A2, C2, R2, idxh2, idxt2, B, M, T):
    D = A2.shape[1]
    CH = 128
    ncht = T // CH
    npw = (B * ncht) // NW

    NB = 4

    @functools.partial(
        pl.kernel,
        out_type=jax.ShapeDtypeStruct((B * T, D), jnp.float32),
        mesh=_mesh(),
        scratch_types=[
            pltpu.VMEM((npw, CH), jnp.int32),
            pltpu.VMEM((npw, CH), jnp.int32),
        ] + [pltpu.VMEM((CH, D), jnp.float32)] * NB
          + [pltpu.SemaphoreType.DMA] * 2 * NB,
    )
    def k(a_h, c_h, r_h, idxh_h, idxt_h, out_h, idxh_v, idxt_v, *bs):
        bufs, fsems, osems = bs[:NB], bs[NB:2 * NB], bs[2 * NB:]
        w = lax.axis_index("c") * NS + lax.axis_index("s")
        pltpu.sync_copy(idxh_h.at[pl.ds(w * npw, npw)], idxh_v)
        pltpu.sync_copy(idxt_h.at[pl.ds(w * npw, npw)], idxt_v)
        for p in range(NB):
            pltpu.async_copy(r_h.at[pl.ds((w * npw + p) * CH, CH)],
                             bufs[p], fsems[p])

        def body(jj, carry):
            for p in range(NB):
                j = NB * jj + p
                e0 = (w * npw + j) * CH
                buf, fs, os = bufs[p], fsems[p], osems[p]
                pltpu.make_async_copy(a_h.at[pl.ds(0, CH)], buf, fs).wait()
                pltpu.async_copy(a_h.at[idxh_v.at[j]], buf, fs, add=True).wait()
                pltpu.async_copy(c_h.at[idxt_v.at[j]], buf, fs, add=True).wait()
                pltpu.async_copy(buf, out_h.at[pl.ds(e0, CH)], os)
                pltpu.make_async_copy(buf, out_h.at[pl.ds(0, CH)], os).wait()

                @pl.when(j + NB < npw)
                def _():
                    pltpu.async_copy(r_h.at[pl.ds((w * npw + j + NB) * CH, CH)],
                                     buf, fs)
            return carry

        lax.fori_loop(0, npw // NB, body, 0)

    return k(A2, C2, R2, idxh2.reshape(B * ncht, CH), idxt2.reshape(B * ncht, CH))


def _tc_node_body(h_ref, u_ref, ch_ref, ct_ref, ws_ref, wn_ref, o_ref):
    rinv = 1.0 / jnp.maximum(ch_ref[...] + ct_ref[...], 1.0)
    acc = jnp.dot(h_ref[...], ws_ref[...], preferred_element_type=jnp.float32)
    upd = jnp.dot(u_ref[...], wn_ref[...], preferred_element_type=jnp.float32)
    o_ref[...] = jnp.maximum(acc + upd * rinv, 0.0)


def _tc_node(hidden, update, cnt_h, cnt_t, Ws, Wn):
    N, D = hidden.shape
    RB = 2048
    grid = (N // RB,)
    return pl.pallas_call(
        _tc_node_body,
        grid=grid,
        in_specs=[
            pl.BlockSpec((RB, D), lambda i: (i, 0)),
            pl.BlockSpec((RB, D), lambda i: (i, 0)),
            pl.BlockSpec((RB, 1), lambda i: (i, 0)),
            pl.BlockSpec((RB, 1), lambda i: (i, 0)),
            pl.BlockSpec((D, D), lambda i: (0, 0)),
            pl.BlockSpec((D, D), lambda i: (0, 0)),
        ],
        out_specs=pl.BlockSpec((RB, D), lambda i: (i, 0)),
        out_shape=jax.ShapeDtypeStruct((N, D), jnp.float32),
    )(hidden, update, cnt_h.reshape(N, 1), cnt_t.reshape(N, 1), Ws, Wn)


def _tc_node2_body(h_ref, u_ref, ch_ref, ct_ref, ws_ref, wn_ref,
                   wth_ref, wtt_ref, a_ref, c_ref, ea_ref, ec_ref):
    rinv = 1.0 / jnp.maximum(ch_ref[...] + ct_ref[...], 1.0)
    acc = jnp.dot(h_ref[0], ws_ref[...], preferred_element_type=jnp.float32)
    upd = jnp.dot(u_ref[0], wn_ref[...], preferred_element_type=jnp.float32)
    node2 = jnp.maximum(acc + upd * rinv[0], 0.0)
    a2 = jnp.dot(node2, wth_ref[...], preferred_element_type=jnp.float32)
    c2 = jnp.dot(node2, wtt_ref[...], preferred_element_type=jnp.float32)
    a_ref[0] = a2
    c_ref[0] = c2
    ea_ref[0, 0] = jnp.sum(a2 * ch_ref[0], axis=0)
    ec_ref[0, 0] = jnp.sum(c2 * ct_ref[0], axis=0)


def _tc_node2(hidden, update, cnt_h, cnt_t, Ws, Wn, Wth, Wtt, B, M):
    D = hidden.shape[1]
    h3 = hidden.reshape(B, M, D)
    u3 = update.reshape(B, M, D)
    ch3 = cnt_h.reshape(B, M, 1)
    ct3 = cnt_t.reshape(B, M, 1)
    A2, C2, ea, ec = pl.pallas_call(
        _tc_node2_body,
        grid=(B,),
        in_specs=[pl.BlockSpec((1, M, D), lambda i: (i, 0, 0)),
                  pl.BlockSpec((1, M, D), lambda i: (i, 0, 0)),
                  pl.BlockSpec((1, M, 1), lambda i: (i, 0, 0)),
                  pl.BlockSpec((1, M, 1), lambda i: (i, 0, 0)),
                  pl.BlockSpec((D, D), lambda i: (0, 0)),
                  pl.BlockSpec((D, D), lambda i: (0, 0)),
                  pl.BlockSpec((D, D), lambda i: (0, 0)),
                  pl.BlockSpec((D, D), lambda i: (0, 0))],
        out_specs=[pl.BlockSpec((1, M, D), lambda i: (i, 0, 0)),
                   pl.BlockSpec((1, M, D), lambda i: (i, 0, 0)),
                   pl.BlockSpec((1, 8, D), lambda i: (i, 0, 0)),
                   pl.BlockSpec((1, 8, D), lambda i: (i, 0, 0))],
        out_shape=[jax.ShapeDtypeStruct((B, M, D), jnp.float32),
                   jax.ShapeDtypeStruct((B, M, D), jnp.float32),
                   jax.ShapeDtypeStruct((B, 8, D), jnp.float32),
                   jax.ShapeDtypeStruct((B, 8, D), jnp.float32)],
    )(h3, u3, ch3, ct3, Ws, Wn, Wth, Wtt)
    return (A2.reshape(B * M, D), C2.reshape(B * M, D),
            ea[:, 0, :], ec[:, 0, :])


def kernel(concept_ids, relation, head, tail, triple_label, embedding_table,
           Ws0, Wn0, Wr0, Ws1, Wn1, Wr1, W_triple):
    B, M = concept_ids.shape
    T = head.shape[1]
    D = embedding_table.shape[1]
    CH = 128
    ncht = T // CH

    head = head.astype(jnp.int32)
    tail = tail.astype(jnp.int32)
    relation = relation.astype(jnp.int32)
    boff_m = (jnp.arange(B, dtype=jnp.int32) * M)[:, None]
    idxh2 = (head + boff_m).reshape(B, ncht, CH)
    idxt2 = (tail + boff_m).reshape(B, ncht, CH)
    rel2 = relation.reshape(B, ncht, CH)

    def tile_major(x2):
        BPC, npt = B // NC, ncht // NS
        return (x2.reshape(NC, BPC, NS, npt, CH)
                .transpose(0, 2, 1, 3, 4).reshape(NC * NS, BPC * npt, CH))

    idxh_t = tile_major(idxh2)
    idxt_t = tile_major(idxt2)
    head_t = tile_major(head.reshape(B, ncht, CH))
    tail_t = tile_major(tail.reshape(B, ncht, CH))

    RS = 128
    sub = embedding_table[:RS]

    memory = _sc_gather_rows(embedding_table, concept_ids.astype(jnp.int32).reshape(-1))
    Wth, Wtr, Wtt = W_triple[:D], W_triple[D:2 * D], W_triple[2 * D:]
    cnt_h, cnt_t, negrel0, negrel1, R2, enc_r = _tc_front(
        head, tail, relation, sub, Wr0, Wr1, Wtr, M, RS)

    upd0 = _sc_scatter(memory, negrel0, idxh_t, idxt_t,
                       head_t, tail_t, B, M, T)
    node1 = _tc_node(memory, upd0, cnt_h, cnt_t, Ws0, Wn0)

    upd1 = _sc_scatter(node1, negrel1, idxh_t, idxt_t,
                       head_t, tail_t, B, M, T)

    A2, C2, enc_a, enc_c = _tc_node2(node1, upd1, cnt_h, cnt_t,
                                     Ws1, Wn1, Wth, Wtt, B, M)

    triple = _sc_triple(A2, C2, R2, idxh2, idxt2, B, M, T)
    encoded = enc_a + enc_c + enc_r
    return triple.reshape(B, T, D), encoded

# --- scband reference (transcript-rebuilt; emitter-appended) ---
"""Pipeline reference for scband-g-cause-59399397704195 (READ-ONLY COPY).

The authoritative reference and input builder live on the scoring server;
editing this copy changes nothing except your own understanding.
"""

import jax, jax.numpy as jnp
import numpy as np

B, M, T, D = 32, 1024, 4096, 128
VOCAB = 50000
N_REL = 94  # 47 * 2


def setup_inputs(seed: int = 0) -> dict:
    key = jax.random.key(seed)
    ks = jax.random.split(key, 14)
    concept_ids = jax.random.randint(ks[0], (B, M), 0, VOCAB)
    relation = jax.random.randint(ks[1], (B, T), 0, N_REL)
    head = jax.random.randint(ks[2], (B, T), 0, M)
    tail = jax.random.randint(ks[3], (B, T), 0, M)
    triple_label = jax.random.randint(ks[4], (B, T), 0, 2)
    s = 1.0 / np.sqrt(D)
    embedding_table = jax.random.normal(ks[5], (VOCAB, D), dtype=jnp.float32) * 0.02
    Ws0 = jax.random.normal(ks[6], (D, D), dtype=jnp.float32) * s
    Wn0 = jax.random.normal(ks[7], (D, D), dtype=jnp.float32) * s
    Wr0 = jax.random.normal(ks[8], (D, D), dtype=jnp.float32) * s
    Ws1 = jax.random.normal(ks[9], (D, D), dtype=jnp.float32) * s
    Wn1 = jax.random.normal(ks[10], (D, D), dtype=jnp.float32) * s
    Wr1 = jax.random.normal(ks[11], (D, D), dtype=jnp.float32) * s
    W_triple = jax.random.normal(ks[12], (3 * D, D), dtype=jnp.float32) * (1.0 / np.sqrt(3 * D))
    return {
        'concept_ids': concept_ids, 'relation': relation, 'head': head,
        'tail': tail, 'triple_label': triple_label,
        'embedding_table': embedding_table,
        'Ws0': Ws0, 'Wn0': Wn0, 'Wr0': Wr0,
        'Ws1': Ws1, 'Wn1': Wn1, 'Wr1': Wr1,
        'W_triple': W_triple,
    }


def _gcn(concept_hidden, relation_hidden, head, tail, triple_label, Ws, Wn, Wr):
    bsz, mem, d = concept_hidden.shape
    bidx = jnp.broadcast_to(jnp.arange(bsz)[:, None], head.shape)
    inval = (triple_label == -1)
    count = jnp.where(inval, 0.0, 1.0).astype(jnp.float32)
    # gather head node states, scatter-add into tail rows
    o_head = jnp.take_along_axis(concept_hidden, head[:, :, None], axis=1)
    o_head = jnp.where(inval[:, :, None], 0.0, o_head)
    rel_m = jnp.where(inval[:, :, None], 0.0, relation_hidden)
    update = jnp.zeros_like(concept_hidden)
    count_out = jnp.zeros((bsz, mem), dtype=jnp.float32)
    update = update.at[bidx, tail].add(o_head)
    update = update.at[bidx, tail].add(-rel_m)
    count_out = count_out.at[bidx, tail].add(count)
    # gather tail node states, scatter-add into head rows
    o_tail = jnp.take_along_axis(concept_hidden, tail[:, :, None], axis=1)
    o_tail = jnp.where(inval[:, :, None], 0.0, o_tail)
    update = update.at[bidx, head].add(o_tail)
    update = update.at[bidx, head].add(-rel_m)
    count_out = count_out.at[bidx, head].add(count)
    upd = concept_hidden @ Ws + (update @ Wn) / jnp.maximum(count_out, 1.0)[:, :, None]
    upd = jax.nn.relu(upd)
    return upd, relation_hidden @ Wr


def _forward(embedding_table, Ws0, Wn0, Wr0, Ws1, Wn1, Wr1, W_triple,
             concept_ids, relation, head, tail, triple_label):
    memory = jnp.take(embedding_table, concept_ids, axis=0)
    rel_repr = jnp.take(embedding_table, relation, axis=0)
    node_repr, rel_repr = _gcn(memory, rel_repr, head, tail, triple_label, Ws0, Wn0, Wr0)
    node_repr, rel_repr = _gcn(node_repr, rel_repr, head, tail, triple_label, Ws1, Wn1, Wr1)
    head_repr = jnp.take_along_axis(node_repr, head[:, :, None], axis=1)
    tail_repr = jnp.take_along_axis(node_repr, tail[:, :, None], axis=1)
    triple_repr = jnp.concatenate([head_repr, rel_repr, tail_repr], axis=-1) @ W_triple
    encoded_cause = jnp.sum(triple_repr, axis=1)
    return triple_repr, encoded_cause


def reference(concept_ids, relation, head, tail, triple_label,
              embedding_table, Ws0, Wn0, Wr0, Ws1, Wn1, Wr1, W_triple):
    return _forward(embedding_table, Ws0, Wn0, Wr0, Ws1, Wn1, Wr1, W_triple,
                    concept_ids, relation, head, tail, triple_label)

if __name__ == "__main__":
    import jax
    _d = setup_inputs()
    print(jax.jit(kernel)(*tuple(_d.values())))

</pallas_src>

<mosaic_0001>
#map = affine_map<(d0, d1) -> (0, 0)>
module attributes {stable_mosaic.version = 14 : i64} {
  func.func @k(%arg0: i32, %arg1: i32, %arg2: memref<32768x128xf32, #tpu.memory_space<hbm>>, %arg3: memref<32768x128xf32, #tpu.memory_space<hbm>>, %arg4: memref<131072x128xf32, #tpu.memory_space<hbm>>, %arg5: memref<1024x128xi32, #tpu.memory_space<hbm>>, %arg6: memref<1024x128xi32, #tpu.memory_space<hbm>>, %arg7: memref<131072x128xf32, #tpu.memory_space<hbm>>, %arg8: memref<32x128xi32, #tpu.memory_space<vmem>>, %arg9: memref<32x128xi32, #tpu.memory_space<vmem>>, %arg10: memref<128x128xf32, #tpu.memory_space<vmem>>, %arg11: memref<128x128xf32, #tpu.memory_space<vmem>>, %arg12: memref<128x128xf32, #tpu.memory_space<vmem>>, %arg13: memref<128x128xf32, #tpu.memory_space<vmem>>, %arg14: memref<!tpu.dma_semaphore, #tpu.memory_space<semaphore_mem>>, %arg15: memref<!tpu.dma_semaphore, #tpu.memory_space<semaphore_mem>>, %arg16: memref<!tpu.dma_semaphore, #tpu.memory_space<semaphore_mem>>, %arg17: memref<!tpu.dma_semaphore, #tpu.memory_space<semaphore_mem>>, %arg18: memref<!tpu.dma_semaphore, #tpu.memory_space<semaphore_mem>>, %arg19: memref<!tpu.dma_semaphore, #tpu.memory_space<semaphore_mem>>, %arg20: memref<!tpu.dma_semaphore, #tpu.memory_space<semaphore_mem>>, %arg21: memref<!tpu.dma_semaphore, #tpu.memory_space<semaphore_mem>>) attributes {dimension_semantics = [#tpu.dimension_semantics<core_parallel>, #tpu.dimension_semantics<subcore_parallel>], iteration_bounds = array<i64: 2, 16>, scalar_prefetch = 0 : i64, scratch_operands = 14 : i64, tpu.core_type = #tpu.core_type<sc_vector_subcore>, window_params = [{transform_indices = #map}, {transform_indices = #map}, {transform_indices = #map}, {transform_indices = #map}, {transform_indices = #map}, {transform_indices = #map}]} {
    %mul3A = arith.constant 16 : i32
    %mul3A_0 = arith.muli %arg0, %mul3A : i32
    %add3A = arith.addi %mul3A_0, %arg1 : i32
    %mul3A_1 = arith.constant 32 : i32
    %mul3A_2 = arith.muli %add3A, %mul3A_1 : i32
    "tpu.region"() ({
      %run_scoped3A = tpu.sem_alloc : memref<!tpu.dma_semaphore, #tpu.memory_space<semaphore_mem>>
      %dma_start3A_49 = arith.constant 0 : i32
      %dma_start3A_50 = tpu.memref_slice %arg5[%mul3A_2, %dma_start3A_49] : memref<1024x128xi32, #tpu.memory_space<hbm>> -> memref<32x128xi32, #tpu.memory_space<hbm>>
      %dma_start3A_51 = arith.constant 0 : i32
      %dma_start3A_52 = tpu.memref_slice %arg5[%mul3A_2, %dma_start3A_51] : memref<1024x128xi32, #tpu.memory_space<hbm>> -> memref<32x128xi32, #tpu.memory_space<hbm>>
      tpu.enqueue_dma source(%dma_start3A_52 : memref<32x128xi32, #tpu.memory_space<hbm>>) target(%arg8 : memref<32x128xi32, #tpu.memory_space<vmem>>) target_semaphore(%run_scoped3A : memref<!tpu.dma_semaphore, #tpu.memory_space<semaphore_mem>>)
      %dma_wait3A = arith.constant 0 : i32
      %dma_wait3A_53 = tpu.memref_slice %arg5[%mul3A_2, %dma_wait3A] : memref<1024x128xi32, #tpu.memory_space<hbm>> -> memref<32x128xi32, #tpu.memory_space<hbm>>
      %dma_wait3A_54 = arith.constant 0 : i32
      %dma_wait3A_55 = tpu.memref_slice %arg5[%mul3A_2, %dma_wait3A_54] : memref<1024x128xi32, #tpu.memory_space<hbm>> -> memref<32x128xi32, #tpu.memory_space<hbm>>
      tpu.wait_dma2 semaphore(%run_scoped3A : memref<!tpu.dma_semaphore, #tpu.memory_space<semaphore_mem>>) src(%dma_wait3A_55 : memref<32x128xi32, #tpu.memory_space<hbm>>) dst(%arg8 : memref<32x128xi32, #tpu.memory_space<vmem>>)
      tpu.yield
    }) : () -> ()
    %mul3A_3 = arith.constant 32 : i32
    %mul3A_4 = arith.muli %add3A, %mul3A_3 : i32
    "tpu.region"() ({
      %run_scoped3A = tpu.sem_alloc : memref<!tpu.dma_semaphore, #tpu.memory_space<semaphore_mem>>
      %dma_start3A_49 = arith.constant 0 : i32
      %dma_start3A_50 = tpu.memref_slice %arg6[%mul3A_4, %dma_start3A_49] : memref<1024x128xi32, #tpu.memory_space<hbm>> -> memref<32x128xi32, #tpu.memory_space<hbm>>
      %dma_start3A_51 = arith.constant 0 : i32
      %dma_start3A_52 = tpu.memref_slice %arg6[%mul3A_4, %dma_start3A_51] : memref<1024x128xi32, #tpu.memory_space<hbm>> -> memref<32x128xi32, #tpu.memory_space<hbm>>
      tpu.enqueue_dma source(%dma_start3A_52 : memref<32x128xi32, #tpu.memory_space<hbm>>) target(%arg9 : memref<32x128xi32, #tpu.memory_space<vmem>>) target_semaphore(%run_scoped3A : memref<!tpu.dma_semaphore, #tpu.memory_space<semaphore_mem>>)
      %dma_wait3A = arith.constant 0 : i32
      %dma_wait3A_53 = tpu.memref_slice %arg6[%mul3A_4, %dma_wait3A] : memref<1024x128xi32, #tpu.memory_space<hbm>> -> memref<32x128xi32, #tpu.memory_space<hbm>>
      %dma_wait3A_54 = arith.constant 0 : i32
      %dma_wait3A_55 = tpu.memref_slice %arg6[%mul3A_4, %dma_wait3A_54] : memref<1024x128xi32, #tpu.memory_space<hbm>> -> memref<32x128xi32, #tpu.memory_space<hbm>>
      tpu.wait_dma2 semaphore(%run_scoped3A : memref<!tpu.dma_semaphore, #tpu.memory_space<semaphore_mem>>) src(%dma_wait3A_55 : memref<32x128xi32, #tpu.memory_space<hbm>>) dst(%arg9 : memref<32x128xi32, #tpu.memory_space<vmem>>)
      tpu.yield
    }) : () -> ()
    %mul3A_5 = arith.constant 32 : i32
    %mul3A_6 = arith.muli %add3A, %mul3A_5 : i32
    %add3A_7 = arith.constant 0 : i32
    %add3A_8 = arith.addi %mul3A_6, %add3A_7 : i32
    %mul3A_9 = arith.constant 128 : i32
    %mul3A_10 = arith.muli %add3A_8, %mul3A_9 : i32
    %dma_start3A = arith.constant 0 : i32
    %dma_start3A_11 = tpu.memref_slice %arg4[%mul3A_10, %dma_start3A] : memref<131072x128xf32, #tpu.memory_space<hbm>> -> memref<128x128xf32, #tpu.memory_space<hbm>>
    %dma_start3A_12 = arith.constant 0 : i32
    %dma_start3A_13 = tpu.memref_slice %arg4[%mul3A_10, %dma_start3A_12] : memref<131072x128xf32, #tpu.memory_space<hbm>> -> memref<128x128xf32, #tpu.memory_space<hbm>>
    tpu.enqueue_dma source(%dma_start3A_13 : memref<128x128xf32, #tpu.memory_space<hbm>>) target(%arg10 : memref<128x128xf32, #tpu.memory_space<vmem>>) target_semaphore(%arg14 : memref<!tpu.dma_semaphore, #tpu.memory_space<semaphore_mem>>)
    %mul3A_14 = arith.constant 32 : i32
    %mul3A_15 = arith.muli %add3A, %mul3A_14 : i32
    %add3A_16 = arith.constant 1 : i32
    %add3A_17 = arith.addi %mul3A_15, %add3A_16 : i32
    %mul3A_18 = arith.constant 128 : i32
    %mul3A_19 = arith.muli %add3A_17, %mul3A_18 : i32
    %dma_start3A_20 = arith.constant 0 : i32
    %dma_start3A_21 = tpu.memref_slice %arg4[%mul3A_19, %dma_start3A_20] : memref<131072x128xf32, #tpu.memory_space<hbm>> -> memref<128x128xf32, #tpu.memory_space<hbm>>
    %dma_start3A_22 = arith.constant 0 : i32
    %dma_start3A_23 = tpu.memref_slice %arg4[%mul3A_19, %dma_start3A_22] : memref<131072x128xf32, #tpu.memory_space<hbm>> -> memref<128x128xf32, #tpu.memory_space<hbm>>
    tpu.enqueue_dma source(%dma_start3A_23 : memref<128x128xf32, #tpu.memory_space<hbm>>) target(%arg11 : memref<128x128xf32, #tpu.memory_space<vmem>>) target_semaphore(%arg15 : memref<!tpu.dma_semaphore, #tpu.memory_space<semaphore_mem>>)
    %mul3A_24 = arith.constant 32 : i32
    %mul3A_25 = arith.muli %add3A, %mul3A_24 : i32
    %add3A_26 = arith.constant 2 : i32
    %add3A_27 = arith.addi %mul3A_25, %add3A_26 : i32
    %mul3A_28 = arith.constant 128 : i32
    %mul3A_29 = arith.muli %add3A_27, %mul3A_28 : i32
    %dma_start3A_30 = arith.constant 0 : i32
    %dma_start3A_31 = tpu.memref_slice %arg4[%mul3A_29, %dma_start3A_30] : memref<131072x128xf32, #tpu.memory_space<hbm>> -> memref<128x128xf32, #tpu.memory_space<hbm>>
    %dma_start3A_32 = arith.constant 0 : i32
    %dma_start3A_33 = tpu.memref_slice %arg4[%mul3A_29, %dma_start3A_32] : memref<131072x128xf32, #tpu.memory_space<hbm>> -> memref<128x128xf32, #tpu.memory_space<hbm>>
    tpu.enqueue_dma source(%dma_start3A_33 : memref<128x128xf32, #tpu.memory_space<hbm>>) target(%arg12 : memref<128x128xf32, #tpu.memory_space<vmem>>) target_semaphore(%arg16 : memref<!tpu.dma_semaphore, #tpu.memory_space<semaphore_mem>>)
    %mul3A_34 = arith.constant 32 : i32
    %mul3A_35 = arith.muli %add3A, %mul3A_34 : i32
    %add3A_36 = arith.constant 3 : i32
    %add3A_37 = arith.addi %mul3A_35, %add3A_36 : i32
    %mul3A_38 = arith.constant 128 : i32
    %mul3A_39 = arith.muli %add3A_37, %mul3A_38 : i32
    %dma_start3A_40 = arith.constant 0 : i32
    %dma_start3A_41 = tpu.memref_slice %arg4[%mul3A_39, %dma_start3A_40] : memref<131072x128xf32, #tpu.memory_space<hbm>> -> memref<128x128xf32, #tpu.memory_space<hbm>>
    %dma_start3A_42 = arith.constant 0 : i32
    %dma_start3A_43 = tpu.memref_slice %arg4[%mul3A_39, %dma_start3A_42] : memref<131072x128xf32, #tpu.memory_space<hbm>> -> memref<128x128xf32, #tpu.memory_space<hbm>>
    tpu.enqueue_dma source(%dma_start3A_43 : memref<128x128xf32, #tpu.memory_space<hbm>>) target(%arg13 : memref<128x128xf32, #tpu.memory_space<vmem>>) target_semaphore(%arg17 : memref<!tpu.dma_semaphore, #tpu.memory_space<semaphore_mem>>)
    %scan3A = arith.constant 0 : i32
    %scan3A_44 = arith.constant 0 : i32
    %scan3A_45 = arith.constant 8 : i32
    %scan3A_46 = arith.addi %scan3A_44, %scan3A_45 : i32
    %scan3A_47 = arith.constant 1 : i32
    scf.for %scan3A_49 = %scan3A_44 to %scan3A_46 step %scan3A_47  : i32 {
      %mul3A_50 = arith.constant 4 : i32
      %mul3A_51 = arith.muli %mul3A_50, %scan3A_49 : i32
      %add3A_52 = arith.constant 0 : i32
      %add3A_53 = arith.addi %mul3A_51, %add3A_52 : i32
      %mul3A_54 = arith.constant 32 : i32
      %mul3A_55 = arith.muli %add3A, %mul3A_54 : i32
      %add3A_56 = arith.addi %mul3A_55, %add3A_53 : i32
      %mul3A_57 = arith.constant 128 : i32
      %mul3A_58 = arith.muli %add3A_56, %mul3A_57 : i32
      %dma_wait3A = arith.constant 0 : i32
      %dma_wait3A_59 = arith.constant 0 : i32
      %dma_wait3A_60 = tpu.memref_slice %arg2[%dma_wait3A, %dma_wait3A_59] : memref<32768x128xf32, #tpu.memory_space<hbm>> -> memref<128x128xf32, #tpu.memory_space<hbm>>
      %dma_wait3A_61 = arith.constant 0 : i32
      %dma_wait3A_62 = arith.constant 0 : i32
      %dma_wait3A_63 = tpu.memref_slice %arg2[%dma_wait3A_61, %dma_wait3A_62] : memref<32768x128xf32, #tpu.memory_space<hbm>> -> memref<128x128xf32, #tpu.memory_space<hbm>>
      tpu.wait_dma2 semaphore(%arg14 : memref<!tpu.dma_semaphore, #tpu.memory_space<semaphore_mem>>) src(%dma_wait3A_63 : memref<128x128xf32, #tpu.memory_space<hbm>>) dst(%arg10 : memref<128x128xf32, #tpu.memory_space<vmem>>)
      %dma_start3A_64 = arith.constant 0 : i32
      %dma_start3A_65 = tpu.memref_slice %arg8[%add3A_53, %dma_start3A_64] : memref<32x128xi32, #tpu.memory_space<vmem>> -> memref<1x128xi32, #tpu.memory_space<vmem>>
      %dma_start3A_66 = tpu.memref_squeeze %dma_start3A_65 : memref<1x128xi32, #tpu.memory_space<vmem>> -> memref<128xi32, #tpu.memory_space<vmem>>
      %dma_start3A_67 = arith.constant 0 : i32
      %dma_start3A_68 = arith.constant 0 : i32
      %dma_start3A_69 = tpu.memref_slice %arg2[%dma_start3A_67, %dma_start3A_68] : memref<32768x128xf32, #tpu.memory_space<hbm>> -> memref<32768x128xf32, #tpu.memory_space<hbm>>
      tpu.enqueue_indirect_dma source(%dma_start3A_69 : memref<32768x128xf32, #tpu.memory_space<hbm>>) target(%arg10 : memref<128x128xf32, #tpu.memory_space<vmem>>) offsets(%dma_start3A_66 : memref<128xi32, #tpu.memory_space<vmem>>) semaphore(%arg14 : memref<!tpu.dma_semaphore, #tpu.memory_space<semaphore_mem>>) {add = true}
      %dma_wait3A_70 = arith.constant 0 : i32
      %dma_wait3A_71 = tpu.memref_slice %arg8[%add3A_53, %dma_wait3A_70] : memref<32x128xi32, #tpu.memory_space<vmem>> -> memref<1x128xi32, #tpu.memory_space<vmem>>
      %dma_wait3A_72 = tpu.memref_squeeze %dma_wait3A_71 : memref<1x128xi32, #tpu.memory_space<vmem>> -> memref<128xi32, #tpu.memory_space<vmem>>
      %dma_wait3A_73 = arith.constant 0 : i32
      %dma_wait3A_74 = arith.constant 0 : i32
      %dma_wait3A_75 = tpu.memref_slice %arg2[%dma_wait3A_73, %dma_wait3A_74] : memref<32768x128xf32, #tpu.memory_space<hbm>> -> memref<32768x128xf32, #tpu.memory_space<hbm>>
      tpu.wait_indirect_dma semaphore(%arg14 : memref<!tpu.dma_semaphore, #tpu.memory_space<semaphore_mem>>) src(%dma_wait3A_75 : memref<32768x128xf32, #tpu.memory_space<hbm>>) dst(%arg10 : memref<128x128xf32, #tpu.memory_space<vmem>>)
      %dma_start3A_76 = arith.constant 0 : i32
      %dma_start3A_77 = tpu.memref_slice %arg9[%add3A_53, %dma_start3A_76] : memref<32x128xi32, #tpu.memory_space<vmem>> -> memref<1x128xi32, #tpu.memory_space<vmem>>
      %dma_start3A_78 = tpu.memref_squeeze %dma_start3A_77 : memref<1x128xi32, #tpu.memory_space<vmem>> -> memref<128xi32, #tpu.memory_space<vmem>>
      %dma_start3A_79 = arith.constant 0 : i32
      %dma_start3A_80 = arith.constant 0 : i32
      %dma_start3A_81 = tpu.memref_slice %arg3[%dma_start3A_79, %dma_start3A_80] : memref<32768x128xf32, #tpu.memory_space<hbm>> -> memref<32768x128xf32, #tpu.memory_space<hbm>>
      tpu.enqueue_indirect_dma source(%dma_start3A_81 : memref<32768x128xf32, #tpu.memory_space<hbm>>) target(%arg10 : memref<128x128xf32, #tpu.memory_space<vmem>>) offsets(%dma_start3A_78 : memref<128xi32, #tpu.memory_space<vmem>>) semaphore(%arg14 : memref<!tpu.dma_semaphore, #tpu.memory_space<semaphore_mem>>) {add = true}
      %dma_wait3A_82 = arith.constant 0 : i32
      %dma_wait3A_83 = tpu.memref_slice %arg9[%add3A_53, %dma_wait3A_82] : memref<32x128xi32, #tpu.memory_space<vmem>> -> memref<1x128xi32, #tpu.memory_space<vmem>>
      %dma_wait3A_84 = tpu.memref_squeeze %dma_wait3A_83 : memref<1x128xi32, #tpu.memory_space<vmem>> -> memref<128xi32, #tpu.memory_space<vmem>>
      %dma_wait3A_85 = arith.constant 0 : i32
      %dma_wait3A_86 = arith.constant 0 : i32
      %dma_wait3A_87 = tpu.memref_slice %arg3[%dma_wait3A_85, %dma_wait3A_86] : memref<32768x128xf32, #tpu.memory_space<hbm>> -> memref<32768x128xf32, #tpu.memory_space<hbm>>
      tpu.wait_indirect_dma semaphore(%arg14 : memref<!tpu.dma_semaphore, #tpu.memory_space<semaphore_mem>>) src(%dma_wait3A_87 : memref<32768x128xf32, #tpu.memory_space<hbm>>) dst(%arg10 : memref<128x128xf32, #tpu.memory_space<vmem>>)
      %dma_start3A_88 = arith.constant 0 : i32
      %dma_start3A_89 = tpu.memref_slice %arg7[%mul3A_58, %dma_start3A_88] : memref<131072x128xf32, #tpu.memory_space<hbm>> -> memref<128x128xf32, #tpu.memory_space<hbm>>
      %dma_start3A_90 = arith.constant 0 : i32
      %dma_start3A_91 = tpu.memref_slice %arg7[%mul3A_58, %dma_start3A_90] : memref<131072x128xf32, #tpu.memory_space<hbm>> -> memref<128x128xf32, #tpu.memory_space<hbm>>
      tpu.enqueue_dma source(%arg10 : memref<128x128xf32, #tpu.memory_space<vmem>>) target(%dma_start3A_91 : memref<128x128xf32, #tpu.memory_space<hbm>>) target_semaphore(%arg18 : memref<!tpu.dma_semaphore, #tpu.memory_space<semaphore_mem>>)
      %dma_wait3A_92 = arith.constant 0 : i32
      %dma_wait3A_93 = arith.constant 0 : i32
      %dma_wait3A_94 = tpu.memref_slice %arg7[%dma_wait3A_92, %dma_wait3A_93] : memref<131072x128xf32, #tpu.memory_space<hbm>> -> memref<128x128xf32, #tpu.memory_space<hbm>>
      %dma_wait3A_95 = arith.constant 0 : i32
      %dma_wait3A_96 = arith.constant 0 : i32
      %dma_wait3A_97 = tpu.memref_slice %arg7[%dma_wait3A_95, %dma_wait3A_96] : memref<131072x128xf32, #tpu.memory_space<hbm>> -> memref<128x128xf32, #tpu.memory_space<hbm>>
      tpu.wait_dma2 semaphore(%arg18 : memref<!tpu.dma_semaphore, #tpu.memory_space<semaphore_mem>>) src(%arg10 : memref<128x128xf32, #tpu.memory_space<vmem>>) dst(%dma_wait3A_97 : memref<128x128xf32, #tpu.memory_space<hbm>>)
      %add3A_98 = arith.constant 4 : i32
      %add3A_99 = arith.addi %add3A_53, %add3A_98 : i32
      %lt3A = arith.constant 32 : i32
      %lt3A_100 = arith.cmpi slt, %add3A_99, %lt3A : i32
      %convert_element_type3A = arith.extui %lt3A_100 : i1 to i32
      %cond3A = arith.constant 0 : i32
      %cond3A_101 = arith.cmpi ne, %convert_element_type3A, %cond3A : i32
      scf.if %cond3A_101 {
        %mul3A_270 = arith.constant 32 : i32
        %mul3A_271 = arith.muli %add3A, %mul3A_270 : i32
        %add3A_272 = arith.addi %mul3A_271, %add3A_53 : i32
        %add3A_273 = arith.constant 4 : i32
        %add3A_274 = arith.addi %add3A_272, %add3A_273 : i32
        %mul3A_275 = arith.constant 128 : i32
        %mul3A_276 = arith.muli %add3A_274, %mul3A_275 : i32
        %dma_start3A_277 = arith.constant 0 : i32
        %dma_start3A_278 = tpu.memref_slice %arg4[%mul3A_276, %dma_start3A_277] : memref<131072x128xf32, #tpu.memory_space<hbm>> -> memref<128x128xf32, #tpu.memory_space<hbm>>
        %dma_start3A_279 = arith.constant 0 : i32
        %dma_start3A_280 = tpu.memref_slice %arg4[%mul3A_276, %dma_start3A_279] : memref<131072x128xf32, #tpu.memory_space<hbm>> -> memref<128x128xf32, #tpu.memory_space<hbm>>
        tpu.enqueue_dma source(%dma_start3A_280 : memref<128x128xf32, #tpu.memory_space<hbm>>) target(%arg10 : memref<128x128xf32, #tpu.memory_space<vmem>>) target_semaphore(%arg14 : memref<!tpu.dma_semaphore, #tpu.memory_space<semaphore_mem>>)
      } else {
      }
      %mul3A_102 = arith.constant 4 : i32
      %mul3A_103 = arith.muli %mul3A_102, %scan3A_49 : i32
      %add3A_104 = arith.constant 1 : i32
      %add3A_105 = arith.addi %mul3A_103, %add3A_104 : i32
      %mul3A_106 = arith.constant 32 : i32
      %mul3A_107 = arith.muli %add3A, %mul3A_106 : i32
      %add3A_108 = arith.addi %mul3A_107, %add3A_105 : i32
      %mul3A_109 = arith.constant 128 : i32
      %mul3A_110 = arith.muli %add3A_108, %mul3A_109 : i32
      %dma_wait3A_111 = arith.constant 0 : i32
      %dma_wait3A_112 = arith.constant 0 : i32
      %dma_wait3A_113 = tpu.memref_slice %arg2[%dma_wait3A_111, %dma_wait3A_112] : memref<32768x128xf32, #tpu.memory_space<hbm>> -> memref<128x128xf32, #tpu.memory_space<hbm>>
      %dma_wait3A_114 = arith.constant 0 : i32
      %dma_wait3A_115 = arith.constant 0 : i32
      %dma_wait3A_116 = tpu.memref_slice %arg2[%dma_wait3A_114, %dma_wait3A_115] : memref<32768x128xf32, #tpu.memory_space<hbm>> -> memref<128x128xf32, #tpu.memory_space<hbm>>
      tpu.wait_dma2 semaphore(%arg15 : memref<!tpu.dma_semaphore, #tpu.memory_space<semaphore_mem>>) src(%dma_wait3A_116 : memref<128x128xf32, #tpu.memory_space<hbm>>) dst(%arg11 : memref<128x128xf32, #tpu.memory_space<vmem>>)
      %dma_start3A_117 = arith.constant 0 : i32
      %dma_start3A_118 = tpu.memref_slice %arg8[%add3A_105, %dma_start3A_117] : memref<32x128xi32, #tpu.memory_space<vmem>> -> memref<1x128xi32, #tpu.memory_space<vmem>>
      %dma_start3A_119 = tpu.memref_squeeze %dma_start3A_118 : memref<1x128xi32, #tpu.memory_space<vmem>> -> memref<128xi32, #tpu.memory_space<vmem>>
      %dma_start3A_120 = arith.constant 0 : i32
      %dma_start3A_121 = arith.constant 0 : i32
      %dma_start3A_122 = tpu.memref_slice %arg2[%dma_start3A_120, %dma_start3A_121] : memref<32768x128xf32, #tpu.memory_space<hbm>> -> memref<32768x128xf32, #tpu.memory_space<hbm>>
      tpu.enqueue_indirect_dma source(%dma_start3A_122 : memref<32768x128xf32, #tpu.memory_space<hbm>>) target(%arg11 : memref<128x128xf32, #tpu.memory_space<vmem>>) offsets(%dma_start3A_119 : memref<128xi32, #tpu.memory_space<vmem>>) semaphore(%arg15 : memref<!tpu.dma_semaphore, #tpu.memory_space<semaphore_mem>>) {add = true}
      %dma_wait3A_123 = arith.constant 0 : i32
      %dma_wait3A_124 = tpu.memref_slice %arg8[%add3A_105, %dma_wait3A_123] : memref<32x128xi32, #tpu.memory_space<vmem>> -> memref<1x128xi32, #tpu.memory_space<vmem>>
      %dma_wait3A_125 = tpu.memref_squeeze %dma_wait3A_124 : memref<1x128xi32, #tpu.memory_space<vmem>> -> memref<128xi32, #tpu.memory_space<vmem>>
      %dma_wait3A_126 = arith.constant 0 : i32
      %dma_wait3A_127 = arith.constant 0 : i32
      %dma_wait3A_128 = tpu.memref_slice %arg2[%dma_wait3A_126, %dma_wait3A_127] : memref<32768x128xf32, #tpu.memory_space<hbm>> -> memref<32768x128xf32, #tpu.memory_space<hbm>>
      tpu.wait_indirect_dma semaphore(%arg15 : memref<!tpu.dma_semaphore, #tpu.memory_space<semaphore_mem>>) src(%dma_wait3A_128 : memref<32768x128xf32, #tpu.memory_space<hbm>>) dst(%arg11 : memref<128x128xf32, #tpu.memory_space<vmem>>)
      %dma_start3A_129 = arith.constant 0 : i32
      %dma_start3A_130 = tpu.memref_slice %arg9[%add3A_105, %dma_start3A_129] : memref<32x128xi32, #tpu.memory_space<vmem>> -> memref<1x128xi32, #tpu.memory_space<vmem>>
      %dma_start3A_131 = tpu.memref_squeeze %dma_start3A_130 : memref<1x128xi32, #tpu.memory_space<vmem>> -> memref<128xi32, #tpu.memory_space<vmem>>
      %dma_start3A_132 = arith.constant 0 : i32
      %dma_start3A_133 = arith.constant 0 : i32
      %dma_start3A_134 = tpu.memref_slice %arg3[%dma_start3A_132, %dma_start3A_133] : memref<32768x128xf32, #tpu.memory_space<hbm>> -> memref<32768x128xf32, #tpu.memory_space<hbm>>
      tpu.enqueue_indirect_dma source(%dma_start3A_134 : memref<32768x128xf32, #tpu.memory_space<hbm>>) target(%arg11 : memref<128x128xf32, #tpu.memory_space<vmem>>) offsets(%dma_start3A_131 : memref<128xi32, #tpu.memory_space<vmem>>) semaphore(%arg15 : memref<!tpu.dma_semaphore, #tpu.memory_space<semaphore_mem>>) {add = true}
      %dma_wait3A_135 = arith.constant 0 : i32
      %dma_wait3A_136 = tpu.memref_slice %arg9[%add3A_105, %dma_wait3A_135] : memref<32x128xi32, #tpu.memory_space<vmem>> -> memref<1x128xi32, #tpu.memory_space<vmem>>
      %dma_wait3A_137 = tpu.memref_squeeze %dma_wait3A_136 : memref<1x128xi32, #tpu.memory_space<vmem>> -> memref<128xi32, #tpu.memory_space<vmem>>
      %dma_wait3A_138 = arith.constant 0 : i32
      %dma_wait3A_139 = arith.constant 0 : i32
      %dma_wait3A_140 = tpu.memref_slice %arg3[%dma_wait3A_138, %dma_wait3A_139] : memref<32768x128xf32, #tpu.memory_space<hbm>> -> memref<32768x128xf32, #tpu.memory_space<hbm>>
      tpu.wait_indirect_dma semaphore(%arg15 : memref<!tpu.dma_semaphore, #tpu.memory_space<semaphore_mem>>) src(%dma_wait3A_140 : memref<32768x128xf32, #tpu.memory_space<hbm>>) dst(%arg11 : memref<128x128xf32, #tpu.memory_space<vmem>>)
      %dma_start3A_141 = arith.constant 0 : i32
      %dma_start3A_142 = tpu.memref_slice %arg7[%mul3A_110, %dma_start3A_141] : memref<131072x128xf32, #tpu.memory_space<hbm>> -> memref<128x128xf32, #tpu.memory_space<hbm>>
      %dma_start3A_143 = arith.constant 0 : i32
      %dma_start3A_144 = tpu.memref_slice %arg7[%mul3A_110, %dma_start3A_143] : memref<131072x128xf32, #tpu.memory_space<hbm>> -> memref<128x128xf32, #tpu.memory_space<hbm>>
      tpu.enqueue_dma source(%arg11 : memref<128x128xf32, #tpu.memory_space<vmem>>) target(%dma_start3A_144 : memref<128x128xf32, #tpu.memory_space<hbm>>) target_semaphore(%arg19 : memref<!tpu.dma_semaphore, #tpu.memory_space<semaphore_mem>>)
      %dma_wait3A_145 = arith.constant 0 : i32
      %dma_wait3A_146 = arith.constant 0 : i32
      %dma_wait3A_147 = tpu.memref_slice %arg7[%dma_wait3A_145, %dma_wait3A_146] : memref<131072x128xf32, #tpu.memory_space<hbm>> -> memref<128x128xf32, #tpu.memory_space<hbm>>
      %dma_wait3A_148 = arith.constant 0 : i32
      %dma_wait3A_149 = arith.constant 0 : i32
      %dma_wait3A_150 = tpu.memref_slice %arg7[%dma_wait3A_148, %dma_wait3A_149] : memref<131072x128xf32, #tpu.memory_space<hbm>> -> memref<128x128xf32, #tpu.memory_space<hbm>>
      tpu.wait_dma2 semaphore(%arg19 : memref<!tpu.dma_semaphore, #tpu.memory_space<semaphore_mem>>) src(%arg11 : memref<128x128xf32, #tpu.memory_space<vmem>>) dst(%dma_wait3A_150 : memref<128x128xf32, #tpu.memory_space<hbm>>)
      %add3A_151 = arith.constant 4 : i32
      %add3A_152 = arith.addi %add3A_105, %add3A_151 : i32
      %lt3A_153 = arith.constant 32 : i32
      %lt3A_154 = arith.cmpi slt, %add3A_152, %lt3A_153 : i32
      %convert_element_type3A_155 = arith.extui %lt3A_154 : i1 to i32
      %cond3A_156 = arith.constant 0 : i32
      %cond3A_157 = arith.cmpi ne, %convert_element_type3A_155, %cond3A_156 : i32
      scf.if %cond3A_157 {
        %mul3A_270 = arith.constant 32 : i32
        %mul3A_271 = arith.muli %add3A, %mul3A_270 : i32
        %add3A_272 = arith.addi %mul3A_271, %add3A_105 : i32
        %add3A_273 = arith.constant 4 : i32
        %add3A_274 = arith.addi %add3A_272, %add3A_273 : i32
        %mul3A_275 = arith.constant 128 : i32
        %mul3A_276 = arith.muli %add3A_274, %mul3A_275 : i32
        %dma_start3A_277 = arith.constant 0 : i32
        %dma_start3A_278 = tpu.memref_slice %arg4[%mul3A_276, %dma_start3A_277] : memref<131072x128xf32, #tpu.memory_space<hbm>> -> memref<128x128xf32, #tpu.memory_space<hbm>>
        %dma_start3A_279 = arith.constant 0 : i32
        %dma_start3A_280 = tpu.memref_slice %arg4[%mul3A_276, %dma_start3A_279] : memref<131072x128xf32, #tpu.memory_space<hbm>> -> memref<128x128xf32, #tpu.memory_space<hbm>>
        tpu.enqueue_dma source(%dma_start3A_280 : memref<128x128xf32, #tpu.memory_space<hbm>>) target(%arg11 : memref<128x128xf32, #tpu.memory_space<vmem>>) target_semaphore(%arg15 : memref<!tpu.dma_semaphore, #tpu.memory_space<semaphore_mem>>)
      } else {
      }
      %mul3A_158 = arith.constant 4 : i32
      %mul3A_159 = arith.muli %mul3A_158, %scan3A_49 : i32
      %add3A_160 = arith.constant 2 : i32
      %add3A_161 = arith.addi %mul3A_159, %add3A_160 : i32
      %mul3A_162 = arith.constant 32 : i32
      %mul3A_163 = arith.muli %add3A, %mul3A_162 : i32
      %add3A_164 = arith.addi %mul3A_163, %add3A_161 : i32
      %mul3A_165 = arith.constant 128 : i32
      %mul3A_166 = arith.muli %add3A_164, %mul3A_165 : i32
      %dma_wait3A_167 = arith.constant 0 : i32
      %dma_wait3A_168 = arith.constant 0 : i32
      %dma_wait3A_169 = tpu.memref_slice %arg2[%dma_wait3A_167, %dma_wait3A_168] : memref<32768x128xf32, #tpu.memory_space<hbm>> -> memref<128x128xf32, #tpu.memory_space<hbm>>
      %dma_wait3A_170 = arith.constant 0 : i32
      %dma_wait3A_171 = arith.constant 0 : i32
      %dma_wait3A_172 = tpu.memref_slice %arg2[%dma_wait3A_170, %dma_wait3A_171] : memref<32768x128xf32, #tpu.memory_space<hbm>> -> memref<128x128xf32, #tpu.memory_space<hbm>>
      tpu.wait_dma2 semaphore(%arg16 : memref<!tpu.dma_semaphore, #tpu.memory_space<semaphore_mem>>) src(%dma_wait3A_172 : memref<128x128xf32, #tpu.memory_space<hbm>>) dst(%arg12 : memref<128x128xf32, #tpu.memory_space<vmem>>)
      %dma_start3A_173 = arith.constant 0 : i32
      %dma_start3A_174 = tpu.memref_slice %arg8[%add3A_161, %dma_start3A_173] : memref<32x128xi32, #tpu.memory_space<vmem>> -> memref<1x128xi32, #tpu.memory_space<vmem>>
      %dma_start3A_175 = tpu.memref_squeeze %dma_start3A_174 : memref<1x128xi32, #tpu.memory_space<vmem>> -> memref<128xi32, #tpu.memory_space<vmem>>
      %dma_start3A_176 = arith.constant 0 : i32
      %dma_start3A_177 = arith.constant 0 : i32
      %dma_start3A_178 = tpu.memref_slice %arg2[%dma_start3A_176, %dma_start3A_177] : memref<32768x128xf32, #tpu.memory_space<hbm>> -> memref<32768x128xf32, #tpu.memory_space<hbm>>
      tpu.enqueue_indirect_dma source(%dma_start3A_178 : memref<32768x128xf32, #tpu.memory_space<hbm>>) target(%arg12 : memref<128x128xf32, #tpu.memory_space<vmem>>) offsets(%dma_start3A_175 : memref<128xi32, #tpu.memory_space<vmem>>) semaphore(%arg16 : memref<!tpu.dma_semaphore, #tpu.memory_space<semaphore_mem>>) {add = true}
      %dma_wait3A_179 = arith.constant 0 : i32
      %dma_wait3A_180 = tpu.memref_slice %arg8[%add3A_161, %dma_wait3A_179] : memref<32x128xi32, #tpu.memory_space<vmem>> -> memref<1x128xi32, #tpu.memory_space<vmem>>
      %dma_wait3A_181 = tpu.memref_squeeze %dma_wait3A_180 : memref<1x128xi32, #tpu.memory_space<vmem>> -> memref<128xi32, #tpu.memory_space<vmem>>
      %dma_wait3A_182 = arith.constant 0 : i32
      %dma_wait3A_183 = arith.constant 0 : i32
      %dma_wait3A_184 = tpu.memref_slice %arg2[%dma_wait3A_182, %dma_wait3A_183] : memref<32768x128xf32, #tpu.memory_space<hbm>> -> memref<32768x128xf32, #tpu.memory_space<hbm>>
      tpu.wait_indirect_dma semaphore(%arg16 : memref<!tpu.dma_semaphore, #tpu.memory_space<semaphore_mem>>) src(%dma_wait3A_184 : memref<32768x128xf32, #tpu.memory_space<hbm>>) dst(%arg12 : memref<128x128xf32, #tpu.memory_space<vmem>>)
      %dma_start3A_185 = arith.constant 0 : i32
      %dma_start3A_186 = tpu.memref_slice %arg9[%add3A_161, %dma_start3A_185] : memref<32x128xi32, #tpu.memory_space<vmem>> -> memref<1x128xi32, #tpu.memory_space<vmem>>
      %dma_start3A_187 = tpu.memref_squeeze %dma_start3A_186 : memref<1x128xi32, #tpu.memory_space<vmem>> -> memref<128xi32, #tpu.memory_space<vmem>>
      %dma_start3A_188 = arith.constant 0 : i32
      %dma_start3A_189 = arith.constant 0 : i32
      %dma_start3A_190 = tpu.memref_slice %arg3[%dma_start3A_188, %dma_start3A_189] : memref<32768x128xf32, #tpu.memory_space<hbm>> -> memref<32768x128xf32, #tpu.memory_space<hbm>>
      tpu.enqueue_indirect_dma source(%dma_start3A_190 : memref<32768x128xf32, #tpu.memory_space<hbm>>) target(%arg12 : memref<128x128xf32, #tpu.memory_space<vmem>>) offsets(%dma_start3A_187 : memref<128xi32, #tpu.memory_space<vmem>>) semaphore(%arg16 : memref<!tpu.dma_semaphore, #tpu.memory_space<semaphore_mem>>) {add = true}
      %dma_wait3A_191 = arith.constant 0 : i32
      %dma_wait3A_192 = tpu.memref_slice %arg9[%add3A_161, %dma_wait3A_191] : memref<32x128xi32, #tpu.memory_space<vmem>> -> memref<1x128xi32, #tpu.memory_space<vmem>>
      %dma_wait3A_193 = tpu.memref_squeeze %dma_wait3A_192 : memref<1x128xi32, #tpu.memory_space<vmem>> -> memref<128xi32, #tpu.memory_space<vmem>>
      %dma_wait3A_194 = arith.constant 0 : i32
      %dma_wait3A_195 = arith.constant 0 : i32
      %dma_wait3A_196 = tpu.memref_slice %arg3[%dma_wait3A_194, %dma_wait3A_195] : memref<32768x128xf32, #tpu.memory_space<hbm>> -> memref<32768x128xf32, #tpu.memory_space<hbm>>
      tpu.wait_indirect_dma semaphore(%arg16 : memref<!tpu.dma_semaphore, #tpu.memory_space<semaphore_mem>>) src(%dma_wait3A_196 : memref<32768x128xf32, #tpu.memory_space<hbm>>) dst(%arg12 : memref<128x128xf32, #tpu.memory_space<vmem>>)
      %dma_start3A_197 = arith.constant 0 : i32
      %dma_start3A_198 = tpu.memref_slice %arg7[%mul3A_166, %dma_start3A_197] : memref<131072x128xf32, #tpu.memory_space<hbm>> -> memref<128x128xf32, #tpu.memory_space<hbm>>
      %dma_start3A_199 = arith.constant 0 : i32
      %dma_start3A_200 = tpu.memref_slice %arg7[%mul3A_166, %dma_start3A_199] : memref<131072x128xf32, #tpu.memory_space<hbm>> -> memref<128x128xf32, #tpu.memory_space<hbm>>
      tpu.enqueue_dma source(%arg12 : memref<128x128xf32, #tpu.memory_space<vmem>>) target(%dma_start3A_200 : memref<128x128xf32, #tpu.memory_space<hbm>>) target_semaphore(%arg20 : memref<!tpu.dma_semaphore, #tpu.memory_space<semaphore_mem>>)
      %dma_wait3A_201 = arith.constant 0 : i32
      %dma_wait3A_202 = arith.constant 0 : i32
      %dma_wait3A_203 = tpu.memref_slice %arg7[%dma_wait3A_201, %dma_wait3A_202] : memref<131072x128xf32, #tpu.memory_space<hbm>> -> memref<128x128xf32, #tpu.memory_space<hbm>>
      %dma_wait3A_204 = arith.constant 0 : i32
      %dma_wait3A_205 = arith.constant 0 : i32
      %dma_wait3A_206 = tpu.memref_slice %arg7[%dma_wait3A_204, %dma_wait3A_205] : memref<131072x128xf32, #tpu.memory_space<hbm>> -> memref<128x128xf32, #tpu.memory_space<hbm>>
      tpu.wait_dma2 semaphore(%arg20 : memref<!tpu.dma_semaphore, #tpu.memory_space<semaphore_mem>>) src(%arg12 : memref<128x128xf32, #tpu.memory_space<vmem>>) dst(%dma_wait3A_206 : memref<128x128xf32, #tpu.memory_space<hbm>>)
      %add3A_207 = arith.constant 4 : i32
      %add3A_208 = arith.addi %add3A_161, %add3A_207 : i32
      %lt3A_209 = arith.constant 32 : i32
      %lt3A_210 = arith.cmpi slt, %add3A_208, %lt3A_209 : i32
      %convert_element_type3A_211 = arith.extui %lt3A_210 : i1 to i32
      %cond3A_212 = arith.constant 0 : i32
      %cond3A_213 = arith.cmpi ne, %convert_element_type3A_211, %cond3A_212 : i32
      scf.if %cond3A_213 {
        %mul3A_270 = arith.constant 32 : i32
        %mul3A_271 = arith.muli %add3A, %mul3A_270 : i32
        %add3A_272 = arith.addi %mul3A_271, %add3A_161 : i32
        %add3A_273 = arith.constant 4 : i32
        %add3A_274 = arith.addi %add3A_272, %add3A_273 : i32
        %mul3A_275 = arith.constant 128 : i32
        %mul3A_276 = arith.muli %add3A_274, %mul3A_275 : i32
        %dma_start3A_277 = arith.constant 0 : i32
        %dma_start3A_278 = tpu.memref_slice %arg4[%mul3A_276, %dma_start3A_277] : memref<131072x128xf32, #tpu.memory_space<hbm>> -> memref<128x128xf32, #tpu.memory_space<hbm>>
        %dma_start3A_279 = arith.constant 0 : i32
        %dma_start3A_280 = tpu.memref_slice %arg4[%mul3A_276, %dma_start3A_279] : memref<131072x128xf32, #tpu.memory_space<hbm>> -> memref<128x128xf32, #tpu.memory_space<hbm>>
        tpu.enqueue_dma source(%dma_start3A_280 : memref<128x128xf32, #tpu.memory_space<hbm>>) target(%arg12 : memref<128x128xf32, #tpu.memory_space<vmem>>) target_semaphore(%arg16 : memref<!tpu.dma_semaphore, #tpu.memory_space<semaphore_mem>>)
      } else {
      }
      %mul3A_214 = arith.constant 4 : i32
      %mul3A_215 = arith.muli %mul3A_214, %scan3A_49 : i32
      %add3A_216 = arith.constant 3 : i32
      %add3A_217 = arith.addi %mul3A_215, %add3A_216 : i32
      %mul3A_218 = arith.constant 32 : i32
      %mul3A_219 = arith.muli %add3A, %mul3A_218 : i32
      %add3A_220 = arith.addi %mul3A_219, %add3A_217 : i32
      %mul3A_221 = arith.constant 128 : i32
      %mul3A_222 = arith.muli %add3A_220, %mul3A_221 : i32
      %dma_wait3A_223 = arith.constant 0 : i32
      %dma_wait3A_224 = arith.constant 0 : i32
      %dma_wait3A_225 = tpu.memref_slice %arg2[%dma_wait3A_223, %dma_wait3A_224] : memref<32768x128xf32, #tpu.memory_space<hbm>> -> memref<128x128xf32, #tpu.memory_space<hbm>>
      %dma_wait3A_226 = arith.constant 0 : i32
      %dma_wait3A_227 = arith.constant 0 : i32
      %dma_wait3A_228 = tpu.memref_slice %arg2[%dma_wait3A_226, %dma_wait3A_227] : memref<32768x128xf32, #tpu.memory_space<hbm>> -> memref<128x128xf32, #tpu.memory_space<hbm>>
      tpu.wait_dma2 semaphore(%arg17 : memref<!tpu.dma_semaphore, #tpu.memory_space<semaphore_mem>>) src(%dma_wait3A_228 : memref<128x128xf32, #tpu.memory_space<hbm>>) dst(%arg13 : memref<128x128xf32, #tpu.memory_space<vmem>>)
      %dma_start3A_229 = arith.constant 0 : i32
      %dma_start3A_230 = tpu.memref_slice %arg8[%add3A_217, %dma_start3A_229] : memref<32x128xi32, #tpu.memory_space<vmem>> -> memref<1x128xi32, #tpu.memory_space<vmem>>
      %dma_start3A_231 = tpu.memref_squeeze %dma_start3A_230 : memref<1x128xi32, #tpu.memory_space<vmem>> -> memref<128xi32, #tpu.memory_space<vmem>>
      %dma_start3A_232 = arith.constant 0 : i32
      %dma_start3A_233 = arith.constant 0 : i32
      %dma_start3A_234 = tpu.memref_slice %arg2[%dma_start3A_232, %dma_start3A_233] : memref<32768x128xf32, #tpu.memory_space<hbm>> -> memref<32768x128xf32, #tpu.memory_space<hbm>>
      tpu.enqueue_indirect_dma source(%dma_start3A_234 : memref<32768x128xf32, #tpu.memory_space<hbm>>) target(%arg13 : memref<128x128xf32, #tpu.memory_space<vmem>>) offsets(%dma_start3A_231 : memref<128xi32, #tpu.memory_space<vmem>>) semaphore(%arg17 : memref<!tpu.dma_semaphore, #tpu.memory_space<semaphore_mem>>) {add = true}
      %dma_wait3A_235 = arith.constant 0 : i32
      %dma_wait3A_236 = tpu.memref_slice %arg8[%add3A_217, %dma_wait3A_235] : memref<32x128xi32, #tpu.memory_space<vmem>> -> memref<1x128xi32, #tpu.memory_space<vmem>>
      %dma_wait3A_237 = tpu.memref_squeeze %dma_wait3A_236 : memref<1x128xi32, #tpu.memory_space<vmem>> -> memref<128xi32, #tpu.memory_space<vmem>>
      %dma_wait3A_238 = arith.constant 0 : i32
      %dma_wait3A_239 = arith.constant 0 : i32
      %dma_wait3A_240 = tpu.memref_slice %arg2[%dma_wait3A_238, %dma_wait3A_239] : memref<32768x128xf32, #tpu.memory_space<hbm>> -> memref<32768x128xf32, #tpu.memory_space<hbm>>
      tpu.wait_indirect_dma semaphore(%arg17 : memref<!tpu.dma_semaphore, #tpu.memory_space<semaphore_mem>>) src(%dma_wait3A_240 : memref<32768x128xf32, #tpu.memory_space<hbm>>) dst(%arg13 : memref<128x128xf32, #tpu.memory_space<vmem>>)
      %dma_start3A_241 = arith.constant 0 : i32
      %dma_start3A_242 = tpu.memref_slice %arg9[%add3A_217, %dma_start3A_241] : memref<32x128xi32, #tpu.memory_space<vmem>> -> memref<1x128xi32, #tpu.memory_space<vmem>>
      %dma_start3A_243 = tpu.memref_squeeze %dma_start3A_242 : memref<1x128xi32, #tpu.memory_space<vmem>> -> memref<128xi32, #tpu.memory_space<vmem>>
      %dma_start3A_244 = arith.constant 0 : i32
      %dma_start3A_245 = arith.constant 0 : i32
      %dma_start3A_246 = tpu.memref_slice %arg3[%dma_start3A_244, %dma_start3A_245] : memref<32768x128xf32, #tpu.memory_space<hbm>> -> memref<32768x128xf32, #tpu.memory_space<hbm>>
      tpu.enqueue_indirect_dma source(%dma_start3A_246 : memref<32768x128xf32, #tpu.memory_space<hbm>>) target(%arg13 : memref<128x128xf32, #tpu.memory_space<vmem>>) offsets(%dma_start3A_243 : memref<128xi32, #tpu.memory_space<vmem>>) semaphore(%arg17 : memref<!tpu.dma_semaphore, #tpu.memory_space<semaphore_mem>>) {add = true}
      %dma_wait3A_247 = arith.constant 0 : i32
      %dma_wait3A_248 = tpu.memref_slice %arg9[%add3A_217, %dma_wait3A_247] : memref<32x128xi32, #tpu.memory_space<vmem>> -> memref<1x128xi32, #tpu.memory_space<vmem>>
      %dma_wait3A_249 = tpu.memref_squeeze %dma_wait3A_248 : memref<1x128xi32, #tpu.memory_space<vmem>> -> memref<128xi32, #tpu.memory_space<vmem>>
      %dma_wait3A_250 = arith.constant 0 : i32
      %dma_wait3A_251 = arith.constant 0 : i32
      %dma_wait3A_252 = tpu.memref_slice %arg3[%dma_wait3A_250, %dma_wait3A_251] : memref<32768x128xf32, #tpu.memory_space<hbm>> -> memref<32768x128xf32, #tpu.memory_space<hbm>>
      tpu.wait_indirect_dma semaphore(%arg17 : memref<!tpu.dma_semaphore, #tpu.memory_space<semaphore_mem>>) src(%dma_wait3A_252 : memref<32768x128xf32, #tpu.memory_space<hbm>>) dst(%arg13 : memref<128x128xf32, #tpu.memory_space<vmem>>)
      %dma_start3A_253 = arith.constant 0 : i32
      %dma_start3A_254 = tpu.memref_slice %arg7[%mul3A_222, %dma_start3A_253] : memref<131072x128xf32, #tpu.memory_space<hbm>> -> memref<128x128xf32, #tpu.memory_space<hbm>>
      %dma_start3A_255 = arith.constant 0 : i32
      %dma_start3A_256 = tpu.memref_slice %arg7[%mul3A_222, %dma_start3A_255] : memref<131072x128xf32, #tpu.memory_space<hbm>> -> memref<128x128xf32, #tpu.memory_space<hbm>>
      tpu.enqueue_dma source(%arg13 : memref<128x128xf32, #tpu.memory_space<vmem>>) target(%dma_start3A_256 : memref<128x128xf32, #tpu.memory_space<hbm>>) target_semaphore(%arg21 : memref<!tpu.dma_semaphore, #tpu.memory_space<semaphore_mem>>)
      %dma_wait3A_257 = arith.constant 0 : i32
      %dma_wait3A_258 = arith.constant 0 : i32
      %dma_wait3A_259 = tpu.memref_slice %arg7[%dma_wait3A_257, %dma_wait3A_258] : memref<131072x128xf32, #tpu.memory_space<hbm>> -> memref<128x128xf32, #tpu.memory_space<hbm>>
      %dma_wait3A_260 = arith.constant 0 : i32
      %dma_wait3A_261 = arith.constant 0 : i32
      %dma_wait3A_262 = tpu.memref_slice %arg7[%dma_wait3A_260, %dma_wait3A_261] : memref<131072x128xf32, #tpu.memory_space<hbm>> -> memref<128x128xf32, #tpu.memory_space<hbm>>
      tpu.wait_dma2 semaphore(%arg21 : memref<!tpu.dma_semaphore, #tpu.memory_space<semaphore_mem>>) src(%arg13 : memref<128x128xf32, #tpu.memory_space<vmem>>) dst(%dma_wait3A_262 : memref<128x128xf32, #tpu.memory_space<hbm>>)
      %add3A_263 = arith.constant 4 : i32
      %add3A_264 = arith.addi %add3A_217, %add3A_263 : i32
      %lt3A_265 = arith.constant 32 : i32
      %lt3A_266 = arith.cmpi slt, %add3A_264, %lt3A_265 : i32
      %convert_element_type3A_267 = arith.extui %lt3A_266 : i1 to i32
      %cond3A_268 = arith.constant 0 : i32
      %cond3A_269 = arith.cmpi ne, %convert_element_type3A_267, %cond3A_268 : i32
      scf.if %cond3A_269 {
        %mul3A_270 = arith.constant 32 : i32
        %mul3A_271 = arith.muli %add3A, %mul3A_270 : i32
        %add3A_272 = arith.addi %mul3A_271, %add3A_217 : i32
        %add3A_273 = arith.constant 4 : i32
        %add3A_274 = arith.addi %add3A_272, %add3A_273 : i32
        %mul3A_275 = arith.constant 128 : i32
        %mul3A_276 = arith.muli %add3A_274, %mul3A_275 : i32
        %dma_start3A_277 = arith.constant 0 : i32
        %dma_start3A_278 = tpu.memref_slice %arg4[%mul3A_276, %dma_start3A_277] : memref<131072x128xf32, #tpu.memory_space<hbm>> -> memref<128x128xf32, #tpu.memory_space<hbm>>
        %dma_start3A_279 = arith.constant 0 : i32
        %dma_start3A_280 = tpu.memref_slice %arg4[%mul3A_276, %dma_start3A_279] : memref<131072x128xf32, #tpu.memory_space<hbm>> -> memref<128x128xf32, #tpu.memory_space<hbm>>
        tpu.enqueue_dma source(%dma_start3A_280 : memref<128x128xf32, #tpu.memory_space<hbm>>) target(%arg13 : memref<128x128xf32, #tpu.memory_space<vmem>>) target_semaphore(%arg17 : memref<!tpu.dma_semaphore, #tpu.memory_space<semaphore_mem>>)
      } else {
      }
    }
    %scan3A_48 = arith.constant 8 : i32
    return
  }
}

#map = affine_map<(d0, d1) -> (0, 0)>
#map1 = affine_map<(d0, d1) -> (0, 0, 0)>
module attributes {stable_mosaic.version = 14 : i64} {
  func.func @k(%arg0: i32, %arg1: i32, %arg2: memref<32768x128xf32, #tpu.memory_space<hbm>>, %arg3: memref<131072x128xf32, #tpu.memory_space<hbm>>, %arg4: memref<32x32x128xi32, #tpu.memory_space<hbm>>, %arg5: memref<32x32x128xi32, #tpu.memory_space<hbm>>, %arg6: memref<32x32x128xi32, #tpu.memory_space<hbm>>, %arg7: memref<32x32x128xi32, #tpu.memory_space<hbm>>, %arg8: memref<32768x128xf32, #tpu.memory_space<hbm>>, %arg9: memref<32x128xi32, #tpu.memory_space<vmem>>, %arg10: memref<32x128xi32, #tpu.memory_space<vmem>>, %arg11: memref<32x128xi32, #tpu.memory_space<vmem>>, %arg12: memref<32x128xi32, #tpu.memory_space<vmem>>, %arg13: memref<128x128xf32, #tpu.memory_space<vmem>>, %arg14: memref<128x128xf32, #tpu.memory_space<vmem>>, %arg15: memref<128x128xf32, #tpu.memory_space<vmem>>, %arg16: memref<128x128xf32, #tpu.memory_space<vmem>>, %arg17: memref<64x128xf32, #tpu.memory_space<vmem>>, %arg18: memref<1024x128xf32, #tpu.memory_space<vmem_shared>>, %arg19: memref<1024x128xf32, #tpu.memory_space<vmem_shared>>, %arg20: memref<!tpu.dma_semaphore, #tpu.memory_space<semaphore_mem>>, %arg21: memref<!tpu.dma_semaphore, #tpu.memory_space<semaphore_mem>>, %arg22: memref<!tpu.dma_semaphore, #tpu.memory_space<semaphore_mem>>, %arg23: memref<!tpu.dma_semaphore, #tpu.memory_space<semaphore_mem>>) attributes {dimension_semantics = [#tpu.dimension_semantics<core_parallel>, #tpu.dimension_semantics<subcore_parallel>], iteration_bounds = array<i64: 2, 16>, scalar_prefetch = 0 : i64, scratch_operands = 15 : i64, tpu.core_type = #tpu.core_type<sc_vector_subcore>, window_params = [{transform_indices = #map}, {transform_indices = #map}, {transform_indices = #map1}, {transform_indices = #map1}, {transform_indices = #map1}, {transform_indices = #map1}, {transform_indices = #map}]} {
    %mul3A = arith.constant 16 : i32
    %mul3A_0 = arith.muli %arg0, %mul3A : i32
    %add3A = arith.addi %mul3A_0, %arg1 : i32
    %broadcast_in_dim3A = arith.constant 0.000000e+00 : f32
    %broadcast_in_dim3A_1 = vector.broadcast %broadcast_in_dim3A : f32 to vector<16xf32>
    %mul3A_2 = arith.constant 64 : i32
    %mul3A_3 = arith.muli %arg1, %mul3A_2 : i32
    %scan3A = arith.constant 0 : i32
    %scan3A_4 = arith.constant 0 : i32
    %scan3A_5 = arith.constant 512 : i32
    %scan3A_6 = arith.addi %scan3A_4, %scan3A_5 : i32
    %scan3A_7 = arith.constant 1 : i32
    scf.for %scan3A_84 = %scan3A_4 to %scan3A_6 step %scan3A_7  : i32 {
      %jit3A = arith.constant 8 : i32
      %div3A = arith.divsi %scan3A_84, %jit3A : i32
      %sign3A = arith.constant 0 : i32
      %sign3A_85 = arith.cmpi sgt, %scan3A_84, %sign3A : i32
      %sign3A_86 = arith.extui %sign3A_85 : i1 to i32
      %sign3A_87 = arith.constant 0 : i32
      %sign3A_88 = arith.cmpi slt, %scan3A_84, %sign3A_87 : i32
      %sign3A_89 = arith.extui %sign3A_88 : i1 to i32
      %sign3A_90 = arith.subi %sign3A_86, %sign3A_89 : i32
      %sign3A_91 = arith.constant 0 : i32
      %sign3A_92 = arith.cmpi sgt, %jit3A, %sign3A_91 : i32
      %sign3A_93 = arith.extui %sign3A_92 : i1 to i32
      %sign3A_94 = arith.constant 0 : i32
      %sign3A_95 = arith.cmpi slt, %jit3A, %sign3A_94 : i32
      %sign3A_96 = arith.extui %sign3A_95 : i1 to i32
      %sign3A_97 = arith.subi %sign3A_93, %sign3A_96 : i32
      %ne3A = arith.cmpi ne, %sign3A_90, %sign3A_97 : i32
      %rem3A = arith.remsi %scan3A_84, %jit3A : i32
      %ne3A_98 = arith.constant 0 : i32
      %ne3A_99 = arith.cmpi ne, %rem3A, %ne3A_98 : i32
      %and3A = arith.andi %ne3A, %ne3A_99 : i1
      %sub3A_100 = arith.constant 1 : i32
      %sub3A_101 = arith.subi %div3A, %sub3A_100 : i32
      %select_n3A = arith.select %and3A, %sub3A_101, %div3A : i32
      %jit3A_102 = arith.constant 8 : i32
      %eq3A = arith.constant 0 : i32
      %eq3A_103 = arith.cmpi eq, %jit3A_102, %eq3A : i32
      %jit3A_104 = arith.constant 1 : i32
      %select_n3A_105 = arith.select %eq3A_103, %jit3A_104, %jit3A_102 : i32
      %rem3A_106 = arith.remsi %scan3A_84, %select_n3A_105 : i32
      %ne3A_107 = arith.constant 0 : i32
      %ne3A_108 = arith.cmpi ne, %rem3A_106, %ne3A_107 : i32
      %lt3A = arith.constant 0 : i32
      %lt3A_109 = arith.cmpi slt, %rem3A_106, %lt3A : i32
      %lt3A_110 = arith.constant 0 : i32
      %lt3A_111 = arith.cmpi slt, %select_n3A_105, %lt3A_110 : i32
      %ne3A_112 = arith.xori %lt3A_109, %lt3A_111 : i1
      %and3A_113 = arith.andi %ne3A_112, %ne3A_108 : i1
      %add3A_114 = arith.addi %rem3A_106, %select_n3A_105 : i32
      %select_n3A_115 = arith.select %and3A_113, %add3A_114, %rem3A_106 : i32
      %mul3A_116 = arith.constant 16 : i32
      %mul3A_117 = arith.muli %select_n3A_115, %mul3A_116 : i32
      %swap3A = arith.index_cast %select_n3A : i32 to index
      %swap3A_118 = arith.index_cast %mul3A_117 : i32 to index
      %swap3A_119 = tpu.vector_load %arg17[%swap3A, %swap3A_118] {strides = array<i32>} : memref<64x128xf32, #tpu.memory_space<vmem>>, vector<1x16xf32>,
      %swap3A_120 = vector.shape_cast %swap3A_119 : vector<1x16xf32> to vector<16xf32>
      %swap3A_121 = vector.shape_cast %broadcast_in_dim3A_1 : vector<16xf32> to vector<1x16xf32>
      tpu.vector_store %arg17[%swap3A, %swap3A_118], %swap3A_121 {strides = array<i32>} : memref<64x128xf32, #tpu.memory_space<vmem>>, vector<1x16xf32>,
    }
    %scan3A_8 = arith.constant 512 : i32
    "tpu.region"() ({
      %run_scoped3A = tpu.sem_alloc : memref<!tpu.dma_semaphore, #tpu.memory_space<semaphore_mem>>
      %dma_start3A_84 = arith.constant 0 : i32
      %dma_start3A_85 = arith.constant 0 : i32
      %dma_start3A_86 = tpu.memref_slice %arg4[%add3A, %dma_start3A_84, %dma_start3A_85] : memref<32x32x128xi32, #tpu.memory_space<hbm>> -> memref<1x32x128xi32, #tpu.memory_space<hbm>>
      %dma_start3A_87 = tpu.memref_squeeze %dma_start3A_86 : memref<1x32x128xi32, #tpu.memory_space<hbm>> -> memref<32x128xi32, #tpu.memory_space<hbm>>
      %dma_start3A_88 = arith.constant 0 : i32
      %dma_start3A_89 = arith.constant 0 : i32
      %dma_start3A_90 = tpu.memref_slice %arg4[%add3A, %dma_start3A_88, %dma_start3A_89] : memref<32x32x128xi32, #tpu.memory_space<hbm>> -> memref<1x32x128xi32, #tpu.memory_space<hbm>>
      %dma_start3A_91 = tpu.memref_squeeze %dma_start3A_90 : memref<1x32x128xi32, #tpu.memory_space<hbm>> -> memref<32x128xi32, #tpu.memory_space<hbm>>
      tpu.enqueue_dma source(%dma_start3A_91 : memref<32x128xi32, #tpu.memory_space<hbm>>) target(%arg9 : memref<32x128xi32, #tpu.memory_space<vmem>>) target_semaphore(%run_scoped3A : memref<!tpu.dma_semaphore, #tpu.memory_space<semaphore_mem>>)
      %dma_wait3A = arith.constant 0 : i32
      %dma_wait3A_92 = arith.constant 0 : i32
      %dma_wait3A_93 = tpu.memref_slice %arg4[%add3A, %dma_wait3A, %dma_wait3A_92] : memref<32x32x128xi32, #tpu.memory_space<hbm>> -> memref<1x32x128xi32, #tpu.memory_space<hbm>>
      %dma_wait3A_94 = tpu.memref_squeeze %dma_wait3A_93 : memref<1x32x128xi32, #tpu.memory_space<hbm>> -> memref<32x128xi32, #tpu.memory_space<hbm>>
      %dma_wait3A_95 = arith.constant 0 : i32
      %dma_wait3A_96 = arith.constant 0 : i32
      %dma_wait3A_97 = tpu.memref_slice %arg4[%add3A, %dma_wait3A_95, %dma_wait3A_96] : memref<32x32x128xi32, #tpu.memory_space<hbm>> -> memref<1x32x128xi32, #tpu.memory_space<hbm>>
      %dma_wait3A_98 = tpu.memref_squeeze %dma_wait3A_97 : memref<1x32x128xi32, #tpu.memory_space<hbm>> -> memref<32x128xi32, #tpu.memory_space<hbm>>
      tpu.wait_dma2 semaphore(%run_scoped3A : memref<!tpu.dma_semaphore, #tpu.memory_space<semaphore_mem>>) src(%dma_wait3A_98 : memref<32x128xi32, #tpu.memory_space<hbm>>) dst(%arg9 : memref<32x128xi32, #tpu.memory_space<vmem>>)
      tpu.yield
    }) : () -> ()
    "tpu.region"() ({
      %run_scoped3A = tpu.sem_alloc : memref<!tpu.dma_semaphore, #tpu.memory_space<semaphore_mem>>
      %dma_start3A_84 = arith.constant 0 : i32
      %dma_start3A_85 = arith.constant 0 : i32
      %dma_start3A_86 = tpu.memref_slice %arg5[%add3A, %dma_start3A_84, %dma_start3A_85] : memref<32x32x128xi32, #tpu.memory_space<hbm>> -> memref<1x32x128xi32, #tpu.memory_space<hbm>>
      %dma_start3A_87 = tpu.memref_squeeze %dma_start3A_86 : memref<1x32x128xi32, #tpu.memory_space<hbm>> -> memref<32x128xi32, #tpu.memory_space<hbm>>
      %dma_start3A_88 = arith.constant 0 : i32
      %dma_start3A_89 = arith.constant 0 : i32
      %dma_start3A_90 = tpu.memref_slice %arg5[%add3A, %dma_start3A_88, %dma_start3A_89] : memref<32x32x128xi32, #tpu.memory_space<hbm>> -> memref<1x32x128xi32, #tpu.memory_space<hbm>>
      %dma_start3A_91 = tpu.memref_squeeze %dma_start3A_90 : memref<1x32x128xi32, #tpu.memory_space<hbm>> -> memref<32x128xi32, #tpu.memory_space<hbm>>
      tpu.enqueue_dma source(%dma_start3A_91 : memref<32x128xi32, #tpu.memory_space<hbm>>) target(%arg10 : memref<32x128xi32, #tpu.memory_space<vmem>>) target_semaphore(%run_scoped3A : memref<!tpu.dma_semaphore, #tpu.memory_space<semaphore_mem>>)
      %dma_wait3A = arith.constant 0 : i32
      %dma_wait3A_92 = arith.constant 0 : i32
      %dma_wait3A_93 = tpu.memref_slice %arg5[%add3A, %dma_wait3A, %dma_wait3A_92] : memref<32x32x128xi32, #tpu.memory_space<hbm>> -> memref<1x32x128xi32, #tpu.memory_space<hbm>>
      %dma_wait3A_94 = tpu.memref_squeeze %dma_wait3A_93 : memref<1x32x128xi32, #tpu.memory_space<hbm>> -> memref<32x128xi32, #tpu.memory_space<hbm>>
      %dma_wait3A_95 = arith.constant 0 : i32
      %dma_wait3A_96 = arith.constant 0 : i32
      %dma_wait3A_97 = tpu.memref_slice %arg5[%add3A, %dma_wait3A_95, %dma_wait3A_96] : memref<32x32x128xi32, #tpu.memory_space<hbm>> -> memref<1x32x128xi32, #tpu.memory_space<hbm>>
      %dma_wait3A_98 = tpu.memref_squeeze %dma_wait3A_97 : memref<1x32x128xi32, #tpu.memory_space<hbm>> -> memref<32x128xi32, #tpu.memory_space<hbm>>
      tpu.wait_dma2 semaphore(%run_scoped3A : memref<!tpu.dma_semaphore, #tpu.memory_space<semaphore_mem>>) src(%dma_wait3A_98 : memref<32x128xi32, #tpu.memory_space<hbm>>) dst(%arg10 : memref<32x128xi32, #tpu.memory_space<vmem>>)
      tpu.yield
    }) : () -> ()
    "tpu.region"() ({
      %run_scoped3A = tpu.sem_alloc : memref<!tpu.dma_semaphore, #tpu.memory_space<semaphore_mem>>
      %dma_start3A_84 = arith.constant 0 : i32
      %dma_start3A_85 = arith.constant 0 : i32
      %dma_start3A_86 = tpu.memref_slice %arg6[%add3A, %dma_start3A_84, %dma_start3A_85] : memref<32x32x128xi32, #tpu.memory_space<hbm>> -> memref<1x32x128xi32, #tpu.memory_space<hbm>>
      %dma_start3A_87 = tpu.memref_squeeze %dma_start3A_86 : memref<1x32x128xi32, #tpu.memory_space<hbm>> -> memref<32x128xi32, #tpu.memory_space<hbm>>
      %dma_start3A_88 = arith.constant 0 : i32
      %dma_start3A_89 = arith.constant 0 : i32
      %dma_start3A_90 = tpu.memref_slice %arg6[%add3A, %dma_start3A_88, %dma_start3A_89] : memref<32x32x128xi32, #tpu.memory_space<hbm>> -> memref<1x32x128xi32, #tpu.memory_space<hbm>>
      %dma_start3A_91 = tpu.memref_squeeze %dma_start3A_90 : memref<1x32x128xi32, #tpu.memory_space<hbm>> -> memref<32x128xi32, #tpu.memory_space<hbm>>
      tpu.enqueue_dma source(%dma_start3A_91 : memref<32x128xi32, #tpu.memory_space<hbm>>) target(%arg11 : memref<32x128xi32, #tpu.memory_space<vmem>>) target_semaphore(%run_scoped3A : memref<!tpu.dma_semaphore, #tpu.memory_space<semaphore_mem>>)
      %dma_wait3A = arith.constant 0 : i32
      %dma_wait3A_92 = arith.constant 0 : i32
      %dma_wait3A_93 = tpu.memref_slice %arg6[%add3A, %dma_wait3A, %dma_wait3A_92] : memref<32x32x128xi32, #tpu.memory_space<hbm>> -> memref<1x32x128xi32, #tpu.memory_space<hbm>>
      %dma_wait3A_94 = tpu.memref_squeeze %dma_wait3A_93 : memref<1x32x128xi32, #tpu.memory_space<hbm>> -> memref<32x128xi32, #tpu.memory_space<hbm>>
      %dma_wait3A_95 = arith.constant 0 : i32
      %dma_wait3A_96 = arith.constant 0 : i32
      %dma_wait3A_97 = tpu.memref_slice %arg6[%add3A, %dma_wait3A_95, %dma_wait3A_96] : memref<32x32x128xi32, #tpu.memory_space<hbm>> -> memref<1x32x128xi32, #tpu.memory_space<hbm>>
      %dma_wait3A_98 = tpu.memref_squeeze %dma_wait3A_97 : memref<1x32x128xi32, #tpu.memory_space<hbm>> -> memref<32x128xi32, #tpu.memory_space<hbm>>
      tpu.wait_dma2 semaphore(%run_scoped3A : memref<!tpu.dma_semaphore, #tpu.memory_space<semaphore_mem>>) src(%dma_wait3A_98 : memref<32x128xi32, #tpu.memory_space<hbm>>) dst(%arg11 : memref<32x128xi32, #tpu.memory_space<vmem>>)
      tpu.yield
    }) : () -> ()
    "tpu.region"() ({
      %run_scoped3A = tpu.sem_alloc : memref<!tpu.dma_semaphore, #tpu.memory_space<semaphore_mem>>
      %dma_start3A_84 = arith.constant 0 : i32
      %dma_start3A_85 = arith.constant 0 : i32
      %dma_start3A_86 = tpu.memref_slice %arg7[%add3A, %dma_start3A_84, %dma_start3A_85] : memref<32x32x128xi32, #tpu.memory_space<hbm>> -> memref<1x32x128xi32, #tpu.memory_space<hbm>>
      %dma_start3A_87 = tpu.memref_squeeze %dma_start3A_86 : memref<1x32x128xi32, #tpu.memory_space<hbm>> -> memref<32x128xi32, #tpu.memory_space<hbm>>
      %dma_start3A_88 = arith.constant 0 : i32
      %dma_start3A_89 = arith.constant 0 : i32
      %dma_start3A_90 = tpu.memref_slice %arg7[%add3A, %dma_start3A_88, %dma_start3A_89] : memref<32x32x128xi32, #tpu.memory_space<hbm>> -> memref<1x32x128xi32, #tpu.memory_space<hbm>>
      %dma_start3A_91 = tpu.memref_squeeze %dma_start3A_90 : memref<1x32x128xi32, #tpu.memory_space<hbm>> -> memref<32x128xi32, #tpu.memory_space<hbm>>
      tpu.enqueue_dma source(%dma_start3A_91 : memref<32x128xi32, #tpu.memory_space<hbm>>) target(%arg12 : memref<32x128xi32, #tpu.memory_space<vmem>>) target_semaphore(%run_scoped3A : memref<!tpu.dma_semaphore, #tpu.memory_space<semaphore_mem>>)
      %dma_wait3A = arith.constant 0 : i32
      %dma_wait3A_92 = arith.constant 0 : i32
      %dma_wait3A_93 = tpu.memref_slice %arg7[%add3A, %dma_wait3A, %dma_wait3A_92] : memref<32x32x128xi32, #tpu.memory_space<hbm>> -> memref<1x32x128xi32, #tpu.memory_space<hbm>>
      %dma_wait3A_94 = tpu.memref_squeeze %dma_wait3A_93 : memref<1x32x128xi32, #tpu.memory_space<hbm>> -> memref<32x128xi32, #tpu.memory_space<hbm>>
      %dma_wait3A_95 = arith.constant 0 : i32
      %dma_wait3A_96 = arith.constant 0 : i32
      %dma_wait3A_97 = tpu.memref_slice %arg7[%add3A, %dma_wait3A_95, %dma_wait3A_96] : memref<32x32x128xi32, #tpu.memory_space<hbm>> -> memref<1x32x128xi32, #tpu.memory_space<hbm>>
      %dma_wait3A_98 = tpu.memref_squeeze %dma_wait3A_97 : memref<1x32x128xi32, #tpu.memory_space<hbm>> -> memref<32x128xi32, #tpu.memory_space<hbm>>
      tpu.wait_dma2 semaphore(%run_scoped3A : memref<!tpu.dma_semaphore, #tpu.memory_space<semaphore_mem>>) src(%dma_wait3A_98 : memref<32x128xi32, #tpu.memory_space<hbm>>) dst(%arg12 : memref<32x128xi32, #tpu.memory_space<vmem>>)
      tpu.yield
    }) : () -> ()
    "tpu.region"() ({
      %run_scoped3A = tpu.sem_alloc : memref<!tpu.dma_semaphore, #tpu.memory_space<semaphore_mem>>
      %dma_start3A_84 = arith.constant 0 : i32
      %dma_start3A_85 = tpu.memref_slice %arg18[%mul3A_3, %dma_start3A_84] : memref<1024x128xf32, #tpu.memory_space<vmem_shared>> -> memref<64x128xf32, #tpu.memory_space<vmem_shared>>
      %dma_start3A_86 = arith.constant 0 : i32
      %dma_start3A_87 = tpu.memref_slice %arg18[%mul3A_3, %dma_start3A_86] : memref<1024x128xf32, #tpu.memory_space<vmem_shared>> -> memref<64x128xf32, #tpu.memory_space<vmem_shared>>
      tpu.enqueue_dma source(%arg17 : memref<64x128xf32, #tpu.memory_space<vmem>>) target(%dma_start3A_87 : memref<64x128xf32, #tpu.memory_space<vmem_shared>>) target_semaphore(%run_scoped3A : memref<!tpu.dma_semaphore, #tpu.memory_space<semaphore_mem>>)
      %dma_wait3A = arith.constant 0 : i32
      %dma_wait3A_88 = tpu.memref_slice %arg18[%mul3A_3, %dma_wait3A] : memref<1024x128xf32, #tpu.memory_space<vmem_shared>> -> memref<64x128xf32, #tpu.memory_space<vmem_shared>>
      %dma_wait3A_89 = arith.constant 0 : i32
      %dma_wait3A_90 = tpu.memref_slice %arg18[%mul3A_3, %dma_wait3A_89] : memref<1024x128xf32, #tpu.memory_space<vmem_shared>> -> memref<64x128xf32, #tpu.memory_space<vmem_shared>>
      tpu.wait_dma2 semaphore(%run_scoped3A : memref<!tpu.dma_semaphore, #tpu.memory_space<semaphore_mem>>) src(%arg17 : memref<64x128xf32, #tpu.memory_space<vmem>>) dst(%dma_wait3A_90 : memref<64x128xf32, #tpu.memory_space<vmem_shared>>)
      tpu.yield
    }) : () -> ()
    "tpu.region"() ({
      %run_scoped3A = tpu.sem_alloc : memref<!tpu.dma_semaphore, #tpu.memory_space<semaphore_mem>>
      %dma_start3A_84 = arith.constant 0 : i32
      %dma_start3A_85 = tpu.memref_slice %arg19[%mul3A_3, %dma_start3A_84] : memref<1024x128xf32, #tpu.memory_space<vmem_shared>> -> memref<64x128xf32, #tpu.memory_space<vmem_shared>>
      %dma_start3A_86 = arith.constant 0 : i32
      %dma_start3A_87 = tpu.memref_slice %arg19[%mul3A_3, %dma_start3A_86] : memref<1024x128xf32, #tpu.memory_space<vmem_shared>> -> memref<64x128xf32, #tpu.memory_space<vmem_shared>>
      tpu.enqueue_dma source(%arg17 : memref<64x128xf32, #tpu.memory_space<vmem>>) target(%dma_start3A_87 : memref<64x128xf32, #tpu.memory_space<vmem_shared>>) target_semaphore(%run_scoped3A : memref<!tpu.dma_semaphore, #tpu.memory_space<semaphore_mem>>)
      %dma_wait3A = arith.constant 0 : i32
      %dma_wait3A_88 = tpu.memref_slice %arg19[%mul3A_3, %dma_wait3A] : memref<1024x128xf32, #tpu.memory_space<vmem_shared>> -> memref<64x128xf32, #tpu.memory_space<vmem_shared>>
      %dma_wait3A_89 = arith.constant 0 : i32
      %dma_wait3A_90 = tpu.memref_slice %arg19[%mul3A_3, %dma_wait3A_89] : memref<1024x128xf32, #tpu.memory_space<vmem_shared>> -> memref<64x128xf32, #tpu.memory_space<vmem_shared>>
      tpu.wait_dma2 semaphore(%run_scoped3A : memref<!tpu.dma_semaphore, #tpu.memory_space<semaphore_mem>>) src(%arg17 : memref<64x128xf32, #tpu.memory_space<vmem>>) dst(%dma_wait3A_90 : memref<64x128xf32, #tpu.memory_space<vmem_shared>>)
      tpu.yield
    }) : () -> ()
    %barrier3A = arith.constant 0 : index
    tpu.barrier barrier_id(%barrier3A)
    %mul3A_9 = arith.constant 16 : i32
    %mul3A_10 = arith.muli %arg0, %mul3A_9 : i32
    %mul3A_11 = arith.constant 32 : i32
    %mul3A_12 = arith.muli %mul3A_10, %mul3A_11 : i32
    %mul3A_13 = arith.constant 2 : i32
    %mul3A_14 = arith.muli %arg1, %mul3A_13 : i32
    %add3A_15 = arith.addi %mul3A_12, %mul3A_14 : i32
    %add3A_16 = arith.constant 0 : i32
    %add3A_17 = arith.addi %add3A_15, %add3A_16 : i32
    %mul3A_18 = arith.constant 128 : i32
    %mul3A_19 = arith.muli %add3A_17, %mul3A_18 : i32
    %dma_start3A = arith.constant 0 : i32
    %dma_start3A_20 = tpu.memref_slice %arg3[%mul3A_19, %dma_start3A] : memref<131072x128xf32, #tpu.memory_space<hbm>> -> memref<128x128xf32, #tpu.memory_space<hbm>>
    %dma_start3A_21 = arith.constant 0 : i32
    %dma_start3A_22 = tpu.memref_slice %arg3[%mul3A_19, %dma_start3A_21] : memref<131072x128xf32, #tpu.memory_space<hbm>> -> memref<128x128xf32, #tpu.memory_space<hbm>>
    tpu.enqueue_dma source(%dma_start3A_22 : memref<128x128xf32, #tpu.memory_space<hbm>>) target(%arg13 : memref<128x128xf32, #tpu.memory_space<vmem>>) target_semaphore(%arg20 : memref<!tpu.dma_semaphore, #tpu.memory_space<semaphore_mem>>)
    %mul3A_23 = arith.constant 16 : i32
    %mul3A_24 = arith.muli %arg0, %mul3A_23 : i32
    %mul3A_25 = arith.constant 32 : i32
    %mul3A_26 = arith.muli %mul3A_24, %mul3A_25 : i32
    %mul3A_27 = arith.constant 2 : i32
    %mul3A_28 = arith.muli %arg1, %mul3A_27 : i32
    %add3A_29 = arith.addi %mul3A_26, %mul3A_28 : i32
    %add3A_30 = arith.constant 0 : i32
    %add3A_31 = arith.addi %add3A_29, %add3A_30 : i32
    %mul3A_32 = arith.constant 128 : i32
    %mul3A_33 = arith.muli %add3A_31, %mul3A_32 : i32
    %dma_start3A_34 = arith.constant 0 : i32
    %dma_start3A_35 = tpu.memref_slice %arg3[%mul3A_33, %dma_start3A_34] : memref<131072x128xf32, #tpu.memory_space<hbm>> -> memref<128x128xf32, #tpu.memory_space<hbm>>
    %dma_start3A_36 = arith.constant 0 : i32
    %dma_start3A_37 = tpu.memref_slice %arg3[%mul3A_33, %dma_start3A_36] : memref<131072x128xf32, #tpu.memory_space<hbm>> -> memref<128x128xf32, #tpu.memory_space<hbm>>
    tpu.enqueue_dma source(%dma_start3A_37 : memref<128x128xf32, #tpu.memory_space<hbm>>) target(%arg14 : memref<128x128xf32, #tpu.memory_space<vmem>>) target_semaphore(%arg21 : memref<!tpu.dma_semaphore, #tpu.memory_space<semaphore_mem>>)
    %mul3A_38 = arith.constant 16 : i32
    %mul3A_39 = arith.muli %arg0, %mul3A_38 : i32
    %mul3A_40 = arith.constant 32 : i32
    %mul3A_41 = arith.muli %mul3A_39, %mul3A_40 : i32
    %mul3A_42 = arith.constant 2 : i32
    %mul3A_43 = arith.muli %arg1, %mul3A_42 : i32
    %add3A_44 = arith.addi %mul3A_41, %mul3A_43 : i32
    %add3A_45 = arith.constant 1 : i32
    %add3A_46 = arith.addi %add3A_44, %add3A_45 : i32
    %mul3A_47 = arith.constant 128 : i32
    %mul3A_48 = arith.muli %add3A_46, %mul3A_47 : i32
    %dma_start3A_49 = arith.constant 0 : i32
    %dma_start3A_50 = tpu.memref_slice %arg3[%mul3A_48, %dma_start3A_49] : memref<131072x128xf32, #tpu.memory_space<hbm>> -> memref<128x128xf32, #tpu.memory_space<hbm>>
    %dma_start3A_51 = arith.constant 0 : i32
    %dma_start3A_52 = tpu.memref_slice %arg3[%mul3A_48, %dma_start3A_51] : memref<131072x128xf32, #tpu.memory_space<hbm>> -> memref<128x128xf32, #tpu.memory_space<hbm>>
    tpu.enqueue_dma source(%dma_start3A_52 : memref<128x128xf32, #tpu.memory_space<hbm>>) target(%arg15 : memref<128x128xf32, #tpu.memory_space<vmem>>) target_semaphore(%arg22 : memref<!tpu.dma_semaphore, #tpu.memory_space<semaphore_mem>>)
    %mul3A_53 = arith.constant 16 : i32
    %mul3A_54 = arith.muli %arg0, %mul3A_53 : i32
    %mul3A_55 = arith.constant 32 : i32
    %mul3A_56 = arith.muli %mul3A_54, %mul3A_55 : i32
    %mul3A_57 = arith.constant 2 : i32
    %mul3A_58 = arith.muli %arg1, %mul3A_57 : i32
    %add3A_59 = arith.addi %mul3A_56, %mul3A_58 : i32
    %add3A_60 = arith.constant 1 : i32
    %add3A_61 = arith.addi %add3A_59, %add3A_60 : i32
    %mul3A_62 = arith.constant 128 : i32
    %mul3A_63 = arith.muli %add3A_61, %mul3A_62 : i32
    %dma_start3A_64 = arith.constant 0 : i32
    %dma_start3A_65 = tpu.memref_slice %arg3[%mul3A_63, %dma_start3A_64] : memref<131072x128xf32, #tpu.memory_space<hbm>> -> memref<128x128xf32, #tpu.memory_space<hbm>>
    %dma_start3A_66 = arith.constant 0 : i32
    %dma_start3A_67 = tpu.memref_slice %arg3[%mul3A_63, %dma_start3A_66] : memref<131072x128xf32, #tpu.memory_space<hbm>> -> memref<128x128xf32, #tpu.memory_space<hbm>>
    tpu.enqueue_dma source(%dma_start3A_67 : memref<128x128xf32, #tpu.memory_space<hbm>>) target(%arg16 : memref<128x128xf32, #tpu.memory_space<vmem>>) target_semaphore(%arg23 : memref<!tpu.dma_semaphore, #tpu.memory_space<semaphore_mem>>)
    %scan3A_68 = arith.constant 0 : i32
    %scan3A_69 = arith.constant 0 : i32
    %scan3A_70 = arith.constant 8 : i32
    %scan3A_71 = arith.addi %scan3A_69, %scan3A_70 : i32
    %scan3A_72 = arith.constant 1 : i32
    scf.for %scan3A_84 = %scan3A_69 to %scan3A_71 step %scan3A_72  : i32 {
      %mul3A_85 = arith.constant 2 : i32
      %mul3A_86 = arith.muli %mul3A_85, %scan3A_84 : i32
      %add3A_87 = arith.constant 0 : i32
      %add3A_88 = arith.addi %mul3A_86, %add3A_87 : i32
      %mul3A_89 = arith.constant 16 : i32
      %mul3A_90 = arith.muli %arg0, %mul3A_89 : i32
      %add3A_91 = arith.addi %mul3A_90, %add3A_88 : i32
      %dma_wait3A = arith.constant 0 : i32
      %dma_wait3A_92 = arith.constant 0 : i32
      %dma_wait3A_93 = tpu.memref_slice %arg3[%dma_wait3A, %dma_wait3A_92] : memref<131072x128xf32, #tpu.memory_space<hbm>> -> memref<128x128xf32, #tpu.memory_space<hbm>>
      %dma_wait3A_94 = arith.constant 0 : i32
      %dma_wait3A_95 = arith.constant 0 : i32
      %dma_wait3A_96 = tpu.memref_slice %arg3[%dma_wait3A_94, %dma_wait3A_95] : memref<131072x128xf32, #tpu.memory_space<hbm>> -> memref<128x128xf32, #tpu.memory_space<hbm>>
      tpu.wait_dma2 semaphore(%arg20 : memref<!tpu.dma_semaphore, #tpu.memory_space<semaphore_mem>>) src(%dma_wait3A_96 : memref<128x128xf32, #tpu.memory_space<hbm>>) dst(%arg13 : memref<128x128xf32, #tpu.memory_space<vmem>>)
      %mul3A_97 = arith.constant 2 : i32
      %mul3A_98 = arith.muli %add3A_88, %mul3A_97 : i32
      %add3A_99 = arith.constant 0 : i32
      %add3A_100 = arith.addi %mul3A_98, %add3A_99 : i32
      %dma_start3A_101 = arith.constant 0 : i32
      %dma_start3A_102 = tpu.memref_slice %arg9[%add3A_100, %dma_start3A_101] : memref<32x128xi32, #tpu.memory_space<vmem>> -> memref<1x128xi32, #tpu.memory_space<vmem>>
      %dma_start3A_103 = tpu.memref_squeeze %dma_start3A_102 : memref<1x128xi32, #tpu.memory_space<vmem>> -> memref<128xi32, #tpu.memory_space<vmem>>
      %dma_start3A_104 = arith.constant 0 : i32
      %dma_start3A_105 = arith.constant 0 : i32
      %dma_start3A_106 = tpu.memref_slice %arg2[%dma_start3A_104, %dma_start3A_105] : memref<32768x128xf32, #tpu.memory_space<hbm>> -> memref<32768x128xf32, #tpu.memory_space<hbm>>
      tpu.enqueue_indirect_dma source(%dma_start3A_106 : memref<32768x128xf32, #tpu.memory_space<hbm>>) target(%arg13 : memref<128x128xf32, #tpu.memory_space<vmem>>) offsets(%dma_start3A_103 : memref<128xi32, #tpu.memory_space<vmem>>) semaphore(%arg20 : memref<!tpu.dma_semaphore, #tpu.memory_space<semaphore_mem>>) {add = true}
      %dma_wait3A_107 = arith.constant 0 : i32
      %dma_wait3A_108 = arith.constant 0 : i32
      %dma_wait3A_109 = tpu.memref_slice %arg3[%dma_wait3A_107, %dma_wait3A_108] : memref<131072x128xf32, #tpu.memory_space<hbm>> -> memref<128x128xf32, #tpu.memory_space<hbm>>
      %dma_wait3A_110 = arith.constant 0 : i32
      %dma_wait3A_111 = arith.constant 0 : i32
      %dma_wait3A_112 = tpu.memref_slice %arg3[%dma_wait3A_110, %dma_wait3A_111] : memref<131072x128xf32, #tpu.memory_space<hbm>> -> memref<128x128xf32, #tpu.memory_space<hbm>>
      tpu.wait_dma2 semaphore(%arg21 : memref<!tpu.dma_semaphore, #tpu.memory_space<semaphore_mem>>) src(%dma_wait3A_112 : memref<128x128xf32, #tpu.memory_space<hbm>>) dst(%arg14 : memref<128x128xf32, #tpu.memory_space<vmem>>)
      %mul3A_113 = arith.constant 2 : i32
      %mul3A_114 = arith.muli %add3A_88, %mul3A_113 : i32
      %add3A_115 = arith.constant 0 : i32
      %add3A_116 = arith.addi %mul3A_114, %add3A_115 : i32
      %dma_start3A_117 = arith.constant 0 : i32
      %dma_start3A_118 = tpu.memref_slice %arg10[%add3A_116, %dma_start3A_117] : memref<32x128xi32, #tpu.memory_space<vmem>> -> memref<1x128xi32, #tpu.memory_space<vmem>>
      %dma_start3A_119 = tpu.memref_squeeze %dma_start3A_118 : memref<1x128xi32, #tpu.memory_space<vmem>> -> memref<128xi32, #tpu.memory_space<vmem>>
      %dma_start3A_120 = arith.constant 0 : i32
      %dma_start3A_121 = arith.constant 0 : i32
      %dma_start3A_122 = tpu.memref_slice %arg2[%dma_start3A_120, %dma_start3A_121] : memref<32768x128xf32, #tpu.memory_space<hbm>> -> memref<32768x128xf32, #tpu.memory_space<hbm>>
      tpu.enqueue_indirect_dma source(%dma_start3A_122 : memref<32768x128xf32, #tpu.memory_space<hbm>>) target(%arg14 : memref<128x128xf32, #tpu.memory_space<vmem>>) offsets(%dma_start3A_119 : memref<128xi32, #tpu.memory_space<vmem>>) semaphore(%arg21 : memref<!tpu.dma_semaphore, #tpu.memory_space<semaphore_mem>>) {add = true}
      %dma_wait3A_123 = arith.constant 0 : i32
      %dma_wait3A_124 = arith.constant 0 : i32
      %dma_wait3A_125 = tpu.memref_slice %arg3[%dma_wait3A_123, %dma_wait3A_124] : memref<131072x128xf32, #tpu.memory_space<hbm>> -> memref<128x128xf32, #tpu.memory_space<hbm>>
      %dma_wait3A_126 = arith.constant 0 : i32
      %dma_wait3A_127 = arith.constant 0 : i32
      %dma_wait3A_128 = tpu.memref_slice %arg3[%dma_wait3A_126, %dma_wait3A_127] : memref<131072x128xf32, #tpu.memory_space<hbm>> -> memref<128x128xf32, #tpu.memory_space<hbm>>
      tpu.wait_dma2 semaphore(%arg22 : memref<!tpu.dma_semaphore, #tpu.memory_space<semaphore_mem>>) src(%dma_wait3A_128 : memref<128x128xf32, #tpu.memory_space<hbm>>) dst(%arg15 : memref<128x128xf32, #tpu.memory_space<vmem>>)
      %mul3A_129 = arith.constant 2 : i32
      %mul3A_130 = arith.muli %add3A_88, %mul3A_129 : i32
      %add3A_131 = arith.constant 1 : i32
      %add3A_132 = arith.addi %mul3A_130, %add3A_131 : i32
      %dma_start3A_133 = arith.constant 0 : i32
      %dma_start3A_134 = tpu.memref_slice %arg9[%add3A_132, %dma_start3A_133] : memref<32x128xi32, #tpu.memory_space<vmem>> -> memref<1x128xi32, #tpu.memory_space<vmem>>
      %dma_start3A_135 = tpu.memref_squeeze %dma_start3A_134 : memref<1x128xi32, #tpu.memory_space<vmem>> -> memref<128xi32, #tpu.memory_space<vmem>>
      %dma_start3A_136 = arith.constant 0 : i32
      %dma_start3A_137 = arith.constant 0 : i32
      %dma_start3A_138 = tpu.memref_slice %arg2[%dma_start3A_136, %dma_start3A_137] : memref<32768x128xf32, #tpu.memory_space<hbm>> -> memref<32768x128xf32, #tpu.memory_space<hbm>>
      tpu.enqueue_indirect_dma source(%dma_start3A_138 : memref<32768x128xf32, #tpu.memory_space<hbm>>) target(%arg15 : memref<128x128xf32, #tpu.memory_space<vmem>>) offsets(%dma_start3A_135 : memref<128xi32, #tpu.memory_space<vmem>>) semaphore(%arg22 : memref<!tpu.dma_semaphore, #tpu.memory_space<semaphore_mem>>) {add = true}
      %dma_wait3A_139 = arith.constant 0 : i32
      %dma_wait3A_140 = arith.constant 0 : i32
      %dma_wait3A_141 = tpu.memref_slice %arg3[%dma_wait3A_139, %dma_wait3A_140] : memref<131072x128xf32, #tpu.memory_space<hbm>> -> memref<128x128xf32, #tpu.memory_space<hbm>>
      %dma_wait3A_142 = arith.constant 0 : i32
      %dma_wait3A_143 = arith.constant 0 : i32
      %dma_wait3A_144 = tpu.memref_slice %arg3[%dma_wait3A_142, %dma_wait3A_143] : memref<131072x128xf32, #tpu.memory_space<hbm>> -> memref<128x128xf32, #tpu.memory_space<hbm>>
      tpu.wait_dma2 semaphore(%arg23 : memref<!tpu.dma_semaphore, #tpu.memory_space<semaphore_mem>>) src(%dma_wait3A_144 : memref<128x128xf32, #tpu.memory_space<hbm>>) dst(%arg16 : memref<128x128xf32, #tpu.memory_space<vmem>>)
      %mul3A_145 = arith.constant 2 : i32
      %mul3A_146 = arith.muli %add3A_88, %mul3A_145 : i32
      %add3A_147 = arith.constant 1 : i32
      %add3A_148 = arith.addi %mul3A_146, %add3A_147 : i32
      %dma_start3A_149 = arith.constant 0 : i32
      %dma_start3A_150 = tpu.memref_slice %arg10[%add3A_148, %dma_start3A_149] : memref<32x128xi32, #tpu.memory_space<vmem>> -> memref<1x128xi32, #tpu.memory_space<vmem>>
      %dma_start3A_151 = tpu.memref_squeeze %dma_start3A_150 : memref<1x128xi32, #tpu.memory_space<vmem>> -> memref<128xi32, #tpu.memory_space<vmem>>
      %dma_start3A_152 = arith.constant 0 : i32
      %dma_start3A_153 = arith.constant 0 : i32
      %dma_start3A_154 = tpu.memref_slice %arg2[%dma_start3A_152, %dma_start3A_153] : memref<32768x128xf32, #tpu.memory_space<hbm>> -> memref<32768x128xf32, #tpu.memory_space<hbm>>
      tpu.enqueue_indirect_dma source(%dma_start3A_154 : memref<32768x128xf32, #tpu.memory_space<hbm>>) target(%arg16 : memref<128x128xf32, #tpu.memory_space<vmem>>) offsets(%dma_start3A_151 : memref<128xi32, #tpu.memory_space<vmem>>) semaphore(%arg23 : memref<!tpu.dma_semaphore, #tpu.memory_space<semaphore_mem>>) {add = true}
      %dma_wait3A_155 = arith.constant 0 : i32
      %dma_wait3A_156 = tpu.memref_slice %arg9[%add3A_100, %dma_wait3A_155] : memref<32x128xi32, #tpu.memory_space<vmem>> -> memref<1x128xi32, #tpu.memory_space<vmem>>
      %dma_wait3A_157 = tpu.memref_squeeze %dma_wait3A_156 : memref<1x128xi32, #tpu.memory_space<vmem>> -> memref<128xi32, #tpu.memory_space<vmem>>
      %dma_wait3A_158 = arith.constant 0 : i32
      %dma_wait3A_159 = arith.constant 0 : i32
      %dma_wait3A_160 = tpu.memref_slice %arg2[%dma_wait3A_158, %dma_wait3A_159] : memref<32768x128xf32, #tpu.memory_space<hbm>> -> memref<32768x128xf32, #tpu.memory_space<hbm>>
      tpu.wait_indirect_dma semaphore(%arg20 : memref<!tpu.dma_semaphore, #tpu.memory_space<semaphore_mem>>) src(%dma_wait3A_160 : memref<32768x128xf32, #tpu.memory_space<hbm>>) dst(%arg13 : memref<128x128xf32, #tpu.memory_space<vmem>>)
      %mul3A_161 = arith.constant 2 : i32
      %mul3A_162 = arith.muli %add3A_88, %mul3A_161 : i32
      %add3A_163 = arith.constant 0 : i32
      %add3A_164 = arith.addi %mul3A_162, %add3A_163 : i32
      %dma_start3A_165 = arith.constant 0 : i32
      %dma_start3A_166 = tpu.memref_slice %arg12[%add3A_164, %dma_start3A_165] : memref<32x128xi32, #tpu.memory_space<vmem>> -> memref<1x128xi32, #tpu.memory_space<vmem>>
      %dma_start3A_167 = tpu.memref_squeeze %dma_start3A_166 : memref<1x128xi32, #tpu.memory_space<vmem>> -> memref<128xi32, #tpu.memory_space<vmem>>
      %dma_start3A_168 = arith.constant 0 : i32
      %dma_start3A_169 = arith.constant 0 : i32
      %dma_start3A_170 = tpu.memref_slice %arg18[%dma_start3A_168, %dma_start3A_169] : memref<1024x128xf32, #tpu.memory_space<vmem_shared>> -> memref<1024x128xf32, #tpu.memory_space<vmem_shared>>
      tpu.enqueue_indirect_dma source(%arg13 : memref<128x128xf32, #tpu.memory_space<vmem>>) target(%dma_start3A_170 : memref<1024x128xf32, #tpu.memory_space<vmem_shared>>) offsets(%dma_start3A_167 : memref<128xi32, #tpu.memory_space<vmem>>) semaphore(%arg20 : memref<!tpu.dma_semaphore, #tpu.memory_space<semaphore_mem>>) {add = true}
      %dma_wait3A_171 = arith.constant 0 : i32
      %dma_wait3A_172 = tpu.memref_slice %arg10[%add3A_116, %dma_wait3A_171] : memref<32x128xi32, #tpu.memory_space<vmem>> -> memref<1x128xi32, #tpu.memory_space<vmem>>
      %dma_wait3A_173 = tpu.memref_squeeze %dma_wait3A_172 : memref<1x128xi32, #tpu.memory_space<vmem>> -> memref<128xi32, #tpu.memory_space<vmem>>
      %dma_wait3A_174 = arith.constant 0 : i32
      %dma_wait3A_175 = arith.constant 0 : i32
      %dma_wait3A_176 = tpu.memref_slice %arg2[%dma_wait3A_174, %dma_wait3A_175] : memref<32768x128xf32, #tpu.memory_space<hbm>> -> memref<32768x128xf32, #tpu.memory_space<hbm>>
      tpu.wait_indirect_dma semaphore(%arg21 : memref<!tpu.dma_semaphore, #tpu.memory_space<semaphore_mem>>) src(%dma_wait3A_176 : memref<32768x128xf32, #tpu.memory_space<hbm>>) dst(%arg14 : memref<128x128xf32, #tpu.memory_space<vmem>>)
      %mul3A_177 = arith.constant 2 : i32
      %mul3A_178 = arith.muli %add3A_88, %mul3A_177 : i32
      %add3A_179 = arith.constant 0 : i32
      %add3A_180 = arith.addi %mul3A_178, %add3A_179 : i32
      %dma_start3A_181 = arith.constant 0 : i32
      %dma_start3A_182 = tpu.memref_slice %arg11[%add3A_180, %dma_start3A_181] : memref<32x128xi32, #tpu.memory_space<vmem>> -> memref<1x128xi32, #tpu.memory_space<vmem>>
      %dma_start3A_183 = tpu.memref_squeeze %dma_start3A_182 : memref<1x128xi32, #tpu.memory_space<vmem>> -> memref<128xi32, #tpu.memory_space<vmem>>
      %dma_start3A_184 = arith.constant 0 : i32
      %dma_start3A_185 = arith.constant 0 : i32
      %dma_start3A_186 = tpu.memref_slice %arg18[%dma_start3A_184, %dma_start3A_185] : memref<1024x128xf32, #tpu.memory_space<vmem_shared>> -> memref<1024x128xf32, #tpu.memory_space<vmem_shared>>
      tpu.enqueue_indirect_dma source(%arg14 : memref<128x128xf32, #tpu.memory_space<vmem>>) target(%dma_start3A_186 : memref<1024x128xf32, #tpu.memory_space<vmem_shared>>) offsets(%dma_start3A_183 : memref<128xi32, #tpu.memory_space<vmem>>) semaphore(%arg21 : memref<!tpu.dma_semaphore, #tpu.memory_space<semaphore_mem>>) {add = true}
      %dma_wait3A_187 = arith.constant 0 : i32
      %dma_wait3A_188 = tpu.memref_slice %arg9[%add3A_132, %dma_wait3A_187] : memref<32x128xi32, #tpu.memory_space<vmem>> -> memref<1x128xi32, #tpu.memory_space<vmem>>
      %dma_wait3A_189 = tpu.memref_squeeze %dma_wait3A_188 : memref<1x128xi32, #tpu.memory_space<vmem>> -> memref<128xi32, #tpu.memory_space<vmem>>
      %dma_wait3A_190 = arith.constant 0 : i32
      %dma_wait3A_191 = arith.constant 0 : i32
      %dma_wait3A_192 = tpu.memref_slice %arg2[%dma_wait3A_190, %dma_wait3A_191] : memref<32768x128xf32, #tpu.memory_space<hbm>> -> memref<32768x128xf32, #tpu.memory_space<hbm>>
      tpu.wait_indirect_dma semaphore(%arg22 : memref<!tpu.dma_semaphore, #tpu.memory_space<semaphore_mem>>) src(%dma_wait3A_192 : memref<32768x128xf32, #tpu.memory_space<hbm>>) dst(%arg15 : memref<128x128xf32, #tpu.memory_space<vmem>>)
      %mul3A_193 = arith.constant 2 : i32
      %mul3A_194 = arith.muli %add3A_88, %mul3A_193 : i32
      %add3A_195 = arith.constant 1 : i32
      %add3A_196 = arith.addi %mul3A_194, %add3A_195 : i32
      %dma_start3A_197 = arith.constant 0 : i32
      %dma_start3A_198 = tpu.memref_slice %arg12[%add3A_196, %dma_start3A_197] : memref<32x128xi32, #tpu.memory_space<vmem>> -> memref<1x128xi32, #tpu.memory_space<vmem>>
      %dma_start3A_199 = tpu.memref_squeeze %dma_start3A_198 : memref<1x128xi32, #tpu.memory_space<vmem>> -> memref<128xi32, #tpu.memory_space<vmem>>
      %dma_start3A_200 = arith.constant 0 : i32
      %dma_start3A_201 = arith.constant 0 : i32
      %dma_start3A_202 = tpu.memref_slice %arg18[%dma_start3A_200, %dma_start3A_201] : memref<1024x128xf32, #tpu.memory_space<vmem_shared>> -> memref<1024x128xf32, #tpu.memory_space<vmem_shared>>
      tpu.enqueue_indirect_dma source(%arg15 : memref<128x128xf32, #tpu.memory_space<vmem>>) target(%dma_start3A_202 : memref<1024x128xf32, #tpu.memory_space<vmem_shared>>) offsets(%dma_start3A_199 : memref<128xi32, #tpu.memory_space<vmem>>) semaphore(%arg22 : memref<!tpu.dma_semaphore, #tpu.memory_space<semaphore_mem>>) {add = true}
      %dma_wait3A_203 = arith.constant 0 : i32
      %dma_wait3A_204 = tpu.memref_slice %arg10[%add3A_148, %dma_wait3A_203] : memref<32x128xi32, #tpu.memory_space<vmem>> -> memref<1x128xi32, #tpu.memory_space<vmem>>
      %dma_wait3A_205 = tpu.memref_squeeze %dma_wait3A_204 : memref<1x128xi32, #tpu.memory_space<vmem>> -> memref<128xi32, #tpu.memory_space<vmem>>
      %dma_wait3A_206 = arith.constant 0 : i32
      %dma_wait3A_207 = arith.constant 0 : i32
      %dma_wait3A_208 = tpu.memref_slice %arg2[%dma_wait3A_206, %dma_wait3A_207] : memref<32768x128xf32, #tpu.memory_space<hbm>> -> memref<32768x128xf32, #tpu.memory_space<hbm>>
      tpu.wait_indirect_dma semaphore(%arg23 : memref<!tpu.dma_semaphore, #tpu.memory_space<semaphore_mem>>) src(%dma_wait3A_208 : memref<32768x128xf32, #tpu.memory_space<hbm>>) dst(%arg16 : memref<128x128xf32, #tpu.memory_space<vmem>>)
      %mul3A_209 = arith.constant 2 : i32
      %mul3A_210 = arith.muli %add3A_88, %mul3A_209 : i32
      %add3A_211 = arith.constant 1 : i32
      %add3A_212 = arith.addi %mul3A_210, %add3A_211 : i32
      %dma_start3A_213 = arith.constant 0 : i32
      %dma_start3A_214 = tpu.memref_slice %arg11[%add3A_212, %dma_start3A_213] : memref<32x128xi32, #tpu.memory_space<vmem>> -> memref<1x128xi32, #tpu.memory_space<vmem>>
      %dma_start3A_215 = tpu.memref_squeeze %dma_start3A_214 : memref<1x128xi32, #tpu.memory_space<vmem>> -> memref<128xi32, #tpu.memory_space<vmem>>
      %dma_start3A_216 = arith.constant 0 : i32
      %dma_start3A_217 = arith.constant 0 : i32
      %dma_start3A_218 = tpu.memref_slice %arg18[%dma_start3A_216, %dma_start3A_217] : memref<1024x128xf32, #tpu.memory_space<vmem_shared>> -> memref<1024x128xf32, #tpu.memory_space<vmem_shared>>
      tpu.enqueue_indirect_dma source(%arg16 : memref<128x128xf32, #tpu.memory_space<vmem>>) target(%dma_start3A_218 : memref<1024x128xf32, #tpu.memory_space<vmem_shared>>) offsets(%dma_start3A_215 : memref<128xi32, #tpu.memory_space<vmem>>) semaphore(%arg23 : memref<!tpu.dma_semaphore, #tpu.memory_space<semaphore_mem>>) {add = true}
      %gt3A = arith.constant 0 : i32
      %gt3A_219 = arith.cmpi sgt, %add3A_88, %gt3A : i32
      %convert_element_type3A = arith.extui %gt3A_219 : i1 to i32
      %cond3A = arith.constant 0 : i32
      %cond3A_220 = arith.cmpi ne, %convert_element_type3A, %cond3A : i32
      scf.if %cond3A_220 {
        %sub3A_424 = arith.constant 1 : i32
        %sub3A_425 = arith.subi %add3A_91, %sub3A_424 : i32
        %mul3A_426 = arith.constant 1024 : i32
        %mul3A_427 = arith.muli %sub3A_425, %mul3A_426 : i32
        %mul3A_428 = arith.constant 64 : i32
        %mul3A_429 = arith.muli %arg1, %mul3A_428 : i32
        %add3A_430 = arith.addi %mul3A_427, %mul3A_429 : i32
        "tpu.region"() ({
          %run_scoped3A = tpu.sem_alloc : memref<!tpu.dma_semaphore, #tpu.memory_space<semaphore_mem>>
          %dma_start3A_431 = arith.constant 0 : i32
          %dma_start3A_432 = tpu.memref_slice %arg8[%add3A_430, %dma_start3A_431] : memref<32768x128xf32, #tpu.memory_space<hbm>> -> memref<64x128xf32, #tpu.memory_space<hbm>>
          %dma_start3A_433 = arith.constant 0 : i32
          %dma_start3A_434 = tpu.memref_slice %arg19[%mul3A_3, %dma_start3A_433] : memref<1024x128xf32, #tpu.memory_space<vmem_shared>> -> memref<64x128xf32, #tpu.memory_space<vmem_shared>>
          tpu.enqueue_dma source(%dma_start3A_434 : memref<64x128xf32, #tpu.memory_space<vmem_shared>>) target(%dma_start3A_432 : memref<64x128xf32, #tpu.memory_space<hbm>>) target_semaphore(%run_scoped3A : memref<!tpu.dma_semaphore, #tpu.memory_space<semaphore_mem>>)
          %dma_wait3A_435 = arith.constant 0 : i32
          %dma_wait3A_436 = tpu.memref_slice %arg8[%add3A_430, %dma_wait3A_435] : memref<32768x128xf32, #tpu.memory_space<hbm>> -> memref<64x128xf32, #tpu.memory_space<hbm>>
          %dma_wait3A_437 = arith.constant 0 : i32
          %dma_wait3A_438 = tpu.memref_slice %arg19[%mul3A_3, %dma_wait3A_437] : memref<1024x128xf32, #tpu.memory_space<vmem_shared>> -> memref<64x128xf32, #tpu.memory_space<vmem_shared>>
          tpu.wait_dma2 semaphore(%run_scoped3A : memref<!tpu.dma_semaphore, #tpu.memory_space<semaphore_mem>>) src(%dma_wait3A_438 : memref<64x128xf32, #tpu.memory_space<vmem_shared>>) dst(%dma_wait3A_436 : memref<64x128xf32, #tpu.memory_space<hbm>>)
          tpu.yield
        }) : () -> ()
        "tpu.region"() ({
          %run_scoped3A = tpu.sem_alloc : memref<!tpu.dma_semaphore, #tpu.memory_space<semaphore_mem>>
          %dma_start3A_431 = arith.constant 0 : i32
          %dma_start3A_432 = tpu.memref_slice %arg19[%mul3A_3, %dma_start3A_431] : memref<1024x128xf32, #tpu.memory_space<vmem_shared>> -> memref<64x128xf32, #tpu.memory_space<vmem_shared>>
          %dma_start3A_433 = arith.constant 0 : i32
          %dma_start3A_434 = tpu.memref_slice %arg19[%mul3A_3, %dma_start3A_433] : memref<1024x128xf32, #tpu.memory_space<vmem_shared>> -> memref<64x128xf32, #tpu.memory_space<vmem_shared>>
          tpu.enqueue_dma source(%arg17 : memref<64x128xf32, #tpu.memory_space<vmem>>) target(%dma_start3A_434 : memref<64x128xf32, #tpu.memory_space<vmem_shared>>) target_semaphore(%run_scoped3A : memref<!tpu.dma_semaphore, #tpu.memory_space<semaphore_mem>>)
          %dma_wait3A_435 = arith.constant 0 : i32
          %dma_wait3A_436 = tpu.memref_slice %arg19[%mul3A_3, %dma_wait3A_435] : memref<1024x128xf32, #tpu.memory_space<vmem_shared>> -> memref<64x128xf32, #tpu.memory_space<vmem_shared>>
          %dma_wait3A_437 = arith.constant 0 : i32
          %dma_wait3A_438 = tpu.memref_slice %arg19[%mul3A_3, %dma_wait3A_437] : memref<1024x128xf32, #tpu.memory_space<vmem_shared>> -> memref<64x128xf32, #tpu.memory_space<vmem_shared>>
          tpu.wait_dma2 semaphore(%run_scoped3A : memref<!tpu.dma_semaphore, #tpu.memory_space<semaphore_mem>>) src(%arg17 : memref<64x128xf32, #tpu.memory_space<vmem>>) dst(%dma_wait3A_438 : memref<64x128xf32, #tpu.memory_space<vmem_shared>>)
          tpu.yield
        }) : () -> ()
      } else {
      }
      %dma_wait3A_221 = arith.constant 0 : i32
      %dma_wait3A_222 = tpu.memref_slice %arg12[%add3A_164, %dma_wait3A_221] : memref<32x128xi32, #tpu.memory_space<vmem>> -> memref<1x128xi32, #tpu.memory_space<vmem>>
      %dma_wait3A_223 = tpu.memref_squeeze %dma_wait3A_222 : memref<1x128xi32, #tpu.memory_space<vmem>> -> memref<128xi32, #tpu.memory_space<vmem>>
      %dma_wait3A_224 = arith.constant 0 : i32
      %dma_wait3A_225 = arith.constant 0 : i32
      %dma_wait3A_226 = tpu.memref_slice %arg18[%dma_wait3A_224, %dma_wait3A_225] : memref<1024x128xf32, #tpu.memory_space<vmem_shared>> -> memref<1024x128xf32, #tpu.memory_space<vmem_shared>>
      tpu.wait_indirect_dma semaphore(%arg20 : memref<!tpu.dma_semaphore, #tpu.memory_space<semaphore_mem>>) src(%arg13 : memref<128x128xf32, #tpu.memory_space<vmem>>) dst(%dma_wait3A_226 : memref<1024x128xf32, #tpu.memory_space<vmem_shared>>)
      %dma_wait3A_227 = arith.constant 0 : i32
      %dma_wait3A_228 = tpu.memref_slice %arg11[%add3A_180, %dma_wait3A_227] : memref<32x128xi32, #tpu.memory_space<vmem>> -> memref<1x128xi32, #tpu.memory_space<vmem>>
      %dma_wait3A_229 = tpu.memref_squeeze %dma_wait3A_228 : memref<1x128xi32, #tpu.memory_space<vmem>> -> memref<128xi32, #tpu.memory_space<vmem>>
      %dma_wait3A_230 = arith.constant 0 : i32
      %dma_wait3A_231 = arith.constant 0 : i32
      %dma_wait3A_232 = tpu.memref_slice %arg18[%dma_wait3A_230, %dma_wait3A_231] : memref<1024x128xf32, #tpu.memory_space<vmem_shared>> -> memref<1024x128xf32, #tpu.memory_space<vmem_shared>>
      tpu.wait_indirect_dma semaphore(%arg21 : memref<!tpu.dma_semaphore, #tpu.memory_space<semaphore_mem>>) src(%arg14 : memref<128x128xf32, #tpu.memory_space<vmem>>) dst(%dma_wait3A_232 : memref<1024x128xf32, #tpu.memory_space<vmem_shared>>)
      %dma_wait3A_233 = arith.constant 0 : i32
      %dma_wait3A_234 = tpu.memref_slice %arg12[%add3A_196, %dma_wait3A_233] : memref<32x128xi32, #tpu.memory_space<vmem>> -> memref<1x128xi32, #tpu.memory_space<vmem>>
      %dma_wait3A_235 = tpu.memref_squeeze %dma_wait3A_234 : memref<1x128xi32, #tpu.memory_space<vmem>> -> memref<128xi32, #tpu.memory_space<vmem>>
      %dma_wait3A_236 = arith.constant 0 : i32
      %dma_wait3A_237 = arith.constant 0 : i32
      %dma_wait3A_238 = tpu.memref_slice %arg18[%dma_wait3A_236, %dma_wait3A_237] : memref<1024x128xf32, #tpu.memory_space<vmem_shared>> -> memref<1024x128xf32, #tpu.memory_space<vmem_shared>>
      tpu.wait_indirect_dma semaphore(%arg22 : memref<!tpu.dma_semaphore, #tpu.memory_space<semaphore_mem>>) src(%arg15 : memref<128x128xf32, #tpu.memory_space<vmem>>) dst(%dma_wait3A_238 : memref<1024x128xf32, #tpu.memory_space<vmem_shared>>)
      %dma_wait3A_239 = arith.constant 0 : i32
      %dma_wait3A_240 = tpu.memref_slice %arg11[%add3A_212, %dma_wait3A_239] : memref<32x128xi32, #tpu.memory_space<vmem>> -> memref<1x128xi32, #tpu.memory_space<vmem>>
      %dma_wait3A_241 = tpu.memref_squeeze %dma_wait3A_240 : memref<1x128xi32, #tpu.memory_space<vmem>> -> memref<128xi32, #tpu.memory_space<vmem>>
      %dma_wait3A_242 = arith.constant 0 : i32
      %dma_wait3A_243 = arith.constant 0 : i32
      %dma_wait3A_244 = tpu.memref_slice %arg18[%dma_wait3A_242, %dma_wait3A_243] : memref<1024x128xf32, #tpu.memory_space<vmem_shared>> -> memref<1024x128xf32, #tpu.memory_space<vmem_shared>>
      tpu.wait_indirect_dma semaphore(%arg23 : memref<!tpu.dma_semaphore, #tpu.memory_space<semaphore_mem>>) src(%arg16 : memref<128x128xf32, #tpu.memory_space<vmem>>) dst(%dma_wait3A_244 : memref<1024x128xf32, #tpu.memory_space<vmem_shared>>)
      %add3A_245 = arith.constant 1 : i32
      %add3A_246 = arith.addi %add3A_88, %add3A_245 : i32
      %lt3A = arith.constant 16 : i32
      %lt3A_247 = arith.cmpi slt, %add3A_246, %lt3A : i32
      %convert_element_type3A_248 = arith.extui %lt3A_247 : i1 to i32
      %cond3A_249 = arith.constant 0 : i32
      %cond3A_250 = arith.cmpi ne, %convert_element_type3A_248, %cond3A_249 : i32
      scf.if %cond3A_250 {
        %add3A_424 = arith.constant 1 : i32
        %add3A_425 = arith.addi %add3A_91, %add3A_424 : i32
        %mul3A_426 = arith.constant 32 : i32
        %mul3A_427 = arith.muli %add3A_425, %mul3A_426 : i32
        %mul3A_428 = arith.constant 2 : i32
        %mul3A_429 = arith.muli %arg1, %mul3A_428 : i32
        %add3A_430 = arith.addi %mul3A_427, %mul3A_429 : i32
        %add3A_431 = arith.constant 0 : i32
        %add3A_432 = arith.addi %add3A_430, %add3A_431 : i32
        %mul3A_433 = arith.constant 128 : i32
        %mul3A_434 = arith.muli %add3A_432, %mul3A_433 : i32
        %dma_start3A_435 = arith.constant 0 : i32
        %dma_start3A_436 = tpu.memref_slice %arg3[%mul3A_434, %dma_start3A_435] : memref<131072x128xf32, #tpu.memory_space<hbm>> -> memref<128x128xf32, #tpu.memory_space<hbm>>
        %dma_start3A_437 = arith.constant 0 : i32
        %dma_start3A_438 = tpu.memref_slice %arg3[%mul3A_434, %dma_start3A_437] : memref<131072x128xf32, #tpu.memory_space<hbm>> -> memref<128x128xf32, #tpu.memory_space<hbm>>
        tpu.enqueue_dma source(%dma_start3A_438 : memref<128x128xf32, #tpu.memory_space<hbm>>) target(%arg13 : memref<128x128xf32, #tpu.memory_space<vmem>>) target_semaphore(%arg20 : memref<!tpu.dma_semaphore, #tpu.memory_space<semaphore_mem>>)
        %add3A_439 = arith.constant 1 : i32
        %add3A_440 = arith.addi %add3A_91, %add3A_439 : i32
        %mul3A_441 = arith.constant 32 : i32
        %mul3A_442 = arith.muli %add3A_440, %mul3A_441 : i32
        %mul3A_443 = arith.constant 2 : i32
        %mul3A_444 = arith.muli %arg1, %mul3A_443 : i32
        %add3A_445 = arith.addi %mul3A_442, %mul3A_444 : i32
        %add3A_446 = arith.constant 0 : i32
        %add3A_447 = arith.addi %add3A_445, %add3A_446 : i32
        %mul3A_448 = arith.constant 128 : i32
        %mul3A_449 = arith.muli %add3A_447, %mul3A_448 : i32
        %dma_start3A_450 = arith.constant 0 : i32
        %dma_start3A_451 = tpu.memref_slice %arg3[%mul3A_449, %dma_start3A_450] : memref<131072x128xf32, #tpu.memory_space<hbm>> -> memref<128x128xf32, #tpu.memory_space<hbm>>
        %dma_start3A_452 = arith.constant 0 : i32
        %dma_start3A_453 = tpu.memref_slice %arg3[%mul3A_449, %dma_start3A_452] : memref<131072x128xf32, #tpu.memory_space<hbm>> -> memref<128x128xf32, #tpu.memory_space<hbm>>
        tpu.enqueue_dma source(%dma_start3A_453 : memref<128x128xf32, #tpu.memory_space<hbm>>) target(%arg14 : memref<128x128xf32, #tpu.memory_space<vmem>>) target_semaphore(%arg21 : memref<!tpu.dma_semaphore, #tpu.memory_space<semaphore_mem>>)
        %add3A_454 = arith.constant 1 : i32
        %add3A_455 = arith.addi %add3A_91, %add3A_454 : i32
        %mul3A_456 = arith.constant 32 : i32
        %mul3A_457 = arith.muli %add3A_455, %mul3A_456 : i32
        %mul3A_458 = arith.constant 2 : i32
        %mul3A_459 = arith.muli %arg1, %mul3A_458 : i32
        %add3A_460 = arith.addi %mul3A_457, %mul3A_459 : i32
        %add3A_461 = arith.constant 1 : i32
        %add3A_462 = arith.addi %add3A_460, %add3A_461 : i32
        %mul3A_463 = arith.constant 128 : i32
        %mul3A_464 = arith.muli %add3A_462, %mul3A_463 : i32
        %dma_start3A_465 = arith.constant 0 : i32
        %dma_start3A_466 = tpu.memref_slice %arg3[%mul3A_464, %dma_start3A_465] : memref<131072x128xf32, #tpu.memory_space<hbm>> -> memref<128x128xf32, #tpu.memory_space<hbm>>
        %dma_start3A_467 = arith.constant 0 : i32
        %dma_start3A_468 = tpu.memref_slice %arg3[%mul3A_464, %dma_start3A_467] : memref<131072x128xf32, #tpu.memory_space<hbm>> -> memref<128x128xf32, #tpu.memory_space<hbm>>
        tpu.enqueue_dma source(%dma_start3A_468 : memref<128x128xf32, #tpu.memory_space<hbm>>) target(%arg15 : memref<128x128xf32, #tpu.memory_space<vmem>>) target_semaphore(%arg22 : memref<!tpu.dma_semaphore, #tpu.memory_space<semaphore_mem>>)
        %add3A_469 = arith.constant 1 : i32
        %add3A_470 = arith.addi %add3A_91, %add3A_469 : i32
        %mul3A_471 = arith.constant 32 : i32
        %mul3A_472 = arith.muli %add3A_470, %mul3A_471 : i32
        %mul3A_473 = arith.constant 2 : i32
        %mul3A_474 = arith.muli %arg1, %mul3A_473 : i32
        %add3A_475 = arith.addi %mul3A_472, %mul3A_474 : i32
        %add3A_476 = arith.constant 1 : i32
        %add3A_477 = arith.addi %add3A_475, %add3A_476 : i32
        %mul3A_478 = arith.constant 128 : i32
        %mul3A_479 = arith.muli %add3A_477, %mul3A_478 : i32
        %dma_start3A_480 = arith.constant 0 : i32
        %dma_start3A_481 = tpu.memref_slice %arg3[%mul3A_479, %dma_start3A_480] : memref<131072x128xf32, #tpu.memory_space<hbm>> -> memref<128x128xf32, #tpu.memory_space<hbm>>
        %dma_start3A_482 = arith.constant 0 : i32
        %dma_start3A_483 = tpu.memref_slice %arg3[%mul3A_479, %dma_start3A_482] : memref<131072x128xf32, #tpu.memory_space<hbm>> -> memref<128x128xf32, #tpu.memory_space<hbm>>
        tpu.enqueue_dma source(%dma_start3A_483 : memref<128x128xf32, #tpu.memory_space<hbm>>) target(%arg16 : memref<128x128xf32, #tpu.memory_space<vmem>>) target_semaphore(%arg23 : memref<!tpu.dma_semaphore, #tpu.memory_space<semaphore_mem>>)
      } else {
      }
      %barrier3A_251 = arith.constant 0 : index
      tpu.barrier barrier_id(%barrier3A_251)
      %mul3A_252 = arith.constant 2 : i32
      %mul3A_253 = arith.muli %mul3A_252, %scan3A_84 : i32
      %add3A_254 = arith.constant 1 : i32
      %add3A_255 = arith.addi %mul3A_253, %add3A_254 : i32
      %mul3A_256 = arith.constant 16 : i32
      %mul3A_257 = arith.muli %arg0, %mul3A_256 : i32
      %add3A_258 = arith.addi %mul3A_257, %add3A_255 : i32
      %dma_wait3A_259 = arith.constant 0 : i32
      %dma_wait3A_260 = arith.constant 0 : i32
      %dma_wait3A_261 = tpu.memref_slice %arg3[%dma_wait3A_259, %dma_wait3A_260] : memref<131072x128xf32, #tpu.memory_space<hbm>> -> memref<128x128xf32, #tpu.memory_space<hbm>>
      %dma_wait3A_262 = arith.constant 0 : i32
      %dma_wait3A_263 = arith.constant 0 : i32
      %dma_wait3A_264 = tpu.memref_slice %arg3[%dma_wait3A_262, %dma_wait3A_263] : memref<131072x128xf32, #tpu.memory_space<hbm>> -> memref<128x128xf32, #tpu.memory_space<hbm>>
      tpu.wait_dma2 semaphore(%arg20 : memref<!tpu.dma_semaphore, #tpu.memory_space<semaphore_mem>>) src(%dma_wait3A_264 : memref<128x128xf32, #tpu.memory_space<hbm>>) dst(%arg13 : memref<128x128xf32, #tpu.memory_space<vmem>>)
      %mul3A_265 = arith.constant 2 : i32
      %mul3A_266 = arith.muli %add3A_255, %mul3A_265 : i32
      %add3A_267 = arith.constant 0 : i32
      %add3A_268 = arith.addi %mul3A_266, %add3A_267 : i32
      %dma_start3A_269 = arith.constant 0 : i32
      %dma_start3A_270 = tpu.memref_slice %arg9[%add3A_268, %dma_start3A_269] : memref<32x128xi32, #tpu.memory_space<vmem>> -> memref<1x128xi32, #tpu.memory_space<vmem>>
      %dma_start3A_271 = tpu.memref_squeeze %dma_start3A_270 : memref<1x128xi32, #tpu.memory_space<vmem>> -> memref<128xi32, #tpu.memory_space<vmem>>
      %dma_start3A_272 = arith.constant 0 : i32
      %dma_start3A_273 = arith.constant 0 : i32
      %dma_start3A_274 = tpu.memref_slice %arg2[%dma_start3A_272, %dma_start3A_273] : memref<32768x128xf32, #tpu.memory_space<hbm>> -> memref<32768x128xf32, #tpu.memory_space<hbm>>
      tpu.enqueue_indirect_dma source(%dma_start3A_274 : memref<32768x128xf32, #tpu.memory_space<hbm>>) target(%arg13 : memref<128x128xf32, #tpu.memory_space<vmem>>) offsets(%dma_start3A_271 : memref<128xi32, #tpu.memory_space<vmem>>) semaphore(%arg20 : memref<!tpu.dma_semaphore, #tpu.memory_space<semaphore_mem>>) {add = true}
      %dma_wait3A_275 = arith.constant 0 : i32
      %dma_wait3A_276 = arith.constant 0 : i32
      %dma_wait3A_277 = tpu.memref_slice %arg3[%dma_wait3A_275, %dma_wait3A_276] : memref<131072x128xf32, #tpu.memory_space<hbm>> -> memref<128x128xf32, #tpu.memory_space<hbm>>
      %dma_wait3A_278 = arith.constant 0 : i32
      %dma_wait3A_279 = arith.constant 0 : i32
      %dma_wait3A_280 = tpu.memref_slice %arg3[%dma_wait3A_278, %dma_wait3A_279] : memref<131072x128xf32, #tpu.memory_space<hbm>> -> memref<128x128xf32, #tpu.memory_space<hbm>>
      tpu.wait_dma2 semaphore(%arg21 : memref<!tpu.dma_semaphore, #tpu.memory_space<semaphore_mem>>) src(%dma_wait3A_280 : memref<128x128xf32, #tpu.memory_space<hbm>>) dst(%arg14 : memref<128x128xf32, #tpu.memory_space<vmem>>)
      %mul3A_281 = arith.constant 2 : i32
      %mul3A_282 = arith.muli %add3A_255, %mul3A_281 : i32
      %add3A_283 = arith.constant 0 : i32
      %add3A_284 = arith.addi %mul3A_282, %add3A_283 : i32
      %dma_start3A_285 = arith.constant 0 : i32
      %dma_start3A_286 = tpu.memref_slice %arg10[%add3A_284, %dma_start3A_285] : memref<32x128xi32, #tpu.memory_space<vmem>> -> memref<1x128xi32, #tpu.memory_space<vmem>>
      %dma_start3A_287 = tpu.memref_squeeze %dma_start3A_286 : memref<1x128xi32, #tpu.memory_space<vmem>> -> memref<128xi32, #tpu.memory_space<vmem>>
      %dma_start3A_288 = arith.constant 0 : i32
      %dma_start3A_289 = arith.constant 0 : i32
      %dma_start3A_290 = tpu.memref_slice %arg2[%dma_start3A_288, %dma_start3A_289] : memref<32768x128xf32, #tpu.memory_space<hbm>> -> memref<32768x128xf32, #tpu.memory_space<hbm>>
      tpu.enqueue_indirect_dma source(%dma_start3A_290 : memref<32768x128xf32, #tpu.memory_space<hbm>>) target(%arg14 : memref<128x128xf32, #tpu.memory_space<vmem>>) offsets(%dma_start3A_287 : memref<128xi32, #tpu.memory_space<vmem>>) semaphore(%arg21 : memref<!tpu.dma_semaphore, #tpu.memory_space<semaphore_mem>>) {add = true}
      %dma_wait3A_291 = arith.constant 0 : i32
      %dma_wait3A_292 = arith.constant 0 : i32
      %dma_wait3A_293 = tpu.memref_slice %arg3[%dma_wait3A_291, %dma_wait3A_292] : memref<131072x128xf32, #tpu.memory_space<hbm>> -> memref<128x128xf32, #tpu.memory_space<hbm>>
      %dma_wait3A_294 = arith.constant 0 : i32
      %dma_wait3A_295 = arith.constant 0 : i32
      %dma_wait3A_296 = tpu.memref_slice %arg3[%dma_wait3A_294, %dma_wait3A_295] : memref<131072x128xf32, #tpu.memory_space<hbm>> -> memref<128x128xf32, #tpu.memory_space<hbm>>
      tpu.wait_dma2 semaphore(%arg22 : memref<!tpu.dma_semaphore, #tpu.memory_space<semaphore_mem>>) src(%dma_wait3A_296 : memref<128x128xf32, #tpu.memory_space<hbm>>) dst(%arg15 : memref<128x128xf32, #tpu.memory_space<vmem>>)
      %mul3A_297 = arith.constant 2 : i32
      %mul3A_298 = arith.muli %add3A_255, %mul3A_297 : i32
      %add3A_299 = arith.constant 1 : i32
      %add3A_300 = arith.addi %mul3A_298, %add3A_299 : i32
      %dma_start3A_301 = arith.constant 0 : i32
      %dma_start3A_302 = tpu.memref_slice %arg9[%add3A_300, %dma_start3A_301] : memref<32x128xi32, #tpu.memory_space<vmem>> -> memref<1x128xi32, #tpu.memory_space<vmem>>
      %dma_start3A_303 = tpu.memref_squeeze %dma_start3A_302 : memref<1x128xi32, #tpu.memory_space<vmem>> -> memref<128xi32, #tpu.memory_space<vmem>>
      %dma_start3A_304 = arith.constant 0 : i32
      %dma_start3A_305 = arith.constant 0 : i32
      %dma_start3A_306 = tpu.memref_slice %arg2[%dma_start3A_304, %dma_start3A_305] : memref<32768x128xf32, #tpu.memory_space<hbm>> -> memref<32768x128xf32, #tpu.memory_space<hbm>>
      tpu.enqueue_indirect_dma source(%dma_start3A_306 : memref<32768x128xf32, #tpu.memory_space<hbm>>) target(%arg15 : memref<128x128xf32, #tpu.memory_space<vmem>>) offsets(%dma_start3A_303 : memref<128xi32, #tpu.memory_space<vmem>>) semaphore(%arg22 : memref<!tpu.dma_semaphore, #tpu.memory_space<semaphore_mem>>) {add = true}
      %dma_wait3A_307 = arith.constant 0 : i32
      %dma_wait3A_308 = arith.constant 0 : i32
      %dma_wait3A_309 = tpu.memref_slice %arg3[%dma_wait3A_307, %dma_wait3A_308] : memref<131072x128xf32, #tpu.memory_space<hbm>> -> memref<128x128xf32, #tpu.memory_space<hbm>>
      %dma_wait3A_310 = arith.constant 0 : i32
      %dma_wait3A_311 = arith.constant 0 : i32
      %dma_wait3A_312 = tpu.memref_slice %arg3[%dma_wait3A_310, %dma_wait3A_311] : memref<131072x128xf32, #tpu.memory_space<hbm>> -> memref<128x128xf32, #tpu.memory_space<hbm>>
      tpu.wait_dma2 semaphore(%arg23 : memref<!tpu.dma_semaphore, #tpu.memory_space<semaphore_mem>>) src(%dma_wait3A_312 : memref<128x128xf32, #tpu.memory_space<hbm>>) dst(%arg16 : memref<128x128xf32, #tpu.memory_space<vmem>>)
      %mul3A_313 = arith.constant 2 : i32
      %mul3A_314 = arith.muli %add3A_255, %mul3A_313 : i32
      %add3A_315 = arith.constant 1 : i32
      %add3A_316 = arith.addi %mul3A_314, %add3A_315 : i32
      %dma_start3A_317 = arith.constant 0 : i32
      %dma_start3A_318 = tpu.memref_slice %arg10[%add3A_316, %dma_start3A_317] : memref<32x128xi32, #tpu.memory_space<vmem>> -> memref<1x128xi32, #tpu.memory_space<vmem>>
      %dma_start3A_319 = tpu.memref_squeeze %dma_start3A_318 : memref<1x128xi32, #tpu.memory_space<vmem>> -> memref<128xi32, #tpu.memory_space<vmem>>
      %dma_start3A_320 = arith.constant 0 : i32
      %dma_start3A_321 = arith.constant 0 : i32
      %dma_start3A_322 = tpu.memref_slice %arg2[%dma_start3A_320, %dma_start3A_321] : memref<32768x128xf32, #tpu.memory_space<hbm>> -> memref<32768x128xf32, #tpu.memory_space<hbm>>
      tpu.enqueue_indirect_dma source(%dma_start3A_322 : memref<32768x128xf32, #tpu.memory_space<hbm>>) target(%arg16 : memref<128x128xf32, #tpu.memory_space<vmem>>) offsets(%dma_start3A_319 : memref<128xi32, #tpu.memory_space<vmem>>) semaphore(%arg23 : memref<!tpu.dma_semaphore, #tpu.memory_space<semaphore_mem>>) {add = true}
      %dma_wait3A_323 = arith.constant 0 : i32
      %dma_wait3A_324 = tpu.memref_slice %arg9[%add3A_268, %dma_wait3A_323] : memref<32x128xi32, #tpu.memory_space<vmem>> -> memref<1x128xi32, #tpu.memory_space<vmem>>
      %dma_wait3A_325 = tpu.memref_squeeze %dma_wait3A_324 : memref<1x128xi32, #tpu.memory_space<vmem>> -> memref<128xi32, #tpu.memory_space<vmem>>
      %dma_wait3A_326 = arith.constant 0 : i32
      %dma_wait3A_327 = arith.constant 0 : i32
      %dma_wait3A_328 = tpu.memref_slice %arg2[%dma_wait3A_326, %dma_wait3A_327] : memref<32768x128xf32, #tpu.memory_space<hbm>> -> memref<32768x128xf32, #tpu.memory_space<hbm>>
      tpu.wait_indirect_dma semaphore(%arg20 : memref<!tpu.dma_semaphore, #tpu.memory_space<semaphore_mem>>) src(%dma_wait3A_328 : memref<32768x128xf32, #tpu.memory_space<hbm>>) dst(%arg13 : memref<128x128xf32, #tpu.memory_space<vmem>>)
      %mul3A_329 = arith.constant 2 : i32
      %mul3A_330 = arith.muli %add3A_255, %mul3A_329 : i32
      %add3A_331 = arith.constant 0 : i32
      %add3A_332 = arith.addi %mul3A_330, %add3A_331 : i32
      %dma_start3A_333 = arith.constant 0 : i32
      %dma_start3A_334 = tpu.memref_slice %arg12[%add3A_332, %dma_start3A_333] : memref<32x128xi32, #tpu.memory_space<vmem>> -> memref<1x128xi32, #tpu.memory_space<vmem>>
      %dma_start3A_335 = tpu.memref_squeeze %dma_start3A_334 : memref<1x128xi32, #tpu.memory_space<vmem>> -> memref<128xi32, #tpu.memory_space<vmem>>
      %dma_start3A_336 = arith.constant 0 : i32
      %dma_start3A_337 = arith.constant 0 : i32
      %dma_start3A_338 = tpu.memref_slice %arg19[%dma_start3A_336, %dma_start3A_337] : memref<1024x128xf32, #tpu.memory_space<vmem_shared>> -> memref<1024x128xf32, #tpu.memory_space<vmem_shared>>
      tpu.enqueue_indirect_dma source(%arg13 : memref<128x128xf32, #tpu.memory_space<vmem>>) target(%dma_start3A_338 : memref<1024x128xf32, #tpu.memory_space<vmem_shared>>) offsets(%dma_start3A_335 : memref<128xi32, #tpu.memory_space<vmem>>) semaphore(%arg20 : memref<!tpu.dma_semaphore, #tpu.memory_space<semaphore_mem>>) {add = true}
      %dma_wait3A_339 = arith.constant 0 : i32
      %dma_wait3A_340 = tpu.memref_slice %arg10[%add3A_284, %dma_wait3A_339] : memref<32x128xi32, #tpu.memory_space<vmem>> -> memref<1x128xi32, #tpu.memory_space<vmem>>
      %dma_wait3A_341 = tpu.memref_squeeze %dma_wait3A_340 : memref<1x128xi32, #tpu.memory_space<vmem>> -> memref<128xi32, #tpu.memory_space<vmem>>
      %dma_wait3A_342 = arith.constant 0 : i32
      %dma_wait3A_343 = arith.constant 0 : i32
      %dma_wait3A_344 = tpu.memref_slice %arg2[%dma_wait3A_342, %dma_wait3A_343] : memref<32768x128xf32, #tpu.memory_space<hbm>> -> memref<32768x128xf32, #tpu.memory_space<hbm>>
      tpu.wait_indirect_dma semaphore(%arg21 : memref<!tpu.dma_semaphore, #tpu.memory_space<semaphore_mem>>) src(%dma_wait3A_344 : memref<32768x128xf32, #tpu.memory_space<hbm>>) dst(%arg14 : memref<128x128xf32, #tpu.memory_space<vmem>>)
      %mul3A_345 = arith.constant 2 : i32
      %mul3A_346 = arith.muli %add3A_255, %mul3A_345 : i32
      %add3A_347 = arith.constant 0 : i32
      %add3A_348 = arith.addi %mul3A_346, %add3A_347 : i32
      %dma_start3A_349 = arith.constant 0 : i32
      %dma_start3A_350 = tpu.memref_slice %arg11[%add3A_348, %dma_start3A_349] : memref<32x128xi32, #tpu.memory_space<vmem>> -> memref<1x128xi32, #tpu.memory_space<vmem>>
      %dma_start3A_351 = tpu.memref_squeeze %dma_start3A_350 : memref<1x128xi32, #tpu.memory_space<vmem>> -> memref<128xi32, #tpu.memory_space<vmem>>
      %dma_start3A_352 = arith.constant 0 : i32
      %dma_start3A_353 = arith.constant 0 : i32
      %dma_start3A_354 = tpu.memref_slice %arg19[%dma_start3A_352, %dma_start3A_353] : memref<1024x128xf32, #tpu.memory_space<vmem_shared>> -> memref<1024x128xf32, #tpu.memory_space<vmem_shared>>
      tpu.enqueue_indirect_dma source(%arg14 : memref<128x128xf32, #tpu.memory_space<vmem>>) target(%dma_start3A_354 : memref<1024x128xf32, #tpu.memory_space<vmem_shared>>) offsets(%dma_start3A_351 : memref<128xi32, #tpu.memory_space<vmem>>) semaphore(%arg21 : memref<!tpu.dma_semaphore, #tpu.memory_space<semaphore_mem>>) {add = true}
      %dma_wait3A_355 = arith.constant 0 : i32
      %dma_wait3A_356 = tpu.memref_slice %arg9[%add3A_300, %dma_wait3A_355] : memref<32x128xi32, #tpu.memory_space<vmem>> -> memref<1x128xi32, #tpu.memory_space<vmem>>
      %dma_wait3A_357 = tpu.memref_squeeze %dma_wait3A_356 : memref<1x128xi32, #tpu.memory_space<vmem>> -> memref<128xi32, #tpu.memory_space<vmem>>
      %dma_wait3A_358 = arith.constant 0 : i32
      %dma_wait3A_359 = arith.constant 0 : i32
      %dma_wait3A_360 = tpu.memref_slice %arg2[%dma_wait3A_358, %dma_wait3A_359] : memref<32768x128xf32, #tpu.memory_space<hbm>> -> memref<32768x128xf32, #tpu.memory_space<hbm>>
      tpu.wait_indirect_dma semaphore(%arg22 : memref<!tpu.dma_semaphore, #tpu.memory_space<semaphore_mem>>) src(%dma_wait3A_360 : memref<32768x128xf32, #tpu.memory_space<hbm>>) dst(%arg15 : memref<128x128xf32, #tpu.memory_space<vmem>>)
      %mul3A_361 = arith.constant 2 : i32
      %mul3A_362 = arith.muli %add3A_255, %mul3A_361 : i32
      %add3A_363 = arith.constant 1 : i32
      %add3A_364 = arith.addi %mul3A_362, %add3A_363 : i32
      %dma_start3A_365 = arith.constant 0 : i32
      %dma_start3A_366 = tpu.memref_slice %arg12[%add3A_364, %dma_start3A_365] : memref<32x128xi32, #tpu.memory_space<vmem>> -> memref<1x128xi32, #tpu.memory_space<vmem>>
      %dma_start3A_367 = tpu.memref_squeeze %dma_start3A_366 : memref<1x128xi32, #tpu.memory_space<vmem>> -> memref<128xi32, #tpu.memory_space<vmem>>
      %dma_start3A_368 = arith.constant 0 : i32
      %dma_start3A_369 = arith.constant 0 : i32
      %dma_start3A_370 = tpu.memref_slice %arg19[%dma_start3A_368, %dma_start3A_369] : memref<1024x128xf32, #tpu.memory_space<vmem_shared>> -> memref<1024x128xf32, #tpu.memory_space<vmem_shared>>
      tpu.enqueue_indirect_dma source(%arg15 : memref<128x128xf32, #tpu.memory_space<vmem>>) target(%dma_start3A_370 : memref<1024x128xf32, #tpu.memory_space<vmem_shared>>) offsets(%dma_start3A_367 : memref<128xi32, #tpu.memory_space<vmem>>) semaphore(%arg22 : memref<!tpu.dma_semaphore, #tpu.memory_space<semaphore_mem>>) {add = true}
      %dma_wait3A_371 = arith.constant 0 : i32
      %dma_wait3A_372 = tpu.memref_slice %arg10[%add3A_316, %dma_wait3A_371] : memref<32x128xi32, #tpu.memory_space<vmem>> -> memref<1x128xi32, #tpu.memory_space<vmem>>
      %dma_wait3A_373 = tpu.memref_squeeze %dma_wait3A_372 : memref<1x128xi32, #tpu.memory_space<vmem>> -> memref<128xi32, #tpu.memory_space<vmem>>
      %dma_wait3A_374 = arith.constant 0 : i32
      %dma_wait3A_375 = arith.constant 0 : i32
      %dma_wait3A_376 = tpu.memref_slice %arg2[%dma_wait3A_374, %dma_wait3A_375] : memref<32768x128xf32, #tpu.memory_space<hbm>> -> memref<32768x128xf32, #tpu.memory_space<hbm>>
      tpu.wait_indirect_dma semaphore(%arg23 : memref<!tpu.dma_semaphore, #tpu.memory_space<semaphore_mem>>) src(%dma_wait3A_376 : memref<32768x128xf32, #tpu.memory_space<hbm>>) dst(%arg16 : memref<128x128xf32, #tpu.memory_space<vmem>>)
      %mul3A_377 = arith.constant 2 : i32
      %mul3A_378 = arith.muli %add3A_255, %mul3A_377 : i32
      %add3A_379 = arith.constant 1 : i32
      %add3A_380 = arith.addi %mul3A_378, %add3A_379 : i32
      %dma_start3A_381 = arith.constant 0 : i32
      %dma_start3A_382 = tpu.memref_slice %arg11[%add3A_380, %dma_start3A_381] : memref<32x128xi32, #tpu.memory_space<vmem>> -> memref<1x128xi32, #tpu.memory_space<vmem>>
      %dma_start3A_383 = tpu.memref_squeeze %dma_start3A_382 : memref<1x128xi32, #tpu.memory_space<vmem>> -> memref<128xi32, #tpu.memory_space<vmem>>
      %dma_start3A_384 = arith.constant 0 : i32
      %dma_start3A_385 = arith.constant 0 : i32
      %dma_start3A_386 = tpu.memref_slice %arg19[%dma_start3A_384, %dma_start3A_385] : memref<1024x128xf32, #tpu.memory_space<vmem_shared>> -> memref<1024x128xf32, #tpu.memory_space<vmem_shared>>
      tpu.enqueue_indirect_dma source(%arg16 : memref<128x128xf32, #tpu.memory_space<vmem>>) target(%dma_start3A_386 : memref<1024x128xf32, #tpu.memory_space<vmem_shared>>) offsets(%dma_start3A_383 : memref<128xi32, #tpu.memory_space<vmem>>) semaphore(%arg23 : memref<!tpu.dma_semaphore, #tpu.memory_space<semaphore_mem>>) {add = true}
      %gt3A_387 = arith.constant 0 : i32
      %gt3A_388 = arith.cmpi sgt, %add3A_255, %gt3A_387 : i32
      %convert_element_type3A_389 = arith.extui %gt3A_388 : i1 to i32
      %cond3A_390 = arith.constant 0 : i32
      %cond3A_391 = arith.cmpi ne, %convert_element_type3A_389, %cond3A_390 : i32
      scf.if %cond3A_391 {
        %sub3A_424 = arith.constant 1 : i32
        %sub3A_425 = arith.subi %add3A_258, %sub3A_424 : i32
        %mul3A_426 = arith.constant 1024 : i32
        %mul3A_427 = arith.muli %sub3A_425, %mul3A_426 : i32
        %mul3A_428 = arith.constant 64 : i32
        %mul3A_429 = arith.muli %arg1, %mul3A_428 : i32
        %add3A_430 = arith.addi %mul3A_427, %mul3A_429 : i32
        "tpu.region"() ({
          %run_scoped3A = tpu.sem_alloc : memref<!tpu.dma_semaphore, #tpu.memory_space<semaphore_mem>>
          %dma_start3A_431 = arith.constant 0 : i32
          %dma_start3A_432 = tpu.memref_slice %arg8[%add3A_430, %dma_start3A_431] : memref<32768x128xf32, #tpu.memory_space<hbm>> -> memref<64x128xf32, #tpu.memory_space<hbm>>
          %dma_start3A_433 = arith.constant 0 : i32
          %dma_start3A_434 = tpu.memref_slice %arg18[%mul3A_3, %dma_start3A_433] : memref<1024x128xf32, #tpu.memory_space<vmem_shared>> -> memref<64x128xf32, #tpu.memory_space<vmem_shared>>
          tpu.enqueue_dma source(%dma_start3A_434 : memref<64x128xf32, #tpu.memory_space<vmem_shared>>) target(%dma_start3A_432 : memref<64x128xf32, #tpu.memory_space<hbm>>) target_semaphore(%run_scoped3A : memref<!tpu.dma_semaphore, #tpu.memory_space<semaphore_mem>>)
          %dma_wait3A_435 = arith.constant 0 : i32
          %dma_wait3A_436 = tpu.memref_slice %arg8[%add3A_430, %dma_wait3A_435] : memref<32768x128xf32, #tpu.memory_space<hbm>> -> memref<64x128xf32, #tpu.memory_space<hbm>>
          %dma_wait3A_437 = arith.constant 0 : i32
          %dma_wait3A_438 = tpu.memref_slice %arg18[%mul3A_3, %dma_wait3A_437] : memref<1024x128xf32, #tpu.memory_space<vmem_shared>> -> memref<64x128xf32, #tpu.memory_space<vmem_shared>>
          tpu.wait_dma2 semaphore(%run_scoped3A : memref<!tpu.dma_semaphore, #tpu.memory_space<semaphore_mem>>) src(%dma_wait3A_438 : memref<64x128xf32, #tpu.memory_space<vmem_shared>>) dst(%dma_wait3A_436 : memref<64x128xf32, #tpu.memory_space<hbm>>)
          tpu.yield
        }) : () -> ()
        "tpu.region"() ({
          %run_scoped3A = tpu.sem_alloc : memref<!tpu.dma_semaphore, #tpu.memory_space<semaphore_mem>>
          %dma_start3A_431 = arith.constant 0 : i32
          %dma_start3A_432 = tpu.memref_slice %arg18[%mul3A_3, %dma_start3A_431] : memref<1024x128xf32, #tpu.memory_space<vmem_shared>> -> memref<64x128xf32, #tpu.memory_space<vmem_shared>>
          %dma_start3A_433 = arith.constant 0 : i32
          %dma_start3A_434 = tpu.memref_slice %arg18[%mul3A_3, %dma_start3A_433] : memref<1024x128xf32, #tpu.memory_space<vmem_shared>> -> memref<64x128xf32, #tpu.memory_space<vmem_shared>>
          tpu.enqueue_dma source(%arg17 : memref<64x128xf32, #tpu.memory_space<vmem>>) target(%dma_start3A_434 : memref<64x128xf32, #tpu.memory_space<vmem_shared>>) target_semaphore(%run_scoped3A : memref<!tpu.dma_semaphore, #tpu.memory_space<semaphore_mem>>)
          %dma_wait3A_435 = arith.constant 0 : i32
          %dma_wait3A_436 = tpu.memref_slice %arg18[%mul3A_3, %dma_wait3A_435] : memref<1024x128xf32, #tpu.memory_space<vmem_shared>> -> memref<64x128xf32, #tpu.memory_space<vmem_shared>>
          %dma_wait3A_437 = arith.constant 0 : i32
          %dma_wait3A_438 = tpu.memref_slice %arg18[%mul3A_3, %dma_wait3A_437] : memref<1024x128xf32, #tpu.memory_space<vmem_shared>> -> memref<64x128xf32, #tpu.memory_space<vmem_shared>>
          tpu.wait_dma2 semaphore(%run_scoped3A : memref<!tpu.dma_semaphore, #tpu.memory_space<semaphore_mem>>) src(%arg17 : memref<64x128xf32, #tpu.memory_space<vmem>>) dst(%dma_wait3A_438 : memref<64x128xf32, #tpu.memory_space<vmem_shared>>)
          tpu.yield
        }) : () -> ()
      } else {
      }
      %dma_wait3A_392 = arith.constant 0 : i32
      %dma_wait3A_393 = tpu.memref_slice %arg12[%add3A_332, %dma_wait3A_392] : memref<32x128xi32, #tpu.memory_space<vmem>> -> memref<1x128xi32, #tpu.memory_space<vmem>>
      %dma_wait3A_394 = tpu.memref_squeeze %dma_wait3A_393 : memref<1x128xi32, #tpu.memory_space<vmem>> -> memref<128xi32, #tpu.memory_space<vmem>>
      %dma_wait3A_395 = arith.constant 0 : i32
      %dma_wait3A_396 = arith.constant 0 : i32
      %dma_wait3A_397 = tpu.memref_slice %arg19[%dma_wait3A_395, %dma_wait3A_396] : memref<1024x128xf32, #tpu.memory_space<vmem_shared>> -> memref<1024x128xf32, #tpu.memory_space<vmem_shared>>
      tpu.wait_indirect_dma semaphore(%arg20 : memref<!tpu.dma_semaphore, #tpu.memory_space<semaphore_mem>>) src(%arg13 : memref<128x128xf32, #tpu.memory_space<vmem>>) dst(%dma_wait3A_397 : memref<1024x128xf32, #tpu.memory_space<vmem_shared>>)
      %dma_wait3A_398 = arith.constant 0 : i32
      %dma_wait3A_399 = tpu.memref_slice %arg11[%add3A_348, %dma_wait3A_398] : memref<32x128xi32, #tpu.memory_space<vmem>> -> memref<1x128xi32, #tpu.memory_space<vmem>>
      %dma_wait3A_400 = tpu.memref_squeeze %dma_wait3A_399 : memref<1x128xi32, #tpu.memory_space<vmem>> -> memref<128xi32, #tpu.memory_space<vmem>>
      %dma_wait3A_401 = arith.constant 0 : i32
      %dma_wait3A_402 = arith.constant 0 : i32
      %dma_wait3A_403 = tpu.memref_slice %arg19[%dma_wait3A_401, %dma_wait3A_402] : memref<1024x128xf32, #tpu.memory_space<vmem_shared>> -> memref<1024x128xf32, #tpu.memory_space<vmem_shared>>
      tpu.wait_indirect_dma semaphore(%arg21 : memref<!tpu.dma_semaphore, #tpu.memory_space<semaphore_mem>>) src(%arg14 : memref<128x128xf32, #tpu.memory_space<vmem>>) dst(%dma_wait3A_403 : memref<1024x128xf32, #tpu.memory_space<vmem_shared>>)
      %dma_wait3A_404 = arith.constant 0 : i32
      %dma_wait3A_405 = tpu.memref_slice %arg12[%add3A_364, %dma_wait3A_404] : memref<32x128xi32, #tpu.memory_space<vmem>> -> memref<1x128xi32, #tpu.memory_space<vmem>>
      %dma_wait3A_406 = tpu.memref_squeeze %dma_wait3A_405 : memref<1x128xi32, #tpu.memory_space<vmem>> -> memref<128xi32, #tpu.memory_space<vmem>>
      %dma_wait3A_407 = arith.constant 0 : i32
      %dma_wait3A_408 = arith.constant 0 : i32
      %dma_wait3A_409 = tpu.memref_slice %arg19[%dma_wait3A_407, %dma_wait3A_408] : memref<1024x128xf32, #tpu.memory_space<vmem_shared>> -> memref<1024x128xf32, #tpu.memory_space<vmem_shared>>
      tpu.wait_indirect_dma semaphore(%arg22 : memref<!tpu.dma_semaphore, #tpu.memory_space<semaphore_mem>>) src(%arg15 : memref<128x128xf32, #tpu.memory_space<vmem>>) dst(%dma_wait3A_409 : memref<1024x128xf32, #tpu.memory_space<vmem_shared>>)
      %dma_wait3A_410 = arith.constant 0 : i32
      %dma_wait3A_411 = tpu.memref_slice %arg11[%add3A_380, %dma_wait3A_410] : memref<32x128xi32, #tpu.memory_space<vmem>> -> memref<1x128xi32, #tpu.memory_space<vmem>>
      %dma_wait3A_412 = tpu.memref_squeeze %dma_wait3A_411 : memref<1x128xi32, #tpu.memory_space<vmem>> -> memref<128xi32, #tpu.memory_space<vmem>>
      %dma_wait3A_413 = arith.constant 0 : i32
      %dma_wait3A_414 = arith.constant 0 : i32
      %dma_wait3A_415 = tpu.memref_slice %arg19[%dma_wait3A_413, %dma_wait3A_414] : memref<1024x128xf32, #tpu.memory_space<vmem_shared>> -> memref<1024x128xf32, #tpu.memory_space<vmem_shared>>
      tpu.wait_indirect_dma semaphore(%arg23 : memref<!tpu.dma_semaphore, #tpu.memory_space<semaphore_mem>>) src(%arg16 : memref<128x128xf32, #tpu.memory_space<vmem>>) dst(%dma_wait3A_415 : memref<1024x128xf32, #tpu.memory_space<vmem_shared>>)
      %add3A_416 = arith.constant 1 : i32
      %add3A_417 = arith.addi %add3A_255, %add3A_416 : i32
      %lt3A_418 = arith.constant 16 : i32
      %lt3A_419 = arith.cmpi slt, %add3A_417, %lt3A_418 : i32
      %convert_element_type3A_420 = arith.extui %lt3A_419 : i1 to i32
      %cond3A_421 = arith.constant 0 : i32
      %cond3A_422 = arith.cmpi ne, %convert_element_type3A_420, %cond3A_421 : i32
      scf.if %cond3A_422 {
        %add3A_424 = arith.constant 1 : i32
        %add3A_425 = arith.addi %add3A_258, %add3A_424 : i32
        %mul3A_426 = arith.constant 32 : i32
        %mul3A_427 = arith.muli %add3A_425, %mul3A_426 : i32
        %mul3A_428 = arith.constant 2 : i32
        %mul3A_429 = arith.muli %arg1, %mul3A_428 : i32
        %add3A_430 = arith.addi %mul3A_427, %mul3A_429 : i32
        %add3A_431 = arith.constant 0 : i32
        %add3A_432 = arith.addi %add3A_430, %add3A_431 : i32
        %mul3A_433 = arith.constant 128 : i32
        %mul3A_434 = arith.muli %add3A_432, %mul3A_433 : i32
        %dma_start3A_435 = arith.constant 0 : i32
        %dma_start3A_436 = tpu.memref_slice %arg3[%mul3A_434, %dma_start3A_435] : memref<131072x128xf32, #tpu.memory_space<hbm>> -> memref<128x128xf32, #tpu.memory_space<hbm>>
        %dma_start3A_437 = arith.constant 0 : i32
        %dma_start3A_438 = tpu.memref_slice %arg3[%mul3A_434, %dma_start3A_437] : memref<131072x128xf32, #tpu.memory_space<hbm>> -> memref<128x128xf32, #tpu.memory_space<hbm>>
        tpu.enqueue_dma source(%dma_start3A_438 : memref<128x128xf32, #tpu.memory_space<hbm>>) target(%arg13 : memref<128x128xf32, #tpu.memory_space<vmem>>) target_semaphore(%arg20 : memref<!tpu.dma_semaphore, #tpu.memory_space<semaphore_mem>>)
        %add3A_439 = arith.constant 1 : i32
        %add3A_440 = arith.addi %add3A_258, %add3A_439 : i32
        %mul3A_441 = arith.constant 32 : i32
        %mul3A_442 = arith.muli %add3A_440, %mul3A_441 : i32
        %mul3A_443 = arith.constant 2 : i32
        %mul3A_444 = arith.muli %arg1, %mul3A_443 : i32
        %add3A_445 = arith.addi %mul3A_442, %mul3A_444 : i32
        %add3A_446 = arith.constant 0 : i32
        %add3A_447 = arith.addi %add3A_445, %add3A_446 : i32
        %mul3A_448 = arith.constant 128 : i32
        %mul3A_449 = arith.muli %add3A_447, %mul3A_448 : i32
        %dma_start3A_450 = arith.constant 0 : i32
        %dma_start3A_451 = tpu.memref_slice %arg3[%mul3A_449, %dma_start3A_450] : memref<131072x128xf32, #tpu.memory_space<hbm>> -> memref<128x128xf32, #tpu.memory_space<hbm>>
        %dma_start3A_452 = arith.constant 0 : i32
        %dma_start3A_453 = tpu.memref_slice %arg3[%mul3A_449, %dma_start3A_452] : memref<131072x128xf32, #tpu.memory_space<hbm>> -> memref<128x128xf32, #tpu.memory_space<hbm>>
        tpu.enqueue_dma source(%dma_start3A_453 : memref<128x128xf32, #tpu.memory_space<hbm>>) target(%arg14 : memref<128x128xf32, #tpu.memory_space<vmem>>) target_semaphore(%arg21 : memref<!tpu.dma_semaphore, #tpu.memory_space<semaphore_mem>>)
        %add3A_454 = arith.constant 1 : i32
        %add3A_455 = arith.addi %add3A_258, %add3A_454 : i32
        %mul3A_456 = arith.constant 32 : i32
        %mul3A_457 = arith.muli %add3A_455, %mul3A_456 : i32
        %mul3A_458 = arith.constant 2 : i32
        %mul3A_459 = arith.muli %arg1, %mul3A_458 : i32
        %add3A_460 = arith.addi %mul3A_457, %mul3A_459 : i32
        %add3A_461 = arith.constant 1 : i32
        %add3A_462 = arith.addi %add3A_460, %add3A_461 : i32
        %mul3A_463 = arith.constant 128 : i32
        %mul3A_464 = arith.muli %add3A_462, %mul3A_463 : i32
        %dma_start3A_465 = arith.constant 0 : i32
        %dma_start3A_466 = tpu.memref_slice %arg3[%mul3A_464, %dma_start3A_465] : memref<131072x128xf32, #tpu.memory_space<hbm>> -> memref<128x128xf32, #tpu.memory_space<hbm>>
        %dma_start3A_467 = arith.constant 0 : i32
        %dma_start3A_468 = tpu.memref_slice %arg3[%mul3A_464, %dma_start3A_467] : memref<131072x128xf32, #tpu.memory_space<hbm>> -> memref<128x128xf32, #tpu.memory_space<hbm>>
        tpu.enqueue_dma source(%dma_start3A_468 : memref<128x128xf32, #tpu.memory_space<hbm>>) target(%arg15 : memref<128x128xf32, #tpu.memory_space<vmem>>) target_semaphore(%arg22 : memref<!tpu.dma_semaphore, #tpu.memory_space<semaphore_mem>>)
        %add3A_469 = arith.constant 1 : i32
        %add3A_470 = arith.addi %add3A_258, %add3A_469 : i32
        %mul3A_471 = arith.constant 32 : i32
        %mul3A_472 = arith.muli %add3A_470, %mul3A_471 : i32
        %mul3A_473 = arith.constant 2 : i32
        %mul3A_474 = arith.muli %arg1, %mul3A_473 : i32
        %add3A_475 = arith.addi %mul3A_472, %mul3A_474 : i32
        %add3A_476 = arith.constant 1 : i32
        %add3A_477 = arith.addi %add3A_475, %add3A_476 : i32
        %mul3A_478 = arith.constant 128 : i32
        %mul3A_479 = arith.muli %add3A_477, %mul3A_478 : i32
        %dma_start3A_480 = arith.constant 0 : i32
        %dma_start3A_481 = tpu.memref_slice %arg3[%mul3A_479, %dma_start3A_480] : memref<131072x128xf32, #tpu.memory_space<hbm>> -> memref<128x128xf32, #tpu.memory_space<hbm>>
        %dma_start3A_482 = arith.constant 0 : i32
        %dma_start3A_483 = tpu.memref_slice %arg3[%mul3A_479, %dma_start3A_482] : memref<131072x128xf32, #tpu.memory_space<hbm>> -> memref<128x128xf32, #tpu.memory_space<hbm>>
        tpu.enqueue_dma source(%dma_start3A_483 : memref<128x128xf32, #tpu.memory_space<hbm>>) target(%arg16 : memref<128x128xf32, #tpu.memory_space<vmem>>) target_semaphore(%arg23 : memref<!tpu.dma_semaphore, #tpu.memory_space<semaphore_mem>>)
      } else {
      }
      %barrier3A_423 = arith.constant 0 : index
      tpu.barrier barrier_id(%barrier3A_423)
    }
    %scan3A_73 = arith.constant 8 : i32
    %mul3A_74 = arith.constant 16 : i32
    %mul3A_75 = arith.muli %arg0, %mul3A_74 : i32
    %add3A_76 = arith.constant 16 : i32
    %add3A_77 = arith.addi %mul3A_75, %add3A_76 : i32
    %sub3A = arith.constant 1 : i32
    %sub3A_78 = arith.subi %add3A_77, %sub3A : i32
    %mul3A_79 = arith.constant 1024 : i32
    %mul3A_80 = arith.muli %sub3A_78, %mul3A_79 : i32
    %mul3A_81 = arith.constant 64 : i32
    %mul3A_82 = arith.muli %arg1, %mul3A_81 : i32
    %add3A_83 = arith.addi %mul3A_80, %mul3A_82 : i32
    "tpu.region"() ({
      %run_scoped3A = tpu.sem_alloc : memref<!tpu.dma_semaphore, #tpu.memory_space<semaphore_mem>>
      %dma_start3A_84 = arith.constant 0 : i32
      %dma_start3A_85 = tpu.memref_slice %arg8[%add3A_83, %dma_start3A_84] : memref<32768x128xf32, #tpu.memory_space<hbm>> -> memref<64x128xf32, #tpu.memory_space<hbm>>
      %dma_start3A_86 = arith.constant 0 : i32
      %dma_start3A_87 = tpu.memref_slice %arg19[%mul3A_3, %dma_start3A_86] : memref<1024x128xf32, #tpu.memory_space<vmem_shared>> -> memref<64x128xf32, #tpu.memory_space<vmem_shared>>
      tpu.enqueue_dma source(%dma_start3A_87 : memref<64x128xf32, #tpu.memory_space<vmem_shared>>) target(%dma_start3A_85 : memref<64x128xf32, #tpu.memory_space<hbm>>) target_semaphore(%run_scoped3A : memref<!tpu.dma_semaphore, #tpu.memory_space<semaphore_mem>>)
      %dma_wait3A = arith.constant 0 : i32
      %dma_wait3A_88 = tpu.memref_slice %arg8[%add3A_83, %dma_wait3A] : memref<32768x128xf32, #tpu.memory_space<hbm>> -> memref<64x128xf32, #tpu.memory_space<hbm>>
      %dma_wait3A_89 = arith.constant 0 : i32
      %dma_wait3A_90 = tpu.memref_slice %arg19[%mul3A_3, %dma_wait3A_89] : memref<1024x128xf32, #tpu.memory_space<vmem_shared>> -> memref<64x128xf32, #tpu.memory_space<vmem_shared>>
      tpu.wait_dma2 semaphore(%run_scoped3A : memref<!tpu.dma_semaphore, #tpu.memory_space<semaphore_mem>>) src(%dma_wait3A_90 : memref<64x128xf32, #tpu.memory_space<vmem_shared>>) dst(%dma_wait3A_88 : memref<64x128xf32, #tpu.memory_space<hbm>>)
      tpu.yield
    }) : () -> ()
    return
  }
}

#map = affine_map<(d0, d1) -> (0, 0)>
#map1 = affine_map<(d0, d1) -> (0, 0, 0)>
module attributes {stable_mosaic.version = 14 : i64} {
  func.func @k(%arg0: i32, %arg1: i32, %arg2: memref<32768x128xf32, #tpu.memory_space<hbm>>, %arg3: memref<131072x128xf32, #tpu.memory_space<hbm>>, %arg4: memref<32x32x128xi32, #tpu.memory_space<hbm>>, %arg5: memref<32x32x128xi32, #tpu.memory_space<hbm>>, %arg6: memref<32x32x128xi32, #tpu.memory_space<hbm>>, %arg7: memref<32x32x128xi32, #tpu.memory_space<hbm>>, %arg8: memref<32768x128xf32, #tpu.memory_space<hbm>>, %arg9: memref<32x128xi32, #tpu.memory_space<vmem>>, %arg10: memref<32x128xi32, #tpu.memory_space<vmem>>, %arg11: memref<32x128xi32, #tpu.memory_space<vmem>>, %arg12: memref<32x128xi32, #tpu.memory_space<vmem>>, %arg13: memref<128x128xf32, #tpu.memory_space<vmem>>, %arg14: memref<128x128xf32, #tpu.memory_space<vmem>>, %arg15: memref<128x128xf32, #tpu.memory_space<vmem>>, %arg16: memref<128x128xf32, #tpu.memory_space<vmem>>, %arg17: memref<64x128xf32, #tpu.memory_space<vmem>>, %arg18: memref<1024x128xf32, #tpu.memory_space<vmem_shared>>, %arg19: memref<1024x128xf32, #tpu.memory_space<vmem_shared>>, %arg20: memref<!tpu.dma_semaphore, #tpu.memory_space<semaphore_mem>>, %arg21: memref<!tpu.dma_semaphore, #tpu.memory_space<semaphore_mem>>, %arg22: memref<!tpu.dma_semaphore, #tpu.memory_space<semaphore_mem>>, %arg23: memref<!tpu.dma_semaphore, #tpu.memory_space<semaphore_mem>>) attributes {dimension_semantics = [#tpu.dimension_semantics<core_parallel>, #tpu.dimension_semantics<subcore_parallel>], iteration_bounds = array<i64: 2, 16>, scalar_prefetch = 0 : i64, scratch_operands = 15 : i64, tpu.core_type = #tpu.core_type<sc_vector_subcore>, window_params = [{transform_indices = #map}, {transform_indices = #map}, {transform_indices = #map1}, {transform_indices = #map1}, {transform_indices = #map1}, {transform_indices = #map1}, {transform_indices = #map}]} {
    %mul3A = arith.constant 16 : i32
    %mul3A_0 = arith.muli %arg0, %mul3A : i32
    %add3A = arith.addi %mul3A_0, %arg1 : i32
    %broadcast_in_dim3A = arith.constant 0.000000e+00 : f32
    %broadcast_in_dim3A_1 = vector.broadcast %broadcast_in_dim3A : f32 to vector<16xf32>
    %mul3A_2 = arith.constant 64 : i32
    %mul3A_3 = arith.muli %arg1, %mul3A_2 : i32
    %scan3A = arith.constant 0 : i32
    %scan3A_4 = arith.constant 0 : i32
    %scan3A_5 = arith.constant 512 : i32
    %scan3A_6 = arith.addi %scan3A_4, %scan3A_5 : i32
    %scan3A_7 = arith.constant 1 : i32
    scf.for %scan3A_84 = %scan3A_4 to %scan3A_6 step %scan3A_7  : i32 {
      %jit3A = arith.constant 8 : i32
      %div3A = arith.divsi %scan3A_84, %jit3A : i32
      %sign3A = arith.constant 0 : i32
      %sign3A_85 = arith.cmpi sgt, %scan3A_84, %sign3A : i32
      %sign3A_86 = arith.extui %sign3A_85 : i1 to i32
      %sign3A_87 = arith.constant 0 : i32
      %sign3A_88 = arith.cmpi slt, %scan3A_84, %sign3A_87 : i32
      %sign3A_89 = arith.extui %sign3A_88 : i1 to i32
      %sign3A_90 = arith.subi %sign3A_86, %sign3A_89 : i32
      %sign3A_91 = arith.constant 0 : i32
      %sign3A_92 = arith.cmpi sgt, %jit3A, %sign3A_91 : i32
      %sign3A_93 = arith.extui %sign3A_92 : i1 to i32
      %sign3A_94 = arith.constant 0 : i32
      %sign3A_95 = arith.cmpi slt, %jit3A, %sign3A_94 : i32
      %sign3A_96 = arith.extui %sign3A_95 : i1 to i32
      %sign3A_97 = arith.subi %sign3A_93, %sign3A_96 : i32
      %ne3A = arith.cmpi ne, %sign3A_90, %sign3A_97 : i32
      %rem3A = arith.remsi %scan3A_84, %jit3A : i32
      %ne3A_98 = arith.constant 0 : i32
      %ne3A_99 = arith.cmpi ne, %rem3A, %ne3A_98 : i32
      %and3A = arith.andi %ne3A, %ne3A_99 : i1
      %sub3A_100 = arith.constant 1 : i32
      %sub3A_101 = arith.subi %div3A, %sub3A_100 : i32
      %select_n3A = arith.select %and3A, %sub3A_101, %div3A : i32
      %jit3A_102 = arith.constant 8 : i32
      %eq3A = arith.constant 0 : i32
      %eq3A_103 = arith.cmpi eq, %jit3A_102, %eq3A : i32
      %jit3A_104 = arith.constant 1 : i32
      %select_n3A_105 = arith.select %eq3A_103, %jit3A_104, %jit3A_102 : i32
      %rem3A_106 = arith.remsi %scan3A_84, %select_n3A_105 : i32
      %ne3A_107 = arith.constant 0 : i32
      %ne3A_108 = arith.cmpi ne, %rem3A_106, %ne3A_107 : i32
      %lt3A = arith.constant 0 : i32
      %lt3A_109 = arith.cmpi slt, %rem3A_106, %lt3A : i32
      %lt3A_110 = arith.constant 0 : i32
      %lt3A_111 = arith.cmpi slt, %select_n3A_105, %lt3A_110 : i32
      %ne3A_112 = arith.xori %lt3A_109, %lt3A_111 : i1
      %and3A_113 = arith.andi %ne3A_112, %ne3A_108 : i1
      %add3A_114 = arith.addi %rem3A_106, %select_n3A_105 : i32
      %select_n3A_115 = arith.select %and3A_113, %add3A_114, %rem3A_106 : i32
      %mul3A_116 = arith.constant 16 : i32
      %mul3A_117 = arith.muli %select_n3A_115, %mul3A_116 : i32
      %swap3A = arith.index_cast %select_n3A : i32 to index
      %swap3A_118 = arith.index_cast %mul3A_117 : i32 to index
      %swap3A_119 = tpu.vector_load %arg17[%swap3A, %swap3A_118] {strides = array<i32>} : memref<64x128xf32, #tpu.memory_space<vmem>>, vector<1x16xf32>,
      %swap3A_120 = vector.shape_cast %swap3A_119 : vector<1x16xf32> to vector<16xf32>
      %swap3A_121 = vector.shape_cast %broadcast_in_dim3A_1 : vector<16xf32> to vector<1x16xf32>
      tpu.vector_store %arg17[%swap3A, %swap3A_118], %swap3A_121 {strides = array<i32>} : memref<64x128xf32, #tpu.memory_space<vmem>>, vector<1x16xf32>,
    }
    %scan3A_8 = arith.constant 512 : i32
    "tpu.region"() ({
      %run_scoped3A = tpu.sem_alloc : memref<!tpu.dma_semaphore, #tpu.memory_space<semaphore_mem>>
      %dma_start3A_84 = arith.constant 0 : i32
      %dma_start3A_85 = arith.constant 0 : i32
      %dma_start3A_86 = tpu.memref_slice %arg4[%add3A, %dma_start3A_84, %dma_start3A_85] : memref<32x32x128xi32, #tpu.memory_space<hbm>> -> memref<1x32x128xi32, #tpu.memory_space<hbm>>
      %dma_start3A_87 = tpu.memref_squeeze %dma_start3A_86 : memref<1x32x128xi32, #tpu.memory_space<hbm>> -> memref<32x128xi32, #tpu.memory_space<hbm>>
      %dma_start3A_88 = arith.constant 0 : i32
      %dma_start3A_89 = arith.constant 0 : i32
      %dma_start3A_90 = tpu.memref_slice %arg4[%add3A, %dma_start3A_88, %dma_start3A_89] : memref<32x32x128xi32, #tpu.memory_space<hbm>> -> memref<1x32x128xi32, #tpu.memory_space<hbm>>
      %dma_start3A_91 = tpu.memref_squeeze %dma_start3A_90 : memref<1x32x128xi32, #tpu.memory_space<hbm>> -> memref<32x128xi32, #tpu.memory_space<hbm>>
      tpu.enqueue_dma source(%dma_start3A_91 : memref<32x128xi32, #tpu.memory_space<hbm>>) target(%arg9 : memref<32x128xi32, #tpu.memory_space<vmem>>) target_semaphore(%run_scoped3A : memref<!tpu.dma_semaphore, #tpu.memory_space<semaphore_mem>>)
      %dma_wait3A = arith.constant 0 : i32
      %dma_wait3A_92 = arith.constant 0 : i32
      %dma_wait3A_93 = tpu.memref_slice %arg4[%add3A, %dma_wait3A, %dma_wait3A_92] : memref<32x32x128xi32, #tpu.memory_space<hbm>> -> memref<1x32x128xi32, #tpu.memory_space<hbm>>
      %dma_wait3A_94 = tpu.memref_squeeze %dma_wait3A_93 : memref<1x32x128xi32, #tpu.memory_space<hbm>> -> memref<32x128xi32, #tpu.memory_space<hbm>>
      %dma_wait3A_95 = arith.constant 0 : i32
      %dma_wait3A_96 = arith.constant 0 : i32
      %dma_wait3A_97 = tpu.memref_slice %arg4[%add3A, %dma_wait3A_95, %dma_wait3A_96] : memref<32x32x128xi32, #tpu.memory_space<hbm>> -> memref<1x32x128xi32, #tpu.memory_space<hbm>>
      %dma_wait3A_98 = tpu.memref_squeeze %dma_wait3A_97 : memref<1x32x128xi32, #tpu.memory_space<hbm>> -> memref<32x128xi32, #tpu.memory_space<hbm>>
      tpu.wait_dma2 semaphore(%run_scoped3A : memref<!tpu.dma_semaphore, #tpu.memory_space<semaphore_mem>>) src(%dma_wait3A_98 : memref<32x128xi32, #tpu.memory_space<hbm>>) dst(%arg9 : memref<32x128xi32, #tpu.memory_space<vmem>>)
      tpu.yield
    }) : () -> ()
    "tpu.region"() ({
      %run_scoped3A = tpu.sem_alloc : memref<!tpu.dma_semaphore, #tpu.memory_space<semaphore_mem>>
      %dma_start3A_84 = arith.constant 0 : i32
      %dma_start3A_85 = arith.constant 0 : i32
      %dma_start3A_86 = tpu.memref_slice %arg5[%add3A, %dma_start3A_84, %dma_start3A_85] : memref<32x32x128xi32, #tpu.memory_space<hbm>> -> memref<1x32x128xi32, #tpu.memory_space<hbm>>
      %dma_start3A_87 = tpu.memref_squeeze %dma_start3A_86 : memref<1x32x128xi32, #tpu.memory_space<hbm>> -> memref<32x128xi32, #tpu.memory_space<hbm>>
      %dma_start3A_88 = arith.constant 0 : i32
      %dma_start3A_89 = arith.constant 0 : i32
      %dma_start3A_90 = tpu.memref_slice %arg5[%add3A, %dma_start3A_88, %dma_start3A_89] : memref<32x32x128xi32, #tpu.memory_space<hbm>> -> memref<1x32x128xi32, #tpu.memory_space<hbm>>
      %dma_start3A_91 = tpu.memref_squeeze %dma_start3A_90 : memref<1x32x128xi32, #tpu.memory_space<hbm>> -> memref<32x128xi32, #tpu.memory_space<hbm>>
      tpu.enqueue_dma source(%dma_start3A_91 : memref<32x128xi32, #tpu.memory_space<hbm>>) target(%arg10 : memref<32x128xi32, #tpu.memory_space<vmem>>) target_semaphore(%run_scoped3A : memref<!tpu.dma_semaphore, #tpu.memory_space<semaphore_mem>>)
      %dma_wait3A = arith.constant 0 : i32
      %dma_wait3A_92 = arith.constant 0 : i32
      %dma_wait3A_93 = tpu.memref_slice %arg5[%add3A, %dma_wait3A, %dma_wait3A_92] : memref<32x32x128xi32, #tpu.memory_space<hbm>> -> memref<1x32x128xi32, #tpu.memory_space<hbm>>
      %dma_wait3A_94 = tpu.memref_squeeze %dma_wait3A_93 : memref<1x32x128xi32, #tpu.memory_space<hbm>> -> memref<32x128xi32, #tpu.memory_space<hbm>>
      %dma_wait3A_95 = arith.constant 0 : i32
      %dma_wait3A_96 = arith.constant 0 : i32
      %dma_wait3A_97 = tpu.memref_slice %arg5[%add3A, %dma_wait3A_95, %dma_wait3A_96] : memref<32x32x128xi32, #tpu.memory_space<hbm>> -> memref<1x32x128xi32, #tpu.memory_space<hbm>>
      %dma_wait3A_98 = tpu.memref_squeeze %dma_wait3A_97 : memref<1x32x128xi32, #tpu.memory_space<hbm>> -> memref<32x128xi32, #tpu.memory_space<hbm>>
      tpu.wait_dma2 semaphore(%run_scoped3A : memref<!tpu.dma_semaphore, #tpu.memory_space<semaphore_mem>>) src(%dma_wait3A_98 : memref<32x128xi32, #tpu.memory_space<hbm>>) dst(%arg10 : memref<32x128xi32, #tpu.memory_space<vmem>>)
      tpu.yield
    }) : () -> ()
    "tpu.region"() ({
      %run_scoped3A = tpu.sem_alloc : memref<!tpu.dma_semaphore, #tpu.memory_space<semaphore_mem>>
      %dma_start3A_84 = arith.constant 0 : i32
      %dma_start3A_85 = arith.constant 0 : i32
      %dma_start3A_86 = tpu.memref_slice %arg6[%add3A, %dma_start3A_84, %dma_start3A_85] : memref<32x32x128xi32, #tpu.memory_space<hbm>> -> memref<1x32x128xi32, #tpu.memory_space<hbm>>
      %dma_start3A_87 = tpu.memref_squeeze %dma_start3A_86 : memref<1x32x128xi32, #tpu.memory_space<hbm>> -> memref<32x128xi32, #tpu.memory_space<hbm>>
      %dma_start3A_88 = arith.constant 0 : i32
      %dma_start3A_89 = arith.constant 0 : i32
      %dma_start3A_90 = tpu.memref_slice %arg6[%add3A, %dma_start3A_88, %dma_start3A_89] : memref<32x32x128xi32, #tpu.memory_space<hbm>> -> memref<1x32x128xi32, #tpu.memory_space<hbm>>
      %dma_start3A_91 = tpu.memref_squeeze %dma_start3A_90 : memref<1x32x128xi32, #tpu.memory_space<hbm>> -> memref<32x128xi32, #tpu.memory_space<hbm>>
      tpu.enqueue_dma source(%dma_start3A_91 : memref<32x128xi32, #tpu.memory_space<hbm>>) target(%arg11 : memref<32x128xi32, #tpu.memory_space<vmem>>) target_semaphore(%run_scoped3A : memref<!tpu.dma_semaphore, #tpu.memory_space<semaphore_mem>>)
      %dma_wait3A = arith.constant 0 : i32
      %dma_wait3A_92 = arith.constant 0 : i32
      %dma_wait3A_93 = tpu.memref_slice %arg6[%add3A, %dma_wait3A, %dma_wait3A_92] : memref<32x32x128xi32, #tpu.memory_space<hbm>> -> memref<1x32x128xi32, #tpu.memory_space<hbm>>
      %dma_wait3A_94 = tpu.memref_squeeze %dma_wait3A_93 : memref<1x32x128xi32, #tpu.memory_space<hbm>> -> memref<32x128xi32, #tpu.memory_space<hbm>>
      %dma_wait3A_95 = arith.constant 0 : i32
      %dma_wait3A_96 = arith.constant 0 : i32
      %dma_wait3A_97 = tpu.memref_slice %arg6[%add3A, %dma_wait3A_95, %dma_wait3A_96] : memref<32x32x128xi32, #tpu.memory_space<hbm>> -> memref<1x32x128xi32, #tpu.memory_space<hbm>>
      %dma_wait3A_98 = tpu.memref_squeeze %dma_wait3A_97 : memref<1x32x128xi32, #tpu.memory_space<hbm>> -> memref<32x128xi32, #tpu.memory_space<hbm>>
      tpu.wait_dma2 semaphore(%run_scoped3A : memref<!tpu.dma_semaphore, #tpu.memory_space<semaphore_mem>>) src(%dma_wait3A_98 : memref<32x128xi32, #tpu.memory_space<hbm>>) dst(%arg11 : memref<32x128xi32, #tpu.memory_space<vmem>>)
      tpu.yield
    }) : () -> ()
    "tpu.region"() ({
      %run_scoped3A = tpu.sem_alloc : memref<!tpu.dma_semaphore, #tpu.memory_space<semaphore_mem>>
      %dma_start3A_84 = arith.constant 0 : i32
      %dma_start3A_85 = arith.constant 0 : i32
      %dma_start3A_86 = tpu.memref_slice %arg7[%add3A, %dma_start3A_84, %dma_start3A_85] : memref<32x32x128xi32, #tpu.memory_space<hbm>> -> memref<1x32x128xi32, #tpu.memory_space<hbm>>
      %dma_start3A_87 = tpu.memref_squeeze %dma_start3A_86 : memref<1x32x128xi32, #tpu.memory_space<hbm>> -> memref<32x128xi32, #tpu.memory_space<hbm>>
      %dma_start3A_88 = arith.constant 0 : i32
      %dma_start3A_89 = arith.constant 0 : i32
      %dma_start3A_90 = tpu.memref_slice %arg7[%add3A, %dma_start3A_88, %dma_start3A_89] : memref<32x32x128xi32, #tpu.memory_space<hbm>> -> memref<1x32x128xi32, #tpu.memory_space<hbm>>
      %dma_start3A_91 = tpu.memref_squeeze %dma_start3A_90 : memref<1x32x128xi32, #tpu.memory_space<hbm>> -> memref<32x128xi32, #tpu.memory_space<hbm>>
      tpu.enqueue_dma source(%dma_start3A_91 : memref<32x128xi32, #tpu.memory_space<hbm>>) target(%arg12 : memref<32x128xi32, #tpu.memory_space<vmem>>) target_semaphore(%run_scoped3A : memref<!tpu.dma_semaphore, #tpu.memory_space<semaphore_mem>>)
      %dma_wait3A = arith.constant 0 : i32
      %dma_wait3A_92 = arith.constant 0 : i32
      %dma_wait3A_93 = tpu.memref_slice %arg7[%add3A, %dma_wait3A, %dma_wait3A_92] : memref<32x32x128xi32, #tpu.memory_space<hbm>> -> memref<1x32x128xi32, #tpu.memory_space<hbm>>
      %dma_wait3A_94 = tpu.memref_squeeze %dma_wait3A_93 : memref<1x32x128xi32, #tpu.memory_space<hbm>> -> memref<32x128xi32, #tpu.memory_space<hbm>>
      %dma_wait3A_95 = arith.constant 0 : i32
      %dma_wait3A_96 = arith.constant 0 : i32
      %dma_wait3A_97 = tpu.memref_slice %arg7[%add3A, %dma_wait3A_95, %dma_wait3A_96] : memref<32x32x128xi32, #tpu.memory_space<hbm>> -> memref<1x32x128xi32, #tpu.memory_space<hbm>>
      %dma_wait3A_98 = tpu.memref_squeeze %dma_wait3A_97 : memref<1x32x128xi32, #tpu.memory_space<hbm>> -> memref<32x128xi32, #tpu.memory_space<hbm>>
      tpu.wait_dma2 semaphore(%run_scoped3A : memref<!tpu.dma_semaphore, #tpu.memory_space<semaphore_mem>>) src(%dma_wait3A_98 : memref<32x128xi32, #tpu.memory_space<hbm>>) dst(%arg12 : memref<32x128xi32, #tpu.memory_space<vmem>>)
      tpu.yield
    }) : () -> ()
    "tpu.region"() ({
      %run_scoped3A = tpu.sem_alloc : memref<!tpu.dma_semaphore, #tpu.memory_space<semaphore_mem>>
      %dma_start3A_84 = arith.constant 0 : i32
      %dma_start3A_85 = tpu.memref_slice %arg18[%mul3A_3, %dma_start3A_84] : memref<1024x128xf32, #tpu.memory_space<vmem_shared>> -> memref<64x128xf32, #tpu.memory_space<vmem_shared>>
      %dma_start3A_86 = arith.constant 0 : i32
      %dma_start3A_87 = tpu.memref_slice %arg18[%mul3A_3, %dma_start3A_86] : memref<1024x128xf32, #tpu.memory_space<vmem_shared>> -> memref<64x128xf32, #tpu.memory_space<vmem_shared>>
      tpu.enqueue_dma source(%arg17 : memref<64x128xf32, #tpu.memory_space<vmem>>) target(%dma_start3A_87 : memref<64x128xf32, #tpu.memory_space<vmem_shared>>) target_semaphore(%run_scoped3A : memref<!tpu.dma_semaphore, #tpu.memory_space<semaphore_mem>>)
      %dma_wait3A = arith.constant 0 : i32
      %dma_wait3A_88 = tpu.memref_slice %arg18[%mul3A_3, %dma_wait3A] : memref<1024x128xf32, #tpu.memory_space<vmem_shared>> -> memref<64x128xf32, #tpu.memory_space<vmem_shared>>
      %dma_wait3A_89 = arith.constant 0 : i32
      %dma_wait3A_90 = tpu.memref_slice %arg18[%mul3A_3, %dma_wait3A_89] : memref<1024x128xf32, #tpu.memory_space<vmem_shared>> -> memref<64x128xf32, #tpu.memory_space<vmem_shared>>
      tpu.wait_dma2 semaphore(%run_scoped3A : memref<!tpu.dma_semaphore, #tpu.memory_space<semaphore_mem>>) src(%arg17 : memref<64x128xf32, #tpu.memory_space<vmem>>) dst(%dma_wait3A_90 : memref<64x128xf32, #tpu.memory_space<vmem_shared>>)
      tpu.yield
    }) : () -> ()
    "tpu.region"() ({
      %run_scoped3A = tpu.sem_alloc : memref<!tpu.dma_semaphore, #tpu.memory_space<semaphore_mem>>
      %dma_start3A_84 = arith.constant 0 : i32
      %dma_start3A_85 = tpu.memref_slice %arg19[%mul3A_3, %dma_start3A_84] : memref<1024x128xf32, #tpu.memory_space<vmem_shared>> -> memref<64x128xf32, #tpu.memory_space<vmem_shared>>
      %dma_start3A_86 = arith.constant 0 : i32
      %dma_start3A_87 = tpu.memref_slice %arg19[%mul3A_3, %dma_start3A_86] : memref<1024x128xf32, #tpu.memory_space<vmem_shared>> -> memref<64x128xf32, #tpu.memory_space<vmem_shared>>
      tpu.enqueue_dma source(%arg17 : memref<64x128xf32, #tpu.memory_space<vmem>>) target(%dma_start3A_87 : memref<64x128xf32, #tpu.memory_space<vmem_shared>>) target_semaphore(%run_scoped3A : memref<!tpu.dma_semaphore, #tpu.memory_space<semaphore_mem>>)
      %dma_wait3A = arith.constant 0 : i32
      %dma_wait3A_88 = tpu.memref_slice %arg19[%mul3A_3, %dma_wait3A] : memref<1024x128xf32, #tpu.memory_space<vmem_shared>> -> memref<64x128xf32, #tpu.memory_space<vmem_shared>>
      %dma_wait3A_89 = arith.constant 0 : i32
      %dma_wait3A_90 = tpu.memref_slice %arg19[%mul3A_3, %dma_wait3A_89] : memref<1024x128xf32, #tpu.memory_space<vmem_shared>> -> memref<64x128xf32, #tpu.memory_space<vmem_shared>>
      tpu.wait_dma2 semaphore(%run_scoped3A : memref<!tpu.dma_semaphore, #tpu.memory_space<semaphore_mem>>) src(%arg17 : memref<64x128xf32, #tpu.memory_space<vmem>>) dst(%dma_wait3A_90 : memref<64x128xf32, #tpu.memory_space<vmem_shared>>)
      tpu.yield
    }) : () -> ()
    %barrier3A = arith.constant 0 : index
    tpu.barrier barrier_id(%barrier3A)
    %mul3A_9 = arith.constant 16 : i32
    %mul3A_10 = arith.muli %arg0, %mul3A_9 : i32
    %mul3A_11 = arith.constant 32 : i32
    %mul3A_12 = arith.muli %mul3A_10, %mul3A_11 : i32
    %mul3A_13 = arith.constant 2 : i32
    %mul3A_14 = arith.muli %arg1, %mul3A_13 : i32
    %add3A_15 = arith.addi %mul3A_12, %mul3A_14 : i32
    %add3A_16 = arith.constant 0 : i32
    %add3A_17 = arith.addi %add3A_15, %add3A_16 : i32
    %mul3A_18 = arith.constant 128 : i32
    %mul3A_19 = arith.muli %add3A_17, %mul3A_18 : i32
    %dma_start3A = arith.constant 0 : i32
    %dma_start3A_20 = tpu.memref_slice %arg3[%mul3A_19, %dma_start3A] : memref<131072x128xf32, #tpu.memory_space<hbm>> -> memref<128x128xf32, #tpu.memory_space<hbm>>
    %dma_start3A_21 = arith.constant 0 : i32
    %dma_start3A_22 = tpu.memref_slice %arg3[%mul3A_19, %dma_start3A_21] : memref<131072x128xf32, #tpu.memory_space<hbm>> -> memref<128x128xf32, #tpu.memory_space<hbm>>
    tpu.enqueue_dma source(%dma_start3A_22 : memref<128x128xf32, #tpu.memory_space<hbm>>) target(%arg13 : memref<128x128xf32, #tpu.memory_space<vmem>>) target_semaphore(%arg20 : memref<!tpu.dma_semaphore, #tpu.memory_space<semaphore_mem>>)
    %mul3A_23 = arith.constant 16 : i32
    %mul3A_24 = arith.muli %arg0, %mul3A_23 : i32
    %mul3A_25 = arith.constant 32 : i32
    %mul3A_26 = arith.muli %mul3A_24, %mul3A_25 : i32
    %mul3A_27 = arith.constant 2 : i32
    %mul3A_28 = arith.muli %arg1, %mul3A_27 : i32
    %add3A_29 = arith.addi %mul3A_26, %mul3A_28 : i32
    %add3A_30 = arith.constant 0 : i32
    %add3A_31 = arith.addi %add3A_29, %add3A_30 : i32
    %mul3A_32 = arith.constant 128 : i32
    %mul3A_33 = arith.muli %add3A_31, %mul3A_32 : i32
    %dma_start3A_34 = arith.constant 0 : i32
    %dma_start3A_35 = tpu.memref_slice %arg3[%mul3A_33, %dma_start3A_34] : memref<131072x128xf32, #tpu.memory_space<hbm>> -> memref<128x128xf32, #tpu.memory_space<hbm>>
    %dma_start3A_36 = arith.constant 0 : i32
    %dma_start3A_37 = tpu.memref_slice %arg3[%mul3A_33, %dma_start3A_36] : memref<131072x128xf32, #tpu.memory_space<hbm>> -> memref<128x128xf32, #tpu.memory_space<hbm>>
    tpu.enqueue_dma source(%dma_start3A_37 : memref<128x128xf32, #tpu.memory_space<hbm>>) target(%arg14 : memref<128x128xf32, #tpu.memory_space<vmem>>) target_semaphore(%arg21 : memref<!tpu.dma_semaphore, #tpu.memory_space<semaphore_mem>>)
    %mul3A_38 = arith.constant 16 : i32
    %mul3A_39 = arith.muli %arg0, %mul3A_38 : i32
    %mul3A_40 = arith.constant 32 : i32
    %mul3A_41 = arith.muli %mul3A_39, %mul3A_40 : i32
    %mul3A_42 = arith.constant 2 : i32
    %mul3A_43 = arith.muli %arg1, %mul3A_42 : i32
    %add3A_44 = arith.addi %mul3A_41, %mul3A_43 : i32
    %add3A_45 = arith.constant 1 : i32
    %add3A_46 = arith.addi %add3A_44, %add3A_45 : i32
    %mul3A_47 = arith.constant 128 : i32
    %mul3A_48 = arith.muli %add3A_46, %mul3A_47 : i32
    %dma_start3A_49 = arith.constant 0 : i32
    %dma_start3A_50 = tpu.memref_slice %arg3[%mul3A_48, %dma_start3A_49] : memref<131072x128xf32, #tpu.memory_space<hbm>> -> memref<128x128xf32, #tpu.memory_space<hbm>>
    %dma_start3A_51 = arith.constant 0 : i32
    %dma_start3A_52 = tpu.memref_slice %arg3[%mul3A_48, %dma_start3A_51] : memref<131072x128xf32, #tpu.memory_space<hbm>> -> memref<128x128xf32, #tpu.memory_space<hbm>>
    tpu.enqueue_dma source(%dma_start3A_52 : memref<128x128xf32, #tpu.memory_space<hbm>>) target(%arg15 : memref<128x128xf32, #tpu.memory_space<vmem>>) target_semaphore(%arg22 : memref<!tpu.dma_semaphore, #tpu.memory_space<semaphore_mem>>)
    %mul3A_53 = arith.constant 16 : i32
    %mul3A_54 = arith.muli %arg0, %mul3A_53 : i32
    %mul3A_55 = arith.constant 32 : i32
    %mul3A_56 = arith.muli %mul3A_54, %mul3A_55 : i32
    %mul3A_57 = arith.constant 2 : i32
    %mul3A_58 = arith.muli %arg1, %mul3A_57 : i32
    %add3A_59 = arith.addi %mul3A_56, %mul3A_58 : i32
    %add3A_60 = arith.constant 1 : i32
    %add3A_61 = arith.addi %add3A_59, %add3A_60 : i32
    %mul3A_62 = arith.constant 128 : i32
    %mul3A_63 = arith.muli %add3A_61, %mul3A_62 : i32
    %dma_start3A_64 = arith.constant 0 : i32
    %dma_start3A_65 = tpu.memref_slice %arg3[%mul3A_63, %dma_start3A_64] : memref<131072x128xf32, #tpu.memory_space<hbm>> -> memref<128x128xf32, #tpu.memory_space<hbm>>
    %dma_start3A_66 = arith.constant 0 : i32
    %dma_start3A_67 = tpu.memref_slice %arg3[%mul3A_63, %dma_start3A_66] : memref<131072x128xf32, #tpu.memory_space<hbm>> -> memref<128x128xf32, #tpu.memory_space<hbm>>
    tpu.enqueue_dma source(%dma_start3A_67 : memref<128x128xf32, #tpu.memory_space<hbm>>) target(%arg16 : memref<128x128xf32, #tpu.memory_space<vmem>>) target_semaphore(%arg23 : memref<!tpu.dma_semaphore, #tpu.memory_space<semaphore_mem>>)
    %scan3A_68 = arith.constant 0 : i32
    %scan3A_69 = arith.constant 0 : i32
    %scan3A_70 = arith.constant 8 : i32
    %scan3A_71 = arith.addi %scan3A_69, %scan3A_70 : i32
    %scan3A_72 = arith.constant 1 : i32
    scf.for %scan3A_84 = %scan3A_69 to %scan3A_71 step %scan3A_72  : i32 {
      %mul3A_85 = arith.constant 2 : i32
      %mul3A_86 = arith.muli %mul3A_85, %scan3A_84 : i32
      %add3A_87 = arith.constant 0 : i32
      %add3A_88 = arith.addi %mul3A_86, %add3A_87 : i32
      %mul3A_89 = arith.constant 16 : i32
      %mul3A_90 = arith.muli %arg0, %mul3A_89 : i32
      %add3A_91 = arith.addi %mul3A_90, %add3A_88 : i32
      %dma_wait3A = arith.constant 0 : i32
      %dma_wait3A_92 = arith.constant 0 : i32
      %dma_wait3A_93 = tpu.memref_slice %arg3[%dma_wait3A, %dma_wait3A_92] : memref<131072x128xf32, #tpu.memory_space<hbm>> -> memref<128x128xf32, #tpu.memory_space<hbm>>
      %dma_wait3A_94 = arith.constant 0 : i32
      %dma_wait3A_95 = arith.constant 0 : i32
      %dma_wait3A_96 = tpu.memref_slice %arg3[%dma_wait3A_94, %dma_wait3A_95] : memref<131072x128xf32, #tpu.memory_space<hbm>> -> memref<128x128xf32, #tpu.memory_space<hbm>>
      tpu.wait_dma2 semaphore(%arg20 : memref<!tpu.dma_semaphore, #tpu.memory_space<semaphore_mem>>) src(%dma_wait3A_96 : memref<128x128xf32, #tpu.memory_space<hbm>>) dst(%arg13 : memref<128x128xf32, #tpu.memory_space<vmem>>)
      %mul3A_97 = arith.constant 2 : i32
      %mul3A_98 = arith.muli %add3A_88, %mul3A_97 : i32
      %add3A_99 = arith.constant 0 : i32
      %add3A_100 = arith.addi %mul3A_98, %add3A_99 : i32
      %dma_start3A_101 = arith.constant 0 : i32
      %dma_start3A_102 = tpu.memref_slice %arg9[%add3A_100, %dma_start3A_101] : memref<32x128xi32, #tpu.memory_space<vmem>> -> memref<1x128xi32, #tpu.memory_space<vmem>>
      %dma_start3A_103 = tpu.memref_squeeze %dma_start3A_102 : memref<1x128xi32, #tpu.memory_space<vmem>> -> memref<128xi32, #tpu.memory_space<vmem>>
      %dma_start3A_104 = arith.constant 0 : i32
      %dma_start3A_105 = arith.constant 0 : i32
      %dma_start3A_106 = tpu.memref_slice %arg2[%dma_start3A_104, %dma_start3A_105] : memref<32768x128xf32, #tpu.memory_space<hbm>> -> memref<32768x128xf32, #tpu.memory_space<hbm>>
      tpu.enqueue_indirect_dma source(%dma_start3A_106 : memref<32768x128xf32, #tpu.memory_space<hbm>>) target(%arg13 : memref<128x128xf32, #tpu.memory_space<vmem>>) offsets(%dma_start3A_103 : memref<128xi32, #tpu.memory_space<vmem>>) semaphore(%arg20 : memref<!tpu.dma_semaphore, #tpu.memory_space<semaphore_mem>>) {add = true}
      %dma_wait3A_107 = arith.constant 0 : i32
      %dma_wait3A_108 = arith.constant 0 : i32
      %dma_wait3A_109 = tpu.memref_slice %arg3[%dma_wait3A_107, %dma_wait3A_108] : memref<131072x128xf32, #tpu.memory_space<hbm>> -> memref<128x128xf32, #tpu.memory_space<hbm>>
      %dma_wait3A_110 = arith.constant 0 : i32
      %dma_wait3A_111 = arith.constant 0 : i32
      %dma_wait3A_112 = tpu.memref_slice %arg3[%dma_wait3A_110, %dma_wait3A_111] : memref<131072x128xf32, #tpu.memory_space<hbm>> -> memref<128x128xf32, #tpu.memory_space<hbm>>
      tpu.wait_dma2 semaphore(%arg21 : memref<!tpu.dma_semaphore, #tpu.memory_space<semaphore_mem>>) src(%dma_wait3A_112 : memref<128x128xf32, #tpu.memory_space<hbm>>) dst(%arg14 : memref<128x128xf32, #tpu.memory_space<vmem>>)
      %mul3A_113 = arith.constant 2 : i32
      %mul3A_114 = arith.muli %add3A_88, %mul3A_113 : i32
      %add3A_115 = arith.constant 0 : i32
      %add3A_116 = arith.addi %mul3A_114, %add3A_115 : i32
      %dma_start3A_117 = arith.constant 0 : i32
      %dma_start3A_118 = tpu.memref_slice %arg10[%add3A_116, %dma_start3A_117] : memref<32x128xi32, #tpu.memory_space<vmem>> -> memref<1x128xi32, #tpu.memory_space<vmem>>
      %dma_start3A_119 = tpu.memref_squeeze %dma_start3A_118 : memref<1x128xi32, #tpu.memory_space<vmem>> -> memref<128xi32, #tpu.memory_space<vmem>>
      %dma_start3A_120 = arith.constant 0 : i32
      %dma_start3A_121 = arith.constant 0 : i32
      %dma_start3A_122 = tpu.memref_slice %arg2[%dma_start3A_120, %dma_start3A_121] : memref<32768x128xf32, #tpu.memory_space<hbm>> -> memref<32768x128xf32, #tpu.memory_space<hbm>>
      tpu.enqueue_indirect_dma source(%dma_start3A_122 : memref<32768x128xf32, #tpu.memory_space<hbm>>) target(%arg14 : memref<128x128xf32, #tpu.memory_space<vmem>>) offsets(%dma_start3A_119 : memref<128xi32, #tpu.memory_space<vmem>>) semaphore(%arg21 : memref<!tpu.dma_semaphore, #tpu.memory_space<semaphore_mem>>) {add = true}
      %dma_wait3A_123 = arith.constant 0 : i32
      %dma_wait3A_124 = arith.constant 0 : i32
      %dma_wait3A_125 = tpu.memref_slice %arg3[%dma_wait3A_123, %dma_wait3A_124] : memref<131072x128xf32, #tpu.memory_space<hbm>> -> memref<128x128xf32, #tpu.memory_space<hbm>>
      %dma_wait3A_126 = arith.constant 0 : i32
      %dma_wait3A_127 = arith.constant 0 : i32
      %dma_wait3A_128 = tpu.memref_slice %arg3[%dma_wait3A_126, %dma_wait3A_127] : memref<131072x128xf32, #tpu.memory_space<hbm>> -> memref<128x128xf32, #tpu.memory_space<hbm>>
      tpu.wait_dma2 semaphore(%arg22 : memref<!tpu.dma_semaphore, #tpu.memory_space<semaphore_mem>>) src(%dma_wait3A_128 : memref<128x128xf32, #tpu.memory_space<hbm>>) dst(%arg15 : memref<128x128xf32, #tpu.memory_space<vmem>>)
      %mul3A_129 = arith.constant 2 : i32
      %mul3A_130 = arith.muli %add3A_88, %mul3A_129 : i32
      %add3A_131 = arith.constant 1 : i32
      %add3A_132 = arith.addi %mul3A_130, %add3A_131 : i32
      %dma_start3A_133 = arith.constant 0 : i32
      %dma_start3A_134 = tpu.memref_slice %arg9[%add3A_132, %dma_start3A_133] : memref<32x128xi32, #tpu.memory_space<vmem>> -> memref<1x128xi32, #tpu.memory_space<vmem>>
      %dma_start3A_135 = tpu.memref_squeeze %dma_start3A_134 : memref<1x128xi32, #tpu.memory_space<vmem>> -> memref<128xi32, #tpu.memory_space<vmem>>
      %dma_start3A_136 = arith.constant 0 : i32
      %dma_start3A_137 = arith.constant 0 : i32
      %dma_start3A_138 = tpu.memref_slice %arg2[%dma_start3A_136, %dma_start3A_137] : memref<32768x128xf32, #tpu.memory_space<hbm>> -> memref<32768x128xf32, #tpu.memory_space<hbm>>
      tpu.enqueue_indirect_dma source(%dma_start3A_138 : memref<32768x128xf32, #tpu.memory_space<hbm>>) target(%arg15 : memref<128x128xf32, #tpu.memory_space<vmem>>) offsets(%dma_start3A_135 : memref<128xi32, #tpu.memory_space<vmem>>) semaphore(%arg22 : memref<!tpu.dma_semaphore, #tpu.memory_space<semaphore_mem>>) {add = true}
      %dma_wait3A_139 = arith.constant 0 : i32
      %dma_wait3A_140 = arith.constant 0 : i32
      %dma_wait3A_141 = tpu.memref_slice %arg3[%dma_wait3A_139, %dma_wait3A_140] : memref<131072x128xf32, #tpu.memory_space<hbm>> -> memref<128x128xf32, #tpu.memory_space<hbm>>
      %dma_wait3A_142 = arith.constant 0 : i32
      %dma_wait3A_143 = arith.constant 0 : i32
      %dma_wait3A_144 = tpu.memref_slice %arg3[%dma_wait3A_142, %dma_wait3A_143] : memref<131072x128xf32, #tpu.memory_space<hbm>> -> memref<128x128xf32, #tpu.memory_space<hbm>>
      tpu.wait_dma2 semaphore(%arg23 : memref<!tpu.dma_semaphore, #tpu.memory_space<semaphore_mem>>) src(%dma_wait3A_144 : memref<128x128xf32, #tpu.memory_space<hbm>>) dst(%arg16 : memref<128x128xf32, #tpu.memory_space<vmem>>)
      %mul3A_145 = arith.constant 2 : i32
      %mul3A_146 = arith.muli %add3A_88, %mul3A_145 : i32
      %add3A_147 = arith.constant 1 : i32
      %add3A_148 = arith.addi %mul3A_146, %add3A_147 : i32
      %dma_start3A_149 = arith.constant 0 : i32
      %dma_start3A_150 = tpu.memref_slice %arg10[%add3A_148, %dma_start3A_149] : memref<32x128xi32, #tpu.memory_space<vmem>> -> memref<1x128xi32, #tpu.memory_space<vmem>>
      %dma_start3A_151 = tpu.memref_squeeze %dma_start3A_150 : memref<1x128xi32, #tpu.memory_space<vmem>> -> memref<128xi32, #tpu.memory_space<vmem>>
      %dma_start3A_152 = arith.constant 0 : i32
      %dma_start3A_153 = arith.constant 0 : i32
      %dma_start3A_154 = tpu.memref_slice %arg2[%dma_start3A_152, %dma_start3A_153] : memref<32768x128xf32, #tpu.memory_space<hbm>> -> memref<32768x128xf32, #tpu.memory_space<hbm>>
      tpu.enqueue_indirect_dma source(%dma_start3A_154 : memref<32768x128xf32, #tpu.memory_space<hbm>>) target(%arg16 : memref<128x128xf32, #tpu.memory_space<vmem>>) offsets(%dma_start3A_151 : memref<128xi32, #tpu.memory_space<vmem>>) semaphore(%arg23 : memref<!tpu.dma_semaphore, #tpu.memory_space<semaphore_mem>>) {add = true}
      %dma_wait3A_155 = arith.constant 0 : i32
      %dma_wait3A_156 = tpu.memref_slice %arg9[%add3A_100, %dma_wait3A_155] : memref<32x128xi32, #tpu.memory_space<vmem>> -> memref<1x128xi32, #tpu.memory_space<vmem>>
      %dma_wait3A_157 = tpu.memref_squeeze %dma_wait3A_156 : memref<1x128xi32, #tpu.memory_space<vmem>> -> memref<128xi32, #tpu.memory_space<vmem>>
      %dma_wait3A_158 = arith.constant 0 : i32
      %dma_wait3A_159 = arith.constant 0 : i32
      %dma_wait3A_160 = tpu.memref_slice %arg2[%dma_wait3A_158, %dma_wait3A_159] : memref<32768x128xf32, #tpu.memory_space<hbm>> -> memref<32768x128xf32, #tpu.memory_space<hbm>>
      tpu.wait_indirect_dma semaphore(%arg20 : memref<!tpu.dma_semaphore, #tpu.memory_space<semaphore_mem>>) src(%dma_wait3A_160 : memref<32768x128xf32, #tpu.memory_space<hbm>>) dst(%arg13 : memref<128x128xf32, #tpu.memory_space<vmem>>)
      %mul3A_161 = arith.constant 2 : i32
      %mul3A_162 = arith.muli %add3A_88, %mul3A_161 : i32
      %add3A_163 = arith.constant 0 : i32
      %add3A_164 = arith.addi %mul3A_162, %add3A_163 : i32
      %dma_start3A_165 = arith.constant 0 : i32
      %dma_start3A_166 = tpu.memref_slice %arg12[%add3A_164, %dma_start3A_165] : memref<32x128xi32, #tpu.memory_space<vmem>> -> memref<1x128xi32, #tpu.memory_space<vmem>>
      %dma_start3A_167 = tpu.memref_squeeze %dma_start3A_166 : memref<1x128xi32, #tpu.memory_space<vmem>> -> memref<128xi32, #tpu.memory_space<vmem>>
      %dma_start3A_168 = arith.constant 0 : i32
      %dma_start3A_169 = arith.constant 0 : i32
      %dma_start3A_170 = tpu.memref_slice %arg18[%dma_start3A_168, %dma_start3A_169] : memref<1024x128xf32, #tpu.memory_space<vmem_shared>> -> memref<1024x128xf32, #tpu.memory_space<vmem_shared>>
      tpu.enqueue_indirect_dma source(%arg13 : memref<128x128xf32, #tpu.memory_space<vmem>>) target(%dma_start3A_170 : memref<1024x128xf32, #tpu.memory_space<vmem_shared>>) offsets(%dma_start3A_167 : memref<128xi32, #tpu.memory_space<vmem>>) semaphore(%arg20 : memref<!tpu.dma_semaphore, #tpu.memory_space<semaphore_mem>>) {add = true}
      %dma_wait3A_171 = arith.constant 0 : i32
      %dma_wait3A_172 = tpu.memref_slice %arg10[%add3A_116, %dma_wait3A_171] : memref<32x128xi32, #tpu.memory_space<vmem>> -> memref<1x128xi32, #tpu.memory_space<vmem>>
      %dma_wait3A_173 = tpu.memref_squeeze %dma_wait3A_172 : memref<1x128xi32, #tpu.memory_space<vmem>> -> memref<128xi32, #tpu.memory_space<vmem>>
      %dma_wait3A_174 = arith.constant 0 : i32
      %dma_wait3A_175 = arith.constant 0 : i32
      %dma_wait3A_176 = tpu.memref_slice %arg2[%dma_wait3A_174, %dma_wait3A_175] : memref<32768x128xf32, #tpu.memory_space<hbm>> -> memref<32768x128xf32, #tpu.memory_space<hbm>>
      tpu.wait_indirect_dma semaphore(%arg21 : memref<!tpu.dma_semaphore, #tpu.memory_space<semaphore_mem>>) src(%dma_wait3A_176 : memref<32768x128xf32, #tpu.memory_space<hbm>>) dst(%arg14 : memref<128x128xf32, #tpu.memory_space<vmem>>)
      %mul3A_177 = arith.constant 2 : i32
      %mul3A_178 = arith.muli %add3A_88, %mul3A_177 : i32
      %add3A_179 = arith.constant 0 : i32
      %add3A_180 = arith.addi %mul3A_178, %add3A_179 : i32
      %dma_start3A_181 = arith.constant 0 : i32
      %dma_start3A_182 = tpu.memref_slice %arg11[%add3A_180, %dma_start3A_181] : memref<32x128xi32, #tpu.memory_space<vmem>> -> memref<1x128xi32, #tpu.memory_space<vmem>>
      %dma_start3A_183 = tpu.memref_squeeze %dma_start3A_182 : memref<1x128xi32, #tpu.memory_space<vmem>> -> memref<128xi32, #tpu.memory_space<vmem>>
      %dma_start3A_184 = arith.constant 0 : i32
      %dma_start3A_185 = arith.constant 0 : i32
      %dma_start3A_186 = tpu.memref_slice %arg18[%dma_start3A_184, %dma_start3A_185] : memref<1024x128xf32, #tpu.memory_space<vmem_shared>> -> memref<1024x128xf32, #tpu.memory_space<vmem_shared>>
      tpu.enqueue_indirect_dma source(%arg14 : memref<128x128xf32, #tpu.memory_space<vmem>>) target(%dma_start3A_186 : memref<1024x128xf32, #tpu.memory_space<vmem_shared>>) offsets(%dma_start3A_183 : memref<128xi32, #tpu.memory_space<vmem>>) semaphore(%arg21 : memref<!tpu.dma_semaphore, #tpu.memory_space<semaphore_mem>>) {add = true}
      %dma_wait3A_187 = arith.constant 0 : i32
      %dma_wait3A_188 = tpu.memref_slice %arg9[%add3A_132, %dma_wait3A_187] : memref<32x128xi32, #tpu.memory_space<vmem>> -> memref<1x128xi32, #tpu.memory_space<vmem>>
      %dma_wait3A_189 = tpu.memref_squeeze %dma_wait3A_188 : memref<1x128xi32, #tpu.memory_space<vmem>> -> memref<128xi32, #tpu.memory_space<vmem>>
      %dma_wait3A_190 = arith.constant 0 : i32
      %dma_wait3A_191 = arith.constant 0 : i32
      %dma_wait3A_192 = tpu.memref_slice %arg2[%dma_wait3A_190, %dma_wait3A_191] : memref<32768x128xf32, #tpu.memory_space<hbm>> -> memref<32768x128xf32, #tpu.memory_space<hbm>>
      tpu.wait_indirect_dma semaphore(%arg22 : memref<!tpu.dma_semaphore, #tpu.memory_space<semaphore_mem>>) src(%dma_wait3A_192 : memref<32768x128xf32, #tpu.memory_space<hbm>>) dst(%arg15 : memref<128x128xf32, #tpu.memory_space<vmem>>)
      %mul3A_193 = arith.constant 2 : i32
      %mul3A_194 = arith.muli %add3A_88, %mul3A_193 : i32
      %add3A_195 = arith.constant 1 : i32
      %add3A_196 = arith.addi %mul3A_194, %add3A_195 : i32
      %dma_start3A_197 = arith.constant 0 : i32
      %dma_start3A_198 = tpu.memref_slice %arg12[%add3A_196, %dma_start3A_197] : memref<32x128xi32, #tpu.memory_space<vmem>> -> memref<1x128xi32, #tpu.memory_space<vmem>>
      %dma_start3A_199 = tpu.memref_squeeze %dma_start3A_198 : memref<1x128xi32, #tpu.memory_space<vmem>> -> memref<128xi32, #tpu.memory_space<vmem>>
      %dma_start3A_200 = arith.constant 0 : i32
      %dma_start3A_201 = arith.constant 0 : i32
      %dma_start3A_202 = tpu.memref_slice %arg18[%dma_start3A_200, %dma_start3A_201] : memref<1024x128xf32, #tpu.memory_space<vmem_shared>> -> memref<1024x128xf32, #tpu.memory_space<vmem_shared>>
      tpu.enqueue_indirect_dma source(%arg15 : memref<128x128xf32, #tpu.memory_space<vmem>>) target(%dma_start3A_202 : memref<1024x128xf32, #tpu.memory_space<vmem_shared>>) offsets(%dma_start3A_199 : memref<128xi32, #tpu.memory_space<vmem>>) semaphore(%arg22 : memref<!tpu.dma_semaphore, #tpu.memory_space<semaphore_mem>>) {add = true}
      %dma_wait3A_203 = arith.constant 0 : i32
      %dma_wait3A_204 = tpu.memref_slice %arg10[%add3A_148, %dma_wait3A_203] : memref<32x128xi32, #tpu.memory_space<vmem>> -> memref<1x128xi32, #tpu.memory_space<vmem>>
      %dma_wait3A_205 = tpu.memref_squeeze %dma_wait3A_204 : memref<1x128xi32, #tpu.memory_space<vmem>> -> memref<128xi32, #tpu.memory_space<vmem>>
      %dma_wait3A_206 = arith.constant 0 : i32
      %dma_wait3A_207 = arith.constant 0 : i32
      %dma_wait3A_208 = tpu.memref_slice %arg2[%dma_wait3A_206, %dma_wait3A_207] : memref<32768x128xf32, #tpu.memory_space<hbm>> -> memref<32768x128xf32, #tpu.memory_space<hbm>>
      tpu.wait_indirect_dma semaphore(%arg23 : memref<!tpu.dma_semaphore, #tpu.memory_space<semaphore_mem>>) src(%dma_wait3A_208 : memref<32768x128xf32, #tpu.memory_space<hbm>>) dst(%arg16 : memref<128x128xf32, #tpu.memory_space<vmem>>)
      %mul3A_209 = arith.constant 2 : i32
      %mul3A_210 = arith.muli %add3A_88, %mul3A_209 : i32
      %add3A_211 = arith.constant 1 : i32
      %add3A_212 = arith.addi %mul3A_210, %add3A_211 : i32
      %dma_start3A_213 = arith.constant 0 : i32
      %dma_start3A_214 = tpu.memref_slice %arg11[%add3A_212, %dma_start3A_213] : memref<32x128xi32, #tpu.memory_space<vmem>> -> memref<1x128xi32, #tpu.memory_space<vmem>>
      %dma_start3A_215 = tpu.memref_squeeze %dma_start3A_214 : memref<1x128xi32, #tpu.memory_space<vmem>> -> memref<128xi32, #tpu.memory_space<vmem>>
      %dma_start3A_216 = arith.constant 0 : i32
      %dma_start3A_217 = arith.constant 0 : i32
      %dma_start3A_218 = tpu.memref_slice %arg18[%dma_start3A_216, %dma_start3A_217] : memref<1024x128xf32, #tpu.memory_space<vmem_shared>> -> memref<1024x128xf32, #tpu.memory_space<vmem_shared>>
      tpu.enqueue_indirect_dma source(%arg16 : memref<128x128xf32, #tpu.memory_space<vmem>>) target(%dma_start3A_218 : memref<1024x128xf32, #tpu.memory_space<vmem_shared>>) offsets(%dma_start3A_215 : memref<128xi32, #tpu.memory_space<vmem>>) semaphore(%arg23 : memref<!tpu.dma_semaphore, #tpu.memory_space<semaphore_mem>>) {add = true}
      %gt3A = arith.constant 0 : i32
      %gt3A_219 = arith.cmpi sgt, %add3A_88, %gt3A : i32
      %convert_element_type3A = arith.extui %gt3A_219 : i1 to i32
      %cond3A = arith.constant 0 : i32
      %cond3A_220 = arith.cmpi ne, %convert_element_type3A, %cond3A : i32
      scf.if %cond3A_220 {
        %sub3A_424 = arith.constant 1 : i32
        %sub3A_425 = arith.subi %add3A_91, %sub3A_424 : i32
        %mul3A_426 = arith.constant 1024 : i32
        %mul3A_427 = arith.muli %sub3A_425, %mul3A_426 : i32
        %mul3A_428 = arith.constant 64 : i32
        %mul3A_429 = arith.muli %arg1, %mul3A_428 : i32
        %add3A_430 = arith.addi %mul3A_427, %mul3A_429 : i32
        "tpu.region"() ({
          %run_scoped3A = tpu.sem_alloc : memref<!tpu.dma_semaphore, #tpu.memory_space<semaphore_mem>>
          %dma_start3A_431 = arith.constant 0 : i32
          %dma_start3A_432 = tpu.memref_slice %arg8[%add3A_430, %dma_start3A_431] : memref<32768x128xf32, #tpu.memory_space<hbm>> -> memref<64x128xf32, #tpu.memory_space<hbm>>
          %dma_start3A_433 = arith.constant 0 : i32
          %dma_start3A_434 = tpu.memref_slice %arg19[%mul3A_3, %dma_start3A_433] : memref<1024x128xf32, #tpu.memory_space<vmem_shared>> -> memref<64x128xf32, #tpu.memory_space<vmem_shared>>
          tpu.enqueue_dma source(%dma_start3A_434 : memref<64x128xf32, #tpu.memory_space<vmem_shared>>) target(%dma_start3A_432 : memref<64x128xf32, #tpu.memory_space<hbm>>) target_semaphore(%run_scoped3A : memref<!tpu.dma_semaphore, #tpu.memory_space<semaphore_mem>>)
          %dma_wait3A_435 = arith.constant 0 : i32
          %dma_wait3A_436 = tpu.memref_slice %arg8[%add3A_430, %dma_wait3A_435] : memref<32768x128xf32, #tpu.memory_space<hbm>> -> memref<64x128xf32, #tpu.memory_space<hbm>>
          %dma_wait3A_437 = arith.constant 0 : i32
          %dma_wait3A_438 = tpu.memref_slice %arg19[%mul3A_3, %dma_wait3A_437] : memref<1024x128xf32, #tpu.memory_space<vmem_shared>> -> memref<64x128xf32, #tpu.memory_space<vmem_shared>>
          tpu.wait_dma2 semaphore(%run_scoped3A : memref<!tpu.dma_semaphore, #tpu.memory_space<semaphore_mem>>) src(%dma_wait3A_438 : memref<64x128xf32, #tpu.memory_space<vmem_shared>>) dst(%dma_wait3A_436 : memref<64x128xf32, #tpu.memory_space<hbm>>)
          tpu.yield
        }) : () -> ()
        "tpu.region"() ({
          %run_scoped3A = tpu.sem_alloc : memref<!tpu.dma_semaphore, #tpu.memory_space<semaphore_mem>>
          %dma_start3A_431 = arith.constant 0 : i32
          %dma_start3A_432 = tpu.memref_slice %arg19[%mul3A_3, %dma_start3A_431] : memref<1024x128xf32, #tpu.memory_space<vmem_shared>> -> memref<64x128xf32, #tpu.memory_space<vmem_shared>>
          %dma_start3A_433 = arith.constant 0 : i32
          %dma_start3A_434 = tpu.memref_slice %arg19[%mul3A_3, %dma_start3A_433] : memref<1024x128xf32, #tpu.memory_space<vmem_shared>> -> memref<64x128xf32, #tpu.memory_space<vmem_shared>>
          tpu.enqueue_dma source(%arg17 : memref<64x128xf32, #tpu.memory_space<vmem>>) target(%dma_start3A_434 : memref<64x128xf32, #tpu.memory_space<vmem_shared>>) target_semaphore(%run_scoped3A : memref<!tpu.dma_semaphore, #tpu.memory_space<semaphore_mem>>)
          %dma_wait3A_435 = arith.constant 0 : i32
          %dma_wait3A_436 = tpu.memref_slice %arg19[%mul3A_3, %dma_wait3A_435] : memref<1024x128xf32, #tpu.memory_space<vmem_shared>> -> memref<64x128xf32, #tpu.memory_space<vmem_shared>>
          %dma_wait3A_437 = arith.constant 0 : i32
          %dma_wait3A_438 = tpu.memref_slice %arg19[%mul3A_3, %dma_wait3A_437] : memref<1024x128xf32, #tpu.memory_space<vmem_shared>> -> memref<64x128xf32, #tpu.memory_space<vmem_shared>>
          tpu.wait_dma2 semaphore(%run_scoped3A : memref<!tpu.dma_semaphore, #tpu.memory_space<semaphore_mem>>) src(%arg17 : memref<64x128xf32, #tpu.memory_space<vmem>>) dst(%dma_wait3A_438 : memref<64x128xf32, #tpu.memory_space<vmem_shared>>)
          tpu.yield
        }) : () -> ()
      } else {
      }
      %dma_wait3A_221 = arith.constant 0 : i32
      %dma_wait3A_222 = tpu.memref_slice %arg12[%add3A_164, %dma_wait3A_221] : memref<32x128xi32, #tpu.memory_space<vmem>> -> memref<1x128xi32, #tpu.memory_space<vmem>>
      %dma_wait3A_223 = tpu.memref_squeeze %dma_wait3A_222 : memref<1x128xi32, #tpu.memory_space<vmem>> -> memref<128xi32, #tpu.memory_space<vmem>>
      %dma_wait3A_224 = arith.constant 0 : i32
      %dma_wait3A_225 = arith.constant 0 : i32
      %dma_wait3A_226 = tpu.memref_slice %arg18[%dma_wait3A_224, %dma_wait3A_225] : memref<1024x128xf32, #tpu.memory_space<vmem_shared>> -> memref<1024x128xf32, #tpu.memory_space<vmem_shared>>
      tpu.wait_indirect_dma semaphore(%arg20 : memref<!tpu.dma_semaphore, #tpu.memory_space<semaphore_mem>>) src(%arg13 : memref<128x128xf32, #tpu.memory_space<vmem>>) dst(%dma_wait3A_226 : memref<1024x128xf32, #tpu.memory_space<vmem_shared>>)
      %dma_wait3A_227 = arith.constant 0 : i32
      %dma_wait3A_228 = tpu.memref_slice %arg11[%add3A_180, %dma_wait3A_227] : memref<32x128xi32, #tpu.memory_space<vmem>> -> memref<1x128xi32, #tpu.memory_space<vmem>>
      %dma_wait3A_229 = tpu.memref_squeeze %dma_wait3A_228 : memref<1x128xi32, #tpu.memory_space<vmem>> -> memref<128xi32, #tpu.memory_space<vmem>>
      %dma_wait3A_230 = arith.constant 0 : i32
      %dma_wait3A_231 = arith.constant 0 : i32
      %dma_wait3A_232 = tpu.memref_slice %arg18[%dma_wait3A_230, %dma_wait3A_231] : memref<1024x128xf32, #tpu.memory_space<vmem_shared>> -> memref<1024x128xf32, #tpu.memory_space<vmem_shared>>
      tpu.wait_indirect_dma semaphore(%arg21 : memref<!tpu.dma_semaphore, #tpu.memory_space<semaphore_mem>>) src(%arg14 : memref<128x128xf32, #tpu.memory_space<vmem>>) dst(%dma_wait3A_232 : memref<1024x128xf32, #tpu.memory_space<vmem_shared>>)
      %dma_wait3A_233 = arith.constant 0 : i32
      %dma_wait3A_234 = tpu.memref_slice %arg12[%add3A_196, %dma_wait3A_233] : memref<32x128xi32, #tpu.memory_space<vmem>> -> memref<1x128xi32, #tpu.memory_space<vmem>>
      %dma_wait3A_235 = tpu.memref_squeeze %dma_wait3A_234 : memref<1x128xi32, #tpu.memory_space<vmem>> -> memref<128xi32, #tpu.memory_space<vmem>>
      %dma_wait3A_236 = arith.constant 0 : i32
      %dma_wait3A_237 = arith.constant 0 : i32
      %dma_wait3A_238 = tpu.memref_slice %arg18[%dma_wait3A_236, %dma_wait3A_237] : memref<1024x128xf32, #tpu.memory_space<vmem_shared>> -> memref<1024x128xf32, #tpu.memory_space<vmem_shared>>
      tpu.wait_indirect_dma semaphore(%arg22 : memref<!tpu.dma_semaphore, #tpu.memory_space<semaphore_mem>>) src(%arg15 : memref<128x128xf32, #tpu.memory_space<vmem>>) dst(%dma_wait3A_238 : memref<1024x128xf32, #tpu.memory_space<vmem_shared>>)
      %dma_wait3A_239 = arith.constant 0 : i32
      %dma_wait3A_240 = tpu.memref_slice %arg11[%add3A_212, %dma_wait3A_239] : memref<32x128xi32, #tpu.memory_space<vmem>> -> memref<1x128xi32, #tpu.memory_space<vmem>>
      %dma_wait3A_241 = tpu.memref_squeeze %dma_wait3A_240 : memref<1x128xi32, #tpu.memory_space<vmem>> -> memref<128xi32, #tpu.memory_space<vmem>>
      %dma_wait3A_242 = arith.constant 0 : i32
      %dma_wait3A_243 = arith.constant 0 : i32
      %dma_wait3A_244 = tpu.memref_slice %arg18[%dma_wait3A_242, %dma_wait3A_243] : memref<1024x128xf32, #tpu.memory_space<vmem_shared>> -> memref<1024x128xf32, #tpu.memory_space<vmem_shared>>
      tpu.wait_indirect_dma semaphore(%arg23 : memref<!tpu.dma_semaphore, #tpu.memory_space<semaphore_mem>>) src(%arg16 : memref<128x128xf32, #tpu.memory_space<vmem>>) dst(%dma_wait3A_244 : memref<1024x128xf32, #tpu.memory_space<vmem_shared>>)
      %add3A_245 = arith.constant 1 : i32
      %add3A_246 = arith.addi %add3A_88, %add3A_245 : i32
      %lt3A = arith.constant 16 : i32
      %lt3A_247 = arith.cmpi slt, %add3A_246, %lt3A : i32
      %convert_element_type3A_248 = arith.extui %lt3A_247 : i1 to i32
      %cond3A_249 = arith.constant 0 : i32
      %cond3A_250 = arith.cmpi ne, %convert_element_type3A_248, %cond3A_249 : i32
      scf.if %cond3A_250 {
        %add3A_424 = arith.constant 1 : i32
        %add3A_425 = arith.addi %add3A_91, %add3A_424 : i32
        %mul3A_426 = arith.constant 32 : i32
        %mul3A_427 = arith.muli %add3A_425, %mul3A_426 : i32
        %mul3A_428 = arith.constant 2 : i32
        %mul3A_429 = arith.muli %arg1, %mul3A_428 : i32
        %add3A_430 = arith.addi %mul3A_427, %mul3A_429 : i32
        %add3A_431 = arith.constant 0 : i32
        %add3A_432 = arith.addi %add3A_430, %add3A_431 : i32
        %mul3A_433 = arith.constant 128 : i32
        %mul3A_434 = arith.muli %add3A_432, %mul3A_433 : i32
        %dma_start3A_435 = arith.constant 0 : i32
        %dma_start3A_436 = tpu.memref_slice %arg3[%mul3A_434, %dma_start3A_435] : memref<131072x128xf32, #tpu.memory_space<hbm>> -> memref<128x128xf32, #tpu.memory_space<hbm>>
        %dma_start3A_437 = arith.constant 0 : i32
        %dma_start3A_438 = tpu.memref_slice %arg3[%mul3A_434, %dma_start3A_437] : memref<131072x128xf32, #tpu.memory_space<hbm>> -> memref<128x128xf32, #tpu.memory_space<hbm>>
        tpu.enqueue_dma source(%dma_start3A_438 : memref<128x128xf32, #tpu.memory_space<hbm>>) target(%arg13 : memref<128x128xf32, #tpu.memory_space<vmem>>) target_semaphore(%arg20 : memref<!tpu.dma_semaphore, #tpu.memory_space<semaphore_mem>>)
        %add3A_439 = arith.constant 1 : i32
        %add3A_440 = arith.addi %add3A_91, %add3A_439 : i32
        %mul3A_441 = arith.constant 32 : i32
        %mul3A_442 = arith.muli %add3A_440, %mul3A_441 : i32
        %mul3A_443 = arith.constant 2 : i32
        %mul3A_444 = arith.muli %arg1, %mul3A_443 : i32
        %add3A_445 = arith.addi %mul3A_442, %mul3A_444 : i32
        %add3A_446 = arith.constant 0 : i32
        %add3A_447 = arith.addi %add3A_445, %add3A_446 : i32
        %mul3A_448 = arith.constant 128 : i32
        %mul3A_449 = arith.muli %add3A_447, %mul3A_448 : i32
        %dma_start3A_450 = arith.constant 0 : i32
        %dma_start3A_451 = tpu.memref_slice %arg3[%mul3A_449, %dma_start3A_450] : memref<131072x128xf32, #tpu.memory_space<hbm>> -> memref<128x128xf32, #tpu.memory_space<hbm>>
        %dma_start3A_452 = arith.constant 0 : i32
        %dma_start3A_453 = tpu.memref_slice %arg3[%mul3A_449, %dma_start3A_452] : memref<131072x128xf32, #tpu.memory_space<hbm>> -> memref<128x128xf32, #tpu.memory_space<hbm>>
        tpu.enqueue_dma source(%dma_start3A_453 : memref<128x128xf32, #tpu.memory_space<hbm>>) target(%arg14 : memref<128x128xf32, #tpu.memory_space<vmem>>) target_semaphore(%arg21 : memref<!tpu.dma_semaphore, #tpu.memory_space<semaphore_mem>>)
        %add3A_454 = arith.constant 1 : i32
        %add3A_455 = arith.addi %add3A_91, %add3A_454 : i32
        %mul3A_456 = arith.constant 32 : i32
        %mul3A_457 = arith.muli %add3A_455, %mul3A_456 : i32
        %mul3A_458 = arith.constant 2 : i32
        %mul3A_459 = arith.muli %arg1, %mul3A_458 : i32
        %add3A_460 = arith.addi %mul3A_457, %mul3A_459 : i32
        %add3A_461 = arith.constant 1 : i32
        %add3A_462 = arith.addi %add3A_460, %add3A_461 : i32
        %mul3A_463 = arith.constant 128 : i32
        %mul3A_464 = arith.muli %add3A_462, %mul3A_463 : i32
        %dma_start3A_465 = arith.constant 0 : i32
        %dma_start3A_466 = tpu.memref_slice %arg3[%mul3A_464, %dma_start3A_465] : memref<131072x128xf32, #tpu.memory_space<hbm>> -> memref<128x128xf32, #tpu.memory_space<hbm>>
        %dma_start3A_467 = arith.constant 0 : i32
        %dma_start3A_468 = tpu.memref_slice %arg3[%mul3A_464, %dma_start3A_467] : memref<131072x128xf32, #tpu.memory_space<hbm>> -> memref<128x128xf32, #tpu.memory_space<hbm>>
        tpu.enqueue_dma source(%dma_start3A_468 : memref<128x128xf32, #tpu.memory_space<hbm>>) target(%arg15 : memref<128x128xf32, #tpu.memory_space<vmem>>) target_semaphore(%arg22 : memref<!tpu.dma_semaphore, #tpu.memory_space<semaphore_mem>>)
        %add3A_469 = arith.constant 1 : i32
        %add3A_470 = arith.addi %add3A_91, %add3A_469 : i32
        %mul3A_471 = arith.constant 32 : i32
        %mul3A_472 = arith.muli %add3A_470, %mul3A_471 : i32
        %mul3A_473 = arith.constant 2 : i32
        %mul3A_474 = arith.muli %arg1, %mul3A_473 : i32
        %add3A_475 = arith.addi %mul3A_472, %mul3A_474 : i32
        %add3A_476 = arith.constant 1 : i32
        %add3A_477 = arith.addi %add3A_475, %add3A_476 : i32
        %mul3A_478 = arith.constant 128 : i32
        %mul3A_479 = arith.muli %add3A_477, %mul3A_478 : i32
        %dma_start3A_480 = arith.constant 0 : i32
        %dma_start3A_481 = tpu.memref_slice %arg3[%mul3A_479, %dma_start3A_480] : memref<131072x128xf32, #tpu.memory_space<hbm>> -> memref<128x128xf32, #tpu.memory_space<hbm>>
        %dma_start3A_482 = arith.constant 0 : i32
        %dma_start3A_483 = tpu.memref_slice %arg3[%mul3A_479, %dma_start3A_482] : memref<131072x128xf32, #tpu.memory_space<hbm>> -> memref<128x128xf32, #tpu.memory_space<hbm>>
        tpu.enqueue_dma source(%dma_start3A_483 : memref<128x128xf32, #tpu.memory_space<hbm>>) target(%arg16 : memref<128x128xf32, #tpu.memory_space<vmem>>) target_semaphore(%arg23 : memref<!tpu.dma_semaphore, #tpu.memory_space<semaphore_mem>>)
      } else {
      }
      %barrier3A_251 = arith.constant 0 : index
      tpu.barrier barrier_id(%barrier3A_251)
      %mul3A_252 = arith.constant 2 : i32
      %mul3A_253 = arith.muli %mul3A_252, %scan3A_84 : i32
      %add3A_254 = arith.constant 1 : i32
      %add3A_255 = arith.addi %mul3A_253, %add3A_254 : i32
      %mul3A_256 = arith.constant 16 : i32
      %mul3A_257 = arith.muli %arg0, %mul3A_256 : i32
      %add3A_258 = arith.addi %mul3A_257, %add3A_255 : i32
      %dma_wait3A_259 = arith.constant 0 : i32
      %dma_wait3A_260 = arith.constant 0 : i32
      %dma_wait3A_261 = tpu.memref_slice %arg3[%dma_wait3A_259, %dma_wait3A_260] : memref<131072x128xf32, #tpu.memory_space<hbm>> -> memref<128x128xf32, #tpu.memory_space<hbm>>
      %dma_wait3A_262 = arith.constant 0 : i32
      %dma_wait3A_263 = arith.constant 0 : i32
      %dma_wait3A_264 = tpu.memref_slice %arg3[%dma_wait3A_262, %dma_wait3A_263] : memref<131072x128xf32, #tpu.memory_space<hbm>> -> memref<128x128xf32, #tpu.memory_space<hbm>>
      tpu.wait_dma2 semaphore(%arg20 : memref<!tpu.dma_semaphore, #tpu.memory_space<semaphore_mem>>) src(%dma_wait3A_264 : memref<128x128xf32, #tpu.memory_space<hbm>>) dst(%arg13 : memref<128x128xf32, #tpu.memory_space<vmem>>)
      %mul3A_265 = arith.constant 2 : i32
      %mul3A_266 = arith.muli %add3A_255, %mul3A_265 : i32
      %add3A_267 = arith.constant 0 : i32
      %add3A_268 = arith.addi %mul3A_266, %add3A_267 : i32
      %dma_start3A_269 = arith.constant 0 : i32
      %dma_start3A_270 = tpu.memref_slice %arg9[%add3A_268, %dma_start3A_269] : memref<32x128xi32, #tpu.memory_space<vmem>> -> memref<1x128xi32, #tpu.memory_space<vmem>>
      %dma_start3A_271 = tpu.memref_squeeze %dma_start3A_270 : memref<1x128xi32, #tpu.memory_space<vmem>> -> memref<128xi32, #tpu.memory_space<vmem>>
      %dma_start3A_272 = arith.constant 0 : i32
      %dma_start3A_273 = arith.constant 0 : i32
      %dma_start3A_274 = tpu.memref_slice %arg2[%dma_start3A_272, %dma_start3A_273] : memref<32768x128xf32, #tpu.memory_space<hbm>> -> memref<32768x128xf32, #tpu.memory_space<hbm>>
      tpu.enqueue_indirect_dma source(%dma_start3A_274 : memref<32768x128xf32, #tpu.memory_space<hbm>>) target(%arg13 : memref<128x128xf32, #tpu.memory_space<vmem>>) offsets(%dma_start3A_271 : memref<128xi32, #tpu.memory_space<vmem>>) semaphore(%arg20 : memref<!tpu.dma_semaphore, #tpu.memory_space<semaphore_mem>>) {add = true}
      %dma_wait3A_275 = arith.constant 0 : i32
      %dma_wait3A_276 = arith.constant 0 : i32
      %dma_wait3A_277 = tpu.memref_slice %arg3[%dma_wait3A_275, %dma_wait3A_276] : memref<131072x128xf32, #tpu.memory_space<hbm>> -> memref<128x128xf32, #tpu.memory_space<hbm>>
      %dma_wait3A_278 = arith.constant 0 : i32
      %dma_wait3A_279 = arith.constant 0 : i32
      %dma_wait3A_280 = tpu.memref_slice %arg3[%dma_wait3A_278, %dma_wait3A_279] : memref<131072x128xf32, #tpu.memory_space<hbm>> -> memref<128x128xf32, #tpu.memory_space<hbm>>
      tpu.wait_dma2 semaphore(%arg21 : memref<!tpu.dma_semaphore, #tpu.memory_space<semaphore_mem>>) src(%dma_wait3A_280 : memref<128x128xf32, #tpu.memory_space<hbm>>) dst(%arg14 : memref<128x128xf32, #tpu.memory_space<vmem>>)
      %mul3A_281 = arith.constant 2 : i32
      %mul3A_282 = arith.muli %add3A_255, %mul3A_281 : i32
      %add3A_283 = arith.constant 0 : i32
      %add3A_284 = arith.addi %mul3A_282, %add3A_283 : i32
      %dma_start3A_285 = arith.constant 0 : i32
      %dma_start3A_286 = tpu.memref_slice %arg10[%add3A_284, %dma_start3A_285] : memref<32x128xi32, #tpu.memory_space<vmem>> -> memref<1x128xi32, #tpu.memory_space<vmem>>
      %dma_start3A_287 = tpu.memref_squeeze %dma_start3A_286 : memref<1x128xi32, #tpu.memory_space<vmem>> -> memref<128xi32, #tpu.memory_space<vmem>>
      %dma_start3A_288 = arith.constant 0 : i32
      %dma_start3A_289 = arith.constant 0 : i32
      %dma_start3A_290 = tpu.memref_slice %arg2[%dma_start3A_288, %dma_start3A_289] : memref<32768x128xf32, #tpu.memory_space<hbm>> -> memref<32768x128xf32, #tpu.memory_space<hbm>>
      tpu.enqueue_indirect_dma source(%dma_start3A_290 : memref<32768x128xf32, #tpu.memory_space<hbm>>) target(%arg14 : memref<128x128xf32, #tpu.memory_space<vmem>>) offsets(%dma_start3A_287 : memref<128xi32, #tpu.memory_space<vmem>>) semaphore(%arg21 : memref<!tpu.dma_semaphore, #tpu.memory_space<semaphore_mem>>) {add = true}
      %dma_wait3A_291 = arith.constant 0 : i32
      %dma_wait3A_292 = arith.constant 0 : i32
      %dma_wait3A_293 = tpu.memref_slice %arg3[%dma_wait3A_291, %dma_wait3A_292] : memref<131072x128xf32, #tpu.memory_space<hbm>> -> memref<128x128xf32, #tpu.memory_space<hbm>>
      %dma_wait3A_294 = arith.constant 0 : i32
      %dma_wait3A_295 = arith.constant 0 : i32
      %dma_wait3A_296 = tpu.memref_slice %arg3[%dma_wait3A_294, %dma_wait3A_295] : memref<131072x128xf32, #tpu.memory_space<hbm>> -> memref<128x128xf32, #tpu.memory_space<hbm>>
      tpu.wait_dma2 semaphore(%arg22 : memref<!tpu.dma_semaphore, #tpu.memory_space<semaphore_mem>>) src(%dma_wait3A_296 : memref<128x128xf32, #tpu.memory_space<hbm>>) dst(%arg15 : memref<128x128xf32, #tpu.memory_space<vmem>>)
      %mul3A_297 = arith.constant 2 : i32
      %mul3A_298 = arith.muli %add3A_255, %mul3A_297 : i32
      %add3A_299 = arith.constant 1 : i32
      %add3A_300 = arith.addi %mul3A_298, %add3A_299 : i32
      %dma_start3A_301 = arith.constant 0 : i32
      %dma_start3A_302 = tpu.memref_slice %arg9[%add3A_300, %dma_start3A_301] : memref<32x128xi32, #tpu.memory_space<vmem>> -> memref<1x128xi32, #tpu.memory_space<vmem>>
      %dma_start3A_303 = tpu.memref_squeeze %dma_start3A_302 : memref<1x128xi32, #tpu.memory_space<vmem>> -> memref<128xi32, #tpu.memory_space<vmem>>
      %dma_start3A_304 = arith.constant 0 : i32
      %dma_start3A_305 = arith.constant 0 : i32
      %dma_start3A_306 = tpu.memref_slice %arg2[%dma_start3A_304, %dma_start3A_305] : memref<32768x128xf32, #tpu.memory_space<hbm>> -> memref<32768x128xf32, #tpu.memory_space<hbm>>
      tpu.enqueue_indirect_dma source(%dma_start3A_306 : memref<32768x128xf32, #tpu.memory_space<hbm>>) target(%arg15 : memref<128x128xf32, #tpu.memory_space<vmem>>) offsets(%dma_start3A_303 : memref<128xi32, #tpu.memory_space<vmem>>) semaphore(%arg22 : memref<!tpu.dma_semaphore, #tpu.memory_space<semaphore_mem>>) {add = true}
      %dma_wait3A_307 = arith.constant 0 : i32
      %dma_wait3A_308 = arith.constant 0 : i32
      %dma_wait3A_309 = tpu.memref_slice %arg3[%dma_wait3A_307, %dma_wait3A_308] : memref<131072x128xf32, #tpu.memory_space<hbm>> -> memref<128x128xf32, #tpu.memory_space<hbm>>
      %dma_wait3A_310 = arith.constant 0 : i32
      %dma_wait3A_311 = arith.constant 0 : i32
      %dma_wait3A_312 = tpu.memref_slice %arg3[%dma_wait3A_310, %dma_wait3A_311] : memref<131072x128xf32, #tpu.memory_space<hbm>> -> memref<128x128xf32, #tpu.memory_space<hbm>>
      tpu.wait_dma2 semaphore(%arg23 : memref<!tpu.dma_semaphore, #tpu.memory_space<semaphore_mem>>) src(%dma_wait3A_312 : memref<128x128xf32, #tpu.memory_space<hbm>>) dst(%arg16 : memref<128x128xf32, #tpu.memory_space<vmem>>)
      %mul3A_313 = arith.constant 2 : i32
      %mul3A_314 = arith.muli %add3A_255, %mul3A_313 : i32
      %add3A_315 = arith.constant 1 : i32
      %add3A_316 = arith.addi %mul3A_314, %add3A_315 : i32
      %dma_start3A_317 = arith.constant 0 : i32
      %dma_start3A_318 = tpu.memref_slice %arg10[%add3A_316, %dma_start3A_317] : memref<32x128xi32, #tpu.memory_space<vmem>> -> memref<1x128xi32, #tpu.memory_space<vmem>>
      %dma_start3A_319 = tpu.memref_squeeze %dma_start3A_318 : memref<1x128xi32, #tpu.memory_space<vmem>> -> memref<128xi32, #tpu.memory_space<vmem>>
      %dma_start3A_320 = arith.constant 0 : i32
      %dma_start3A_321 = arith.constant 0 : i32
      %dma_start3A_322 = tpu.memref_slice %arg2[%dma_start3A_320, %dma_start3A_321] : memref<32768x128xf32, #tpu.memory_space<hbm>> -> memref<32768x128xf32, #tpu.memory_space<hbm>>
      tpu.enqueue_indirect_dma source(%dma_start3A_322 : memref<32768x128xf32, #tpu.memory_space<hbm>>) target(%arg16 : memref<128x128xf32, #tpu.memory_space<vmem>>) offsets(%dma_start3A_319 : memref<128xi32, #tpu.memory_space<vmem>>) semaphore(%arg23 : memref<!tpu.dma_semaphore, #tpu.memory_space<semaphore_mem>>) {add = true}
      %dma_wait3A_323 = arith.constant 0 : i32
      %dma_wait3A_324 = tpu.memref_slice %arg9[%add3A_268, %dma_wait3A_323] : memref<32x128xi32, #tpu.memory_space<vmem>> -> memref<1x128xi32, #tpu.memory_space<vmem>>
      %dma_wait3A_325 = tpu.memref_squeeze %dma_wait3A_324 : memref<1x128xi32, #tpu.memory_space<vmem>> -> memref<128xi32, #tpu.memory_space<vmem>>
      %dma_wait3A_326 = arith.constant 0 : i32
      %dma_wait3A_327 = arith.constant 0 : i32
      %dma_wait3A_328 = tpu.memref_slice %arg2[%dma_wait3A_326, %dma_wait3A_327] : memref<32768x128xf32, #tpu.memory_space<hbm>> -> memref<32768x128xf32, #tpu.memory_space<hbm>>
      tpu.wait_indirect_dma semaphore(%arg20 : memref<!tpu.dma_semaphore, #tpu.memory_space<semaphore_mem>>) src(%dma_wait3A_328 : memref<32768x128xf32, #tpu.memory_space<hbm>>) dst(%arg13 : memref<128x128xf32, #tpu.memory_space<vmem>>)
      %mul3A_329 = arith.constant 2 : i32
      %mul3A_330 = arith.muli %add3A_255, %mul3A_329 : i32
      %add3A_331 = arith.constant 0 : i32
      %add3A_332 = arith.addi %mul3A_330, %add3A_331 : i32
      %dma_start3A_333 = arith.constant 0 : i32
      %dma_start3A_334 = tpu.memref_slice %arg12[%add3A_332, %dma_start3A_333] : memref<32x128xi32, #tpu.memory_space<vmem>> -> memref<1x128xi32, #tpu.memory_space<vmem>>
      %dma_start3A_335 = tpu.memref_squeeze %dma_start3A_334 : memref<1x128xi32, #tpu.memory_space<vmem>> -> memref<128xi32, #tpu.memory_space<vmem>>
      %dma_start3A_336 = arith.constant 0 : i32
      %dma_start3A_337 = arith.constant 0 : i32
      %dma_start3A_338 = tpu.memref_slice %arg19[%dma_start3A_336, %dma_start3A_337] : memref<1024x128xf32, #tpu.memory_space<vmem_shared>> -> memref<1024x128xf32, #tpu.memory_space<vmem_shared>>
      tpu.enqueue_indirect_dma source(%arg13 : memref<128x128xf32, #tpu.memory_space<vmem>>) target(%dma_start3A_338 : memref<1024x128xf32, #tpu.memory_space<vmem_shared>>) offsets(%dma_start3A_335 : memref<128xi32, #tpu.memory_space<vmem>>) semaphore(%arg20 : memref<!tpu.dma_semaphore, #tpu.memory_space<semaphore_mem>>) {add = true}
      %dma_wait3A_339 = arith.constant 0 : i32
      %dma_wait3A_340 = tpu.memref_slice %arg10[%add3A_284, %dma_wait3A_339] : memref<32x128xi32, #tpu.memory_space<vmem>> -> memref<1x128xi32, #tpu.memory_space<vmem>>
      %dma_wait3A_341 = tpu.memref_squeeze %dma_wait3A_340 : memref<1x128xi32, #tpu.memory_space<vmem>> -> memref<128xi32, #tpu.memory_space<vmem>>
      %dma_wait3A_342 = arith.constant 0 : i32
      %dma_wait3A_343 = arith.constant 0 : i32
      %dma_wait3A_344 = tpu.memref_slice %arg2[%dma_wait3A_342, %dma_wait3A_343] : memref<32768x128xf32, #tpu.memory_space<hbm>> -> memref<32768x128xf32, #tpu.memory_space<hbm>>
      tpu.wait_indirect_dma semaphore(%arg21 : memref<!tpu.dma_semaphore, #tpu.memory_space<semaphore_mem>>) src(%dma_wait3A_344 : memref<32768x128xf32, #tpu.memory_space<hbm>>) dst(%arg14 : memref<128x128xf32, #tpu.memory_space<vmem>>)
      %mul3A_345 = arith.constant 2 : i32
      %mul3A_346 = arith.muli %add3A_255, %mul3A_345 : i32
      %add3A_347 = arith.constant 0 : i32
      %add3A_348 = arith.addi %mul3A_346, %add3A_347 : i32
      %dma_start3A_349 = arith.constant 0 : i32
      %dma_start3A_350 = tpu.memref_slice %arg11[%add3A_348, %dma_start3A_349] : memref<32x128xi32, #tpu.memory_space<vmem>> -> memref<1x128xi32, #tpu.memory_space<vmem>>
      %dma_start3A_351 = tpu.memref_squeeze %dma_start3A_350 : memref<1x128xi32, #tpu.memory_space<vmem>> -> memref<128xi32, #tpu.memory_space<vmem>>
      %dma_start3A_352 = arith.constant 0 : i32
      %dma_start3A_353 = arith.constant 0 : i32
      %dma_start3A_354 = tpu.memref_slice %arg19[%dma_start3A_352, %dma_start3A_353] : memref<1024x128xf32, #tpu.memory_space<vmem_shared>> -> memref<1024x128xf32, #tpu.memory_space<vmem_shared>>
      tpu.enqueue_indirect_dma source(%arg14 : memref<128x128xf32, #tpu.memory_space<vmem>>) target(%dma_start3A_354 : memref<1024x128xf32, #tpu.memory_space<vmem_shared>>) offsets(%dma_start3A_351 : memref<128xi32, #tpu.memory_space<vmem>>) semaphore(%arg21 : memref<!tpu.dma_semaphore, #tpu.memory_space<semaphore_mem>>) {add = true}
      %dma_wait3A_355 = arith.constant 0 : i32
      %dma_wait3A_356 = tpu.memref_slice %arg9[%add3A_300, %dma_wait3A_355] : memref<32x128xi32, #tpu.memory_space<vmem>> -> memref<1x128xi32, #tpu.memory_space<vmem>>
      %dma_wait3A_357 = tpu.memref_squeeze %dma_wait3A_356 : memref<1x128xi32, #tpu.memory_space<vmem>> -> memref<128xi32, #tpu.memory_space<vmem>>
      %dma_wait3A_358 = arith.constant 0 : i32
      %dma_wait3A_359 = arith.constant 0 : i32
      %dma_wait3A_360 = tpu.memref_slice %arg2[%dma_wait3A_358, %dma_wait3A_359] : memref<32768x128xf32, #tpu.memory_space<hbm>> -> memref<32768x128xf32, #tpu.memory_space<hbm>>
      tpu.wait_indirect_dma semaphore(%arg22 : memref<!tpu.dma_semaphore, #tpu.memory_space<semaphore_mem>>) src(%dma_wait3A_360 : memref<32768x128xf32, #tpu.memory_space<hbm>>) dst(%arg15 : memref<128x128xf32, #tpu.memory_space<vmem>>)
      %mul3A_361 = arith.constant 2 : i32
      %mul3A_362 = arith.muli %add3A_255, %mul3A_361 : i32
      %add3A_363 = arith.constant 1 : i32
      %add3A_364 = arith.addi %mul3A_362, %add3A_363 : i32
      %dma_start3A_365 = arith.constant 0 : i32
      %dma_start3A_366 = tpu.memref_slice %arg12[%add3A_364, %dma_start3A_365] : memref<32x128xi32, #tpu.memory_space<vmem>> -> memref<1x128xi32, #tpu.memory_space<vmem>>
      %dma_start3A_367 = tpu.memref_squeeze %dma_start3A_366 : memref<1x128xi32, #tpu.memory_space<vmem>> -> memref<128xi32, #tpu.memory_space<vmem>>
      %dma_start3A_368 = arith.constant 0 : i32
      %dma_start3A_369 = arith.constant 0 : i32
      %dma_start3A_370 = tpu.memref_slice %arg19[%dma_start3A_368, %dma_start3A_369] : memref<1024x128xf32, #tpu.memory_space<vmem_shared>> -> memref<1024x128xf32, #tpu.memory_space<vmem_shared>>
      tpu.enqueue_indirect_dma source(%arg15 : memref<128x128xf32, #tpu.memory_space<vmem>>) target(%dma_start3A_370 : memref<1024x128xf32, #tpu.memory_space<vmem_shared>>) offsets(%dma_start3A_367 : memref<128xi32, #tpu.memory_space<vmem>>) semaphore(%arg22 : memref<!tpu.dma_semaphore, #tpu.memory_space<semaphore_mem>>) {add = true}
      %dma_wait3A_371 = arith.constant 0 : i32
      %dma_wait3A_372 = tpu.memref_slice %arg10[%add3A_316, %dma_wait3A_371] : memref<32x128xi32, #tpu.memory_space<vmem>> -> memref<1x128xi32, #tpu.memory_space<vmem>>
      %dma_wait3A_373 = tpu.memref_squeeze %dma_wait3A_372 : memref<1x128xi32, #tpu.memory_space<vmem>> -> memref<128xi32, #tpu.memory_space<vmem>>
      %dma_wait3A_374 = arith.constant 0 : i32
      %dma_wait3A_375 = arith.constant 0 : i32
      %dma_wait3A_376 = tpu.memref_slice %arg2[%dma_wait3A_374, %dma_wait3A_375] : memref<32768x128xf32, #tpu.memory_space<hbm>> -> memref<32768x128xf32, #tpu.memory_space<hbm>>
      tpu.wait_indirect_dma semaphore(%arg23 : memref<!tpu.dma_semaphore, #tpu.memory_space<semaphore_mem>>) src(%dma_wait3A_376 : memref<32768x128xf32, #tpu.memory_space<hbm>>) dst(%arg16 : memref<128x128xf32, #tpu.memory_space<vmem>>)
      %mul3A_377 = arith.constant 2 : i32
      %mul3A_378 = arith.muli %add3A_255, %mul3A_377 : i32
      %add3A_379 = arith.constant 1 : i32
      %add3A_380 = arith.addi %mul3A_378, %add3A_379 : i32
      %dma_start3A_381 = arith.constant 0 : i32
      %dma_start3A_382 = tpu.memref_slice %arg11[%add3A_380, %dma_start3A_381] : memref<32x128xi32, #tpu.memory_space<vmem>> -> memref<1x128xi32, #tpu.memory_space<vmem>>
      %dma_start3A_383 = tpu.memref_squeeze %dma_start3A_382 : memref<1x128xi32, #tpu.memory_space<vmem>> -> memref<128xi32, #tpu.memory_space<vmem>>
      %dma_start3A_384 = arith.constant 0 : i32
      %dma_start3A_385 = arith.constant 0 : i32
      %dma_start3A_386 = tpu.memref_slice %arg19[%dma_start3A_384, %dma_start3A_385] : memref<1024x128xf32, #tpu.memory_space<vmem_shared>> -> memref<1024x128xf32, #tpu.memory_space<vmem_shared>>
      tpu.enqueue_indirect_dma source(%arg16 : memref<128x128xf32, #tpu.memory_space<vmem>>) target(%dma_start3A_386 : memref<1024x128xf32, #tpu.memory_space<vmem_shared>>) offsets(%dma_start3A_383 : memref<128xi32, #tpu.memory_space<vmem>>) semaphore(%arg23 : memref<!tpu.dma_semaphore, #tpu.memory_space<semaphore_mem>>) {add = true}
      %gt3A_387 = arith.constant 0 : i32
      %gt3A_388 = arith.cmpi sgt, %add3A_255, %gt3A_387 : i32
      %convert_element_type3A_389 = arith.extui %gt3A_388 : i1 to i32
      %cond3A_390 = arith.constant 0 : i32
      %cond3A_391 = arith.cmpi ne, %convert_element_type3A_389, %cond3A_390 : i32
      scf.if %cond3A_391 {
        %sub3A_424 = arith.constant 1 : i32
        %sub3A_425 = arith.subi %add3A_258, %sub3A_424 : i32
        %mul3A_426 = arith.constant 1024 : i32
        %mul3A_427 = arith.muli %sub3A_425, %mul3A_426 : i32
        %mul3A_428 = arith.constant 64 : i32
        %mul3A_429 = arith.muli %arg1, %mul3A_428 : i32
        %add3A_430 = arith.addi %mul3A_427, %mul3A_429 : i32
        "tpu.region"() ({
          %run_scoped3A = tpu.sem_alloc : memref<!tpu.dma_semaphore, #tpu.memory_space<semaphore_mem>>
          %dma_start3A_431 = arith.constant 0 : i32
          %dma_start3A_432 = tpu.memref_slice %arg8[%add3A_430, %dma_start3A_431] : memref<32768x128xf32, #tpu.memory_space<hbm>> -> memref<64x128xf32, #tpu.memory_space<hbm>>
          %dma_start3A_433 = arith.constant 0 : i32
          %dma_start3A_434 = tpu.memref_slice %arg18[%mul3A_3, %dma_start3A_433] : memref<1024x128xf32, #tpu.memory_space<vmem_shared>> -> memref<64x128xf32, #tpu.memory_space<vmem_shared>>
          tpu.enqueue_dma source(%dma_start3A_434 : memref<64x128xf32, #tpu.memory_space<vmem_shared>>) target(%dma_start3A_432 : memref<64x128xf32, #tpu.memory_space<hbm>>) target_semaphore(%run_scoped3A : memref<!tpu.dma_semaphore, #tpu.memory_space<semaphore_mem>>)
          %dma_wait3A_435 = arith.constant 0 : i32
          %dma_wait3A_436 = tpu.memref_slice %arg8[%add3A_430, %dma_wait3A_435] : memref<32768x128xf32, #tpu.memory_space<hbm>> -> memref<64x128xf32, #tpu.memory_space<hbm>>
          %dma_wait3A_437 = arith.constant 0 : i32
          %dma_wait3A_438 = tpu.memref_slice %arg18[%mul3A_3, %dma_wait3A_437] : memref<1024x128xf32, #tpu.memory_space<vmem_shared>> -> memref<64x128xf32, #tpu.memory_space<vmem_shared>>
          tpu.wait_dma2 semaphore(%run_scoped3A : memref<!tpu.dma_semaphore, #tpu.memory_space<semaphore_mem>>) src(%dma_wait3A_438 : memref<64x128xf32, #tpu.memory_space<vmem_shared>>) dst(%dma_wait3A_436 : memref<64x128xf32, #tpu.memory_space<hbm>>)
          tpu.yield
        }) : () -> ()
        "tpu.region"() ({
          %run_scoped3A = tpu.sem_alloc : memref<!tpu.dma_semaphore, #tpu.memory_space<semaphore_mem>>
          %dma_start3A_431 = arith.constant 0 : i32
          %dma_start3A_432 = tpu.memref_slice %arg18[%mul3A_3, %dma_start3A_431] : memref<1024x128xf32, #tpu.memory_space<vmem_shared>> -> memref<64x128xf32, #tpu.memory_space<vmem_shared>>
          %dma_start3A_433 = arith.constant 0 : i32
          %dma_start3A_434 = tpu.memref_slice %arg18[%mul3A_3, %dma_start3A_433] : memref<1024x128xf32, #tpu.memory_space<vmem_shared>> -> memref<64x128xf32, #tpu.memory_space<vmem_shared>>
          tpu.enqueue_dma source(%arg17 : memref<64x128xf32, #tpu.memory_space<vmem>>) target(%dma_start3A_434 : memref<64x128xf32, #tpu.memory_space<vmem_shared>>) target_semaphore(%run_scoped3A : memref<!tpu.dma_semaphore, #tpu.memory_space<semaphore_mem>>)
          %dma_wait3A_435 = arith.constant 0 : i32
          %dma_wait3A_436 = tpu.memref_slice %arg18[%mul3A_3, %dma_wait3A_435] : memref<1024x128xf32, #tpu.memory_space<vmem_shared>> -> memref<64x128xf32, #tpu.memory_space<vmem_shared>>
          %dma_wait3A_437 = arith.constant 0 : i32
          %dma_wait3A_438 = tpu.memref_slice %arg18[%mul3A_3, %dma_wait3A_437] : memref<1024x128xf32, #tpu.memory_space<vmem_shared>> -> memref<64x128xf32, #tpu.memory_space<vmem_shared>>
          tpu.wait_dma2 semaphore(%run_scoped3A : memref<!tpu.dma_semaphore, #tpu.memory_space<semaphore_mem>>) src(%arg17 : memref<64x128xf32, #tpu.memory_space<vmem>>) dst(%dma_wait3A_438 : memref<64x128xf32, #tpu.memory_space<vmem_shared>>)
          tpu.yield
        }) : () -> ()
      } else {
      }
      %dma_wait3A_392 = arith.constant 0 : i32
      %dma_wait3A_393 = tpu.memref_slice %arg12[%add3A_332, %dma_wait3A_392] : memref<32x128xi32, #tpu.memory_space<vmem>> -> memref<1x128xi32, #tpu.memory_space<vmem>>
      %dma_wait3A_394 = tpu.memref_squeeze %dma_wait3A_393 : memref<1x128xi32, #tpu.memory_space<vmem>> -> memref<128xi32, #tpu.memory_space<vmem>>
      %dma_wait3A_395 = arith.constant 0 : i32
      %dma_wait3A_396 = arith.constant 0 : i32
      %dma_wait3A_397 = tpu.memref_slice %arg19[%dma_wait3A_395, %dma_wait3A_396] : memref<1024x128xf32, #tpu.memory_space<vmem_shared>> -> memref<1024x128xf32, #tpu.memory_space<vmem_shared>>
      tpu.wait_indirect_dma semaphore(%arg20 : memref<!tpu.dma_semaphore, #tpu.memory_space<semaphore_mem>>) src(%arg13 : memref<128x128xf32, #tpu.memory_space<vmem>>) dst(%dma_wait3A_397 : memref<1024x128xf32, #tpu.memory_space<vmem_shared>>)
      %dma_wait3A_398 = arith.constant 0 : i32
      %dma_wait3A_399 = tpu.memref_slice %arg11[%add3A_348, %dma_wait3A_398] : memref<32x128xi32, #tpu.memory_space<vmem>> -> memref<1x128xi32, #tpu.memory_space<vmem>>
      %dma_wait3A_400 = tpu.memref_squeeze %dma_wait3A_399 : memref<1x128xi32, #tpu.memory_space<vmem>> -> memref<128xi32, #tpu.memory_space<vmem>>
      %dma_wait3A_401 = arith.constant 0 : i32
      %dma_wait3A_402 = arith.constant 0 : i32
      %dma_wait3A_403 = tpu.memref_slice %arg19[%dma_wait3A_401, %dma_wait3A_402] : memref<1024x128xf32, #tpu.memory_space<vmem_shared>> -> memref<1024x128xf32, #tpu.memory_space<vmem_shared>>
      tpu.wait_indirect_dma semaphore(%arg21 : memref<!tpu.dma_semaphore, #tpu.memory_space<semaphore_mem>>) src(%arg14 : memref<128x128xf32, #tpu.memory_space<vmem>>) dst(%dma_wait3A_403 : memref<1024x128xf32, #tpu.memory_space<vmem_shared>>)
      %dma_wait3A_404 = arith.constant 0 : i32
      %dma_wait3A_405 = tpu.memref_slice %arg12[%add3A_364, %dma_wait3A_404] : memref<32x128xi32, #tpu.memory_space<vmem>> -> memref<1x128xi32, #tpu.memory_space<vmem>>
      %dma_wait3A_406 = tpu.memref_squeeze %dma_wait3A_405 : memref<1x128xi32, #tpu.memory_space<vmem>> -> memref<128xi32, #tpu.memory_space<vmem>>
      %dma_wait3A_407 = arith.constant 0 : i32
      %dma_wait3A_408 = arith.constant 0 : i32
      %dma_wait3A_409 = tpu.memref_slice %arg19[%dma_wait3A_407, %dma_wait3A_408] : memref<1024x128xf32, #tpu.memory_space<vmem_shared>> -> memref<1024x128xf32, #tpu.memory_space<vmem_shared>>
      tpu.wait_indirect_dma semaphore(%arg22 : memref<!tpu.dma_semaphore, #tpu.memory_space<semaphore_mem>>) src(%arg15 : memref<128x128xf32, #tpu.memory_space<vmem>>) dst(%dma_wait3A_409 : memref<1024x128xf32, #tpu.memory_space<vmem_shared>>)
      %dma_wait3A_410 = arith.constant 0 : i32
      %dma_wait3A_411 = tpu.memref_slice %arg11[%add3A_380, %dma_wait3A_410] : memref<32x128xi32, #tpu.memory_space<vmem>> -> memref<1x128xi32, #tpu.memory_space<vmem>>
      %dma_wait3A_412 = tpu.memref_squeeze %dma_wait3A_411 : memref<1x128xi32, #tpu.memory_space<vmem>> -> memref<128xi32, #tpu.memory_space<vmem>>
      %dma_wait3A_413 = arith.constant 0 : i32
      %dma_wait3A_414 = arith.constant 0 : i32
      %dma_wait3A_415 = tpu.memref_slice %arg19[%dma_wait3A_413, %dma_wait3A_414] : memref<1024x128xf32, #tpu.memory_space<vmem_shared>> -> memref<1024x128xf32, #tpu.memory_space<vmem_shared>>
      tpu.wait_indirect_dma semaphore(%arg23 : memref<!tpu.dma_semaphore, #tpu.memory_space<semaphore_mem>>) src(%arg16 : memref<128x128xf32, #tpu.memory_space<vmem>>) dst(%dma_wait3A_415 : memref<1024x128xf32, #tpu.memory_space<vmem_shared>>)
      %add3A_416 = arith.constant 1 : i32
      %add3A_417 = arith.addi %add3A_255, %add3A_416 : i32
      %lt3A_418 = arith.constant 16 : i32
      %lt3A_419 = arith.cmpi slt, %add3A_417, %lt3A_418 : i32
      %convert_element_type3A_420 = arith.extui %lt3A_419 : i1 to i32
      %cond3A_421 = arith.constant 0 : i32
      %cond3A_422 = arith.cmpi ne, %convert_element_type3A_420, %cond3A_421 : i32
      scf.if %cond3A_422 {
        %add3A_424 = arith.constant 1 : i32
        %add3A_425 = arith.addi %add3A_258, %add3A_424 : i32
        %mul3A_426 = arith.constant 32 : i32
        %mul3A_427 = arith.muli %add3A_425, %mul3A_426 : i32
        %mul3A_428 = arith.constant 2 : i32
        %mul3A_429 = arith.muli %arg1, %mul3A_428 : i32
        %add3A_430 = arith.addi %mul3A_427, %mul3A_429 : i32
        %add3A_431 = arith.constant 0 : i32
        %add3A_432 = arith.addi %add3A_430, %add3A_431 : i32
        %mul3A_433 = arith.constant 128 : i32
        %mul3A_434 = arith.muli %add3A_432, %mul3A_433 : i32
        %dma_start3A_435 = arith.constant 0 : i32
        %dma_start3A_436 = tpu.memref_slice %arg3[%mul3A_434, %dma_start3A_435] : memref<131072x128xf32, #tpu.memory_space<hbm>> -> memref<128x128xf32, #tpu.memory_space<hbm>>
        %dma_start3A_437 = arith.constant 0 : i32
        %dma_start3A_438 = tpu.memref_slice %arg3[%mul3A_434, %dma_start3A_437] : memref<131072x128xf32, #tpu.memory_space<hbm>> -> memref<128x128xf32, #tpu.memory_space<hbm>>
        tpu.enqueue_dma source(%dma_start3A_438 : memref<128x128xf32, #tpu.memory_space<hbm>>) target(%arg13 : memref<128x128xf32, #tpu.memory_space<vmem>>) target_semaphore(%arg20 : memref<!tpu.dma_semaphore, #tpu.memory_space<semaphore_mem>>)
        %add3A_439 = arith.constant 1 : i32
        %add3A_440 = arith.addi %add3A_258, %add3A_439 : i32
        %mul3A_441 = arith.constant 32 : i32
        %mul3A_442 = arith.muli %add3A_440, %mul3A_441 : i32
        %mul3A_443 = arith.constant 2 : i32
        %mul3A_444 = arith.muli %arg1, %mul3A_443 : i32
        %add3A_445 = arith.addi %mul3A_442, %mul3A_444 : i32
        %add3A_446 = arith.constant 0 : i32
        %add3A_447 = arith.addi %add3A_445, %add3A_446 : i32
        %mul3A_448 = arith.constant 128 : i32
        %mul3A_449 = arith.muli %add3A_447, %mul3A_448 : i32
        %dma_start3A_450 = arith.constant 0 : i32
        %dma_start3A_451 = tpu.memref_slice %arg3[%mul3A_449, %dma_start3A_450] : memref<131072x128xf32, #tpu.memory_space<hbm>> -> memref<128x128xf32, #tpu.memory_space<hbm>>
        %dma_start3A_452 = arith.constant 0 : i32
        %dma_start3A_453 = tpu.memref_slice %arg3[%mul3A_449, %dma_start3A_452] : memref<131072x128xf32, #tpu.memory_space<hbm>> -> memref<128x128xf32, #tpu.memory_space<hbm>>
        tpu.enqueue_dma source(%dma_start3A_453 : memref<128x128xf32, #tpu.memory_space<hbm>>) target(%arg14 : memref<128x128xf32, #tpu.memory_space<vmem>>) target_semaphore(%arg21 : memref<!tpu.dma_semaphore, #tpu.memory_space<semaphore_mem>>)
        %add3A_454 = arith.constant 1 : i32
        %add3A_455 = arith.addi %add3A_258, %add3A_454 : i32
        %mul3A_456 = arith.constant 32 : i32
        %mul3A_457 = arith.muli %add3A_455, %mul3A_456 : i32
        %mul3A_458 = arith.constant 2 : i32
        %mul3A_459 = arith.muli %arg1, %mul3A_458 : i32
        %add3A_460 = arith.addi %mul3A_457, %mul3A_459 : i32
        %add3A_461 = arith.constant 1 : i32
        %add3A_462 = arith.addi %add3A_460, %add3A_461 : i32
        %mul3A_463 = arith.constant 128 : i32
        %mul3A_464 = arith.muli %add3A_462, %mul3A_463 : i32
        %dma_start3A_465 = arith.constant 0 : i32
        %dma_start3A_466 = tpu.memref_slice %arg3[%mul3A_464, %dma_start3A_465] : memref<131072x128xf32, #tpu.memory_space<hbm>> -> memref<128x128xf32, #tpu.memory_space<hbm>>
        %dma_start3A_467 = arith.constant 0 : i32
        %dma_start3A_468 = tpu.memref_slice %arg3[%mul3A_464, %dma_start3A_467] : memref<131072x128xf32, #tpu.memory_space<hbm>> -> memref<128x128xf32, #tpu.memory_space<hbm>>
        tpu.enqueue_dma source(%dma_start3A_468 : memref<128x128xf32, #tpu.memory_space<hbm>>) target(%arg15 : memref<128x128xf32, #tpu.memory_space<vmem>>) target_semaphore(%arg22 : memref<!tpu.dma_semaphore, #tpu.memory_space<semaphore_mem>>)
        %add3A_469 = arith.constant 1 : i32
        %add3A_470 = arith.addi %add3A_258, %add3A_469 : i32
        %mul3A_471 = arith.constant 32 : i32
        %mul3A_472 = arith.muli %add3A_470, %mul3A_471 : i32
        %mul3A_473 = arith.constant 2 : i32
        %mul3A_474 = arith.muli %arg1, %mul3A_473 : i32
        %add3A_475 = arith.addi %mul3A_472, %mul3A_474 : i32
        %add3A_476 = arith.constant 1 : i32
        %add3A_477 = arith.addi %add3A_475, %add3A_476 : i32
        %mul3A_478 = arith.constant 128 : i32
        %mul3A_479 = arith.muli %add3A_477, %mul3A_478 : i32
        %dma_start3A_480 = arith.constant 0 : i32
        %dma_start3A_481 = tpu.memref_slice %arg3[%mul3A_479, %dma_start3A_480] : memref<131072x128xf32, #tpu.memory_space<hbm>> -> memref<128x128xf32, #tpu.memory_space<hbm>>
        %dma_start3A_482 = arith.constant 0 : i32
        %dma_start3A_483 = tpu.memref_slice %arg3[%mul3A_479, %dma_start3A_482] : memref<131072x128xf32, #tpu.memory_space<hbm>> -> memref<128x128xf32, #tpu.memory_space<hbm>>
        tpu.enqueue_dma source(%dma_start3A_483 : memref<128x128xf32, #tpu.memory_space<hbm>>) target(%arg16 : memref<128x128xf32, #tpu.memory_space<vmem>>) target_semaphore(%arg23 : memref<!tpu.dma_semaphore, #tpu.memory_space<semaphore_mem>>)
      } else {
      }
      %barrier3A_423 = arith.constant 0 : index
      tpu.barrier barrier_id(%barrier3A_423)
    }
    %scan3A_73 = arith.constant 8 : i32
    %mul3A_74 = arith.constant 16 : i32
    %mul3A_75 = arith.muli %arg0, %mul3A_74 : i32
    %add3A_76 = arith.constant 16 : i32
    %add3A_77 = arith.addi %mul3A_75, %add3A_76 : i32
    %sub3A = arith.constant 1 : i32
    %sub3A_78 = arith.subi %add3A_77, %sub3A : i32
    %mul3A_79 = arith.constant 1024 : i32
    %mul3A_80 = arith.muli %sub3A_78, %mul3A_79 : i32
    %mul3A_81 = arith.constant 64 : i32
    %mul3A_82 = arith.muli %arg1, %mul3A_81 : i32
    %add3A_83 = arith.addi %mul3A_80, %mul3A_82 : i32
    "tpu.region"() ({
      %run_scoped3A = tpu.sem_alloc : memref<!tpu.dma_semaphore, #tpu.memory_space<semaphore_mem>>
      %dma_start3A_84 = arith.constant 0 : i32
      %dma_start3A_85 = tpu.memref_slice %arg8[%add3A_83, %dma_start3A_84] : memref<32768x128xf32, #tpu.memory_space<hbm>> -> memref<64x128xf32, #tpu.memory_space<hbm>>
      %dma_start3A_86 = arith.constant 0 : i32
      %dma_start3A_87 = tpu.memref_slice %arg19[%mul3A_3, %dma_start3A_86] : memref<1024x128xf32, #tpu.memory_space<vmem_shared>> -> memref<64x128xf32, #tpu.memory_space<vmem_shared>>
      tpu.enqueue_dma source(%dma_start3A_87 : memref<64x128xf32, #tpu.memory_space<vmem_shared>>) target(%dma_start3A_85 : memref<64x128xf32, #tpu.memory_space<hbm>>) target_semaphore(%run_scoped3A : memref<!tpu.dma_semaphore, #tpu.memory_space<semaphore_mem>>)
      %dma_wait3A = arith.constant 0 : i32
      %dma_wait3A_88 = tpu.memref_slice %arg8[%add3A_83, %dma_wait3A] : memref<32768x128xf32, #tpu.memory_space<hbm>> -> memref<64x128xf32, #tpu.memory_space<hbm>>
      %dma_wait3A_89 = arith.constant 0 : i32
      %dma_wait3A_90 = tpu.memref_slice %arg19[%mul3A_3, %dma_wait3A_89] : memref<1024x128xf32, #tpu.memory_space<vmem_shared>> -> memref<64x128xf32, #tpu.memory_space<vmem_shared>>
      tpu.wait_dma2 semaphore(%run_scoped3A : memref<!tpu.dma_semaphore, #tpu.memory_space<semaphore_mem>>) src(%dma_wait3A_90 : memref<64x128xf32, #tpu.memory_space<vmem_shared>>) dst(%dma_wait3A_88 : memref<64x128xf32, #tpu.memory_space<hbm>>)
      tpu.yield
    }) : () -> ()
    return
  }
}

#map = affine_map<(d0, d1) -> (0, 0)>
#map1 = affine_map<(d0, d1) -> (0, 0, 0)>
module attributes {stable_mosaic.version = 14 : i64} {
  func.func @k(%arg0: i32, %arg1: i32, %arg2: memref<50000x128xf32, #tpu.memory_space<hbm>>, %arg3: memref<32x8x128xi32, #tpu.memory_space<hbm>>, %arg4: memref<32768x128xf32, #tpu.memory_space<hbm>>, %arg5: memref<8x128xi32, #tpu.memory_space<vmem>>, %arg6: memref<128x128xf32, #tpu.memory_space<vmem>>, %arg7: memref<128x128xf32, #tpu.memory_space<vmem>>, %arg8: memref<128x128xf32, #tpu.memory_space<vmem>>, %arg9: memref<128x128xf32, #tpu.memory_space<vmem>>, %arg10: memref<!tpu.dma_semaphore, #tpu.memory_space<semaphore_mem>>, %arg11: memref<!tpu.dma_semaphore, #tpu.memory_space<semaphore_mem>>, %arg12: memref<!tpu.dma_semaphore, #tpu.memory_space<semaphore_mem>>, %arg13: memref<!tpu.dma_semaphore, #tpu.memory_space<semaphore_mem>>, %arg14: memref<!tpu.dma_semaphore, #tpu.memory_space<semaphore_mem>>, %arg15: memref<!tpu.dma_semaphore, #tpu.memory_space<semaphore_mem>>, %arg16: memref<!tpu.dma_semaphore, #tpu.memory_space<semaphore_mem>>, %arg17: memref<!tpu.dma_semaphore, #tpu.memory_space<semaphore_mem>>) attributes {dimension_semantics = [#tpu.dimension_semantics<core_parallel>, #tpu.dimension_semantics<subcore_parallel>], iteration_bounds = array<i64: 2, 16>, scalar_prefetch = 0 : i64, scratch_operands = 13 : i64, tpu.core_type = #tpu.core_type<sc_vector_subcore>, window_params = [{transform_indices = #map}, {transform_indices = #map1}, {transform_indices = #map}]} {
    %mul3A = arith.constant 16 : i32
    %mul3A_0 = arith.muli %arg0, %mul3A : i32
    %add3A = arith.addi %mul3A_0, %arg1 : i32
    "tpu.region"() ({
      %run_scoped3A = tpu.sem_alloc : memref<!tpu.dma_semaphore, #tpu.memory_space<semaphore_mem>>
      %dma_start3A_33 = arith.constant 0 : i32
      %dma_start3A_34 = arith.constant 0 : i32
      %dma_start3A_35 = tpu.memref_slice %arg3[%add3A, %dma_start3A_33, %dma_start3A_34] : memref<32x8x128xi32, #tpu.memory_space<hbm>> -> memref<1x8x128xi32, #tpu.memory_space<hbm>>
      %dma_start3A_36 = tpu.memref_squeeze %dma_start3A_35 : memref<1x8x128xi32, #tpu.memory_space<hbm>> -> memref<8x128xi32, #tpu.memory_space<hbm>>
      %dma_start3A_37 = arith.constant 0 : i32
      %dma_start3A_38 = arith.constant 0 : i32
      %dma_start3A_39 = tpu.memref_slice %arg3[%add3A, %dma_start3A_37, %dma_start3A_38] : memref<32x8x128xi32, #tpu.memory_space<hbm>> -> memref<1x8x128xi32, #tpu.memory_space<hbm>>
      %dma_start3A_40 = tpu.memref_squeeze %dma_start3A_39 : memref<1x8x128xi32, #tpu.memory_space<hbm>> -> memref<8x128xi32, #tpu.memory_space<hbm>>
      tpu.enqueue_dma source(%dma_start3A_40 : memref<8x128xi32, #tpu.memory_space<hbm>>) target(%arg5 : memref<8x128xi32, #tpu.memory_space<vmem>>) target_semaphore(%run_scoped3A : memref<!tpu.dma_semaphore, #tpu.memory_space<semaphore_mem>>)
      %dma_wait3A = arith.constant 0 : i32
      %dma_wait3A_41 = arith.constant 0 : i32
      %dma_wait3A_42 = tpu.memref_slice %arg3[%add3A, %dma_wait3A, %dma_wait3A_41] : memref<32x8x128xi32, #tpu.memory_space<hbm>> -> memref<1x8x128xi32, #tpu.memory_space<hbm>>
      %dma_wait3A_43 = tpu.memref_squeeze %dma_wait3A_42 : memref<1x8x128xi32, #tpu.memory_space<hbm>> -> memref<8x128xi32, #tpu.memory_space<hbm>>
      %dma_wait3A_44 = arith.constant 0 : i32
      %dma_wait3A_45 = arith.constant 0 : i32
      %dma_wait3A_46 = tpu.memref_slice %arg3[%add3A, %dma_wait3A_44, %dma_wait3A_45] : memref<32x8x128xi32, #tpu.memory_space<hbm>> -> memref<1x8x128xi32, #tpu.memory_space<hbm>>
      %dma_wait3A_47 = tpu.memref_squeeze %dma_wait3A_46 : memref<1x8x128xi32, #tpu.memory_space<hbm>> -> memref<8x128xi32, #tpu.memory_space<hbm>>
      tpu.wait_dma2 semaphore(%run_scoped3A : memref<!tpu.dma_semaphore, #tpu.memory_space<semaphore_mem>>) src(%dma_wait3A_47 : memref<8x128xi32, #tpu.memory_space<hbm>>) dst(%arg5 : memref<8x128xi32, #tpu.memory_space<vmem>>)
      tpu.yield
    }) : () -> ()
    %dma_start3A = arith.constant 0 : i32
    %dma_start3A_1 = arith.constant 0 : i32
    %dma_start3A_2 = tpu.memref_slice %arg5[%dma_start3A, %dma_start3A_1] : memref<8x128xi32, #tpu.memory_space<vmem>> -> memref<1x128xi32, #tpu.memory_space<vmem>>
    %dma_start3A_3 = tpu.memref_squeeze %dma_start3A_2 : memref<1x128xi32, #tpu.memory_space<vmem>> -> memref<128xi32, #tpu.memory_space<vmem>>
    %dma_start3A_4 = arith.constant 0 : i32
    %dma_start3A_5 = arith.constant 0 : i32
    %dma_start3A_6 = tpu.memref_slice %arg2[%dma_start3A_4, %dma_start3A_5] : memref<50000x128xf32, #tpu.memory_space<hbm>> -> memref<50000x128xf32, #tpu.memory_space<hbm>>
    tpu.enqueue_indirect_dma source(%dma_start3A_6 : memref<50000x128xf32, #tpu.memory_space<hbm>>) target(%arg6 : memref<128x128xf32, #tpu.memory_space<vmem>>) offsets(%dma_start3A_3 : memref<128xi32, #tpu.memory_space<vmem>>) semaphore(%arg10 : memref<!tpu.dma_semaphore, #tpu.memory_space<semaphore_mem>>)
    %dma_start3A_7 = arith.constant 1 : i32
    %dma_start3A_8 = arith.constant 0 : i32
    %dma_start3A_9 = tpu.memref_slice %arg5[%dma_start3A_7, %dma_start3A_8] : memref<8x128xi32, #tpu.memory_space<vmem>> -> memref<1x128xi32, #tpu.memory_space<vmem>>
    %dma_start3A_10 = tpu.memref_squeeze %dma_start3A_9 : memref<1x128xi32, #tpu.memory_space<vmem>> -> memref<128xi32, #tpu.memory_space<vmem>>
    %dma_start3A_11 = arith.constant 0 : i32
    %dma_start3A_12 = arith.constant 0 : i32
    %dma_start3A_13 = tpu.memref_slice %arg2[%dma_start3A_11, %dma_start3A_12] : memref<50000x128xf32, #tpu.memory_space<hbm>> -> memref<50000x128xf32, #tpu.memory_space<hbm>>
    tpu.enqueue_indirect_dma source(%dma_start3A_13 : memref<50000x128xf32, #tpu.memory_space<hbm>>) target(%arg7 : memref<128x128xf32, #tpu.memory_space<vmem>>) offsets(%dma_start3A_10 : memref<128xi32, #tpu.memory_space<vmem>>) semaphore(%arg11 : memref<!tpu.dma_semaphore, #tpu.memory_space<semaphore_mem>>)
    %dma_start3A_14 = arith.constant 2 : i32
    %dma_start3A_15 = arith.constant 0 : i32
    %dma_start3A_16 = tpu.memref_slice %arg5[%dma_start3A_14, %dma_start3A_15] : memref<8x128xi32, #tpu.memory_space<vmem>> -> memref<1x128xi32, #tpu.memory_space<vmem>>
    %dma_start3A_17 = tpu.memref_squeeze %dma_start3A_16 : memref<1x128xi32, #tpu.memory_space<vmem>> -> memref<128xi32, #tpu.memory_space<vmem>>
    %dma_start3A_18 = arith.constant 0 : i32
    %dma_start3A_19 = arith.constant 0 : i32
    %dma_start3A_20 = tpu.memref_slice %arg2[%dma_start3A_18, %dma_start3A_19] : memref<50000x128xf32, #tpu.memory_space<hbm>> -> memref<50000x128xf32, #tpu.memory_space<hbm>>
    tpu.enqueue_indirect_dma source(%dma_start3A_20 : memref<50000x128xf32, #tpu.memory_space<hbm>>) target(%arg8 : memref<128x128xf32, #tpu.memory_space<vmem>>) offsets(%dma_start3A_17 : memref<128xi32, #tpu.memory_space<vmem>>) semaphore(%arg12 : memref<!tpu.dma_semaphore, #tpu.memory_space<semaphore_mem>>)
    %dma_start3A_21 = arith.constant 3 : i32
    %dma_start3A_22 = arith.constant 0 : i32
    %dma_start3A_23 = tpu.memref_slice %arg5[%dma_start3A_21, %dma_start3A_22] : memref<8x128xi32, #tpu.memory_space<vmem>> -> memref<1x128xi32, #tpu.memory_space<vmem>>
    %dma_start3A_24 = tpu.memref_squeeze %dma_start3A_23 : memref<1x128xi32, #tpu.memory_space<vmem>> -> memref<128xi32, #tpu.memory_space<vmem>>
    %dma_start3A_25 = arith.constant 0 : i32
    %dma_start3A_26 = arith.constant 0 : i32
    %dma_start3A_27 = tpu.memref_slice %arg2[%dma_start3A_25, %dma_start3A_26] : memref<50000x128xf32, #tpu.memory_space<hbm>> -> memref<50000x128xf32, #tpu.memory_space<hbm>>
    tpu.enqueue_indirect_dma source(%dma_start3A_27 : memref<50000x128xf32, #tpu.memory_space<hbm>>) target(%arg9 : memref<128x128xf32, #tpu.memory_space<vmem>>) offsets(%dma_start3A_24 : memref<128xi32, #tpu.memory_space<vmem>>) semaphore(%arg13 : memref<!tpu.dma_semaphore, #tpu.memory_space<semaphore_mem>>)
    %scan3A = arith.constant 0 : i32
    %scan3A_28 = arith.constant 0 : i32
    %scan3A_29 = arith.constant 2 : i32
    %scan3A_30 = arith.addi %scan3A_28, %scan3A_29 : i32
    %scan3A_31 = arith.constant 1 : i32
    scf.for %scan3A_33 = %scan3A_28 to %scan3A_30 step %scan3A_31  : i32 {
      %mul3A_34 = arith.constant 4 : i32
      %mul3A_35 = arith.muli %mul3A_34, %scan3A_33 : i32
      %add3A_36 = arith.constant 0 : i32
      %add3A_37 = arith.addi %mul3A_35, %add3A_36 : i32
      %dma_wait3A = arith.constant 0 : i32
      %dma_wait3A_38 = arith.constant 0 : i32
      %dma_wait3A_39 = tpu.memref_slice %arg4[%dma_wait3A, %dma_wait3A_38] : memref<32768x128xf32, #tpu.memory_space<hbm>> -> memref<128x128xf32, #tpu.memory_space<hbm>>
      %dma_wait3A_40 = arith.constant 0 : i32
      %dma_wait3A_41 = arith.constant 0 : i32
      %dma_wait3A_42 = tpu.memref_slice %arg4[%dma_wait3A_40, %dma_wait3A_41] : memref<32768x128xf32, #tpu.memory_space<hbm>> -> memref<128x128xf32, #tpu.memory_space<hbm>>
      tpu.wait_dma2 semaphore(%arg10 : memref<!tpu.dma_semaphore, #tpu.memory_space<semaphore_mem>>) src(%dma_wait3A_42 : memref<128x128xf32, #tpu.memory_space<hbm>>) dst(%arg6 : memref<128x128xf32, #tpu.memory_space<vmem>>)
      %mul3A_43 = arith.constant 8 : i32
      %mul3A_44 = arith.muli %add3A, %mul3A_43 : i32
      %add3A_45 = arith.addi %mul3A_44, %add3A_37 : i32
      %mul3A_46 = arith.constant 128 : i32
      %mul3A_47 = arith.muli %add3A_45, %mul3A_46 : i32
      %dma_start3A_48 = arith.constant 0 : i32
      %dma_start3A_49 = tpu.memref_slice %arg4[%mul3A_47, %dma_start3A_48] : memref<32768x128xf32, #tpu.memory_space<hbm>> -> memref<128x128xf32, #tpu.memory_space<hbm>>
      %dma_start3A_50 = arith.constant 0 : i32
      %dma_start3A_51 = tpu.memref_slice %arg4[%mul3A_47, %dma_start3A_50] : memref<32768x128xf32, #tpu.memory_space<hbm>> -> memref<128x128xf32, #tpu.memory_space<hbm>>
      tpu.enqueue_dma source(%arg6 : memref<128x128xf32, #tpu.memory_space<vmem>>) target(%dma_start3A_51 : memref<128x128xf32, #tpu.memory_space<hbm>>) target_semaphore(%arg14 : memref<!tpu.dma_semaphore, #tpu.memory_space<semaphore_mem>>)
      %dma_wait3A_52 = arith.constant 0 : i32
      %dma_wait3A_53 = arith.constant 0 : i32
      %dma_wait3A_54 = tpu.memref_slice %arg4[%dma_wait3A_52, %dma_wait3A_53] : memref<32768x128xf32, #tpu.memory_space<hbm>> -> memref<128x128xf32, #tpu.memory_space<hbm>>
      %dma_wait3A_55 = arith.constant 0 : i32
      %dma_wait3A_56 = arith.constant 0 : i32
      %dma_wait3A_57 = tpu.memref_slice %arg4[%dma_wait3A_55, %dma_wait3A_56] : memref<32768x128xf32, #tpu.memory_space<hbm>> -> memref<128x128xf32, #tpu.memory_space<hbm>>
      tpu.wait_dma2 semaphore(%arg14 : memref<!tpu.dma_semaphore, #tpu.memory_space<semaphore_mem>>) src(%arg6 : memref<128x128xf32, #tpu.memory_space<vmem>>) dst(%dma_wait3A_57 : memref<128x128xf32, #tpu.memory_space<hbm>>)
      %add3A_58 = arith.constant 4 : i32
      %add3A_59 = arith.addi %add3A_37, %add3A_58 : i32
      %lt3A = arith.constant 8 : i32
      %lt3A_60 = arith.cmpi slt, %add3A_59, %lt3A : i32
      %convert_element_type3A = arith.extui %lt3A_60 : i1 to i32
      %cond3A = arith.constant 0 : i32
      %cond3A_61 = arith.cmpi ne, %convert_element_type3A, %cond3A : i32
      scf.if %cond3A_61 {
        %add3A_158 = arith.constant 4 : i32
        %add3A_159 = arith.addi %add3A_37, %add3A_158 : i32
        %dma_start3A_160 = arith.constant 0 : i32
        %dma_start3A_161 = tpu.memref_slice %arg5[%add3A_159, %dma_start3A_160] : memref<8x128xi32, #tpu.memory_space<vmem>> -> memref<1x128xi32, #tpu.memory_space<vmem>>
        %dma_start3A_162 = tpu.memref_squeeze %dma_start3A_161 : memref<1x128xi32, #tpu.memory_space<vmem>> -> memref<128xi32, #tpu.memory_space<vmem>>
        %dma_start3A_163 = arith.constant 0 : i32
        %dma_start3A_164 = arith.constant 0 : i32
        %dma_start3A_165 = tpu.memref_slice %arg2[%dma_start3A_163, %dma_start3A_164] : memref<50000x128xf32, #tpu.memory_space<hbm>> -> memref<50000x128xf32, #tpu.memory_space<hbm>>
        tpu.enqueue_indirect_dma source(%dma_start3A_165 : memref<50000x128xf32, #tpu.memory_space<hbm>>) target(%arg6 : memref<128x128xf32, #tpu.memory_space<vmem>>) offsets(%dma_start3A_162 : memref<128xi32, #tpu.memory_space<vmem>>) semaphore(%arg10 : memref<!tpu.dma_semaphore, #tpu.memory_space<semaphore_mem>>)
      } else {
      }
      %mul3A_62 = arith.constant 4 : i32
      %mul3A_63 = arith.muli %mul3A_62, %scan3A_33 : i32
      %add3A_64 = arith.constant 1 : i32
      %add3A_65 = arith.addi %mul3A_63, %add3A_64 : i32
      %dma_wait3A_66 = arith.constant 0 : i32
      %dma_wait3A_67 = arith.constant 0 : i32
      %dma_wait3A_68 = tpu.memref_slice %arg4[%dma_wait3A_66, %dma_wait3A_67] : memref<32768x128xf32, #tpu.memory_space<hbm>> -> memref<128x128xf32, #tpu.memory_space<hbm>>
      %dma_wait3A_69 = arith.constant 0 : i32
      %dma_wait3A_70 = arith.constant 0 : i32
      %dma_wait3A_71 = tpu.memref_slice %arg4[%dma_wait3A_69, %dma_wait3A_70] : memref<32768x128xf32, #tpu.memory_space<hbm>> -> memref<128x128xf32, #tpu.memory_space<hbm>>
      tpu.wait_dma2 semaphore(%arg11 : memref<!tpu.dma_semaphore, #tpu.memory_space<semaphore_mem>>) src(%dma_wait3A_71 : memref<128x128xf32, #tpu.memory_space<hbm>>) dst(%arg7 : memref<128x128xf32, #tpu.memory_space<vmem>>)
      %mul3A_72 = arith.constant 8 : i32
      %mul3A_73 = arith.muli %add3A, %mul3A_72 : i32
      %add3A_74 = arith.addi %mul3A_73, %add3A_65 : i32
      %mul3A_75 = arith.constant 128 : i32
      %mul3A_76 = arith.muli %add3A_74, %mul3A_75 : i32
      %dma_start3A_77 = arith.constant 0 : i32
      %dma_start3A_78 = tpu.memref_slice %arg4[%mul3A_76, %dma_start3A_77] : memref<32768x128xf32, #tpu.memory_space<hbm>> -> memref<128x128xf32, #tpu.memory_space<hbm>>
      %dma_start3A_79 = arith.constant 0 : i32
      %dma_start3A_80 = tpu.memref_slice %arg4[%mul3A_76, %dma_start3A_79] : memref<32768x128xf32, #tpu.memory_space<hbm>> -> memref<128x128xf32, #tpu.memory_space<hbm>>
      tpu.enqueue_dma source(%arg7 : memref<128x128xf32, #tpu.memory_space<vmem>>) target(%dma_start3A_80 : memref<128x128xf32, #tpu.memory_space<hbm>>) target_semaphore(%arg15 : memref<!tpu.dma_semaphore, #tpu.memory_space<semaphore_mem>>)
      %dma_wait3A_81 = arith.constant 0 : i32
      %dma_wait3A_82 = arith.constant 0 : i32
      %dma_wait3A_83 = tpu.memref_slice %arg4[%dma_wait3A_81, %dma_wait3A_82] : memref<32768x128xf32, #tpu.memory_space<hbm>> -> memref<128x128xf32, #tpu.memory_space<hbm>>
      %dma_wait3A_84 = arith.constant 0 : i32
      %dma_wait3A_85 = arith.constant 0 : i32
      %dma_wait3A_86 = tpu.memref_slice %arg4[%dma_wait3A_84, %dma_wait3A_85] : memref<32768x128xf32, #tpu.memory_space<hbm>> -> memref<128x128xf32, #tpu.memory_space<hbm>>
      tpu.wait_dma2 semaphore(%arg15 : memref<!tpu.dma_semaphore, #tpu.memory_space<semaphore_mem>>) src(%arg7 : memref<128x128xf32, #tpu.memory_space<vmem>>) dst(%dma_wait3A_86 : memref<128x128xf32, #tpu.memory_space<hbm>>)
      %add3A_87 = arith.constant 4 : i32
      %add3A_88 = arith.addi %add3A_65, %add3A_87 : i32
      %lt3A_89 = arith.constant 8 : i32
      %lt3A_90 = arith.cmpi slt, %add3A_88, %lt3A_89 : i32
      %convert_element_type3A_91 = arith.extui %lt3A_90 : i1 to i32
      %cond3A_92 = arith.constant 0 : i32
      %cond3A_93 = arith.cmpi ne, %convert_element_type3A_91, %cond3A_92 : i32
      scf.if %cond3A_93 {
        %add3A_158 = arith.constant 4 : i32
        %add3A_159 = arith.addi %add3A_65, %add3A_158 : i32
        %dma_start3A_160 = arith.constant 0 : i32
        %dma_start3A_161 = tpu.memref_slice %arg5[%add3A_159, %dma_start3A_160] : memref<8x128xi32, #tpu.memory_space<vmem>> -> memref<1x128xi32, #tpu.memory_space<vmem>>
        %dma_start3A_162 = tpu.memref_squeeze %dma_start3A_161 : memref<1x128xi32, #tpu.memory_space<vmem>> -> memref<128xi32, #tpu.memory_space<vmem>>
        %dma_start3A_163 = arith.constant 0 : i32
        %dma_start3A_164 = arith.constant 0 : i32
        %dma_start3A_165 = tpu.memref_slice %arg2[%dma_start3A_163, %dma_start3A_164] : memref<50000x128xf32, #tpu.memory_space<hbm>> -> memref<50000x128xf32, #tpu.memory_space<hbm>>
        tpu.enqueue_indirect_dma source(%dma_start3A_165 : memref<50000x128xf32, #tpu.memory_space<hbm>>) target(%arg7 : memref<128x128xf32, #tpu.memory_space<vmem>>) offsets(%dma_start3A_162 : memref<128xi32, #tpu.memory_space<vmem>>) semaphore(%arg11 : memref<!tpu.dma_semaphore, #tpu.memory_space<semaphore_mem>>)
      } else {
      }
      %mul3A_94 = arith.constant 4 : i32
      %mul3A_95 = arith.muli %mul3A_94, %scan3A_33 : i32
      %add3A_96 = arith.constant 2 : i32
      %add3A_97 = arith.addi %mul3A_95, %add3A_96 : i32
      %dma_wait3A_98 = arith.constant 0 : i32
      %dma_wait3A_99 = arith.constant 0 : i32
      %dma_wait3A_100 = tpu.memref_slice %arg4[%dma_wait3A_98, %dma_wait3A_99] : memref<32768x128xf32, #tpu.memory_space<hbm>> -> memref<128x128xf32, #tpu.memory_space<hbm>>
      %dma_wait3A_101 = arith.constant 0 : i32
      %dma_wait3A_102 = arith.constant 0 : i32
      %dma_wait3A_103 = tpu.memref_slice %arg4[%dma_wait3A_101, %dma_wait3A_102] : memref<32768x128xf32, #tpu.memory_space<hbm>> -> memref<128x128xf32, #tpu.memory_space<hbm>>
      tpu.wait_dma2 semaphore(%arg12 : memref<!tpu.dma_semaphore, #tpu.memory_space<semaphore_mem>>) src(%dma_wait3A_103 : memref<128x128xf32, #tpu.memory_space<hbm>>) dst(%arg8 : memref<128x128xf32, #tpu.memory_space<vmem>>)
      %mul3A_104 = arith.constant 8 : i32
      %mul3A_105 = arith.muli %add3A, %mul3A_104 : i32
      %add3A_106 = arith.addi %mul3A_105, %add3A_97 : i32
      %mul3A_107 = arith.constant 128 : i32
      %mul3A_108 = arith.muli %add3A_106, %mul3A_107 : i32
      %dma_start3A_109 = arith.constant 0 : i32
      %dma_start3A_110 = tpu.memref_slice %arg4[%mul3A_108, %dma_start3A_109] : memref<32768x128xf32, #tpu.memory_space<hbm>> -> memref<128x128xf32, #tpu.memory_space<hbm>>
      %dma_start3A_111 = arith.constant 0 : i32
      %dma_start3A_112 = tpu.memref_slice %arg4[%mul3A_108, %dma_start3A_111] : memref<32768x128xf32, #tpu.memory_space<hbm>> -> memref<128x128xf32, #tpu.memory_space<hbm>>
      tpu.enqueue_dma source(%arg8 : memref<128x128xf32, #tpu.memory_space<vmem>>) target(%dma_start3A_112 : memref<128x128xf32, #tpu.memory_space<hbm>>) target_semaphore(%arg16 : memref<!tpu.dma_semaphore, #tpu.memory_space<semaphore_mem>>)
      %dma_wait3A_113 = arith.constant 0 : i32
      %dma_wait3A_114 = arith.constant 0 : i32
      %dma_wait3A_115 = tpu.memref_slice %arg4[%dma_wait3A_113, %dma_wait3A_114] : memref<32768x128xf32, #tpu.memory_space<hbm>> -> memref<128x128xf32, #tpu.memory_space<hbm>>
      %dma_wait3A_116 = arith.constant 0 : i32
      %dma_wait3A_117 = arith.constant 0 : i32
      %dma_wait3A_118 = tpu.memref_slice %arg4[%dma_wait3A_116, %dma_wait3A_117] : memref<32768x128xf32, #tpu.memory_space<hbm>> -> memref<128x128xf32, #tpu.memory_space<hbm>>
      tpu.wait_dma2 semaphore(%arg16 : memref<!tpu.dma_semaphore, #tpu.memory_space<semaphore_mem>>) src(%arg8 : memref<128x128xf32, #tpu.memory_space<vmem>>) dst(%dma_wait3A_118 : memref<128x128xf32, #tpu.memory_space<hbm>>)
      %add3A_119 = arith.constant 4 : i32
      %add3A_120 = arith.addi %add3A_97, %add3A_119 : i32
      %lt3A_121 = arith.constant 8 : i32
      %lt3A_122 = arith.cmpi slt, %add3A_120, %lt3A_121 : i32
      %convert_element_type3A_123 = arith.extui %lt3A_122 : i1 to i32
      %cond3A_124 = arith.constant 0 : i32
      %cond3A_125 = arith.cmpi ne, %convert_element_type3A_123, %cond3A_124 : i32
      scf.if %cond3A_125 {
        %add3A_158 = arith.constant 4 : i32
        %add3A_159 = arith.addi %add3A_97, %add3A_158 : i32
        %dma_start3A_160 = arith.constant 0 : i32
        %dma_start3A_161 = tpu.memref_slice %arg5[%add3A_159, %dma_start3A_160] : memref<8x128xi32, #tpu.memory_space<vmem>> -> memref<1x128xi32, #tpu.memory_space<vmem>>
        %dma_start3A_162 = tpu.memref_squeeze %dma_start3A_161 : memref<1x128xi32, #tpu.memory_space<vmem>> -> memref<128xi32, #tpu.memory_space<vmem>>
        %dma_start3A_163 = arith.constant 0 : i32
        %dma_start3A_164 = arith.constant 0 : i32
        %dma_start3A_165 = tpu.memref_slice %arg2[%dma_start3A_163, %dma_start3A_164] : memref<50000x128xf32, #tpu.memory_space<hbm>> -> memref<50000x128xf32, #tpu.memory_space<hbm>>
        tpu.enqueue_indirect_dma source(%dma_start3A_165 : memref<50000x128xf32, #tpu.memory_space<hbm>>) target(%arg8 : memref<128x128xf32, #tpu.memory_space<vmem>>) offsets(%dma_start3A_162 : memref<128xi32, #tpu.memory_space<vmem>>) semaphore(%arg12 : memref<!tpu.dma_semaphore, #tpu.memory_space<semaphore_mem>>)
      } else {
      }
      %mul3A_126 = arith.constant 4 : i32
      %mul3A_127 = arith.muli %mul3A_126, %scan3A_33 : i32
      %add3A_128 = arith.constant 3 : i32
      %add3A_129 = arith.addi %mul3A_127, %add3A_128 : i32
      %dma_wait3A_130 = arith.constant 0 : i32
      %dma_wait3A_131 = arith.constant 0 : i32
      %dma_wait3A_132 = tpu.memref_slice %arg4[%dma_wait3A_130, %dma_wait3A_131] : memref<32768x128xf32, #tpu.memory_space<hbm>> -> memref<128x128xf32, #tpu.memory_space<hbm>>
      %dma_wait3A_133 = arith.constant 0 : i32
      %dma_wait3A_134 = arith.constant 0 : i32
      %dma_wait3A_135 = tpu.memref_slice %arg4[%dma_wait3A_133, %dma_wait3A_134] : memref<32768x128xf32, #tpu.memory_space<hbm>> -> memref<128x128xf32, #tpu.memory_space<hbm>>
      tpu.wait_dma2 semaphore(%arg13 : memref<!tpu.dma_semaphore, #tpu.memory_space<semaphore_mem>>) src(%dma_wait3A_135 : memref<128x128xf32, #tpu.memory_space<hbm>>) dst(%arg9 : memref<128x128xf32, #tpu.memory_space<vmem>>)
      %mul3A_136 = arith.constant 8 : i32
      %mul3A_137 = arith.muli %add3A, %mul3A_136 : i32
      %add3A_138 = arith.addi %mul3A_137, %add3A_129 : i32
      %mul3A_139 = arith.constant 128 : i32
      %mul3A_140 = arith.muli %add3A_138, %mul3A_139 : i32
      %dma_start3A_141 = arith.constant 0 : i32
      %dma_start3A_142 = tpu.memref_slice %arg4[%mul3A_140, %dma_start3A_141] : memref<32768x128xf32, #tpu.memory_space<hbm>> -> memref<128x128xf32, #tpu.memory_space<hbm>>
      %dma_start3A_143 = arith.constant 0 : i32
      %dma_start3A_144 = tpu.memref_slice %arg4[%mul3A_140, %dma_start3A_143] : memref<32768x128xf32, #tpu.memory_space<hbm>> -> memref<128x128xf32, #tpu.memory_space<hbm>>
      tpu.enqueue_dma source(%arg9 : memref<128x128xf32, #tpu.memory_space<vmem>>) target(%dma_start3A_144 : memref<128x128xf32, #tpu.memory_space<hbm>>) target_semaphore(%arg17 : memref<!tpu.dma_semaphore, #tpu.memory_space<semaphore_mem>>)
      %dma_wait3A_145 = arith.constant 0 : i32
      %dma_wait3A_146 = arith.constant 0 : i32
      %dma_wait3A_147 = tpu.memref_slice %arg4[%dma_wait3A_145, %dma_wait3A_146] : memref<32768x128xf32, #tpu.memory_space<hbm>> -> memref<128x128xf32, #tpu.memory_space<hbm>>
      %dma_wait3A_148 = arith.constant 0 : i32
      %dma_wait3A_149 = arith.constant 0 : i32
      %dma_wait3A_150 = tpu.memref_slice %arg4[%dma_wait3A_148, %dma_wait3A_149] : memref<32768x128xf32, #tpu.memory_space<hbm>> -> memref<128x128xf32, #tpu.memory_space<hbm>>
      tpu.wait_dma2 semaphore(%arg17 : memref<!tpu.dma_semaphore, #tpu.memory_space<semaphore_mem>>) src(%arg9 : memref<128x128xf32, #tpu.memory_space<vmem>>) dst(%dma_wait3A_150 : memref<128x128xf32, #tpu.memory_space<hbm>>)
      %add3A_151 = arith.constant 4 : i32
      %add3A_152 = arith.addi %add3A_129, %add3A_151 : i32
      %lt3A_153 = arith.constant 8 : i32
      %lt3A_154 = arith.cmpi slt, %add3A_152, %lt3A_153 : i32
      %convert_element_type3A_155 = arith.extui %lt3A_154 : i1 to i32
      %cond3A_156 = arith.constant 0 : i32
      %cond3A_157 = arith.cmpi ne, %convert_element_type3A_155, %cond3A_156 : i32
      scf.if %cond3A_157 {
        %add3A_158 = arith.constant 4 : i32
        %add3A_159 = arith.addi %add3A_129, %add3A_158 : i32
        %dma_start3A_160 = arith.constant 0 : i32
        %dma_start3A_161 = tpu.memref_slice %arg5[%add3A_159, %dma_start3A_160] : memref<8x128xi32, #tpu.memory_space<vmem>> -> memref<1x128xi32, #tpu.memory_space<vmem>>
        %dma_start3A_162 = tpu.memref_squeeze %dma_start3A_161 : memref<1x128xi32, #tpu.memory_space<vmem>> -> memref<128xi32, #tpu.memory_space<vmem>>
        %dma_start3A_163 = arith.constant 0 : i32
        %dma_start3A_164 = arith.constant 0 : i32
        %dma_start3A_165 = tpu.memref_slice %arg2[%dma_start3A_163, %dma_start3A_164] : memref<50000x128xf32, #tpu.memory_space<hbm>> -> memref<50000x128xf32, #tpu.memory_space<hbm>>
        tpu.enqueue_indirect_dma source(%dma_start3A_165 : memref<50000x128xf32, #tpu.memory_space<hbm>>) target(%arg9 : memref<128x128xf32, #tpu.memory_space<vmem>>) offsets(%dma_start3A_162 : memref<128xi32, #tpu.memory_space<vmem>>) semaphore(%arg13 : memref<!tpu.dma_semaphore, #tpu.memory_space<semaphore_mem>>)
      } else {
      }
    }
    %scan3A_32 = arith.constant 2 : i32
    return
  }
}

module attributes {stable_mosaic.version = 14 : i64} {
  func.func @_tc_front_body(%arg0: i32, %arg1: memref<1x1x4096xi32, #tpu.memory_space<vmem>>, %arg2: memref<1x1x4096xi32, #tpu.memory_space<vmem>>, %arg3: memref<1x1x4096xi32, #tpu.memory_space<vmem>>, %arg4: memref<128x128xf32, #tpu.memory_space<vmem>>, %arg5: memref<128x128xf32, #tpu.memory_space<vmem>>, %arg6: memref<128x128xf32, #tpu.memory_space<vmem>>, %arg7: memref<128x128xf32, #tpu.memory_space<vmem>>, %arg8: memref<1x1x1024xf32, #tpu.memory_space<vmem>>, %arg9: memref<1x1x1024xf32, #tpu.memory_space<vmem>>, %arg10: memref<1x4096x128xf32, #tpu.memory_space<vmem>>, %arg11: memref<1x4096x128xf32, #tpu.memory_space<vmem>>, %arg12: memref<1x4096x128xf32, #tpu.memory_space<vmem>>, %arg13: memref<1x1x128xf32, #tpu.memory_space<vmem>>) attributes {dimension_semantics = [#tpu.dimension_semantics<arbitrary>], iteration_bounds = array<i64: 32>, scalar_prefetch = 0 : i64, scratch_operands = 0 : i64, tpu.core_type = #tpu.core_type<tc>, window_params = [{transform_indices = @transform_0, window_bounds = array<i64: 1, 1, 4096>}, {transform_indices = @transform_1, window_bounds = array<i64: 1, 1, 4096>}, {transform_indices = @transform_2, window_bounds = array<i64: 1, 1, 4096>}, {pipeline_mode = #tpu.pipeline_mode<synchronous>, transform_indices = @transform_3, window_bounds = array<i64: 128, 128>}, {pipeline_mode = #tpu.pipeline_mode<synchronous>, transform_indices = @transform_4, window_bounds = array<i64: 128, 128>}, {pipeline_mode = #tpu.pipeline_mode<synchronous>, transform_indices = @transform_5, window_bounds = array<i64: 128, 128>}, {pipeline_mode = #tpu.pipeline_mode<synchronous>, transform_indices = @transform_6, window_bounds = array<i64: 128, 128>}, {transform_indices = @transform_7, window_bounds = array<i64: 1, 1, 1024>}, {transform_indices = @transform_8, window_bounds = array<i64: 1, 1, 1024>}, {transform_indices = @transform_9, window_bounds = array<i64: 1, 4096, 128>}, {transform_indices = @transform_10, window_bounds = array<i64: 1, 4096, 128>}, {transform_indices = @transform_11, window_bounds = array<i64: 1, 4096, 128>}, {transform_indices = @transform_12, window_bounds = array<i64: 1, 1, 128>}]} {
    %iota3A = tpu.iota {dimensions = array<i32: 1>} : vector<512x1024xi32>
    %iota3A_0 = tpu.iota {dimensions = array<i32: 1>} : vector<512x128xi32>
    %broadcast_in_dim3A = arith.constant 0.000000e+00 : f32
    %broadcast_in_dim3A_1 = vector.broadcast %broadcast_in_dim3A : f32 to vector<1024xf32>
    %broadcast_in_dim3A_2 = arith.constant 0.000000e+00 : f32
    %broadcast_in_dim3A_3 = vector.broadcast %broadcast_in_dim3A_2 : f32 to vector<128xf32>
    %scan3A = arith.constant 0 : i32
    %scan3A_4 = arith.constant 8 : i32
    %scan3A_5 = arith.addi %scan3A, %scan3A_4 : i32
    %scan3A_6 = arith.constant 1 : i32
    %scan3A_7:3 = scf.for %scan3A_83 = %scan3A to %scan3A_5 step %scan3A_6 iter_args(%scan3A_84 = %broadcast_in_dim3A_1, %scan3A_85 = %broadcast_in_dim3A_1, %scan3A_86 = %broadcast_in_dim3A_3) -> (vector<1024xf32>, vector<1024xf32>, vector<128xf32>)  : i32 {
      %mul3A = arith.constant 512 : i32
      %mul3A_87 = arith.muli %scan3A_83, %mul3A : i32
      %get3A_88 = arith.constant 0 : index
      %get3A_89 = arith.constant 0 : index
      %get3A_90 = arith.index_cast %mul3A_87 : i32 to index
      %get3A_91 = vector.load %arg1[%get3A_88, %get3A_89, %get3A_90] : memref<1x1x4096xi32, #tpu.memory_space<vmem>>, vector<1x1x512xi32>
      %get3A_92 = vector.shape_cast %get3A_91 : vector<1x1x512xi32> to vector<512xi32>
      %mul3A_93 = arith.constant 512 : i32
      %mul3A_94 = arith.muli %scan3A_83, %mul3A_93 : i32
      %get3A_95 = arith.constant 0 : index
      %get3A_96 = arith.constant 0 : index
      %get3A_97 = arith.index_cast %mul3A_94 : i32 to index
      %get3A_98 = vector.load %arg2[%get3A_95, %get3A_96, %get3A_97] : memref<1x1x4096xi32, #tpu.memory_space<vmem>>, vector<1x1x512xi32>
      %get3A_99 = vector.shape_cast %get3A_98 : vector<1x1x512xi32> to vector<512xi32>
      %mul3A_100 = arith.constant 512 : i32
      %mul3A_101 = arith.muli %scan3A_83, %mul3A_100 : i32
      %get3A_102 = arith.constant 0 : index
      %get3A_103 = arith.constant 0 : index
      %get3A_104 = arith.index_cast %mul3A_101 : i32 to index
      %get3A_105 = vector.load %arg3[%get3A_102, %get3A_103, %get3A_104] : memref<1x1x4096xi32, #tpu.memory_space<vmem>>, vector<1x1x512xi32>
      %get3A_106 = vector.shape_cast %get3A_105 : vector<1x1x512xi32> to vector<512xi32>
      %broadcast_in_dim3A_107 = vector.shape_cast %get3A_92 : vector<512xi32> to vector<512x1xi32>
      %eq3A_108 = vector.broadcast %broadcast_in_dim3A_107 : vector<512x1xi32> to vector<512x1024xi32>
      %eq3A_109 = arith.cmpi eq, %eq3A_108, %iota3A : vector<512x1024xi32>
      %convert_element_type3A_110 = arith.extui %eq3A_109 : vector<512x1024xi1> to vector<512x1024xi32>
      %convert_element_type3A_111 = arith.sitofp %convert_element_type3A_110 : vector<512x1024xi32> to vector<512x1024xf32>
      %reduce_sum3A = arith.constant dense<0.000000e+00> : vector<1024xf32>
      %reduce_sum3A_112 = vector.multi_reduction <add>, %convert_element_type3A_111, %reduce_sum3A [0] : vector<512x1024xf32> to vector<1024xf32>
      %add3A = arith.addf %scan3A_84, %reduce_sum3A_112 : vector<1024xf32>
      %broadcast_in_dim3A_113 = vector.shape_cast %get3A_99 : vector<512xi32> to vector<512x1xi32>
      %eq3A_114 = vector.broadcast %broadcast_in_dim3A_113 : vector<512x1xi32> to vector<512x1024xi32>
      %eq3A_115 = arith.cmpi eq, %eq3A_114, %iota3A : vector<512x1024xi32>
      %convert_element_type3A_116 = arith.extui %eq3A_115 : vector<512x1024xi1> to vector<512x1024xi32>
      %convert_element_type3A_117 = arith.sitofp %convert_element_type3A_116 : vector<512x1024xi32> to vector<512x1024xf32>
      %reduce_sum3A_118 = arith.constant dense<0.000000e+00> : vector<1024xf32>
      %reduce_sum3A_119 = vector.multi_reduction <add>, %convert_element_type3A_117, %reduce_sum3A_118 [0] : vector<512x1024xf32> to vector<1024xf32>
      %add3A_120 = arith.addf %scan3A_85, %reduce_sum3A_119 : vector<1024xf32>
      %broadcast_in_dim3A_121 = vector.shape_cast %get3A_106 : vector<512xi32> to vector<512x1xi32>
      %eq3A_122 = vector.broadcast %broadcast_in_dim3A_121 : vector<512x1xi32> to vector<512x128xi32>
      %eq3A_123 = arith.cmpi eq, %eq3A_122, %iota3A_0 : vector<512x128xi32>
      %convert_element_type3A_124 = arith.extui %eq3A_123 : vector<512x128xi1> to vector<512x128xi32>
      %convert_element_type3A_125 = arith.sitofp %convert_element_type3A_124 : vector<512x128xi32> to vector<512x128xf32>
      %reduce_sum3A_126 = arith.constant dense<0.000000e+00> : vector<128xf32>
      %reduce_sum3A_127 = vector.multi_reduction <add>, %convert_element_type3A_125, %reduce_sum3A_126 [0] : vector<512x128xf32> to vector<128xf32>
      %add3A_128 = arith.addf %scan3A_86, %reduce_sum3A_127 : vector<128xf32>
      scf.yield %add3A, %add3A_120, %add3A_128 : vector<1024xf32>, vector<1024xf32>, vector<128xf32>
    }
    %scan3A_8 = arith.constant 8 : i32
    %swap3A = arith.constant 0 : index
    %swap3A_9 = arith.constant 0 : index
    %swap3A_10 = arith.constant 0 : index
    %swap3A_11 = vector.load %arg8[%swap3A, %swap3A_9, %swap3A_10] : memref<1x1x1024xf32, #tpu.memory_space<vmem>>, vector<1x1x1024xf32>
    %swap3A_12 = vector.shape_cast %swap3A_11 : vector<1x1x1024xf32> to vector<1024xf32>
    %swap3A_13 = vector.shape_cast %scan3A_7#0 : vector<1024xf32> to vector<1x1x1024xf32>
    tpu.vector_store %arg8[%swap3A, %swap3A_9, %swap3A_10], %swap3A_13 {strides = array<i32>} : memref<1x1x1024xf32, #tpu.memory_space<vmem>>, vector<1x1x1024xf32>,
    %swap3A_14 = arith.constant 0 : index
    %swap3A_15 = arith.constant 0 : index
    %swap3A_16 = arith.constant 0 : index
    %swap3A_17 = vector.load %arg9[%swap3A_14, %swap3A_15, %swap3A_16] : memref<1x1x1024xf32, #tpu.memory_space<vmem>>, vector<1x1x1024xf32>
    %swap3A_18 = vector.shape_cast %swap3A_17 : vector<1x1x1024xf32> to vector<1024xf32>
    %swap3A_19 = vector.shape_cast %scan3A_7#1 : vector<1024xf32> to vector<1x1x1024xf32>
    tpu.vector_store %arg9[%swap3A_14, %swap3A_15, %swap3A_16], %swap3A_19 {strides = array<i32>} : memref<1x1x1024xf32, #tpu.memory_space<vmem>>, vector<1x1x1024xf32>,
    %get3A = arith.constant 0 : index
    %get3A_20 = arith.constant 0 : index
    %get3A_21 = vector.load %arg4[%get3A, %get3A_20] : memref<128x128xf32, #tpu.memory_space<vmem>>, vector<128x128xf32>
    %get3A_22 = arith.constant 0 : index
    %get3A_23 = arith.constant 0 : index
    %get3A_24 = vector.load %arg5[%get3A_22, %get3A_23] : memref<128x128xf32, #tpu.memory_space<vmem>>, vector<128x128xf32>
    %dot_general3A = arith.constant dense<0.000000e+00> : vector<128x128xf32>
    %dot_general3A_25 = tpu.matmul %get3A_21, %get3A_24, %dot_general3A {dimension_numbers = #tpu.dot_dimension_numbers<[1], [0], [0], [1], [0, 0, 1, 1], [], []>, transpose_lhs_hint = false} : vector<128x128xf32>, vector<128x128xf32>, vector<128x128xf32> -> vector<128x128xf32>
    %get3A_26 = arith.constant 0 : index
    %get3A_27 = arith.constant 0 : index
    %get3A_28 = vector.load %arg6[%get3A_26, %get3A_27] : memref<128x128xf32, #tpu.memory_space<vmem>>, vector<128x128xf32>
    %dot_general3A_29 = arith.constant dense<0.000000e+00> : vector<128x128xf32>
    %dot_general3A_30 = tpu.matmul %dot_general3A_25, %get3A_28, %dot_general3A_29 {dimension_numbers = #tpu.dot_dimension_numbers<[1], [0], [0], [1], [0, 0, 1, 1], [], []>, transpose_lhs_hint = false} : vector<128x128xf32>, vector<128x128xf32>, vector<128x128xf32> -> vector<128x128xf32>
    %get3A_31 = arith.constant 0 : index
    %get3A_32 = arith.constant 0 : index
    %get3A_33 = vector.load %arg7[%get3A_31, %get3A_32] : memref<128x128xf32, #tpu.memory_space<vmem>>, vector<128x128xf32>
    %dot_general3A_34 = arith.constant dense<0.000000e+00> : vector<128x128xf32>
    %dot_general3A_35 = tpu.matmul %dot_general3A_30, %get3A_33, %dot_general3A_34 {dimension_numbers = #tpu.dot_dimension_numbers<[1], [0], [0], [1], [0, 0, 1, 1], [], []>, transpose_lhs_hint = false} : vector<128x128xf32>, vector<128x128xf32>, vector<128x128xf32> -> vector<128x128xf32>
    %get3A_36 = arith.constant 0 : index
    %get3A_37 = arith.constant 0 : index
    %get3A_38 = arith.constant 0 : index
    %get3A_39 = vector.load %arg3[%get3A_36, %get3A_37, %get3A_38] : memref<1x1x4096xi32, #tpu.memory_space<vmem>>, vector<1x1x4096xi32>
    %get3A_40 = vector.shape_cast %get3A_39 : vector<1x1x4096xi32> to vector<4096xi32>
    %broadcast_in_dim3A_41 = vector.shape_cast %get3A_40 : vector<4096xi32> to vector<4096x1xi32>
    %iota3A_42 = tpu.iota {dimensions = array<i32: 1>} : vector<4096x128xi32>
    %eq3A = vector.broadcast %broadcast_in_dim3A_41 : vector<4096x1xi32> to vector<4096x128xi32>
    %eq3A_43 = arith.cmpi eq, %eq3A, %iota3A_42 : vector<4096x128xi32>
    %convert_element_type3A = arith.extui %eq3A_43 : vector<4096x128xi1> to vector<4096x128xi32>
    %convert_element_type3A_44 = arith.sitofp %convert_element_type3A : vector<4096x128xi32> to vector<4096x128xf32>
    %neg3A = arith.constant 0.000000e+00 : f32
    %neg3A_45 = vector.broadcast %neg3A : f32 to vector<128x128xf32>
    %neg3A_46 = arith.subf %neg3A_45, %get3A_21 : vector<128x128xf32>
    %dot_general3A_47 = arith.constant dense<0.000000e+00> : vector<4096x128xf32>
    %dot_general3A_48 = tpu.matmul %convert_element_type3A_44, %neg3A_46, %dot_general3A_47 {dimension_numbers = #tpu.dot_dimension_numbers<[1], [0], [0], [1], [0, 0, 1, 1], [], []>, transpose_lhs_hint = false} : vector<4096x128xf32>, vector<128x128xf32>, vector<4096x128xf32> -> vector<4096x128xf32>
    %swap3A_49 = arith.constant 0 : index
    %swap3A_50 = arith.constant 0 : index
    %swap3A_51 = arith.constant 0 : index
    %swap3A_52 = vector.load %arg10[%swap3A_49, %swap3A_50, %swap3A_51] : memref<1x4096x128xf32, #tpu.memory_space<vmem>>, vector<1x4096x128xf32>
    %swap3A_53 = vector.shape_cast %swap3A_52 : vector<1x4096x128xf32> to vector<4096x128xf32>
    %swap3A_54 = vector.shape_cast %dot_general3A_48 : vector<4096x128xf32> to vector<1x4096x128xf32>
    tpu.vector_store %arg10[%swap3A_49, %swap3A_50, %swap3A_51], %swap3A_54 {strides = array<i32>} : memref<1x4096x128xf32, #tpu.memory_space<vmem>>, vector<1x4096x128xf32>,
    %neg3A_55 = arith.constant 0.000000e+00 : f32
    %neg3A_56 = vector.broadcast %neg3A_55 : f32 to vector<128x128xf32>
    %neg3A_57 = arith.subf %neg3A_56, %dot_general3A_25 : vector<128x128xf32>
    %dot_general3A_58 = arith.constant dense<0.000000e+00> : vector<4096x128xf32>
    %dot_general3A_59 = tpu.matmul %convert_element_type3A_44, %neg3A_57, %dot_general3A_58 {dimension_numbers = #tpu.dot_dimension_numbers<[1], [0], [0], [1], [0, 0, 1, 1], [], []>, transpose_lhs_hint = false} : vector<4096x128xf32>, vector<128x128xf32>, vector<4096x128xf32> -> vector<4096x128xf32>
    %swap3A_60 = arith.constant 0 : index
    %swap3A_61 = arith.constant 0 : index
    %swap3A_62 = arith.constant 0 : index
    %swap3A_63 = vector.load %arg11[%swap3A_60, %swap3A_61, %swap3A_62] : memref<1x4096x128xf32, #tpu.memory_space<vmem>>, vector<1x4096x128xf32>
    %swap3A_64 = vector.shape_cast %swap3A_63 : vector<1x4096x128xf32> to vector<4096x128xf32>
    %swap3A_65 = vector.shape_cast %dot_general3A_59 : vector<4096x128xf32> to vector<1x4096x128xf32>
    tpu.vector_store %arg11[%swap3A_60, %swap3A_61, %swap3A_62], %swap3A_65 {strides = array<i32>} : memref<1x4096x128xf32, #tpu.memory_space<vmem>>, vector<1x4096x128xf32>,
    %dot_general3A_66 = arith.constant dense<0.000000e+00> : vector<4096x128xf32>
    %dot_general3A_67 = tpu.matmul %convert_element_type3A_44, %dot_general3A_35, %dot_general3A_66 {dimension_numbers = #tpu.dot_dimension_numbers<[1], [0], [0], [1], [0, 0, 1, 1], [], []>, transpose_lhs_hint = false} : vector<4096x128xf32>, vector<128x128xf32>, vector<4096x128xf32> -> vector<4096x128xf32>
    %swap3A_68 = arith.constant 0 : index
    %swap3A_69 = arith.constant 0 : index
    %swap3A_70 = arith.constant 0 : index
    %swap3A_71 = vector.load %arg12[%swap3A_68, %swap3A_69, %swap3A_70] : memref<1x4096x128xf32, #tpu.memory_space<vmem>>, vector<1x4096x128xf32>
    %swap3A_72 = vector.shape_cast %swap3A_71 : vector<1x4096x128xf32> to vector<4096x128xf32>
    %swap3A_73 = vector.shape_cast %dot_general3A_67 : vector<4096x128xf32> to vector<1x4096x128xf32>
    tpu.vector_store %arg12[%swap3A_68, %swap3A_69, %swap3A_70], %swap3A_73 {strides = array<i32>} : memref<1x4096x128xf32, #tpu.memory_space<vmem>>, vector<1x4096x128xf32>,
    %broadcast_in_dim3A_74 = vector.shape_cast %scan3A_7#2 : vector<128xf32> to vector<1x128xf32>
    %dot_general3A_75 = arith.constant dense<0.000000e+00> : vector<1x128xf32>
    %dot_general3A_76 = tpu.matmul %broadcast_in_dim3A_74, %dot_general3A_35, %dot_general3A_75 {dimension_numbers = #tpu.dot_dimension_numbers<[1], [0], [0], [1], [0, 0, 1, 1], [], []>, transpose_lhs_hint = false} : vector<1x128xf32>, vector<128x128xf32>, vector<1x128xf32> -> vector<1x128xf32>
    %squeeze3A = vector.shape_cast %dot_general3A_76 : vector<1x128xf32> to vector<128xf32>
    %swap3A_77 = arith.constant 0 : index
    %swap3A_78 = arith.constant 0 : index
    %swap3A_79 = arith.constant 0 : index
    %swap3A_80 = vector.load %arg13[%swap3A_77, %swap3A_78, %swap3A_79] : memref<1x1x128xf32, #tpu.memory_space<vmem>>, vector<1x1x128xf32>
    %swap3A_81 = vector.shape_cast %swap3A_80 : vector<1x1x128xf32> to vector<128xf32>
    %swap3A_82 = vector.shape_cast %squeeze3A : vector<128xf32> to vector<1x1x128xf32>
    tpu.vector_store %arg13[%swap3A_77, %swap3A_78, %swap3A_79], %swap3A_82 {strides = array<i32>} : memref<1x1x128xf32, #tpu.memory_space<vmem>>, vector<1x1x128xf32>,
    return
  }
  func.func @transform_0(%arg0: i32) -> (i32, i32, i32) {
    %c0_i32 = arith.constant 0 : i32
    %c0_i32_0 = arith.constant 0 : i32
    %c0_i32_1 = arith.constant 0 : i32
    return %arg0, %c0_i32, %c0_i32_0 : i32, i32, i32
  }
  func.func @transform_1(%arg0: i32) -> (i32, i32, i32) {
    %c0_i32 = arith.constant 0 : i32
    %c0_i32_0 = arith.constant 0 : i32
    %c0_i32_1 = arith.constant 0 : i32
    return %arg0, %c0_i32, %c0_i32_0 : i32, i32, i32
  }
  func.func @transform_2(%arg0: i32) -> (i32, i32, i32) {
    %c0_i32 = arith.constant 0 : i32
    %c0_i32_0 = arith.constant 0 : i32
    %c0_i32_1 = arith.constant 0 : i32
    return %arg0, %c0_i32, %c0_i32_0 : i32, i32, i32
  }
  func.func @transform_3(%arg0: i32) -> (i32, i32) {
    %c0_i32 = arith.constant 0 : i32
    %c0_i32_0 = arith.constant 0 : i32
    %c0_i32_1 = arith.constant 0 : i32
    return %c0_i32, %c0_i32_0 : i32, i32
  }
  func.func @transform_4(%arg0: i32) -> (i32, i32) {
    %c0_i32 = arith.constant 0 : i32
    %c0_i32_0 = arith.constant 0 : i32
    %c0_i32_1 = arith.constant 0 : i32
    return %c0_i32, %c0_i32_0 : i32, i32
  }
  func.func @transform_5(%arg0: i32) -> (i32, i32) {
    %c0_i32 = arith.constant 0 : i32
    %c0_i32_0 = arith.constant 0 : i32
    %c0_i32_1 = arith.constant 0 : i32
    return %c0_i32, %c0_i32_0 : i32, i32
  }
  func.func @transform_6(%arg0: i32) -> (i32, i32) {
    %c0_i32 = arith.constant 0 : i32
    %c0_i32_0 = arith.constant 0 : i32
    %c0_i32_1 = arith.constant 0 : i32
    return %c0_i32, %c0_i32_0 : i32, i32
  }
  func.func @transform_7(%arg0: i32) -> (i32, i32, i32) {
    %c0_i32 = arith.constant 0 : i32
    %c0_i32_0 = arith.constant 0 : i32
    %c0_i32_1 = arith.constant 0 : i32
    return %arg0, %c0_i32, %c0_i32_0 : i32, i32, i32
  }
  func.func @transform_8(%arg0: i32) -> (i32, i32, i32) {
    %c0_i32 = arith.constant 0 : i32
    %c0_i32_0 = arith.constant 0 : i32
    %c0_i32_1 = arith.constant 0 : i32
    return %arg0, %c0_i32, %c0_i32_0 : i32, i32, i32
  }
  func.func @transform_9(%arg0: i32) -> (i32, i32, i32) {
    %c0_i32 = arith.constant 0 : i32
    %c0_i32_0 = arith.constant 0 : i32
    %c0_i32_1 = arith.constant 0 : i32
    return %arg0, %c0_i32, %c0_i32_0 : i32, i32, i32
  }
  func.func @transform_10(%arg0: i32) -> (i32, i32, i32) {
    %c0_i32 = arith.constant 0 : i32
    %c0_i32_0 = arith.constant 0 : i32
    %c0_i32_1 = arith.constant 0 : i32
    return %arg0, %c0_i32, %c0_i32_0 : i32, i32, i32
  }
  func.func @transform_11(%arg0: i32) -> (i32, i32, i32) {
    %c0_i32 = arith.constant 0 : i32
    %c0_i32_0 = arith.constant 0 : i32
    %c0_i32_1 = arith.constant 0 : i32
    return %arg0, %c0_i32, %c0_i32_0 : i32, i32, i32
  }
  func.func @transform_12(%arg0: i32) -> (i32, i32, i32) {
    %c0_i32 = arith.constant 0 : i32
    %c0_i32_0 = arith.constant 0 : i32
    %c0_i32_1 = arith.constant 0 : i32
    return %arg0, %c0_i32, %c0_i32_0 : i32, i32, i32
  }
}

module attributes {stable_mosaic.version = 14 : i64} {
  func.func @_tc_node_body(%arg0: i32, %arg1: memref<2048x128xf32, #tpu.memory_space<vmem>>, %arg2: memref<2048x128xf32, #tpu.memory_space<vmem>>, %arg3: memref<2048x1xf32, #tpu.memory_space<vmem>>, %arg4: memref<2048x1xf32, #tpu.memory_space<vmem>>, %arg5: memref<128x128xf32, #tpu.memory_space<vmem>>, %arg6: memref<128x128xf32, #tpu.memory_space<vmem>>, %arg7: memref<2048x128xf32, #tpu.memory_space<vmem>>) attributes {dimension_semantics = [#tpu.dimension_semantics<arbitrary>], iteration_bounds = array<i64: 16>, scalar_prefetch = 0 : i64, scratch_operands = 0 : i64, tpu.core_type = #tpu.core_type<tc>, window_params = [{transform_indices = @transform_0, window_bounds = array<i64: 2048, 128>}, {transform_indices = @transform_1, window_bounds = array<i64: 2048, 128>}, {transform_indices = @transform_2, window_bounds = array<i64: 2048, 1>}, {transform_indices = @transform_3, window_bounds = array<i64: 2048, 1>}, {pipeline_mode = #tpu.pipeline_mode<synchronous>, transform_indices = @transform_4, window_bounds = array<i64: 128, 128>}, {pipeline_mode = #tpu.pipeline_mode<synchronous>, transform_indices = @transform_5, window_bounds = array<i64: 128, 128>}, {transform_indices = @transform_6, window_bounds = array<i64: 2048, 128>}]} {
    %get3A = arith.constant 0 : index
    %get3A_0 = arith.constant 0 : index
    %get3A_1 = vector.load %arg3[%get3A, %get3A_0] : memref<2048x1xf32, #tpu.memory_space<vmem>>, vector<2048x1xf32>
    %get3A_2 = arith.constant 0 : index
    %get3A_3 = arith.constant 0 : index
    %get3A_4 = vector.load %arg4[%get3A_2, %get3A_3] : memref<2048x1xf32, #tpu.memory_space<vmem>>, vector<2048x1xf32>
    %add3A = arith.addf %get3A_1, %get3A_4 : vector<2048x1xf32>
    %max3A = arith.constant 1.000000e+00 : f32
    %max3A_5 = vector.broadcast %max3A : f32 to vector<2048x1xf32>
    %max3A_6 = arith.maximumf %add3A, %max3A_5 : vector<2048x1xf32>
    %div3A = arith.constant 1.000000e+00 : f32
    %div3A_7 = vector.broadcast %div3A : f32 to vector<2048x1xf32>
    %div3A_8 = arith.divf %div3A_7, %max3A_6 : vector<2048x1xf32>
    %get3A_9 = arith.constant 0 : index
    %get3A_10 = arith.constant 0 : index
    %get3A_11 = vector.load %arg1[%get3A_9, %get3A_10] : memref<2048x128xf32, #tpu.memory_space<vmem>>, vector<2048x128xf32>
    %get3A_12 = arith.constant 0 : index
    %get3A_13 = arith.constant 0 : index
    %get3A_14 = vector.load %arg5[%get3A_12, %get3A_13] : memref<128x128xf32, #tpu.memory_space<vmem>>, vector<128x128xf32>
    %dot_general3A = arith.constant dense<0.000000e+00> : vector<2048x128xf32>
    %dot_general3A_15 = tpu.matmul %get3A_11, %get3A_14, %dot_general3A {dimension_numbers = #tpu.dot_dimension_numbers<[1], [0], [0], [1], [0, 0, 1, 1], [], []>, transpose_lhs_hint = false} : vector<2048x128xf32>, vector<128x128xf32>, vector<2048x128xf32> -> vector<2048x128xf32>
    %get3A_16 = arith.constant 0 : index
    %get3A_17 = arith.constant 0 : index
    %get3A_18 = vector.load %arg2[%get3A_16, %get3A_17] : memref<2048x128xf32, #tpu.memory_space<vmem>>, vector<2048x128xf32>
    %get3A_19 = arith.constant 0 : index
    %get3A_20 = arith.constant 0 : index
    %get3A_21 = vector.load %arg6[%get3A_19, %get3A_20] : memref<128x128xf32, #tpu.memory_space<vmem>>, vector<128x128xf32>
    %dot_general3A_22 = arith.constant dense<0.000000e+00> : vector<2048x128xf32>
    %dot_general3A_23 = tpu.matmul %get3A_18, %get3A_21, %dot_general3A_22 {dimension_numbers = #tpu.dot_dimension_numbers<[1], [0], [0], [1], [0, 0, 1, 1], [], []>, transpose_lhs_hint = false} : vector<2048x128xf32>, vector<128x128xf32>, vector<2048x128xf32> -> vector<2048x128xf32>
    %mul3A = vector.broadcast %div3A_8 : vector<2048x1xf32> to vector<2048x128xf32>
    %mul3A_24 = arith.mulf %dot_general3A_23, %mul3A : vector<2048x128xf32>
    %add3A_25 = arith.addf %dot_general3A_15, %mul3A_24 : vector<2048x128xf32>
    %max3A_26 = arith.constant 0.000000e+00 : f32
    %max3A_27 = vector.broadcast %max3A_26 : f32 to vector<2048x128xf32>
    %max3A_28 = arith.maximumf %add3A_25, %max3A_27 : vector<2048x128xf32>
    %swap3A = arith.constant 0 : index
    %swap3A_29 = arith.constant 0 : index
    %swap3A_30 = vector.load %arg7[%swap3A, %swap3A_29] : memref<2048x128xf32, #tpu.memory_space<vmem>>, vector<2048x128xf32>
    tpu.vector_store %arg7[%swap3A, %swap3A_29], %max3A_28 {strides = array<i32>} : memref<2048x128xf32, #tpu.memory_space<vmem>>, vector<2048x128xf32>,
    return
  }
  func.func @transform_0(%arg0: i32) -> (i32, i32) {
    %c0_i32 = arith.constant 0 : i32
    %c0_i32_0 = arith.constant 0 : i32
    return %arg0, %c0_i32 : i32, i32
  }
  func.func @transform_1(%arg0: i32) -> (i32, i32) {
    %c0_i32 = arith.constant 0 : i32
    %c0_i32_0 = arith.constant 0 : i32
    return %arg0, %c0_i32 : i32, i32
  }
  func.func @transform_2(%arg0: i32) -> (i32, i32) {
    %c0_i32 = arith.constant 0 : i32
    %c0_i32_0 = arith.constant 0 : i32
    return %arg0, %c0_i32 : i32, i32
  }
  func.func @transform_3(%arg0: i32) -> (i32, i32) {
    %c0_i32 = arith.constant 0 : i32
    %c0_i32_0 = arith.constant 0 : i32
    return %arg0, %c0_i32 : i32, i32
  }
  func.func @transform_4(%arg0: i32) -> (i32, i32) {
    %c0_i32 = arith.constant 0 : i32
    %c0_i32_0 = arith.constant 0 : i32
    %c0_i32_1 = arith.constant 0 : i32
    return %c0_i32, %c0_i32_0 : i32, i32
  }
  func.func @transform_5(%arg0: i32) -> (i32, i32) {
    %c0_i32 = arith.constant 0 : i32
    %c0_i32_0 = arith.constant 0 : i32
    %c0_i32_1 = arith.constant 0 : i32
    return %c0_i32, %c0_i32_0 : i32, i32
  }
  func.func @transform_6(%arg0: i32) -> (i32, i32) {
    %c0_i32 = arith.constant 0 : i32
    %c0_i32_0 = arith.constant 0 : i32
    return %arg0, %c0_i32 : i32, i32
  }
}

module attributes {stable_mosaic.version = 14 : i64} {
  func.func @_tc_node2_body(%arg0: i32, %arg1: memref<1x1024x128xf32, #tpu.memory_space<vmem>>, %arg2: memref<1x1024x128xf32, #tpu.memory_space<vmem>>, %arg3: memref<1x1024x1xf32, #tpu.memory_space<vmem>>, %arg4: memref<1x1024x1xf32, #tpu.memory_space<vmem>>, %arg5: memref<128x128xf32, #tpu.memory_space<vmem>>, %arg6: memref<128x128xf32, #tpu.memory_space<vmem>>, %arg7: memref<128x128xf32, #tpu.memory_space<vmem>>, %arg8: memref<128x128xf32, #tpu.memory_space<vmem>>, %arg9: memref<1x1024x128xf32, #tpu.memory_space<vmem>>, %arg10: memref<1x1024x128xf32, #tpu.memory_space<vmem>>, %arg11: memref<1x8x128xf32, #tpu.memory_space<vmem>>, %arg12: memref<1x8x128xf32, #tpu.memory_space<vmem>>) attributes {dimension_semantics = [#tpu.dimension_semantics<arbitrary>], iteration_bounds = array<i64: 32>, scalar_prefetch = 0 : i64, scratch_operands = 0 : i64, tpu.core_type = #tpu.core_type<tc>, window_params = [{transform_indices = @transform_0, window_bounds = array<i64: 1, 1024, 128>}, {transform_indices = @transform_1, window_bounds = array<i64: 1, 1024, 128>}, {transform_indices = @transform_2, window_bounds = array<i64: 1, 1024, 1>}, {transform_indices = @transform_3, window_bounds = array<i64: 1, 1024, 1>}, {pipeline_mode = #tpu.pipeline_mode<synchronous>, transform_indices = @transform_4, window_bounds = array<i64: 128, 128>}, {pipeline_mode = #tpu.pipeline_mode<synchronous>, transform_indices = @transform_5, window_bounds = array<i64: 128, 128>}, {pipeline_mode = #tpu.pipeline_mode<synchronous>, transform_indices = @transform_6, window_bounds = array<i64: 128, 128>}, {pipeline_mode = #tpu.pipeline_mode<synchronous>, transform_indices = @transform_7, window_bounds = array<i64: 128, 128>}, {transform_indices = @transform_8, window_bounds = array<i64: 1, 1024, 128>}, {transform_indices = @transform_9, window_bounds = array<i64: 1, 1024, 128>}, {transform_indices = @transform_10, window_bounds = array<i64: 1, 8, 128>}, {transform_indices = @transform_11, window_bounds = array<i64: 1, 8, 128>}]} {
    %get3A = arith.constant 0 : index
    %get3A_0 = arith.constant 0 : index
    %get3A_1 = arith.constant 0 : index
    %get3A_2 = vector.load %arg3[%get3A, %get3A_0, %get3A_1] : memref<1x1024x1xf32, #tpu.memory_space<vmem>>, vector<1x1024x1xf32>
    %get3A_3 = arith.constant 0 : index
    %get3A_4 = arith.constant 0 : index
    %get3A_5 = arith.constant 0 : index
    %get3A_6 = vector.load %arg4[%get3A_3, %get3A_4, %get3A_5] : memref<1x1024x1xf32, #tpu.memory_space<vmem>>, vector<1x1024x1xf32>
    %add3A = arith.addf %get3A_2, %get3A_6 : vector<1x1024x1xf32>
    %max3A = arith.constant 1.000000e+00 : f32
    %max3A_7 = vector.broadcast %max3A : f32 to vector<1x1024x1xf32>
    %max3A_8 = arith.maximumf %add3A, %max3A_7 : vector<1x1024x1xf32>
    %div3A = arith.constant 1.000000e+00 : f32
    %div3A_9 = vector.broadcast %div3A : f32 to vector<1x1024x1xf32>
    %div3A_10 = arith.divf %div3A_9, %max3A_8 : vector<1x1024x1xf32>
    %get3A_11 = arith.constant 0 : index
    %get3A_12 = arith.constant 0 : index
    %get3A_13 = arith.constant 0 : index
    %get3A_14 = vector.load %arg1[%get3A_11, %get3A_12, %get3A_13] : memref<1x1024x128xf32, #tpu.memory_space<vmem>>, vector<1x1024x128xf32>
    %get3A_15 = vector.shape_cast %get3A_14 : vector<1x1024x128xf32> to vector<1024x128xf32>
    %get3A_16 = arith.constant 0 : index
    %get3A_17 = arith.constant 0 : index
    %get3A_18 = vector.load %arg5[%get3A_16, %get3A_17] : memref<128x128xf32, #tpu.memory_space<vmem>>, vector<128x128xf32>
    %dot_general3A = arith.constant dense<0.000000e+00> : vector<1024x128xf32>
    %dot_general3A_19 = tpu.matmul %get3A_15, %get3A_18, %dot_general3A {dimension_numbers = #tpu.dot_dimension_numbers<[1], [0], [0], [1], [0, 0, 1, 1], [], []>, transpose_lhs_hint = false} : vector<1024x128xf32>, vector<128x128xf32>, vector<1024x128xf32> -> vector<1024x128xf32>
    %get3A_20 = arith.constant 0 : index
    %get3A_21 = arith.constant 0 : index
    %get3A_22 = arith.constant 0 : index
    %get3A_23 = vector.load %arg2[%get3A_20, %get3A_21, %get3A_22] : memref<1x1024x128xf32, #tpu.memory_space<vmem>>, vector<1x1024x128xf32>
    %get3A_24 = vector.shape_cast %get3A_23 : vector<1x1024x128xf32> to vector<1024x128xf32>
    %get3A_25 = arith.constant 0 : index
    %get3A_26 = arith.constant 0 : index
    %get3A_27 = vector.load %arg6[%get3A_25, %get3A_26] : memref<128x128xf32, #tpu.memory_space<vmem>>, vector<128x128xf32>
    %dot_general3A_28 = arith.constant dense<0.000000e+00> : vector<1024x128xf32>
    %dot_general3A_29 = tpu.matmul %get3A_24, %get3A_27, %dot_general3A_28 {dimension_numbers = #tpu.dot_dimension_numbers<[1], [0], [0], [1], [0, 0, 1, 1], [], []>, transpose_lhs_hint = false} : vector<1024x128xf32>, vector<128x128xf32>, vector<1024x128xf32> -> vector<1024x128xf32>
    %squeeze3A = vector.shape_cast %div3A_10 : vector<1x1024x1xf32> to vector<1024x1xf32>
    %mul3A = vector.broadcast %squeeze3A : vector<1024x1xf32> to vector<1024x128xf32>
    %mul3A_30 = arith.mulf %dot_general3A_29, %mul3A : vector<1024x128xf32>
    %add3A_31 = arith.addf %dot_general3A_19, %mul3A_30 : vector<1024x128xf32>
    %max3A_32 = arith.constant 0.000000e+00 : f32
    %max3A_33 = vector.broadcast %max3A_32 : f32 to vector<1024x128xf32>
    %max3A_34 = arith.maximumf %add3A_31, %max3A_33 : vector<1024x128xf32>
    %get3A_35 = arith.constant 0 : index
    %get3A_36 = arith.constant 0 : index
    %get3A_37 = vector.load %arg7[%get3A_35, %get3A_36] : memref<128x128xf32, #tpu.memory_space<vmem>>, vector<128x128xf32>
    %dot_general3A_38 = arith.constant dense<0.000000e+00> : vector<1024x128xf32>
    %dot_general3A_39 = tpu.matmul %max3A_34, %get3A_37, %dot_general3A_38 {dimension_numbers = #tpu.dot_dimension_numbers<[1], [0], [0], [1], [0, 0, 1, 1], [], []>, transpose_lhs_hint = false} : vector<1024x128xf32>, vector<128x128xf32>, vector<1024x128xf32> -> vector<1024x128xf32>
    %get3A_40 = arith.constant 0 : index
    %get3A_41 = arith.constant 0 : index
    %get3A_42 = vector.load %arg8[%get3A_40, %get3A_41] : memref<128x128xf32, #tpu.memory_space<vmem>>, vector<128x128xf32>
    %dot_general3A_43 = arith.constant dense<0.000000e+00> : vector<1024x128xf32>
    %dot_general3A_44 = tpu.matmul %max3A_34, %get3A_42, %dot_general3A_43 {dimension_numbers = #tpu.dot_dimension_numbers<[1], [0], [0], [1], [0, 0, 1, 1], [], []>, transpose_lhs_hint = false} : vector<1024x128xf32>, vector<128x128xf32>, vector<1024x128xf32> -> vector<1024x128xf32>
    %swap3A = arith.constant 0 : index
    %swap3A_45 = arith.constant 0 : index
    %swap3A_46 = arith.constant 0 : index
    %swap3A_47 = vector.load %arg9[%swap3A, %swap3A_45, %swap3A_46] : memref<1x1024x128xf32, #tpu.memory_space<vmem>>, vector<1x1024x128xf32>
    %swap3A_48 = vector.shape_cast %swap3A_47 : vector<1x1024x128xf32> to vector<1024x128xf32>
    %swap3A_49 = vector.shape_cast %dot_general3A_39 : vector<1024x128xf32> to vector<1x1024x128xf32>
    tpu.vector_store %arg9[%swap3A, %swap3A_45, %swap3A_46], %swap3A_49 {strides = array<i32>} : memref<1x1024x128xf32, #tpu.memory_space<vmem>>, vector<1x1024x128xf32>,
    %swap3A_50 = arith.constant 0 : index
    %swap3A_51 = arith.constant 0 : index
    %swap3A_52 = arith.constant 0 : index
    %swap3A_53 = vector.load %arg10[%swap3A_50, %swap3A_51, %swap3A_52] : memref<1x1024x128xf32, #tpu.memory_space<vmem>>, vector<1x1024x128xf32>
    %swap3A_54 = vector.shape_cast %swap3A_53 : vector<1x1024x128xf32> to vector<1024x128xf32>
    %swap3A_55 = vector.shape_cast %dot_general3A_44 : vector<1024x128xf32> to vector<1x1024x128xf32>
    tpu.vector_store %arg10[%swap3A_50, %swap3A_51, %swap3A_52], %swap3A_55 {strides = array<i32>} : memref<1x1024x128xf32, #tpu.memory_space<vmem>>, vector<1x1024x128xf32>,
    %get3A_56 = arith.constant 0 : index
    %get3A_57 = arith.constant 0 : index
    %get3A_58 = arith.constant 0 : index
    %get3A_59 = vector.load %arg3[%get3A_56, %get3A_57, %get3A_58] : memref<1x1024x1xf32, #tpu.memory_space<vmem>>, vector<1x1024x1xf32>
    %get3A_60 = vector.shape_cast %get3A_59 : vector<1x1024x1xf32> to vector<1024x1xf32>
    %mul3A_61 = vector.broadcast %get3A_60 : vector<1024x1xf32> to vector<1024x128xf32>
    %mul3A_62 = arith.mulf %dot_general3A_39, %mul3A_61 : vector<1024x128xf32>
    %reduce_sum3A = arith.constant dense<0.000000e+00> : vector<128xf32>
    %reduce_sum3A_63 = vector.multi_reduction <add>, %mul3A_62, %reduce_sum3A [0] : vector<1024x128xf32> to vector<128xf32>
    %swap3A_64 = arith.constant 0 : index
    %swap3A_65 = arith.constant 0 : index
    %swap3A_66 = arith.constant 0 : index
    %swap3A_67 = vector.load %arg11[%swap3A_64, %swap3A_65, %swap3A_66] : memref<1x8x128xf32, #tpu.memory_space<vmem>>, vector<1x1x128xf32>
    %swap3A_68 = vector.shape_cast %swap3A_67 : vector<1x1x128xf32> to vector<128xf32>
    %swap3A_69 = vector.shape_cast %reduce_sum3A_63 : vector<128xf32> to vector<1x1x128xf32>
    tpu.vector_store %arg11[%swap3A_64, %swap3A_65, %swap3A_66], %swap3A_69 {strides = array<i32>} : memref<1x8x128xf32, #tpu.memory_space<vmem>>, vector<1x1x128xf32>,
    %get3A_70 = arith.constant 0 : index
    %get3A_71 = arith.constant 0 : index
    %get3A_72 = arith.constant 0 : index
    %get3A_73 = vector.load %arg4[%get3A_70, %get3A_71, %get3A_72] : memref<1x1024x1xf32, #tpu.memory_space<vmem>>, vector<1x1024x1xf32>
    %get3A_74 = vector.shape_cast %get3A_73 : vector<1x1024x1xf32> to vector<1024x1xf32>
    %mul3A_75 = vector.broadcast %get3A_74 : vector<1024x1xf32> to vector<1024x128xf32>
    %mul3A_76 = arith.mulf %dot_general3A_44, %mul3A_75 : vector<1024x128xf32>
    %reduce_sum3A_77 = arith.constant dense<0.000000e+00> : vector<128xf32>
    %reduce_sum3A_78 = vector.multi_reduction <add>, %mul3A_76, %reduce_sum3A_77 [0] : vector<1024x128xf32> to vector<128xf32>
    %swap3A_79 = arith.constant 0 : index
    %swap3A_80 = arith.constant 0 : index
    %swap3A_81 = arith.constant 0 : index
    %swap3A_82 = vector.load %arg12[%swap3A_79, %swap3A_80, %swap3A_81] : memref<1x8x128xf32, #tpu.memory_space<vmem>>, vector<1x1x128xf32>
    %swap3A_83 = vector.shape_cast %swap3A_82 : vector<1x1x128xf32> to vector<128xf32>
    %swap3A_84 = vector.shape_cast %reduce_sum3A_78 : vector<128xf32> to vector<1x1x128xf32>
    tpu.vector_store %arg12[%swap3A_79, %swap3A_80, %swap3A_81], %swap3A_84 {strides = array<i32>} : memref<1x8x128xf32, #tpu.memory_space<vmem>>, vector<1x1x128xf32>,
    return
  }
  func.func @transform_0(%arg0: i32) -> (i32, i32, i32) {
    %c0_i32 = arith.constant 0 : i32
    %c0_i32_0 = arith.constant 0 : i32
    %c0_i32_1 = arith.constant 0 : i32
    return %arg0, %c0_i32, %c0_i32_0 : i32, i32, i32
  }
  func.func @transform_1(%arg0: i32) -> (i32, i32, i32) {
    %c0_i32 = arith.constant 0 : i32
    %c0_i32_0 = arith.constant 0 : i32
    %c0_i32_1 = arith.constant 0 : i32
    return %arg0, %c0_i32, %c0_i32_0 : i32, i32, i32
  }
  func.func @transform_2(%arg0: i32) -> (i32, i32, i32) {
    %c0_i32 = arith.constant 0 : i32
    %c0_i32_0 = arith.constant 0 : i32
    %c0_i32_1 = arith.constant 0 : i32
    return %arg0, %c0_i32, %c0_i32_0 : i32, i32, i32
  }
  func.func @transform_3(%arg0: i32) -> (i32, i32, i32) {
    %c0_i32 = arith.constant 0 : i32
    %c0_i32_0 = arith.constant 0 : i32
    %c0_i32_1 = arith.constant 0 : i32
    return %arg0, %c0_i32, %c0_i32_0 : i32, i32, i32
  }
  func.func @transform_4(%arg0: i32) -> (i32, i32) {
    %c0_i32 = arith.constant 0 : i32
    %c0_i32_0 = arith.constant 0 : i32
    %c0_i32_1 = arith.constant 0 : i32
    return %c0_i32, %c0_i32_0 : i32, i32
  }
  func.func @transform_5(%arg0: i32) -> (i32, i32) {
    %c0_i32 = arith.constant 0 : i32
    %c0_i32_0 = arith.constant 0 : i32
    %c0_i32_1 = arith.constant 0 : i32
    return %c0_i32, %c0_i32_0 : i32, i32
  }
  func.func @transform_6(%arg0: i32) -> (i32, i32) {
    %c0_i32 = arith.constant 0 : i32
    %c0_i32_0 = arith.constant 0 : i32
    %c0_i32_1 = arith.constant 0 : i32
    return %c0_i32, %c0_i32_0 : i32, i32
  }
  func.func @transform_7(%arg0: i32) -> (i32, i32) {
    %c0_i32 = arith.constant 0 : i32
    %c0_i32_0 = arith.constant 0 : i32
    %c0_i32_1 = arith.constant 0 : i32
    return %c0_i32, %c0_i32_0 : i32, i32
  }
  func.func @transform_8(%arg0: i32) -> (i32, i32, i32) {
    %c0_i32 = arith.constant 0 : i32
    %c0_i32_0 = arith.constant 0 : i32
    %c0_i32_1 = arith.constant 0 : i32
    return %arg0, %c0_i32, %c0_i32_0 : i32, i32, i32
  }
  func.func @transform_9(%arg0: i32) -> (i32, i32, i32) {
    %c0_i32 = arith.constant 0 : i32
    %c0_i32_0 = arith.constant 0 : i32
    %c0_i32_1 = arith.constant 0 : i32
    return %arg0, %c0_i32, %c0_i32_0 : i32, i32, i32
  }
  func.func @transform_10(%arg0: i32) -> (i32, i32, i32) {
    %c0_i32 = arith.constant 0 : i32
    %c0_i32_0 = arith.constant 0 : i32
    %c0_i32_1 = arith.constant 0 : i32
    return %arg0, %c0_i32, %c0_i32_0 : i32, i32, i32
  }
  func.func @transform_11(%arg0: i32) -> (i32, i32, i32) {
    %c0_i32 = arith.constant 0 : i32
    %c0_i32_0 = arith.constant 0 : i32
    %c0_i32_1 = arith.constant 0 : i32
    return %arg0, %c0_i32, %c0_i32_0 : i32, i32, i32
  }
}

</mosaic_0001>

<sc_bundles>
// kernel: kernel.12.cloned.1.call-start
scs
__scs_entry_jumppad:
0x0: {  	(pc) =	sbr.rel $0x88, $3  }
0x1: {  	(tag) =	ssettag $0x0;
	lr =	simm.s32 $0x1  }
0x2: {  	[smem:$0x3F95] =	sst lr;
	_ =	strace $0xD0000000  }
0x3: {  	_ = 	snop  }
0x4: {  	_ = 	snop  }
0x5: {  	_ = 	snop  }
0x6: {  	_ = 	snop  }
0x7: {  	_ = 	snop  }
__scs_overlays_trampoline_lowered:
0x8: {  	[smem:$0x3FA4] =	sst s0  }
0x9: {  	[smem:$0x3FA5] =	sst s1  }
0xa: {  	[smem:$0x3FA6] =	sst s2  }
0xb: {  	[smem:$0x3FA7] =	sst s3  }
0xc: {  	[smem:$0x3FA8] =	sst s4  }
0xd: {  	[smem:$0x3FA9] =	sst s5  }
0xe: {  	[smem:$0x3FAA] =	sst s6  }
0xf: {  	[smem:$0x3FAB] =	sst s7  }
0x10: {  	[smem:$0x3FAC] =	sst s8  }
0x11: {  	[smem:$0x3FAD] =	sst s9;
	s0 =	simm.s32 @!p0 $0x0  }
0x12: {  	s1 =	sld [smem:$0x3F93];
	s0 =	simm.s32 @p0 $0x1  }
0x13: {  	[smem:$0x3FAE] =	sst s0;
	s0 =	simm.s32 @!p1 $0x0  }
0x14: {  	s2 =	sld [smem:$0x3F92];
	s0 =	simm.s32 @p1 $0x1  }
0x15: {  	[smem:$0x3FAF] =	sst s0;
	s0 =	simm.s32 @!p2 $0x0  }
0x16: {  	s3 =	sld [smem:$0x3FDB];
	s0 =	simm.s32 @p2 $0x1  }
0x17: {  	s4 =	simm.s32 $0x1BF5;
	[smem:$0x3FB1] =	sst s0  }
0x18: {  	s0 =	sld [smem:$0x3F94];
	_ =	swait.ge [sflag:s4], $0x0  }
0x19: {  	s7 =	sld [smem:$0x3F95]  }
0x1a: {  	s8 =	sadd.s32 $0xFFFFE003, lr  }
0x1b: {  	s9 =	sadd.s32 $0xFFFFFEF7, lr;
	s5 =	simm.s32 $0xFFFFFFFF;
	p2 =	slt.u32 s8, $0xFFFFF086  }
0x1c: {  	p1 =	slt.u32 s9, $0xF7A;
	s5 =	simm.s32 @!p2 $0x0  }
0x1d: {  	s5 =	simm.s32 @p1 $0x1;
	p0 =	seq.s32 s7, s2  }
0x1e: {  	s7 =	smul.u32 @!p0 $0xF7A, s2;
	p2 =	seq.s32 @!p0 s5, $0x0  }
0x1f: {  	s9 =	smul.u32 $0xF7A, s1;
	s8 =	simm.s32 @!p0 $0x1BF5;
	p2 =	por !p2, p0  }
0x20: {  	[sflag:s8] =	ssyncset.s32 @!p0 $0xFFFFF086;
	s6 =	sadd.s32 @!p0 s3, s7;
	s7 =	simm.s32 @!p0 $0x108  }
0x21: {  	s3 =	sadd.s32 s3, s9;
	s6 =	sadd.s32 @!p0 $0x88, s6;
	s7 =	simm.s32 @p2 $0x1082  }
0x22: {  	[simem:s7], [sflag:s8] =	dma.local @!p0 [hbm:s6], $0xF7A  }
0x23: {  	s9 =	sor.u32 $0xD0000000, s2;
	s6 =	simm.s32 $0x108;
	_ =	swait.ge @!p0 [sflag:s8], $0x0  }
0x24: {  	s3 =	sadd.s32 $0x88, s3;
	s6 =	simm.s32 @!p1 $0x1082;
	[sflag:s4] =	ssyncset.s32 $0xFFFFF086  }
0x25: {  	[simem:s6], [sflag:s4] =	dma.local [hbm:s3], $0xF7A  }
0x26: {  	[smem:$0x3F95] =	sst s1;
	(tag) =	ssettag s2;
	_ =	strace s9  }
0x27: {  	s1 =	sld [smem:$0x3FA5]  }
0x28: {  	s2 =	sld [smem:$0x3FA6]  }
0x29: {  	s4 =	sld [smem:$0x3FA8]  }
0x2a: {  	p0 =	seq.s32 s5, $0x0;
	s5 =	sld [smem:$0x3FA9]  }
0x2b: {  	s6 =	sld [smem:$0x3FAA]  }
0x2c: {  	s7 =	sld [smem:$0x3FAB]  }
0x2d: {  	s3 =	simm.s32 $0x108;
	s8 =	sld [smem:$0x3FAC]  }
0x2e: {  	s3 =	simm.s32 @!p0 $0x1082;
	s9 =	sld [smem:$0x3FAD]  }
0x2f: {  	lr =	sadd.s32 s0, s3;
	s0 =	sld [smem:$0x3FA4]  }
0x30: {  	s3 =	sld [smem:$0x3FA7]  }
0x31: {  	[smem:$0x3FB0] =	sst s10  }
0x32: {  	s10 =	sld [smem:$0x3FAE];
	_ =	sdelay $0x3  }
0x33: {  	p0 =	seq.s32 s10, $0x1;
	s10 =	sld [smem:$0x3FB0];
	_ =	sdelay $0x3  }
0x34: {  	[smem:$0x3FB0] =	sst s10  }
0x35: {  	s10 =	sld [smem:$0x3FAF];
	_ =	sdelay $0x3  }
0x36: {  	p1 =	seq.s32 s10, $0x1;
	s10 =	sld [smem:$0x3FB0];
	_ =	sdelay $0x3  }
0x37: {  	[smem:$0x3FB0] =	sst s10  }
0x38: {  	s10 =	sld [smem:$0x3FB1]  }
0x39: {  	_ = 	snop;
	(pc) =	sbr.ind lr, $3  }
0x3a: {  	_ = 	snop  }
0x3b: {  	_ = 	snop  }
0x3c: {  	p2 =	seq.s32 s10, $0x1;
	s10 =	sld [smem:$0x3FB0]  }
0x3d: {  	_ =	shalt  }
0x3e: {  	_ =	shalt  }
0x3f: {  	_ =	shalt  }
0x40: {  	_ =	shalt  }
0x41: {  	_ =	shalt  }
0x42: {  	_ =	shalt  }
0x43: {  	_ =	shalt  }
0x44: {  	_ =	shalt  }
0x45: {  	_ =	shalt  }
0x46: {  	_ =	shalt  }
0x47: {  	_ =	shalt  }
0x48: {  	_ =	shalt  }
0x49: {  	_ =	shalt  }
0x4a: {  	_ =	shalt  }
0x4b: {  	_ =	shalt  }
0x4c: {  	_ =	shalt  }
0x4d: {  	_ =	shalt  }
0x4e: {  	_ =	shalt  }
0x4f: {  	_ =	shalt  }
0x50: {  	_ =	shalt  }
0x51: {  	_ =	shalt  }
0x52: {  	_ =	shalt  }
0x53: {  	_ =	shalt  }
0x54: {  	_ =	shalt  }
0x55: {  	_ =	shalt  }
0x56: {  	_ =	shalt  }
0x57: {  	_ =	shalt  }
0x58: {  	_ =	shalt  }
0x59: {  	_ =	shalt  }
0x5a: {  	_ =	shalt  }
0x5b: {  	_ =	shalt  }
0x5c: {  	_ =	shalt  }
0x5d: {  	_ =	shalt  }
0x5e: {  	_ =	shalt  }
0x5f: {  	_ =	shalt  }
0x60: {  	_ =	shalt  }
0x61: {  	_ =	shalt  }
0x62: {  	_ =	shalt  }
0x63: {  	_ =	shalt  }
0x64: {  	_ =	shalt  }
0x65: {  	_ =	shalt  }
0x66: {  	_ =	shalt  }
0x67: {  	_ =	shalt  }
0x68: {  	_ =	shalt  }
0x69: {  	_ =	shalt  }
0x6a: {  	_ =	shalt  }
0x6b: {  	_ =	shalt  }
0x6c: {  	_ =	shalt  }
0x6d: {  	_ =	shalt  }
0x6e: {  	_ =	shalt  }
0x6f: {  	_ =	shalt  }
0x70: {  	_ =	shalt  }
0x71: {  	_ =	shalt  }
0x72: {  	_ =	shalt  }
0x73: {  	_ =	shalt  }
0x74: {  	_ =	shalt  }
0x75: {  	_ =	shalt  }
0x76: {  	_ =	shalt  }
0x77: {  	_ =	shalt  }
0x78: {  	_ =	shalt  }
0x79: {  	_ =	shalt  }
0x7a: {  	_ =	shalt  }
0x7b: {  	_ =	shalt  }
0x7c: {  	_ =	shalt  }
0x7d: {  	_ =	shalt  }
0x7e: {  	_ =	shalt  }
0x7f: {  	_ =	shalt  }
0x80: {  	_ =	shalt  }
0x81: {  	_ =	shalt  }
0x82: {  	_ =	shalt  }
0x83: {  	_ =	shalt  }
0x84: {  	_ =	shalt  }
0x85: {  	_ =	shalt  }
0x86: {  	_ =	shalt  }
0x87: {  	_ =	shalt  }
.Lfunc_end0:
.L_simem_size_0:
called_computation.1_lowered:
.L_overlay_start_0:
0x88: {  	s2 =	sld [smem:$0x3FD9]  }
0x89: {  	s3 =	sld [smem:$0x3FFE];
	_ =	sdelay $0x1  }
0x8a: {  	s1 =	srdreg.scid  }
0x8b: {  	s0 =	sand.u32 $0x1, s1  }
0x8c: {  	s14 =	sshll.u32 s0, $0xA;
	s2 =	sadd.s32 s3, s2  }
0x8d: {  	s2 =	sadd.s32 s2, s14  }
0x8e: {  	[smem:$0x3FBC] =	sst s2  }
0x8f: {  	_ = 	snop  }
0x90: {  	s2 =	sld [smem:$0x3FD0];
	_ =	sdelay $0x2  }
0x91: {  	s15 =	simm.s32 $0xA;
	s4 =	simm.s32 $0x10  }
0x92: {  	[smem:s4], [sflag:s15] =	dma.local [hbm:s2], $0x1  }
0x93: {  	_ =	swait.eq [sflag:s15], $0x1  }
0x94: {  	[sflag:s15] =	ssyncset.done $0x0  }
0x95: {  	[sflag:s15] =	ssyncadd.s32 $0xFFFFFFFF  }
0x96: {  	s16 =	sld [smem:$0x10];
	(tm) =	ssettm $0x1  }
0x97: {  	s17 =	sld [smem:$0x3FFB];
	_ =	sdelay $0x3  }
0x98: {  	_ =	strace s17  }
0x99: {  	s3 =	sld [smem:$0x3FFC];
	_ =	sdelay $0x3  }
0x9a: {  	_ =	strace s3  }
0x9b: {  	s3 =	sld [smem:$0x3FFD];
	_ =	sdelay $0x3  }
0x9c: {  	_ =	strace s3  }
0x9d: {  	_ =	strace $0x8FFFFFFF  }
0x9e: {  	s18 =	sld [smem:$0x3FDB];
	_ =	sdelay $0x1  }
0x9f: {  	s19 =	simm.s32 $_scs_section_size  }
0xa0: {  	s5 =	simm.s32 $_size__tile_overlayer_lowered;
	s6 =	simm.s32 $_tile_overlayer_lowered  }
0xa1: {  	s22 =	simm.s32 $0x1BFF;
	s21 =	sshll.u32 s6, $0x1;
	s3 =	sadd.s32 s19, s18  }
0xa2: {  	s7 =	simm.s32 $0x0;
	s20 =	sshll.u32 s5, $0x1;
	s5 =	sadd.s32 s21, s3  }
0xa3: {  	[timem:s7], [sflag:s22] =	dma.local [hbm:s5], s20  }
0xa4: {  	_ =	swait.ge [sflag:s22], s20  }
0xa5: {  	s4 =	ssub.s32 $0x0, s20;
	[sflag:s22] =	ssyncset.done $0x0  }
0xa6: {  	[sflag:s22] =	ssyncadd.s32 s4;
	_ =	sdelay $0x1  }
0xa7: {  	s23 =	simm.s32 $0x1B8B  }
0xa8: {  	_ =	swait.ge [sflag:s23], $0x1  }
0xa9: {  	[sflag:s23] =	ssyncset.done $0x0  }
0xaa: {  	s25 =	simm.s32 $0x1B8E;
	s24 =	sld [smem:$0x3FFE];
	[sflag:s23] =	ssyncadd.s32 $0xFFFFFFFF  }
0xab: {  	s26 =	simm.s32 $execute0_lowered;
	[smem:$0x3FD2] =	sst s25  }
0xac: {  	s5 =	sshll.u32 s26, $0x1;
	_ =	strace $0x80000049;
	[dreg:$0x1] =	wrdreg $0xFFFFFFFF  }
0xad: {  	s28 =	simm.s32 $_size_execute0_lowered;
	s3 =	sadd.s32 s3, s5;
	[dreg:$0x0] =	wrdreg $0x0  }
0xae: {  	s5 =	sshll.u32 s28, $0x1;
	[dreg:$0x2] =	wrdreg s3  }
0xaf: {  	[dreg:$0x3] =	wrdreg s5  }
0xb0: {  	[dreg:$0x4] =	wrdreg $0xC0  }
0xb1: {  	_ =	task [dreg:s7], $0x5FFFF  }
0xb2: {  	[dreg:$0x1] =	wrdreg $0xFFFFFFFF  }
0xb3: {  	[dreg:$0x0] =	wrdreg $0x60  }
0xb4: {  	[dreg:$0x2] =	wrdreg s24  }
0xb5: {  	[dreg:$0x3] =	wrdreg s16  }
0xb6: {  	[dreg:$0x4] =	wrdreg $0x160000  }
0xb7: {  	[dreg:$0x5] =	wrdreg $0x180000  }
0xb8: {  	[dreg:$0x6] =	wrdreg $0x9  }
0xb9: {  	_ =	task.clear_ibuf [dreg:s7], $0x7FFFF;
	_ =	strace $0x90000049  }
0xba: {  	s29 =	simm.s32 $0x9;
	_ =	strace $0x8000004B  }
0xbb: {  	_ =	swait.ge [sflag:s29], $0x1  }
0xbc: {  	[sflag:s29] =	ssyncadd.s32 $0xFFFFFFFF  }
0xbd: {  	_ =	strace $0x9000004B  }
0xbe: {  	_ =	sfence  }
0xbf: {  	s30 =	sld [smem:$0x0];
	_ =	sdelay $0x2  }
0xc0: {  	s31 =	sshll.u32 s1, $0xD;
	s1 =	sshrl.u32 s1, $0x2  }
0xc1: {  	s3 =	sand.u32 $0x4000, s31;
	s1 =	sadd.s32 s1, s30  }
0xc2: {  	s0 =	sor.u32 s3, s0;
	s1 =	sshll.u32 s1, $0x11  }
0xc3: {  	s0 =	sor.u32 s1, s0  }
0xc4: {  	s0 =	sadd.s32 $0x8F2B, s0  }
0xc5: {  	[sflag:s0] =	ssyncadd.remote.s32 $0x1  }
0xc6: {  	_ =	sfence.sel $0xFFFF  }
0xc7: {  	[dreg:$0x0] =	wrdreg $0xFFFFFFFF;
	(pc) =	sbr.abs _section_cstart, $3  }
0xc8: {  	[dreg:$0x1] =	wrdreg $0xFFFFFFFF  }
0xc9: {  	_ =	task.clear_ibuf [dreg:s7], $0x2FFFF;
	_ =	strace $0x9FFFFFFF  }
0xca: {  	(tm) =	ssettm $0x7FFFFFFF  }
0xcb: {  	_ =	shalt  }
tec
execute0_lowered:
.L_overlay_start_1:
0x0: {  	(tag) =	ssettag $0x1  }
0x1: {  	s0 =	rddreg [dreg:$0x0]  }
0x2: {  	s6 =	rddreg [dreg:$0x1]  }
0x3: {  	s1 =	rddreg [dreg:$0x2]  }
0x4: {  	s2 =	rddreg [dreg:$0x3];
	s4 =	simm.s32 $0x0;
	s5 =	srdreg.scid  }
0x5: {  	s3 =	stileid.u32;
	s28 =	simm.s32 $0x1;
	s29 =	simm.s32 $0x80  }
0x6: {  	s30 =	simm.s32 $0x2;
	s31 =	simm.s32 $0x3;
	s19 =	simm.s32 $0x0  }
0x7: {  	[smem:$0x7FF] =	sst s4;
	s7 =	sand.u32 $0x1, s5;
	s8 =	sshll.u32 s3, $0x9  }
0x8: {  	s5 =	sadd.s32 $0x4A00, s0;
	s16 =	sshll.u32 s3, $0xA;
	s17 =	sshll.u32 s3, $0xC  }
0x9: {  	s25 =	sshll.u32 s3, $0xD;
	_ =	strace $0x8000004A;
	s9 =	sshll.u32 s7, $0xD  }
0xa: {  	s10 =	ssub.s32 $0x2, s7;
	s14 =	sshll.u32 s7, $0x14;
	s7 =	sshll.u32 s7, $0x12  }
0xb: {  	s8 =	sor.u32 s8, s9;
	s21 =	sshrl.u32 s10, $0x1;
	s12 =	sor.u32 s17, s14  }
0xc: {  	s11 =	sadd.s32 s8, s0;
	s0 =	sadd.s32 $0x49DA00, s0;
	s15 =	ssub.s32 s10, s21  }
0xd: {  	s10 =	sadd.s32 s25, s1;
	s12 =	sadd.s32 s6, s12;
	s6 =	sadd.s32 s14, s6  }
0xe: {  	s8 =	sadd.s32 $0x8CA00, s11;
	s22 =	sadd.s32 $0x90A00, s11;
	s23 =	sadd.s32 $0x94A00, s11  }
0xf: {  	s24 =	sadd.s32 $0x98A00, s11;
	s11 =	sadd.s32 s25, s2;
	s13 =	sadd.s32 $0x800, s12  }
0x10: {  	s18 =	sadd.s32 s16, s0;
	s0 =	sadd.s32 s7, s0;
	[dreg:$0x5] =	wrdreg s8  }
0x11: {  	s26 =	sadd.s32 s17, s6;
	s15 =	smax.u32 s15, $0x1;
	[dreg:$0x6] =	wrdreg s22  }
.Ltmp0:
0x12: {  	s25 =	simm.s32 $0xC000;
	[dreg:$0x7] =	wrdreg s23;
	(pc) =	sbr.rel .LBB2_1-.Ltmp0, $4  }
0x13: {  	[dreg:$0x8] =	wrdreg s24;
	s18 =	sadd.s32 s7, s18;
	s0 =	sadd.s32 s16, s0  }
0x14: {  	s21 =	sadd.s32 $0x10800, s26;
	s22 =	simm.s32 $0x14000;
	s23 =	simm.s32 $0x4000  }
0x15: {  	s24 =	simm.s32 $0x8000;
	s26 =	simm.s32 $0x10000;
	s14 =	sadd.s32 $0x3C000, s18  }
0x16: {  	v0 =	vimm.f32 $0.0e+00;
	s6 =	sadd.s32 $0xFFFFC000, s0;
	s18 =	simm.s32 $0x5;
	s0 =	simm.s32 $0x4  }
.LBB2_6:
0x17: {  	s19 =	sadd.s32 $0x1, s19  }
0x18: {  	p0 =	sne.s32 s19, s15  }
.Ltmp1:
0x19: {  	[bflag:$0x0] =	sbarrier.arrive $0xFFFF;
	s8 =	sshrl.u32 s11, $0x3;
	(pc) =	sbr.rel @!p0 .LBB2_7-.Ltmp1, $4  }
0x1a: {  	[hbm:s14], [sflag:s7] =	dma.local [spmem:s8], $0x400  }
0x1b: {  	_ =	swait.ge [sflag:s18], $0x400  }
0x1c: {  	[sflag:s18] =	ssyncset.done $0x0  }
0x1d: {  	[sflag:s18] =	ssyncadd.s32 $0xFFFFFC00  }
.LBB2_1:
0x1e: {  	s7 =	sand.u32 $0x7E00, s4  }
0x1f: {  	s16 =	sand.u32 $0x70, s4;
	s17 =	sshrl.u32 s7, $0x2  }
0x20: {  	s7 =	simm.s32 $0x40;
	s17 =	sor.u32 s16, s17;
	s16 =	simm.s32 $0x0  }
.LBB2_2:
0x21: {  	p0 =	sne.s32 s7, $0x7FC0  }
0x22: {  	[tilespmem:s17+$0x14000] =	vst v0;
	s16 =	sadd.s32 $0x10, s16;
	s17 =	smov.u32 s7;
	s7 =	sadd.s32 $0x40, s7  }
.Ltmp2:
0x23: {  	(pc) =	sbr.rel @p0 .LBB2_2-.Ltmp2, $4  }
0x24: {  	_ = 	snop  }
0x25: {  	s17 =	sand.u32 $0x7E00, s17  }
0x26: {  	s20 =	sand.u32 $0x70, s16;
	s17 =	sshrl.u32 s17, $0x2  }
0x27: {  	s17 =	sor.u32 s20, s17  }
0x28: {  	[tilespmem:s17+$0x14000] =	vst v0;
	s20 =	simm.s32 $0x0;
	s7 =	rddreg [dreg:$0x5]  }
0x29: {  	[tilespmem:s20], [sflag:$0x5] =	stream.linear.gather [hbm4b:s7+s20], $0x1000, $0x38;
	[tilespmem:$0x1A000] =	vst v63  }
0x2a: {  	_ =	swait.ge [sflag:s18], $0x1000  }
0x2b: {  	[sflag:s18] =	ssyncset.done $0x0  }
0x2c: {  	s8 =	simm.s32 $0x1000;
	s17 =	rddreg [dreg:$0x6];
	[sflag:s18] =	ssyncadd.s32 $0xFFFFF000  }
0x2d: {  	[tilespmem:s8], [sflag:$0x5] =	stream.linear.gather [hbm4b:s17+s20], $0x1000, $0x38;
	[tilespmem:$0x1A000] =	vst v63  }
0x2e: {  	_ =	swait.ge [sflag:s18], $0x1000  }
0x2f: {  	[sflag:s18] =	ssyncset.done $0x0  }
0x30: {  	s9 =	simm.s32 $0x2000;
	s8 =	rddreg [dreg:$0x7];
	[sflag:s18] =	ssyncadd.s32 $0xFFFFF000  }
0x31: {  	[tilespmem:s9], [sflag:$0x5] =	stream.linear.gather [hbm4b:s8+s20], $0x1000, $0x38;
	[tilespmem:$0x1A000] =	vst v63  }
0x32: {  	_ =	swait.ge [sflag:s18], $0x1000  }
0x33: {  	[sflag:s18] =	ssyncset.done $0x0  }
0x34: {  	s17 =	simm.s32 $0x3000;
	s16 =	rddreg [dreg:$0x8];
	[sflag:s18] =	ssyncadd.s32 $0xFFFFF000  }
0x35: {  	[tilespmem:s17], [sflag:$0x5] =	stream.linear.gather [hbm4b:s16+s20], $0x1000, $0x38;
	[tilespmem:$0x1A000] =	vst v63  }
0x36: {  	_ =	swait.ge [sflag:s18], $0x1000  }
0x37: {  	[sflag:s18] =	ssyncset.done $0x0  }
0x38: {  	[sflag:s18] =	ssyncadd.s32 $0xFFFFF000  }
0x39: {  	[spmem:s10] =	stream.linear.scatter [tilespmem:s22], [sflag:$0x5], $0x2000, $0x38;
	[tilespmem:$0x1A000] =	vst v63  }
0x3a: {  	_ =	swait.ge [sflag:s18], $0x2000  }
0x3b: {  	[sflag:s18] =	ssyncset.done $0x0  }
0x3c: {  	[sflag:s18] =	ssyncadd.s32 $0xFFFFE000  }
0x3d: {  	[spmem:s11] =	stream.linear.scatter [tilespmem:s22], [sflag:$0x5], $0x2000, $0x38;
	[tilespmem:$0x1A000] =	vst v63  }
0x3e: {  	_ =	swait.ge [sflag:s18], $0x2000  }
0x3f: {  	[sflag:s18] =	ssyncset.done $0x0  }
0x40: {  	[sflag:s18] =	ssyncadd.s32 $0xFFFFE000  }
0x41: {  	[bflag:$0x0] =	sbarrier.arrive $0xFFFF  }
0x42: {  	[tilespmem:s23], [sflag:$0x1] =	stream.linear.gather [hbm4b:s12+s20], $0x4000, $0x38;
	[tilespmem:$0x1A000] =	vst v63  }
0x43: {  	_ = 	snop  }
0x44: {  	[tilespmem:s24], [sflag:$0x2] =	stream.linear.gather [hbm4b:s12+s20], $0x4000, $0x38;
	[tilespmem:$0x1A000] =	vst v63  }
0x45: {  	_ = 	snop  }
0x46: {  	[tilespmem:s25], [sflag:$0x3] =	stream.linear.gather [hbm4b:s13+s20], $0x4000, $0x38;
	[tilespmem:$0x1A000] =	vst v63  }
0x47: {  	s17 =	smov.u32 s21;
	s16 =	smov.u32 s6  }
0x48: {  	[tilespmem:s26], [sflag:$0x4] =	stream.linear.gather [hbm4b:s13+s20], $0x4000, $0x38;
	[tilespmem:$0x1A000] =	vst v63  }
.LBB2_4:
0x49: {  	_ =	swait.ge [sflag:s28], $0x4000  }
0x4a: {  	[sflag:s28] =	ssyncset.done $0x0  }
0x4b: {  	s7 =	sshra.s32 s20, $0x2;
	[sflag:s28] =	ssyncadd.s32 $0xFFFFC000  }
0x4c: {  	[tilespmem:s23], [sflag:$0x1] =	stream.indirect.gather.add.f32 [hbm:s5], $0x80, s7, s29, $0xb8;
	[tilespmem:$0x1A000] =	vst v63  }
0x4d: {  	_ =	swait.ge [sflag:s30], $0x4000  }
0x4e: {  	[sflag:s30] =	ssyncset.done $0x0  }
0x4f: {  	s8 =	sadd.s32 $0x1000, s7;
	[sflag:s30] =	ssyncadd.s32 $0xFFFFC000  }
0x50: {  	[tilespmem:s24], [sflag:$0x2] =	stream.indirect.gather.add.f32 [hbm:s5], $0x80, s8, s29, $0xb8;
	[tilespmem:$0x1A000] =	vst v63  }
0x51: {  	_ =	swait.ge [sflag:s31], $0x4000  }
0x52: {  	[sflag:s31] =	ssyncset.done $0x0  }
0x53: {  	s9 =	sadd.s32 $0x80, s7;
	[sflag:s31] =	ssyncadd.s32 $0xFFFFC000  }
0x54: {  	[tilespmem:s25], [sflag:$0x3] =	stream.indirect.gather.add.f32 [hbm:s5], $0x80, s9, s29, $0xb8;
	[tilespmem:$0x1A000] =	vst v63  }
0x55: {  	_ =	swait.ge [sflag:s0], $0x4000  }
0x56: {  	[sflag:s0] =	ssyncset.done $0x0  }
0x57: {  	s9 =	sadd.s32 $0x1080, s7;
	[sflag:s0] =	ssyncadd.s32 $0xFFFFC000  }
0x58: {  	[tilespmem:s26], [sflag:$0x4] =	stream.indirect.gather.add.f32 [hbm:s5], $0x80, s9, s29, $0xb8;
	[tilespmem:$0x1A000] =	vst v63  }
0x59: {  	_ =	swait.ge [sflag:s28], $0x4000  }
0x5a: {  	[sflag:s28] =	ssyncset.done $0x0  }
0x5b: {  	s9 =	sadd.s32 $0x3000, s7;
	[sflag:s28] =	ssyncadd.s32 $0xFFFFC000  }
0x5c: {  	[spmem:s1] =	stream.indirect.scatter.add.f32 [tilespmem:s23], [sflag:$0x1], $0x80, s9, s29, $0xb8;
	[tilespmem:$0x1A000] =	vst v63  }
0x5d: {  	_ =	swait.ge [sflag:s30], $0x4000  }
0x5e: {  	[sflag:s30] =	ssyncset.done $0x0  }
0x5f: {  	s9 =	sadd.s32 $0x2000, s7;
	[sflag:s30] =	ssyncadd.s32 $0xFFFFC000  }
0x60: {  	[spmem:s1] =	stream.indirect.scatter.add.f32 [tilespmem:s24], [sflag:$0x2], $0x80, s9, s29, $0xb8;
	[tilespmem:$0x1A000] =	vst v63  }
0x61: {  	_ =	swait.ge [sflag:s31], $0x4000  }
0x62: {  	[sflag:s31] =	ssyncset.done $0x0  }
0x63: {  	s9 =	sadd.s32 $0x3080, s7;
	[sflag:s31] =	ssyncadd.s32 $0xFFFFC000  }
0x64: {  	[spmem:s1] =	stream.indirect.scatter.add.f32 [tilespmem:s25], [sflag:$0x3], $0x80, s9, s29, $0xb8;
	[tilespmem:$0x1A000] =	vst v63  }
0x65: {  	_ =	swait.ge [sflag:s0], $0x4000  }
0x66: {  	p0 =	seq.s32 s20, $0x0;
	[sflag:s0] =	ssyncset.done $0x0  }
0x67: {  	s8 =	sshll.u32 @!p0 s3, $0x6;
	s9 =	sadd.s32 $0x2080, s7;
	[sflag:s0] =	ssyncadd.s32 $0xFFFFC000  }
0x68: {  	[spmem:s1] =	stream.indirect.scatter.add.f32 [tilespmem:s26], [sflag:$0x4], $0x80, s9, s29, $0xb8;
	[tilespmem:$0x1A000] =	vst v63  }
0x69: {  	s8 =	sor.u32 @!p0 $0x1C05, s8;
	s9 =	sshrl.u32 @!p0 s11, $0x3  }
0x6a: {  	[hbm:s16], [sflag:s8] =	dma.local @!p0 [spmem:s9], $0x400  }
0x6b: {  	s8 =	simm.s32 @!p0 $0x5  }
0x6c: {  	_ =	swait.ge @!p0 [sflag:s8], $0x400  }
0x6d: {  	[sflag:s8] =	ssyncset.done @!p0 $0x0  }
0x6e: {  	s9 =	simm.s32 @!p0 $0x14000;
	[sflag:s8] =	ssyncadd.s32 @!p0 $0xFFFFFC00  }
0x6f: {  	[spmem:s11] =	stream.linear.scatter @!p0 [tilespmem:s9], [sflag:$0x5], $0x2000, $0x38;
	[tilespmem:$0x1A000] =	vst v63  }
0x70: {  	_ =	swait.ge @!p0 [sflag:s8], $0x2000  }
0x71: {  	[sflag:s8] =	ssyncset.done @!p0 $0x0  }
0x72: {  	[sflag:s8] =	ssyncadd.s32 @!p0 $0xFFFFE000  }
0x73: {  	_ =	swait.ge [sflag:s28], $0x4000  }
0x74: {  	[sflag:s28] =	ssyncset.done $0x0  }
0x75: {  	[sflag:s28] =	ssyncadd.s32 $0xFFFFC000  }
0x76: {  	_ =	swait.ge [sflag:s30], $0x4000  }
0x77: {  	[sflag:s30] =	ssyncset.done $0x0  }
0x78: {  	[sflag:s30] =	ssyncadd.s32 $0xFFFFC000  }
0x79: {  	_ =	swait.ge [sflag:s31], $0x4000  }
0x7a: {  	[sflag:s31] =	ssyncset.done $0x0  }
0x7b: {  	[sflag:s31] =	ssyncadd.s32 $0xFFFFC000  }
0x7c: {  	_ =	swait.ge [sflag:s0], $0x4000  }
0x7d: {  	[sflag:s0] =	ssyncset.done $0x0  }
0x7e: {  	s9 =	sadd.s32 $0xFFFFF800, s17;
	[sflag:s0] =	ssyncadd.s32 $0xFFFFC000  }
0x7f: {  	[tilespmem:s23], [sflag:$0x1] =	stream.linear.gather [hbm4b:s9+s4], $0x4000, $0x38;
	[tilespmem:$0x1A000] =	vst v63  }
0x80: {  	_ = 	snop  }
0x81: {  	[tilespmem:s24], [sflag:$0x2] =	stream.linear.gather [hbm4b:s9+s4], $0x4000, $0x38;
	[tilespmem:$0x1A000] =	vst v63  }
0x82: {  	_ = 	snop  }
0x83: {  	[tilespmem:s25], [sflag:$0x3] =	stream.linear.gather [hbm4b:s17+s4], $0x4000, $0x38;
	[tilespmem:$0x1A000] =	vst v63  }
0x84: {  	_ = 	snop  }
0x85: {  	[tilespmem:s26], [sflag:$0x4] =	stream.linear.gather [hbm4b:s17+s4], $0x4000, $0x38;
	[tilespmem:$0x1A000] =	vst v63  }
0x86: {  	[bflag:$0x0] =	sbarrier.arrive $0xFFFF  }
0x87: {  	_ =	swait.ge [sflag:s28], $0x4000  }
0x88: {  	[sflag:s28] =	ssyncset.done $0x0  }
0x89: {  	s9 =	sadd.s32 $0x100, s7;
	[sflag:s28] =	ssyncadd.s32 $0xFFFFC000  }
0x8a: {  	[tilespmem:s23], [sflag:$0x1] =	stream.indirect.gather.add.f32 [hbm:s5], $0x80, s9, s29, $0xb8;
	[tilespmem:$0x1A000] =	vst v63  }
0x8b: {  	_ =	swait.ge [sflag:s30], $0x4000  }
0x8c: {  	[sflag:s30] =	ssyncset.done $0x0  }
0x8d: {  	s9 =	sadd.s32 $0x1100, s7;
	[sflag:s30] =	ssyncadd.s32 $0xFFFFC000  }
0x8e: {  	[tilespmem:s24], [sflag:$0x2] =	stream.indirect.gather.add.f32 [hbm:s5], $0x80, s9, s29, $0xb8;
	[tilespmem:$0x1A000] =	vst v63  }
0x8f: {  	_ =	swait.ge [sflag:s31], $0x4000  }
0x90: {  	[sflag:s31] =	ssyncset.done $0x0  }
0x91: {  	s9 =	sadd.s32 $0x180, s7;
	[sflag:s31] =	ssyncadd.s32 $0xFFFFC000  }
0x92: {  	[tilespmem:s25], [sflag:$0x3] =	stream.indirect.gather.add.f32 [hbm:s5], $0x80, s9, s29, $0xb8;
	[tilespmem:$0x1A000] =	vst v63  }
0x93: {  	_ =	swait.ge [sflag:s0], $0x4000  }
0x94: {  	[sflag:s0] =	ssyncset.done $0x0  }
0x95: {  	s9 =	sadd.s32 $0x1180, s7;
	[sflag:s0] =	ssyncadd.s32 $0xFFFFC000  }
0x96: {  	[tilespmem:s26], [sflag:$0x4] =	stream.indirect.gather.add.f32 [hbm:s5], $0x80, s9, s29, $0xb8;
	[tilespmem:$0x1A000] =	vst v63  }
0x97: {  	_ =	swait.ge [sflag:s28], $0x4000  }
0x98: {  	[sflag:s28] =	ssyncset.done $0x0  }
0x99: {  	s9 =	sadd.s32 $0x3100, s7;
	[sflag:s28] =	ssyncadd.s32 $0xFFFFC000  }
0x9a: {  	[spmem:s2] =	stream.indirect.scatter.add.f32 [tilespmem:s23], [sflag:$0x1], $0x80, s9, s29, $0xb8;
	[tilespmem:$0x1A000] =	vst v63  }
0x9b: {  	_ =	swait.ge [sflag:s30], $0x4000  }
0x9c: {  	[sflag:s30] =	ssyncset.done $0x0  }
0x9d: {  	s9 =	sadd.s32 $0x2100, s7;
	[sflag:s30] =	ssyncadd.s32 $0xFFFFC000  }
0x9e: {  	[spmem:s2] =	stream.indirect.scatter.add.f32 [tilespmem:s24], [sflag:$0x2], $0x80, s9, s29, $0xb8;
	[tilespmem:$0x1A000] =	vst v63  }
0x9f: {  	_ =	swait.ge [sflag:s31], $0x4000  }
0xa0: {  	[sflag:s31] =	ssyncset.done $0x0  }
0xa1: {  	s9 =	sadd.s32 $0x3180, s7;
	[sflag:s31] =	ssyncadd.s32 $0xFFFFC000  }
0xa2: {  	[spmem:s2] =	stream.indirect.scatter.add.f32 [tilespmem:s25], [sflag:$0x3], $0x80, s9, s29, $0xb8;
	[tilespmem:$0x1A000] =	vst v63  }
0xa3: {  	_ =	swait.ge [sflag:s0], $0x4000  }
0xa4: {  	[sflag:s0] =	ssyncset.done $0x0  }
0xa5: {  	s7 =	sadd.s32 $0x2180, s7;
	s9 =	sshll.u32 s3, $0x6;
	[sflag:s0] =	ssyncadd.s32 $0xFFFFC000  }
0xa6: {  	[spmem:s2] =	stream.indirect.scatter.add.f32 [tilespmem:s26], [sflag:$0x4], $0x80, s7, s29, $0xb8;
	[tilespmem:$0x1A000] =	vst v63  }
0xa7: {  	s8 =	sadd.s32 $0x4000, s16;
	s7 =	sor.u32 $0x1C05, s9;
	s9 =	sshrl.u32 s10, $0x3  }
0xa8: {  	[hbm:s8], [sflag:s7] =	dma.local [spmem:s9], $0x400  }
0xa9: {  	_ =	swait.ge [sflag:s18], $0x400  }
0xaa: {  	[sflag:s18] =	ssyncset.done $0x0  }
0xab: {  	[sflag:s18] =	ssyncadd.s32 $0xFFFFFC00  }
0xac: {  	[spmem:s10] =	stream.linear.scatter [tilespmem:s22], [sflag:$0x5], $0x2000, $0x38;
	[tilespmem:$0x1A000] =	vst v63  }
0xad: {  	_ =	swait.ge [sflag:s18], $0x2000  }
0xae: {  	[sflag:s18] =	ssyncset.done $0x0  }
0xaf: {  	[sflag:s18] =	ssyncadd.s32 $0xFFFFE000  }
0xb0: {  	_ =	swait.ge [sflag:s28], $0x4000  }
0xb1: {  	[sflag:s28] =	ssyncset.done $0x0  }
0xb2: {  	[sflag:s28] =	ssyncadd.s32 $0xFFFFC000  }
0xb3: {  	_ =	swait.ge [sflag:s30], $0x4000  }
0xb4: {  	[sflag:s30] =	ssyncset.done $0x0  }
0xb5: {  	[sflag:s30] =	ssyncadd.s32 $0xFFFFC000  }
0xb6: {  	p0 =	seq.s32 s20, $0x3800;
	_ =	swait.ge [sflag:s31], $0x4000  }
.Ltmp3:
0xb7: {  	[sflag:s31] =	ssyncset.done $0x0;
	(pc) =	sbr.rel @p0 .LBB2_6-.Ltmp3, $4  }
0xb8: {  	[sflag:s31] =	ssyncadd.s32 $0xFFFFC000  }
0xb9: {  	_ =	swait.ge [sflag:s0], $0x4000  }
0xba: {  	[sflag:s0] =	ssyncset.done $0x0  }
0xbb: {  	[sflag:s0] =	ssyncadd.s32 $0xFFFFC000  }
0xbc: {  	s7 =	sadd.s32 $0xF800, s17  }
0xbd: {  	[tilespmem:s23], [sflag:$0x1] =	stream.linear.gather [hbm4b:s7+s4], $0x4000, $0x38;
	[tilespmem:$0x1A000] =	vst v63  }
0xbe: {  	_ = 	snop  }
0xbf: {  	[tilespmem:s24], [sflag:$0x2] =	stream.linear.gather [hbm4b:s7+s4], $0x4000, $0x38;
	[tilespmem:$0x1A000] =	vst v63  }
0xc0: {  	s9 =	sadd.s32 $0x10000, s17  }
0xc1: {  	[tilespmem:s25], [sflag:$0x3] =	stream.linear.gather [hbm4b:s9+s4], $0x4000, $0x38;
	[tilespmem:$0x1A000] =	vst v63  }
.Ltmp4:
0xc2: {  	_ = 	snop;
	(pc) =	sbr.rel .LBB2_4-.Ltmp4, $4  }
0xc3: {  	_ = 	snop  }
0xc4: {  	[tilespmem:s26], [sflag:$0x4] =	stream.linear.gather [hbm4b:s9+s4], $0x4000, $0x38;
	[tilespmem:$0x1A000] =	vst v63  }
0xc5: {  	[bflag:$0x0] =	sbarrier.arrive $0xFFFF  }
0xc6: {  	s20 =	sadd.s32 $0x800, s20;
	s16 =	sadd.s32 $0x8000, s16;
	s17 =	sadd.s32 $0x20000, s17  }
.LBB2_7:
0xc7: {  	_ =	sfence.sel $0x180000  }
0xc8: {  	[bflag:$0x0] =	sbarrier.arrive $0xFFFF  }
0xc9: {  	_ =	strace $0x9000004A  }
0xca: {  	[bflag:$0x2] =	sbarrier.arrive $0xFFFF  }
0xcb: {  	p0 =	sne.s32 s3, $0x0;
	s0 =	rddreg [dreg:$0x4]  }
0xcc: {  	s0 =	sadd.s32 @!p0 $0x100000, s0  }
0xcd: {  	[sflag:s0] =	ssyncadd.tile.s32 @!p0 $0x1;
	_ =	shalt  }
.Lfunc_end2:
_tile_overlayer_lowered:
.L_overlay_start_2:
0xce: {  	(tag) =	ssettag $0x2  }
0xcf: {  	s0 =	rddreg [dreg:$0x0];
	s2 =	stileid.u32  }
0xd0: {  	s1 =	rddreg [dreg:$0x1];
	p0 =	sne.s32 s2, $0x0  }
0xd1: {  	s3 =	rddreg [dreg:$0x2];
	[bflag:$0x3] =	sbarrier.arrive $0xFFFF;
	s2 =	simm.s32 @!p0 $0x1C05  }
0xd2: {  	[timem:s3], [sflag:s2] =	dma.local @!p0 [hbm:s0], s1  }
0xd3: {  	s0 =	simm.s32 @!p0 $0x5  }
0xd4: {  	_ =	swait.ge @!p0 [sflag:s0], s1  }
0xd5: {  	s1 =	ssub.s32 @!p0 $0x0, s1;
	[sflag:s0] =	ssyncset.done @!p0 $0x0  }
0xd6: {  	[sflag:s0] =	ssyncadd.s32 @!p0 s1  }
0xd7: {  	[bflag:$0x3] =	sbarrier.arrive $0xFFFF  }
0xd8: {  	_ =	shalt  }

// kernel: kernel.15.cloned.1.call-start
scs
__scs_entry_jumppad:
0x0: {  	(pc) =	sbr.rel $0x88, $3  }
0x1: {  	(tag) =	ssettag $0x0;
	lr =	simm.s32 $0x1  }
0x2: {  	[smem:$0x3F95] =	sst lr;
	_ =	strace $0xD0000000  }
0x3: {  	_ = 	snop  }
0x4: {  	_ = 	snop  }
0x5: {  	_ = 	snop  }
0x6: {  	_ = 	snop  }
0x7: {  	_ = 	snop  }
__scs_overlays_trampoline_lowered:
0x8: {  	[smem:$0x3FA4] =	sst s0  }
0x9: {  	[smem:$0x3FA5] =	sst s1  }
0xa: {  	[smem:$0x3FA6] =	sst s2  }
0xb: {  	[smem:$0x3FA7] =	sst s3  }
0xc: {  	[smem:$0x3FA8] =	sst s4  }
0xd: {  	[smem:$0x3FA9] =	sst s5  }
0xe: {  	[smem:$0x3FAA] =	sst s6  }
0xf: {  	[smem:$0x3FAB] =	sst s7  }
0x10: {  	[smem:$0x3FAC] =	sst s8  }
0x11: {  	[smem:$0x3FAD] =	sst s9;
	s0 =	simm.s32 @!p0 $0x0  }
0x12: {  	s1 =	sld [smem:$0x3F93];
	s0 =	simm.s32 @p0 $0x1  }
0x13: {  	[smem:$0x3FAE] =	sst s0;
	s0 =	simm.s32 @!p1 $0x0  }
0x14: {  	s2 =	sld [smem:$0x3F92];
	s0 =	simm.s32 @p1 $0x1  }
0x15: {  	[smem:$0x3FAF] =	sst s0;
	s0 =	simm.s32 @!p2 $0x0  }
0x16: {  	s3 =	sld [smem:$0x3FDB];
	s0 =	simm.s32 @p2 $0x1  }
0x17: {  	s4 =	simm.s32 $0x1BF5;
	[smem:$0x3FB1] =	sst s0  }
0x18: {  	s0 =	sld [smem:$0x3F94];
	_ =	swait.ge [sflag:s4], $0x0  }
0x19: {  	s7 =	sld [smem:$0x3F95]  }
0x1a: {  	s8 =	sadd.s32 $0xFFFFE003, lr  }
0x1b: {  	s9 =	sadd.s32 $0xFFFFFEF7, lr;
	s5 =	simm.s32 $0xFFFFFFFF;
	p2 =	slt.u32 s8, $0xFFFFF086  }
0x1c: {  	p1 =	slt.u32 s9, $0xF7A;
	s5 =	simm.s32 @!p2 $0x0  }
0x1d: {  	s5 =	simm.s32 @p1 $0x1;
	p0 =	seq.s32 s7, s2  }
0x1e: {  	s7 =	smul.u32 @!p0 $0xF7A, s2;
	p2 =	seq.s32 @!p0 s5, $0x0  }
0x1f: {  	s9 =	smul.u32 $0xF7A, s1;
	s8 =	simm.s32 @!p0 $0x1BF5;
	p2 =	por !p2, p0  }
0x20: {  	[sflag:s8] =	ssyncset.s32 @!p0 $0xFFFFF086;
	s6 =	sadd.s32 @!p0 s3, s7;
	s7 =	simm.s32 @!p0 $0x108  }
0x21: {  	s3 =	sadd.s32 s3, s9;
	s6 =	sadd.s32 @!p0 $0x88, s6;
	s7 =	simm.s32 @p2 $0x1082  }
0x22: {  	[simem:s7], [sflag:s8] =	dma.local @!p0 [hbm:s6], $0xF7A  }
0x23: {  	s9 =	sor.u32 $0xD0000000, s2;
	s6 =	simm.s32 $0x108;
	_ =	swait.ge @!p0 [sflag:s8], $0x0  }
0x24: {  	s3 =	sadd.s32 $0x88, s3;
	s6 =	simm.s32 @!p1 $0x1082;
	[sflag:s4] =	ssyncset.s32 $0xFFFFF086  }
0x25: {  	[simem:s6], [sflag:s4] =	dma.local [hbm:s3], $0xF7A  }
0x26: {  	[smem:$0x3F95] =	sst s1;
	(tag) =	ssettag s2;
	_ =	strace s9  }
0x27: {  	s1 =	sld [smem:$0x3FA5]  }
0x28: {  	s2 =	sld [smem:$0x3FA6]  }
0x29: {  	s4 =	sld [smem:$0x3FA8]  }
0x2a: {  	p0 =	seq.s32 s5, $0x0;
	s5 =	sld [smem:$0x3FA9]  }
0x2b: {  	s6 =	sld [smem:$0x3FAA]  }
0x2c: {  	s7 =	sld [smem:$0x3FAB]  }
0x2d: {  	s3 =	simm.s32 $0x108;
	s8 =	sld [smem:$0x3FAC]  }
0x2e: {  	s3 =	simm.s32 @!p0 $0x1082;
	s9 =	sld [smem:$0x3FAD]  }
0x2f: {  	lr =	sadd.s32 s0, s3;
	s0 =	sld [smem:$0x3FA4]  }
0x30: {  	s3 =	sld [smem:$0x3FA7]  }
0x31: {  	[smem:$0x3FB0] =	sst s10  }
0x32: {  	s10 =	sld [smem:$0x3FAE];
	_ =	sdelay $0x3  }
0x33: {  	p0 =	seq.s32 s10, $0x1;
	s10 =	sld [smem:$0x3FB0];
	_ =	sdelay $0x3  }
0x34: {  	[smem:$0x3FB0] =	sst s10  }
0x35: {  	s10 =	sld [smem:$0x3FAF];
	_ =	sdelay $0x3  }
0x36: {  	p1 =	seq.s32 s10, $0x1;
	s10 =	sld [smem:$0x3FB0];
	_ =	sdelay $0x3  }
0x37: {  	[smem:$0x3FB0] =	sst s10  }
0x38: {  	s10 =	sld [smem:$0x3FB1]  }
0x39: {  	_ = 	snop;
	(pc) =	sbr.ind lr, $3  }
0x3a: {  	_ = 	snop  }
0x3b: {  	_ = 	snop  }
0x3c: {  	p2 =	seq.s32 s10, $0x1;
	s10 =	sld [smem:$0x3FB0]  }
0x3d: {  	_ =	shalt  }
0x3e: {  	_ =	shalt  }
0x3f: {  	_ =	shalt  }
0x40: {  	_ =	shalt  }
0x41: {  	_ =	shalt  }
0x42: {  	_ =	shalt  }
0x43: {  	_ =	shalt  }
0x44: {  	_ =	shalt  }
0x45: {  	_ =	shalt  }
0x46: {  	_ =	shalt  }
0x47: {  	_ =	shalt  }
0x48: {  	_ =	shalt  }
0x49: {  	_ =	shalt  }
0x4a: {  	_ =	shalt  }
0x4b: {  	_ =	shalt  }
0x4c: {  	_ =	shalt  }
0x4d: {  	_ =	shalt  }
0x4e: {  	_ =	shalt  }
0x4f: {  	_ =	shalt  }
0x50: {  	_ =	shalt  }
0x51: {  	_ =	shalt  }
0x52: {  	_ =	shalt  }
0x53: {  	_ =	shalt  }
0x54: {  	_ =	shalt  }
0x55: {  	_ =	shalt  }
0x56: {  	_ =	shalt  }
0x57: {  	_ =	shalt  }
0x58: {  	_ =	shalt  }
0x59: {  	_ =	shalt  }
0x5a: {  	_ =	shalt  }
0x5b: {  	_ =	shalt  }
0x5c: {  	_ =	shalt  }
0x5d: {  	_ =	shalt  }
0x5e: {  	_ =	shalt  }
0x5f: {  	_ =	shalt  }
0x60: {  	_ =	shalt  }
0x61: {  	_ =	shalt  }
0x62: {  	_ =	shalt  }
0x63: {  	_ =	shalt  }
0x64: {  	_ =	shalt  }
0x65: {  	_ =	shalt  }
0x66: {  	_ =	shalt  }
0x67: {  	_ =	shalt  }
0x68: {  	_ =	shalt  }
0x69: {  	_ =	shalt  }
0x6a: {  	_ =	shalt  }
0x6b: {  	_ =	shalt  }
0x6c: {  	_ =	shalt  }
0x6d: {  	_ =	shalt  }
0x6e: {  	_ =	shalt  }
0x6f: {  	_ =	shalt  }
0x70: {  	_ =	shalt  }
0x71: {  	_ =	shalt  }
0x72: {  	_ =	shalt  }
0x73: {  	_ =	shalt  }
0x74: {  	_ =	shalt  }
0x75: {  	_ =	shalt  }
0x76: {  	_ =	shalt  }
0x77: {  	_ =	shalt  }
0x78: {  	_ =	shalt  }
0x79: {  	_ =	shalt  }
0x7a: {  	_ =	shalt  }
0x7b: {  	_ =	shalt  }
0x7c: {  	_ =	shalt  }
0x7d: {  	_ =	shalt  }
0x7e: {  	_ =	shalt  }
0x7f: {  	_ =	shalt  }
0x80: {  	_ =	shalt  }
0x81: {  	_ =	shalt  }
0x82: {  	_ =	shalt  }
0x83: {  	_ =	shalt  }
0x84: {  	_ =	shalt  }
0x85: {  	_ =	shalt  }
0x86: {  	_ =	shalt  }
0x87: {  	_ =	shalt  }
.Lfunc_end0:
.L_simem_size_0:
called_computation.2_lowered:
.L_overlay_start_0:
0x88: {  	s2 =	sld [smem:$0x3FD9]  }
0x89: {  	s3 =	sld [smem:$0x3FFE];
	_ =	sdelay $0x1  }
0x8a: {  	s1 =	srdreg.scid  }
0x8b: {  	s0 =	sand.u32 $0x1, s1  }
0x8c: {  	s14 =	sshll.u32 s0, $0xA;
	s2 =	sadd.s32 s3, s2  }
0x8d: {  	s2 =	sadd.s32 s2, s14  }
0x8e: {  	[smem:$0x3FBC] =	sst s2  }
0x8f: {  	_ = 	snop  }
0x90: {  	s2 =	sld [smem:$0x3FD0];
	_ =	sdelay $0x2  }
0x91: {  	s15 =	simm.s32 $0xA;
	s4 =	simm.s32 $0x10  }
0x92: {  	[smem:s4], [sflag:s15] =	dma.local [hbm:s2], $0x1  }
0x93: {  	_ =	swait.eq [sflag:s15], $0x1  }
0x94: {  	[sflag:s15] =	ssyncset.done $0x0  }
0x95: {  	[sflag:s15] =	ssyncadd.s32 $0xFFFFFFFF  }
0x96: {  	s16 =	sld [smem:$0x10];
	(tm) =	ssettm $0x1  }
0x97: {  	s17 =	sld [smem:$0x3FFB];
	_ =	sdelay $0x3  }
0x98: {  	_ =	strace s17  }
0x99: {  	s3 =	sld [smem:$0x3FFC];
	_ =	sdelay $0x3  }
0x9a: {  	_ =	strace s3  }
0x9b: {  	s3 =	sld [smem:$0x3FFD];
	_ =	sdelay $0x3  }
0x9c: {  	_ =	strace s3  }
0x9d: {  	_ =	strace $0x8FFFFFFF  }
0x9e: {  	s18 =	sld [smem:$0x3FDB];
	_ =	sdelay $0x1  }
0x9f: {  	s19 =	simm.s32 $_scs_section_size  }
0xa0: {  	s5 =	simm.s32 $_size__tile_overlayer_lowered;
	s6 =	simm.s32 $_tile_overlayer_lowered  }
0xa1: {  	s22 =	simm.s32 $0x1BFF;
	s21 =	sshll.u32 s6, $0x1;
	s3 =	sadd.s32 s19, s18  }
0xa2: {  	s7 =	simm.s32 $0x0;
	s20 =	sshll.u32 s5, $0x1;
	s5 =	sadd.s32 s21, s3  }
0xa3: {  	[timem:s7], [sflag:s22] =	dma.local [hbm:s5], s20  }
0xa4: {  	_ =	swait.ge [sflag:s22], s20  }
0xa5: {  	s4 =	ssub.s32 $0x0, s20;
	[sflag:s22] =	ssyncset.done $0x0  }
0xa6: {  	[sflag:s22] =	ssyncadd.s32 s4;
	_ =	sdelay $0x1  }
0xa7: {  	s23 =	simm.s32 $0x1B8B  }
0xa8: {  	_ =	swait.ge [sflag:s23], $0x1  }
0xa9: {  	[sflag:s23] =	ssyncset.done $0x0  }
0xaa: {  	s25 =	simm.s32 $0x1B8E;
	s24 =	sld [smem:$0x3FFE];
	[sflag:s23] =	ssyncadd.s32 $0xFFFFFFFF  }
0xab: {  	s26 =	simm.s32 $execute0_lowered;
	[smem:$0x3FD2] =	sst s25  }
0xac: {  	s5 =	sshll.u32 s26, $0x1;
	_ =	strace $0x8000004C;
	[dreg:$0x1] =	wrdreg $0xFFFFFFFF  }
0xad: {  	s28 =	simm.s32 $_size_execute0_lowered;
	s3 =	sadd.s32 s3, s5;
	[dreg:$0x0] =	wrdreg $0x0  }
0xae: {  	s5 =	sshll.u32 s28, $0x1;
	[dreg:$0x2] =	wrdreg s3  }
0xaf: {  	[dreg:$0x3] =	wrdreg s5  }
0xb0: {  	[dreg:$0x4] =	wrdreg $0xC0  }
0xb1: {  	_ =	task [dreg:s7], $0x5FFFF  }
0xb2: {  	[dreg:$0x1] =	wrdreg $0xFFFFFFFF  }
0xb3: {  	[dreg:$0x0] =	wrdreg $0x60  }
0xb4: {  	[dreg:$0x2] =	wrdreg s16  }
0xb5: {  	[dreg:$0x3] =	wrdreg s24  }
0xb6: {  	[dreg:$0x4] =	wrdreg $0x160000  }
0xb7: {  	[dreg:$0x5] =	wrdreg $0x180000  }
0xb8: {  	[dreg:$0x6] =	wrdreg $0x9  }
0xb9: {  	_ =	task.clear_ibuf [dreg:s7], $0x7FFFF;
	_ =	strace $0x9000004C  }
0xba: {  	s29 =	simm.s32 $0x9;
	_ =	strace $0x8000004E  }
0xbb: {  	_ =	swait.ge [sflag:s29], $0x1  }
0xbc: {  	[sflag:s29] =	ssyncadd.s32 $0xFFFFFFFF  }
0xbd: {  	_ =	strace $0x9000004E  }
0xbe: {  	_ =	sfence  }
0xbf: {  	s30 =	sld [smem:$0x0];
	_ =	sdelay $0x2  }
0xc0: {  	s31 =	sshll.u32 s1, $0xD;
	s1 =	sshrl.u32 s1, $0x2  }
0xc1: {  	s3 =	sand.u32 $0x4000, s31;
	s1 =	sadd.s32 s1, s30  }
0xc2: {  	s0 =	sor.u32 s3, s0;
	s1 =	sshll.u32 s1, $0x11  }
0xc3: {  	s0 =	sor.u32 s1, s0  }
0xc4: {  	s0 =	sadd.s32 $0x8F2B, s0  }
0xc5: {  	[sflag:s0] =	ssyncadd.remote.s32 $0x1  }
0xc6: {  	_ =	sfence.sel $0xFFFF  }
0xc7: {  	[dreg:$0x0] =	wrdreg $0xFFFFFFFF;
	(pc) =	sbr.abs _section_cstart, $3  }
0xc8: {  	[dreg:$0x1] =	wrdreg $0xFFFFFFFF  }
0xc9: {  	_ =	task.clear_ibuf [dreg:s7], $0x2FFFF;
	_ =	strace $0x9FFFFFFF  }
0xca: {  	(tm) =	ssettm $0x7FFFFFFF  }
0xcb: {  	_ =	shalt  }
tec
execute0_lowered:
.L_overlay_start_1:
0x0: {  	(tag) =	ssettag $0x1  }
0x1: {  	s1 =	rddreg [dreg:$0x0]  }
0x2: {  	s0 =	rddreg [dreg:$0x1]  }
0x3: {  	s2 =	rddreg [dreg:$0x2]  }
0x4: {  	s3 =	rddreg [dreg:$0x3];
	s5 =	simm.s32 $0x0;
	s6 =	srdreg.scid  }
0x5: {  	s4 =	stileid.u32;
	s28 =	simm.s32 $0x1;
	s29 =	simm.s32 $0x80  }
0x6: {  	s30 =	simm.s32 $0x2;
	s31 =	simm.s32 $0x3;
	[smem:$0x7FF] =	sst s5  }
0x7: {  	s6 =	sand.u32 $0x1, s6;
	s7 =	sshll.u32 s4, $0x9;
	s14 =	sadd.s32 $0x9DA00, s0  }
0x8: {  	s16 =	sshll.u32 s4, $0xA;
	s17 =	sshll.u32 s4, $0xC;
	s23 =	sshll.u32 s4, $0xD  }
0x9: {  	_ =	strace $0x8000004D;
	s8 =	sshll.u32 s6, $0xD;
	s9 =	ssub.s32 $0x2, s6  }
0xa: {  	s18 =	sshll.u32 s6, $0x14;
	s10 =	sadd.s32 s23, s2;
	s11 =	sadd.s32 s23, s3  }
0xb: {  	s6 =	sshll.u32 s6, $0x12;
	s23 =	simm.s32 $0x4000;
	s7 =	sor.u32 s7, s8  }
0xc: {  	s19 =	sshrl.u32 s9, $0x1;
	s12 =	sor.u32 s17, s18;
	s25 =	sadd.s32 s18, s14  }
0xd: {  	s18 =	simm.s32 $0x5;
	s7 =	sadd.s32 s7, s0;
	s0 =	sadd.s32 $0x3A00, s0  }
0xe: {  	s15 =	ssub.s32 s9, s19;
	s12 =	sadd.s32 s14, s12;
	s26 =	sadd.s32 s17, s25  }
0xf: {  	s25 =	simm.s32 $0xC000;
	s19 =	simm.s32 $0x0;
	s20 =	sadd.s32 $0x8CA00, s7  }
0x10: {  	s21 =	sadd.s32 $0x90A00, s7;
	s22 =	sadd.s32 $0x94A00, s7;
	[dreg:$0x5] =	wrdreg s20  }
0x11: {  	s7 =	sadd.s32 $0x98A00, s7;
	s13 =	sadd.s32 $0x800, s12;
	[dreg:$0x6] =	wrdreg s21  }
.Ltmp0:
0x12: {  	s24 =	sadd.s32 s16, s0;
	[dreg:$0x7] =	wrdreg s22;
	(pc) =	sbr.rel .LBB2_1-.Ltmp0, $4  }
0x13: {  	s0 =	sadd.s32 s6, s0;
	s15 =	smax.u32 s15, $0x1;
	[dreg:$0x8] =	wrdreg s7  }
0x14: {  	s7 =	sadd.s32 s6, s24;
	s0 =	sadd.s32 s16, s0;
	s21 =	sadd.s32 $0x10800, s26  }
0x15: {  	s22 =	simm.s32 $0x14000;
	s24 =	simm.s32 $0x8000;
	s26 =	simm.s32 $0x10000  }
0x16: {  	v0 =	vimm.f32 $0.0e+00;
	s14 =	sadd.s32 $0x3C000, s7;
	s6 =	sadd.s32 $0xFFFFC000, s0;
	s0 =	simm.s32 $0x4  }
.LBB2_6:
0x17: {  	s19 =	sadd.s32 $0x1, s19  }
0x18: {  	p0 =	sne.s32 s19, s15  }
.Ltmp1:
0x19: {  	[bflag:$0x0] =	sbarrier.arrive $0xFFFF;
	s8 =	sshrl.u32 s11, $0x3;
	(pc) =	sbr.rel @!p0 .LBB2_7-.Ltmp1, $4  }
0x1a: {  	[hbm:s14], [sflag:s7] =	dma.local [spmem:s8], $0x400  }
0x1b: {  	_ =	swait.ge [sflag:s18], $0x400  }
0x1c: {  	[sflag:s18] =	ssyncset.done $0x0  }
0x1d: {  	[sflag:s18] =	ssyncadd.s32 $0xFFFFFC00  }
.LBB2_1:
0x1e: {  	s7 =	sand.u32 $0x7E00, s5  }
0x1f: {  	s16 =	sand.u32 $0x70, s5;
	s17 =	sshrl.u32 s7, $0x2  }
0x20: {  	s7 =	simm.s32 $0x40;
	s17 =	sor.u32 s16, s17;
	s16 =	simm.s32 $0x0  }
.LBB2_2:
0x21: {  	p0 =	sne.s32 s7, $0x7FC0  }
0x22: {  	[tilespmem:s17+$0x14000] =	vst v0;
	s16 =	sadd.s32 $0x10, s16;
	s17 =	smov.u32 s7;
	s7 =	sadd.s32 $0x40, s7  }
.Ltmp2:
0x23: {  	(pc) =	sbr.rel @p0 .LBB2_2-.Ltmp2, $4  }
0x24: {  	_ = 	snop  }
0x25: {  	s17 =	sand.u32 $0x7E00, s17  }
0x26: {  	s20 =	sand.u32 $0x70, s16;
	s17 =	sshrl.u32 s17, $0x2  }
0x27: {  	s17 =	sor.u32 s20, s17  }
0x28: {  	[tilespmem:s17+$0x14000] =	vst v0;
	s20 =	simm.s32 $0x0;
	s7 =	rddreg [dreg:$0x5]  }
0x29: {  	[tilespmem:s20], [sflag:$0x5] =	stream.linear.gather [hbm4b:s7+s20], $0x1000, $0x38;
	[tilespmem:$0x1A000] =	vst v63  }
0x2a: {  	_ =	swait.ge [sflag:s18], $0x1000  }
0x2b: {  	[sflag:s18] =	ssyncset.done $0x0  }
0x2c: {  	s8 =	simm.s32 $0x1000;
	s17 =	rddreg [dreg:$0x6];
	[sflag:s18] =	ssyncadd.s32 $0xFFFFF000  }
0x2d: {  	[tilespmem:s8], [sflag:$0x5] =	stream.linear.gather [hbm4b:s17+s20], $0x1000, $0x38;
	[tilespmem:$0x1A000] =	vst v63  }
0x2e: {  	_ =	swait.ge [sflag:s18], $0x1000  }
0x2f: {  	[sflag:s18] =	ssyncset.done $0x0  }
0x30: {  	s9 =	simm.s32 $0x2000;
	s8 =	rddreg [dreg:$0x7];
	[sflag:s18] =	ssyncadd.s32 $0xFFFFF000  }
0x31: {  	[tilespmem:s9], [sflag:$0x5] =	stream.linear.gather [hbm4b:s8+s20], $0x1000, $0x38;
	[tilespmem:$0x1A000] =	vst v63  }
0x32: {  	_ =	swait.ge [sflag:s18], $0x1000  }
0x33: {  	[sflag:s18] =	ssyncset.done $0x0  }
0x34: {  	s17 =	simm.s32 $0x3000;
	s16 =	rddreg [dreg:$0x8];
	[sflag:s18] =	ssyncadd.s32 $0xFFFFF000  }
0x35: {  	[tilespmem:s17], [sflag:$0x5] =	stream.linear.gather [hbm4b:s16+s20], $0x1000, $0x38;
	[tilespmem:$0x1A000] =	vst v63  }
0x36: {  	_ =	swait.ge [sflag:s18], $0x1000  }
0x37: {  	[sflag:s18] =	ssyncset.done $0x0  }
0x38: {  	[sflag:s18] =	ssyncadd.s32 $0xFFFFF000  }
0x39: {  	[spmem:s10] =	stream.linear.scatter [tilespmem:s22], [sflag:$0x5], $0x2000, $0x38;
	[tilespmem:$0x1A000] =	vst v63  }
0x3a: {  	_ =	swait.ge [sflag:s18], $0x2000  }
0x3b: {  	[sflag:s18] =	ssyncset.done $0x0  }
0x3c: {  	[sflag:s18] =	ssyncadd.s32 $0xFFFFE000  }
0x3d: {  	[spmem:s11] =	stream.linear.scatter [tilespmem:s22], [sflag:$0x5], $0x2000, $0x38;
	[tilespmem:$0x1A000] =	vst v63  }
0x3e: {  	_ =	swait.ge [sflag:s18], $0x2000  }
0x3f: {  	[sflag:s18] =	ssyncset.done $0x0  }
0x40: {  	[sflag:s18] =	ssyncadd.s32 $0xFFFFE000  }
0x41: {  	[bflag:$0x0] =	sbarrier.arrive $0xFFFF  }
0x42: {  	[tilespmem:s23], [sflag:$0x1] =	stream.linear.gather [hbm4b:s12+s20], $0x4000, $0x38;
	[tilespmem:$0x1A000] =	vst v63  }
0x43: {  	_ = 	snop  }
0x44: {  	[tilespmem:s24], [sflag:$0x2] =	stream.linear.gather [hbm4b:s12+s20], $0x4000, $0x38;
	[tilespmem:$0x1A000] =	vst v63  }
0x45: {  	_ = 	snop  }
0x46: {  	[tilespmem:s25], [sflag:$0x3] =	stream.linear.gather [hbm4b:s13+s20], $0x4000, $0x38;
	[tilespmem:$0x1A000] =	vst v63  }
0x47: {  	s17 =	smov.u32 s21;
	s16 =	smov.u32 s6  }
0x48: {  	[tilespmem:s26], [sflag:$0x4] =	stream.linear.gather [hbm4b:s13+s20], $0x4000, $0x38;
	[tilespmem:$0x1A000] =	vst v63  }
.LBB2_4:
0x49: {  	_ =	swait.ge [sflag:s28], $0x4000  }
0x4a: {  	[sflag:s28] =	ssyncset.done $0x0  }
0x4b: {  	s7 =	sshra.s32 s20, $0x2;
	[sflag:s28] =	ssyncadd.s32 $0xFFFFC000  }
0x4c: {  	[tilespmem:s23], [sflag:$0x1] =	stream.indirect.gather.add.f32 [hbm:s1], $0x80, s7, s29, $0xb8;
	[tilespmem:$0x1A000] =	vst v63  }
0x4d: {  	_ =	swait.ge [sflag:s30], $0x4000  }
0x4e: {  	[sflag:s30] =	ssyncset.done $0x0  }
0x4f: {  	s8 =	sadd.s32 $0x1000, s7;
	[sflag:s30] =	ssyncadd.s32 $0xFFFFC000  }
0x50: {  	[tilespmem:s24], [sflag:$0x2] =	stream.indirect.gather.add.f32 [hbm:s1], $0x80, s8, s29, $0xb8;
	[tilespmem:$0x1A000] =	vst v63  }
0x51: {  	_ =	swait.ge [sflag:s31], $0x4000  }
0x52: {  	[sflag:s31] =	ssyncset.done $0x0  }
0x53: {  	s9 =	sadd.s32 $0x80, s7;
	[sflag:s31] =	ssyncadd.s32 $0xFFFFC000  }
0x54: {  	[tilespmem:s25], [sflag:$0x3] =	stream.indirect.gather.add.f32 [hbm:s1], $0x80, s9, s29, $0xb8;
	[tilespmem:$0x1A000] =	vst v63  }
0x55: {  	_ =	swait.ge [sflag:s0], $0x4000  }
0x56: {  	[sflag:s0] =	ssyncset.done $0x0  }
0x57: {  	s9 =	sadd.s32 $0x1080, s7;
	[sflag:s0] =	ssyncadd.s32 $0xFFFFC000  }
0x58: {  	[tilespmem:s26], [sflag:$0x4] =	stream.indirect.gather.add.f32 [hbm:s1], $0x80, s9, s29, $0xb8;
	[tilespmem:$0x1A000] =	vst v63  }
0x59: {  	_ =	swait.ge [sflag:s28], $0x4000  }
0x5a: {  	[sflag:s28] =	ssyncset.done $0x0  }
0x5b: {  	s9 =	sadd.s32 $0x3000, s7;
	[sflag:s28] =	ssyncadd.s32 $0xFFFFC000  }
0x5c: {  	[spmem:s2] =	stream.indirect.scatter.add.f32 [tilespmem:s23], [sflag:$0x1], $0x80, s9, s29, $0xb8;
	[tilespmem:$0x1A000] =	vst v63  }
0x5d: {  	_ =	swait.ge [sflag:s30], $0x4000  }
0x5e: {  	[sflag:s30] =	ssyncset.done $0x0  }
0x5f: {  	s9 =	sadd.s32 $0x2000, s7;
	[sflag:s30] =	ssyncadd.s32 $0xFFFFC000  }
0x60: {  	[spmem:s2] =	stream.indirect.scatter.add.f32 [tilespmem:s24], [sflag:$0x2], $0x80, s9, s29, $0xb8;
	[tilespmem:$0x1A000] =	vst v63  }
0x61: {  	_ =	swait.ge [sflag:s31], $0x4000  }
0x62: {  	[sflag:s31] =	ssyncset.done $0x0  }
0x63: {  	s9 =	sadd.s32 $0x3080, s7;
	[sflag:s31] =	ssyncadd.s32 $0xFFFFC000  }
0x64: {  	[spmem:s2] =	stream.indirect.scatter.add.f32 [tilespmem:s25], [sflag:$0x3], $0x80, s9, s29, $0xb8;
	[tilespmem:$0x1A000] =	vst v63  }
0x65: {  	_ =	swait.ge [sflag:s0], $0x4000  }
0x66: {  	p0 =	seq.s32 s20, $0x0;
	[sflag:s0] =	ssyncset.done $0x0  }
0x67: {  	s8 =	sshll.u32 @!p0 s4, $0x6;
	s9 =	sadd.s32 $0x2080, s7;
	[sflag:s0] =	ssyncadd.s32 $0xFFFFC000  }
0x68: {  	[spmem:s2] =	stream.indirect.scatter.add.f32 [tilespmem:s26], [sflag:$0x4], $0x80, s9, s29, $0xb8;
	[tilespmem:$0x1A000] =	vst v63  }
0x69: {  	s8 =	sor.u32 @!p0 $0x1C05, s8;
	s9 =	sshrl.u32 @!p0 s11, $0x3  }
0x6a: {  	[hbm:s16], [sflag:s8] =	dma.local @!p0 [spmem:s9], $0x400  }
0x6b: {  	s8 =	simm.s32 @!p0 $0x5  }
0x6c: {  	_ =	swait.ge @!p0 [sflag:s8], $0x400  }
0x6d: {  	[sflag:s8] =	ssyncset.done @!p0 $0x0  }
0x6e: {  	s9 =	simm.s32 @!p0 $0x14000;
	[sflag:s8] =	ssyncadd.s32 @!p0 $0xFFFFFC00  }
0x6f: {  	[spmem:s11] =	stream.linear.scatter @!p0 [tilespmem:s9], [sflag:$0x5], $0x2000, $0x38;
	[tilespmem:$0x1A000] =	vst v63  }
0x70: {  	_ =	swait.ge @!p0 [sflag:s8], $0x2000  }
0x71: {  	[sflag:s8] =	ssyncset.done @!p0 $0x0  }
0x72: {  	[sflag:s8] =	ssyncadd.s32 @!p0 $0xFFFFE000  }
0x73: {  	_ =	swait.ge [sflag:s28], $0x4000  }
0x74: {  	[sflag:s28] =	ssyncset.done $0x0  }
0x75: {  	[sflag:s28] =	ssyncadd.s32 $0xFFFFC000  }
0x76: {  	_ =	swait.ge [sflag:s30], $0x4000  }
0x77: {  	[sflag:s30] =	ssyncset.done $0x0  }
0x78: {  	[sflag:s30] =	ssyncadd.s32 $0xFFFFC000  }
0x79: {  	_ =	swait.ge [sflag:s31], $0x4000  }
0x7a: {  	[sflag:s31] =	ssyncset.done $0x0  }
0x7b: {  	[sflag:s31] =	ssyncadd.s32 $0xFFFFC000  }
0x7c: {  	_ =	swait.ge [sflag:s0], $0x4000  }
0x7d: {  	[sflag:s0] =	ssyncset.done $0x0  }
0x7e: {  	s9 =	sadd.s32 $0xFFFFF800, s17;
	[sflag:s0] =	ssyncadd.s32 $0xFFFFC000  }
0x7f: {  	[tilespmem:s23], [sflag:$0x1] =	stream.linear.gather [hbm4b:s9+s5], $0x4000, $0x38;
	[tilespmem:$0x1A000] =	vst v63  }
0x80: {  	_ = 	snop  }
0x81: {  	[tilespmem:s24], [sflag:$0x2] =	stream.linear.gather [hbm4b:s9+s5], $0x4000, $0x38;
	[tilespmem:$0x1A000] =	vst v63  }
0x82: {  	_ = 	snop  }
0x83: {  	[tilespmem:s25], [sflag:$0x3] =	stream.linear.gather [hbm4b:s17+s5], $0x4000, $0x38;
	[tilespmem:$0x1A000] =	vst v63  }
0x84: {  	_ = 	snop  }
0x85: {  	[tilespmem:s26], [sflag:$0x4] =	stream.linear.gather [hbm4b:s17+s5], $0x4000, $0x38;
	[tilespmem:$0x1A000] =	vst v63  }
0x86: {  	[bflag:$0x0] =	sbarrier.arrive $0xFFFF  }
0x87: {  	_ =	swait.ge [sflag:s28], $0x4000  }
0x88: {  	[sflag:s28] =	ssyncset.done $0x0  }
0x89: {  	s9 =	sadd.s32 $0x100, s7;
	[sflag:s28] =	ssyncadd.s32 $0xFFFFC000  }
0x8a: {  	[tilespmem:s23], [sflag:$0x1] =	stream.indirect.gather.add.f32 [hbm:s1], $0x80, s9, s29, $0xb8;
	[tilespmem:$0x1A000] =	vst v63  }
0x8b: {  	_ =	swait.ge [sflag:s30], $0x4000  }
0x8c: {  	[sflag:s30] =	ssyncset.done $0x0  }
0x8d: {  	s9 =	sadd.s32 $0x1100, s7;
	[sflag:s30] =	ssyncadd.s32 $0xFFFFC000  }
0x8e: {  	[tilespmem:s24], [sflag:$0x2] =	stream.indirect.gather.add.f32 [hbm:s1], $0x80, s9, s29, $0xb8;
	[tilespmem:$0x1A000] =	vst v63  }
0x8f: {  	_ =	swait.ge [sflag:s31], $0x4000  }
0x90: {  	[sflag:s31] =	ssyncset.done $0x0  }
0x91: {  	s9 =	sadd.s32 $0x180, s7;
	[sflag:s31] =	ssyncadd.s32 $0xFFFFC000  }
0x92: {  	[tilespmem:s25], [sflag:$0x3] =	stream.indirect.gather.add.f32 [hbm:s1], $0x80, s9, s29, $0xb8;
	[tilespmem:$0x1A000] =	vst v63  }
0x93: {  	_ =	swait.ge [sflag:s0], $0x4000  }
0x94: {  	[sflag:s0] =	ssyncset.done $0x0  }
0x95: {  	s9 =	sadd.s32 $0x1180, s7;
	[sflag:s0] =	ssyncadd.s32 $0xFFFFC000  }
0x96: {  	[tilespmem:s26], [sflag:$0x4] =	stream.indirect.gather.add.f32 [hbm:s1], $0x80, s9, s29, $0xb8;
	[tilespmem:$0x1A000] =	vst v63  }
0x97: {  	_ =	swait.ge [sflag:s28], $0x4000  }
0x98: {  	[sflag:s28] =	ssyncset.done $0x0  }
0x99: {  	s9 =	sadd.s32 $0x3100, s7;
	[sflag:s28] =	ssyncadd.s32 $0xFFFFC000  }
0x9a: {  	[spmem:s3] =	stream.indirect.scatter.add.f32 [tilespmem:s23], [sflag:$0x1], $0x80, s9, s29, $0xb8;
	[tilespmem:$0x1A000] =	vst v63  }
0x9b: {  	_ =	swait.ge [sflag:s30], $0x4000  }
0x9c: {  	[sflag:s30] =	ssyncset.done $0x0  }
0x9d: {  	s9 =	sadd.s32 $0x2100, s7;
	[sflag:s30] =	ssyncadd.s32 $0xFFFFC000  }
0x9e: {  	[spmem:s3] =	stream.indirect.scatter.add.f32 [tilespmem:s24], [sflag:$0x2], $0x80, s9, s29, $0xb8;
	[tilespmem:$0x1A000] =	vst v63  }
0x9f: {  	_ =	swait.ge [sflag:s31], $0x4000  }
0xa0: {  	[sflag:s31] =	ssyncset.done $0x0  }
0xa1: {  	s9 =	sadd.s32 $0x3180, s7;
	[sflag:s31] =	ssyncadd.s32 $0xFFFFC000  }
0xa2: {  	[spmem:s3] =	stream.indirect.scatter.add.f32 [tilespmem:s25], [sflag:$0x3], $0x80, s9, s29, $0xb8;
	[tilespmem:$0x1A000] =	vst v63  }
0xa3: {  	_ =	swait.ge [sflag:s0], $0x4000  }
0xa4: {  	[sflag:s0] =	ssyncset.done $0x0  }
0xa5: {  	s7 =	sadd.s32 $0x2180, s7;
	s9 =	sshll.u32 s4, $0x6;
	[sflag:s0] =	ssyncadd.s32 $0xFFFFC000  }
0xa6: {  	[spmem:s3] =	stream.indirect.scatter.add.f32 [tilespmem:s26], [sflag:$0x4], $0x80, s7, s29, $0xb8;
	[tilespmem:$0x1A000] =	vst v63  }
0xa7: {  	s8 =	sadd.s32 $0x4000, s16;
	s7 =	sor.u32 $0x1C05, s9;
	s9 =	sshrl.u32 s10, $0x3  }
0xa8: {  	[hbm:s8], [sflag:s7] =	dma.local [spmem:s9], $0x400  }
0xa9: {  	_ =	swait.ge [sflag:s18], $0x400  }
0xaa: {  	[sflag:s18] =	ssyncset.done $0x0  }
0xab: {  	[sflag:s18] =	ssyncadd.s32 $0xFFFFFC00  }
0xac: {  	[spmem:s10] =	stream.linear.scatter [tilespmem:s22], [sflag:$0x5], $0x2000, $0x38;
	[tilespmem:$0x1A000] =	vst v63  }
0xad: {  	_ =	swait.ge [sflag:s18], $0x2000  }
0xae: {  	[sflag:s18] =	ssyncset.done $0x0  }
0xaf: {  	[sflag:s18] =	ssyncadd.s32 $0xFFFFE000  }
0xb0: {  	_ =	swait.ge [sflag:s28], $0x4000  }
0xb1: {  	[sflag:s28] =	ssyncset.done $0x0  }
0xb2: {  	[sflag:s28] =	ssyncadd.s32 $0xFFFFC000  }
0xb3: {  	_ =	swait.ge [sflag:s30], $0x4000  }
0xb4: {  	[sflag:s30] =	ssyncset.done $0x0  }
0xb5: {  	[sflag:s30] =	ssyncadd.s32 $0xFFFFC000  }
0xb6: {  	p0 =	seq.s32 s20, $0x3800;
	_ =	swait.ge [sflag:s31], $0x4000  }
.Ltmp3:
0xb7: {  	[sflag:s31] =	ssyncset.done $0x0;
	(pc) =	sbr.rel @p0 .LBB2_6-.Ltmp3, $4  }
0xb8: {  	[sflag:s31] =	ssyncadd.s32 $0xFFFFC000  }
0xb9: {  	_ =	swait.ge [sflag:s0], $0x4000  }
0xba: {  	[sflag:s0] =	ssyncset.done $0x0  }
0xbb: {  	[sflag:s0] =	ssyncadd.s32 $0xFFFFC000  }
0xbc: {  	s7 =	sadd.s32 $0xF800, s17  }
0xbd: {  	[tilespmem:s23], [sflag:$0x1] =	stream.linear.gather [hbm4b:s7+s5], $0x4000, $0x38;
	[tilespmem:$0x1A000] =	vst v63  }
0xbe: {  	_ = 	snop  }
0xbf: {  	[tilespmem:s24], [sflag:$0x2] =	stream.linear.gather [hbm4b:s7+s5], $0x4000, $0x38;
	[tilespmem:$0x1A000] =	vst v63  }
0xc0: {  	s9 =	sadd.s32 $0x10000, s17  }
0xc1: {  	[tilespmem:s25], [sflag:$0x3] =	stream.linear.gather [hbm4b:s9+s5], $0x4000, $0x38;
	[tilespmem:$0x1A000] =	vst v63  }
.Ltmp4:
0xc2: {  	_ = 	snop;
	(pc) =	sbr.rel .LBB2_4-.Ltmp4, $4  }
0xc3: {  	_ = 	snop  }
0xc4: {  	[tilespmem:s26], [sflag:$0x4] =	stream.linear.gather [hbm4b:s9+s5], $0x4000, $0x38;
	[tilespmem:$0x1A000] =	vst v63  }
0xc5: {  	[bflag:$0x0] =	sbarrier.arrive $0xFFFF  }
0xc6: {  	s20 =	sadd.s32 $0x800, s20;
	s16 =	sadd.s32 $0x8000, s16;
	s17 =	sadd.s32 $0x20000, s17  }
.LBB2_7:
0xc7: {  	_ =	sfence.sel $0x180000  }
0xc8: {  	[bflag:$0x0] =	sbarrier.arrive $0xFFFF  }
0xc9: {  	_ =	strace $0x9000004D  }
0xca: {  	[bflag:$0x2] =	sbarrier.arrive $0xFFFF  }
0xcb: {  	p0 =	sne.s32 s4, $0x0;
	s0 =	rddreg [dreg:$0x4]  }
0xcc: {  	s0 =	sadd.s32 @!p0 $0x100000, s0  }
0xcd: {  	[sflag:s0] =	ssyncadd.tile.s32 @!p0 $0x1;
	_ =	shalt  }
.Lfunc_end2:
_tile_overlayer_lowered:
.L_overlay_start_2:
0xce: {  	(tag) =	ssettag $0x2  }
0xcf: {  	s0 =	rddreg [dreg:$0x0];
	s2 =	stileid.u32  }
0xd0: {  	s1 =	rddreg [dreg:$0x1];
	p0 =	sne.s32 s2, $0x0  }
0xd1: {  	s3 =	rddreg [dreg:$0x2];
	[bflag:$0x3] =	sbarrier.arrive $0xFFFF;
	s2 =	simm.s32 @!p0 $0x1C05  }
0xd2: {  	[timem:s3], [sflag:s2] =	dma.local @!p0 [hbm:s0], s1  }
0xd3: {  	s0 =	simm.s32 @!p0 $0x5  }
0xd4: {  	_ =	swait.ge @!p0 [sflag:s0], s1  }
0xd5: {  	s1 =	ssub.s32 @!p0 $0x0, s1;
	[sflag:s0] =	ssyncset.done @!p0 $0x0  }
0xd6: {  	[sflag:s0] =	ssyncadd.s32 @!p0 s1  }
0xd7: {  	[bflag:$0x3] =	sbarrier.arrive $0xFFFF  }
0xd8: {  	_ =	shalt  }

// kernel: kernel.18.cloned.1.call-start
scs
__scs_entry_jumppad:
0x0: {  	(pc) =	sbr.rel $0x88, $3  }
0x1: {  	(tag) =	ssettag $0x0;
	lr =	simm.s32 $0x1  }
0x2: {  	[smem:$0x3F95] =	sst lr;
	_ =	strace $0xD0000000  }
0x3: {  	_ = 	snop  }
0x4: {  	_ = 	snop  }
0x5: {  	_ = 	snop  }
0x6: {  	_ = 	snop  }
0x7: {  	_ = 	snop  }
__scs_overlays_trampoline_lowered:
0x8: {  	[smem:$0x3FA4] =	sst s0  }
0x9: {  	[smem:$0x3FA5] =	sst s1  }
0xa: {  	[smem:$0x3FA6] =	sst s2  }
0xb: {  	[smem:$0x3FA7] =	sst s3  }
0xc: {  	[smem:$0x3FA8] =	sst s4  }
0xd: {  	[smem:$0x3FA9] =	sst s5  }
0xe: {  	[smem:$0x3FAA] =	sst s6  }
0xf: {  	[smem:$0x3FAB] =	sst s7  }
0x10: {  	[smem:$0x3FAC] =	sst s8  }
0x11: {  	[smem:$0x3FAD] =	sst s9;
	s0 =	simm.s32 @!p0 $0x0  }
0x12: {  	s1 =	sld [smem:$0x3F93];
	s0 =	simm.s32 @p0 $0x1  }
0x13: {  	[smem:$0x3FAE] =	sst s0;
	s0 =	simm.s32 @!p1 $0x0  }
0x14: {  	s2 =	sld [smem:$0x3F92];
	s0 =	simm.s32 @p1 $0x1  }
0x15: {  	[smem:$0x3FAF] =	sst s0;
	s0 =	simm.s32 @!p2 $0x0  }
0x16: {  	s3 =	sld [smem:$0x3FDB];
	s0 =	simm.s32 @p2 $0x1  }
0x17: {  	s4 =	simm.s32 $0x1BF5;
	[smem:$0x3FB1] =	sst s0  }
0x18: {  	s0 =	sld [smem:$0x3F94];
	_ =	swait.ge [sflag:s4], $0x0  }
0x19: {  	s7 =	sld [smem:$0x3F95]  }
0x1a: {  	s8 =	sadd.s32 $0xFFFFE003, lr  }
0x1b: {  	s9 =	sadd.s32 $0xFFFFFEF7, lr;
	s5 =	simm.s32 $0xFFFFFFFF;
	p2 =	slt.u32 s8, $0xFFFFF086  }
0x1c: {  	p1 =	slt.u32 s9, $0xF7A;
	s5 =	simm.s32 @!p2 $0x0  }
0x1d: {  	s5 =	simm.s32 @p1 $0x1;
	p0 =	seq.s32 s7, s2  }
0x1e: {  	s7 =	smul.u32 @!p0 $0xF7A, s2;
	p2 =	seq.s32 @!p0 s5, $0x0  }
0x1f: {  	s9 =	smul.u32 $0xF7A, s1;
	s8 =	simm.s32 @!p0 $0x1BF5;
	p2 =	por !p2, p0  }
0x20: {  	[sflag:s8] =	ssyncset.s32 @!p0 $0xFFFFF086;
	s6 =	sadd.s32 @!p0 s3, s7;
	s7 =	simm.s32 @!p0 $0x108  }
0x21: {  	s3 =	sadd.s32 s3, s9;
	s6 =	sadd.s32 @!p0 $0x88, s6;
	s7 =	simm.s32 @p2 $0x1082  }
0x22: {  	[simem:s7], [sflag:s8] =	dma.local @!p0 [hbm:s6], $0xF7A  }
0x23: {  	s9 =	sor.u32 $0xD0000000, s2;
	s6 =	simm.s32 $0x108;
	_ =	swait.ge @!p0 [sflag:s8], $0x0  }
0x24: {  	s3 =	sadd.s32 $0x88, s3;
	s6 =	simm.s32 @!p1 $0x1082;
	[sflag:s4] =	ssyncset.s32 $0xFFFFF086  }
0x25: {  	[simem:s6], [sflag:s4] =	dma.local [hbm:s3], $0xF7A  }
0x26: {  	[smem:$0x3F95] =	sst s1;
	(tag) =	ssettag s2;
	_ =	strace s9  }
0x27: {  	s1 =	sld [smem:$0x3FA5]  }
0x28: {  	s2 =	sld [smem:$0x3FA6]  }
0x29: {  	s4 =	sld [smem:$0x3FA8]  }
0x2a: {  	p0 =	seq.s32 s5, $0x0;
	s5 =	sld [smem:$0x3FA9]  }
0x2b: {  	s6 =	sld [smem:$0x3FAA]  }
0x2c: {  	s7 =	sld [smem:$0x3FAB]  }
0x2d: {  	s3 =	simm.s32 $0x108;
	s8 =	sld [smem:$0x3FAC]  }
0x2e: {  	s3 =	simm.s32 @!p0 $0x1082;
	s9 =	sld [smem:$0x3FAD]  }
0x2f: {  	lr =	sadd.s32 s0, s3;
	s0 =	sld [smem:$0x3FA4]  }
0x30: {  	s3 =	sld [smem:$0x3FA7]  }
0x31: {  	[smem:$0x3FB0] =	sst s10  }
0x32: {  	s10 =	sld [smem:$0x3FAE];
	_ =	sdelay $0x3  }
0x33: {  	p0 =	seq.s32 s10, $0x1;
	s10 =	sld [smem:$0x3FB0];
	_ =	sdelay $0x3  }
0x34: {  	[smem:$0x3FB0] =	sst s10  }
0x35: {  	s10 =	sld [smem:$0x3FAF];
	_ =	sdelay $0x3  }
0x36: {  	p1 =	seq.s32 s10, $0x1;
	s10 =	sld [smem:$0x3FB0];
	_ =	sdelay $0x3  }
0x37: {  	[smem:$0x3FB0] =	sst s10  }
0x38: {  	s10 =	sld [smem:$0x3FB1]  }
0x39: {  	_ = 	snop;
	(pc) =	sbr.ind lr, $3  }
0x3a: {  	_ = 	snop  }
0x3b: {  	_ = 	snop  }
0x3c: {  	p2 =	seq.s32 s10, $0x1;
	s10 =	sld [smem:$0x3FB0]  }
0x3d: {  	_ =	shalt  }
0x3e: {  	_ =	shalt  }
0x3f: {  	_ =	shalt  }
0x40: {  	_ =	shalt  }
0x41: {  	_ =	shalt  }
0x42: {  	_ =	shalt  }
0x43: {  	_ =	shalt  }
0x44: {  	_ =	shalt  }
0x45: {  	_ =	shalt  }
0x46: {  	_ =	shalt  }
0x47: {  	_ =	shalt  }
0x48: {  	_ =	shalt  }
0x49: {  	_ =	shalt  }
0x4a: {  	_ =	shalt  }
0x4b: {  	_ =	shalt  }
0x4c: {  	_ =	shalt  }
0x4d: {  	_ =	shalt  }
0x4e: {  	_ =	shalt  }
0x4f: {  	_ =	shalt  }
0x50: {  	_ =	shalt  }
0x51: {  	_ =	shalt  }
0x52: {  	_ =	shalt  }
0x53: {  	_ =	shalt  }
0x54: {  	_ =	shalt  }
0x55: {  	_ =	shalt  }
0x56: {  	_ =	shalt  }
0x57: {  	_ =	shalt  }
0x58: {  	_ =	shalt  }
0x59: {  	_ =	shalt  }
0x5a: {  	_ =	shalt  }
0x5b: {  	_ =	shalt  }
0x5c: {  	_ =	shalt  }
0x5d: {  	_ =	shalt  }
0x5e: {  	_ =	shalt  }
0x5f: {  	_ =	shalt  }
0x60: {  	_ =	shalt  }
0x61: {  	_ =	shalt  }
0x62: {  	_ =	shalt  }
0x63: {  	_ =	shalt  }
0x64: {  	_ =	shalt  }
0x65: {  	_ =	shalt  }
0x66: {  	_ =	shalt  }
0x67: {  	_ =	shalt  }
0x68: {  	_ =	shalt  }
0x69: {  	_ =	shalt  }
0x6a: {  	_ =	shalt  }
0x6b: {  	_ =	shalt  }
0x6c: {  	_ =	shalt  }
0x6d: {  	_ =	shalt  }
0x6e: {  	_ =	shalt  }
0x6f: {  	_ =	shalt  }
0x70: {  	_ =	shalt  }
0x71: {  	_ =	shalt  }
0x72: {  	_ =	shalt  }
0x73: {  	_ =	shalt  }
0x74: {  	_ =	shalt  }
0x75: {  	_ =	shalt  }
0x76: {  	_ =	shalt  }
0x77: {  	_ =	shalt  }
0x78: {  	_ =	shalt  }
0x79: {  	_ =	shalt  }
0x7a: {  	_ =	shalt  }
0x7b: {  	_ =	shalt  }
0x7c: {  	_ =	shalt  }
0x7d: {  	_ =	shalt  }
0x7e: {  	_ =	shalt  }
0x7f: {  	_ =	shalt  }
0x80: {  	_ =	shalt  }
0x81: {  	_ =	shalt  }
0x82: {  	_ =	shalt  }
0x83: {  	_ =	shalt  }
0x84: {  	_ =	shalt  }
0x85: {  	_ =	shalt  }
0x86: {  	_ =	shalt  }
0x87: {  	_ =	shalt  }
.Lfunc_end0:
.L_simem_size_0:
called_computation.3_lowered:
.L_overlay_start_0:
0x88: {  	s2 =	sld [smem:$0x3FD9]  }
0x89: {  	s3 =	sld [smem:$0x3FFE];
	_ =	sdelay $0x1  }
0x8a: {  	s1 =	srdreg.scid  }
0x8b: {  	s0 =	sand.u32 $0x1, s1  }
0x8c: {  	s14 =	sshll.u32 s0, $0xA;
	s2 =	sadd.s32 s3, s2  }
0x8d: {  	s2 =	sadd.s32 s2, s14  }
0x8e: {  	[smem:$0x3FBC] =	sst s2  }
0x8f: {  	_ = 	snop  }
0x90: {  	s2 =	sld [smem:$0x3FD0];
	_ =	sdelay $0x2  }
0x91: {  	s15 =	simm.s32 $0xA;
	s4 =	simm.s32 $0x10  }
0x92: {  	[smem:s4], [sflag:s15] =	dma.local [hbm:s2], $0x1  }
0x93: {  	_ =	swait.eq [sflag:s15], $0x1  }
0x94: {  	[sflag:s15] =	ssyncset.done $0x0  }
0x95: {  	[sflag:s15] =	ssyncadd.s32 $0xFFFFFFFF  }
0x96: {  	s16 =	sld [smem:$0x10];
	(tm) =	ssettm $0x1  }
0x97: {  	s17 =	sld [smem:$0x3FFB];
	_ =	sdelay $0x3  }
0x98: {  	_ =	strace s17  }
0x99: {  	s3 =	sld [smem:$0x3FFC];
	_ =	sdelay $0x3  }
0x9a: {  	_ =	strace s3  }
0x9b: {  	s3 =	sld [smem:$0x3FFD];
	_ =	sdelay $0x3  }
0x9c: {  	_ =	strace s3  }
0x9d: {  	_ =	strace $0x8FFFFFFF  }
0x9e: {  	s18 =	sld [smem:$0x3FDB];
	_ =	sdelay $0x1  }
0x9f: {  	s19 =	simm.s32 $_scs_section_size  }
0xa0: {  	s5 =	simm.s32 $_size__tile_overlayer_lowered;
	s6 =	simm.s32 $_tile_overlayer_lowered  }
0xa1: {  	s22 =	simm.s32 $0x1BFF;
	s21 =	sshll.u32 s6, $0x1;
	s3 =	sadd.s32 s19, s18  }
0xa2: {  	s7 =	simm.s32 $0x0;
	s20 =	sshll.u32 s5, $0x1;
	s5 =	sadd.s32 s21, s3  }
0xa3: {  	[timem:s7], [sflag:s22] =	dma.local [hbm:s5], s20  }
0xa4: {  	_ =	swait.ge [sflag:s22], s20  }
0xa5: {  	s4 =	ssub.s32 $0x0, s20;
	[sflag:s22] =	ssyncset.done $0x0  }
0xa6: {  	[sflag:s22] =	ssyncadd.s32 s4;
	_ =	sdelay $0x1  }
0xa7: {  	s23 =	simm.s32 $0x1B8B  }
0xa8: {  	_ =	swait.ge [sflag:s23], $0x1  }
0xa9: {  	[sflag:s23] =	ssyncset.done $0x0  }
0xaa: {  	s25 =	simm.s32 $0x1B8E;
	s24 =	sld [smem:$0x3FFE];
	[sflag:s23] =	ssyncadd.s32 $0xFFFFFFFF  }
0xab: {  	s26 =	simm.s32 $execute0_lowered;
	[smem:$0x3FD2] =	sst s25  }
0xac: {  	s5 =	sshll.u32 s26, $0x1;
	_ =	strace $0x8000004F;
	[dreg:$0x1] =	wrdreg $0xFFFFFFFF  }
0xad: {  	s28 =	simm.s32 $_size_execute0_lowered;
	s3 =	sadd.s32 s3, s5;
	[dreg:$0x0] =	wrdreg $0x0  }
0xae: {  	s5 =	sshll.u32 s28, $0x1;
	[dreg:$0x2] =	wrdreg s3  }
0xaf: {  	[dreg:$0x3] =	wrdreg s5  }
0xb0: {  	[dreg:$0x4] =	wrdreg $0xC0  }
0xb1: {  	_ =	task [dreg:s7], $0x5FFFF  }
0xb2: {  	[dreg:$0x1] =	wrdreg $0xFFFFFFFF  }
0xb3: {  	[dreg:$0x0] =	wrdreg $0x60  }
0xb4: {  	[dreg:$0x2] =	wrdreg s24  }
0xb5: {  	[dreg:$0x3] =	wrdreg s16  }
0xb6: {  	[dreg:$0x4] =	wrdreg $0x9  }
0xb7: {  	_ =	task.clear_ibuf [dreg:s7], $0x5FFFF;
	_ =	strace $0x9000004F  }
0xb8: {  	s29 =	simm.s32 $0x9;
	_ =	strace $0x80000051  }
0xb9: {  	_ =	swait.ge [sflag:s29], $0x1  }
0xba: {  	[sflag:s29] =	ssyncadd.s32 $0xFFFFFFFF  }
0xbb: {  	_ =	strace $0x90000051  }
0xbc: {  	_ =	sfence  }
0xbd: {  	s30 =	sld [smem:$0x0];
	_ =	sdelay $0x2  }
0xbe: {  	s31 =	sshll.u32 s1, $0xD;
	s1 =	sshrl.u32 s1, $0x2  }
0xbf: {  	s3 =	sand.u32 $0x4000, s31;
	s1 =	sadd.s32 s1, s30  }
0xc0: {  	s0 =	sor.u32 s3, s0;
	s1 =	sshll.u32 s1, $0x11  }
0xc1: {  	s0 =	sor.u32 s1, s0  }
0xc2: {  	s0 =	sadd.s32 $0x8F2B, s0  }
0xc3: {  	[sflag:s0] =	ssyncadd.remote.s32 $0x1  }
0xc4: {  	_ =	sfence.sel $0xFFFF  }
0xc5: {  	[dreg:$0x0] =	wrdreg $0xFFFFFFFF;
	(pc) =	sbr.abs _section_cstart, $3  }
0xc6: {  	[dreg:$0x1] =	wrdreg $0xFFFFFFFF  }
0xc7: {  	_ =	task.clear_ibuf [dreg:s7], $0x2FFFF;
	_ =	strace $0x9FFFFFFF  }
0xc8: {  	(tm) =	ssettm $0x7FFFFFFF  }
0xc9: {  	_ =	shalt  }
tec
execute0_lowered:
.L_overlay_start_1:
0x0: {  	(tag) =	ssettag $0x1  }
0x1: {  	s0 =	rddreg [dreg:$0x0]  }
0x2: {  	s2 =	rddreg [dreg:$0x1];
	s1 =	simm.s32 $0x0  }
0x3: {  	s3 =	srdreg.scid;
	s9 =	stileid.u32;
	s16 =	simm.s32 $0x9  }
0x4: {  	s18 =	simm.s32 $0x2000;
	s28 =	simm.s32 $0x3;
	s29 =	simm.s32 $0x7  }
0x5: {  	s30 =	simm.s32 $0x4;
	s31 =	simm.s32 $0x8;
	[smem:$0x7FF] =	sst s1  }
0x6: {  	s5 =	sand.u32 $0x1, s3;
	s3 =	sadd.s32 $0x3A00, s0;
	s4 =	sadd.s32 $0x8CA00, s0  }
0x7: {  	s13 =	sadd.s32 $0x29DA00, s0;
	s25 =	sshll.u32 s9, $0x10;
	_ =	strace $0x80000050  }
0x8: {  	s6 =	sshll.u32 s5, $0x4;
	s8 =	ssub.s32 $0x2, s5;
	s24 =	sshll.u32 s5, $0x14  }
0x9: {  	s6 =	sor.u32 s9, s6;
	s19 =	sshrl.u32 s8, $0x1;
	s12 =	sadd.s32 s24, s2  }
0xa: {  	s14 =	sor.u32 s25, s24;
	s7 =	sshll.u32 s6, $0x9;
	s11 =	ssub.s32 s8, s19  }
0xb: {  	s6 =	sshll.u32 s6, $0x10;
	s0 =	sadd.s32 s7, s0;
	s26 =	smax.u32 s11, $0x1  }
0xc: {  	s12 =	sadd.s32 s25, s12;
	s20 =	sadd.s32 $0x88A00, s0;
	[dreg:$0x8] =	wrdreg s26  }
0xd: {  	s6 =	sadd.s32 s13, s6;
	s0 =	sadd.s32 $0x83A00, s0;
	[dreg:$0x3] =	wrdreg s20  }
0xe: {  	s19 =	simm.s32 $0x6000;
	s21 =	sadd.s32 $0x800, s6;
	[dreg:$0x4] =	wrdreg s0  }
0xf: {  	s22 =	sadd.s32 $0x1000, s6;
	s23 =	sadd.s32 $0x1800, s6;
	[dreg:$0x5] =	wrdreg s21  }
.Ltmp0:
0x10: {  	s26 =	simm.s32 $0x6;
	[dreg:$0x6] =	wrdreg s22;
	(pc) =	sbr.rel .LBB2_1-.Ltmp0, $4  }
0x11: {  	[dreg:$0x7] =	wrdreg s23;
	s0 =	sadd.s32 s24, s13;
	s13 =	sadd.s32 s14, s2  }
0x12: {  	s20 =	simm.s32 $0xA000;
	s21 =	simm.s32 $0xE000;
	s22 =	simm.s32 $0x1  }
0x13: {  	s23 =	simm.s32 $0x80;
	s24 =	simm.s32 $0x5;
	s14 =	sadd.s32 s25, s0  }
0x14: {  	s15 =	sadd.s32 $0x1000, s13;
	s25 =	simm.s32 $0x2;
	s0 =	simm.s32 $0x0  }
.LBB2_4:
0x15: {  	s0 =	sadd.s32 $0x1, s0;
	s2 =	rddreg [dreg:$0x8]  }
0x16: {  	p0 =	sne.s32 s0, s2  }
.Ltmp1:
0x17: {  	_ = 	snop;
	(pc) =	sbr.rel @!p0 .LBB2_5-.Ltmp1, $1  }
0x18: {  	_ =	sdelay $0x3  }
.LBB2_1:
0x19: {  	s2 =	rddreg [dreg:$0x3]  }
0x1a: {  	[tilespmem:s1], [sflag:$0x9] =	stream.linear.gather [hbm4b:s2+s1], $0x1000, $0x38;
	[tilespmem:$0x12000] =	vst v63  }
0x1b: {  	_ =	swait.ge [sflag:s16], $0x1000  }
0x1c: {  	[sflag:s16] =	ssyncset.done $0x0  }
0x1d: {  	s5 =	simm.s32 $0x1000;
	s9 =	rddreg [dreg:$0x4];
	[sflag:s16] =	ssyncadd.s32 $0xFFFFF000  }
0x1e: {  	[tilespmem:s5], [sflag:$0x9] =	stream.linear.gather [hbm4b:s9+s1], $0x1000, $0x38;
	[tilespmem:$0x12000] =	vst v63  }
0x1f: {  	_ =	swait.ge [sflag:s16], $0x1000  }
0x20: {  	[sflag:s16] =	ssyncset.done $0x0  }
0x21: {  	[sflag:s16] =	ssyncadd.s32 $0xFFFFF000  }
0x22: {  	[tilespmem:s18], [sflag:$0x1] =	stream.linear.gather [hbm4b:s6+s1], $0x4000, $0x38;
	[tilespmem:$0x12000] =	vst v63  }
0x23: {  	s10 =	rddreg [dreg:$0x5]  }
0x24: {  	[tilespmem:s19], [sflag:$0x2] =	stream.linear.gather [hbm4b:s10+s1], $0x4000, $0x38;
	[tilespmem:$0x12000] =	vst v63  }
0x25: {  	s11 =	rddreg [dreg:$0x6]  }
0x26: {  	[tilespmem:s20], [sflag:$0x3] =	stream.linear.gather [hbm4b:s11+s1], $0x4000, $0x38;
	[tilespmem:$0x12000] =	vst v63  }
0x27: {  	s17 =	rddreg [dreg:$0x7]  }
0x28: {  	[tilespmem:s21], [sflag:$0x4] =	stream.linear.gather [hbm4b:s17+s1], $0x4000, $0x38;
	[tilespmem:$0x12000] =	vst v63  }
0x29: {  	s2 =	simm.s32 $0x0;
	s17 =	simm.s32 $0x0  }
.LBB2_2:
0x2a: {  	_ =	swait.ge [sflag:s22], $0x4000  }
0x2b: {  	[sflag:s22] =	ssyncset.done $0x0  }
0x2c: {  	s5 =	sshra.s32 s17, $0x2;
	[sflag:s22] =	ssyncadd.s32 $0xFFFFC000  }
0x2d: {  	[tilespmem:s18], [sflag:$0x1] =	stream.indirect.gather.add.f32 [hbm:s3], $0x80, s5, s23, $0xb8;
	[tilespmem:$0x12000] =	vst v63  }
0x2e: {  	_ =	swait.ge [sflag:s22], $0x4000  }
0x2f: {  	[sflag:s22] =	ssyncset.done $0x0  }
0x30: {  	s7 =	sadd.s32 $0x1000, s5;
	[sflag:s22] =	ssyncadd.s32 $0xFFFFC000  }
0x31: {  	[tilespmem:s18], [sflag:$0x1] =	stream.indirect.gather.add.f32 [hbm:s4], $0x80, s7, s23, $0xb8;
	[tilespmem:$0x12000] =	vst v63  }
0x32: {  	_ =	swait.ge [sflag:s22], $0x4000  }
0x33: {  	[sflag:s22] =	ssyncset.done $0x0  }
0x34: {  	s10 =	sadd.s32 s2, s12;
	[sflag:s22] =	ssyncadd.s32 $0xFFFFC000  }
0x35: {  	[hbm4b:s10+s1] =	stream.linear.scatter [tilespmem:s18], [sflag:$0x5], $0x4000, $0x38;
	[tilespmem:$0x12000] =	vst v63  }
0x36: {  	p0 =	seq.s32 s17, $0x3800;
	_ =	swait.ge [sflag:s24], $0x4000  }
0x37: {  	s9 =	simm.s32 @!p0 $0x0;
	s7 =	sadd.s32 @!p0 s2, s14;
	[sflag:s24] =	ssyncset.done $0x0  }
0x38: {  	s8 =	sadd.s32 @!p0 $0x2000, s7;
	s10 =	simm.s32 @!p0 $0x2000;
	[sflag:s24] =	ssyncadd.s32 $0xFFFFC000  }
0x39: {  	[tilespmem:s10], [sflag:$0x1] =	stream.linear.gather @!p0 [hbm4b:s8+s9], $0x4000, $0x38;
	[tilespmem:$0x12000] =	vst v63  }
0x3a: {  	_ =	swait.ge [sflag:s25], $0x4000  }
0x3b: {  	[sflag:s25] =	ssyncset.done $0x0  }
0x3c: {  	s11 =	sadd.s32 $0x80, s5;
	[sflag:s25] =	ssyncadd.s32 $0xFFFFC000  }
0x3d: {  	[tilespmem:s19], [sflag:$0x2] =	stream.indirect.gather.add.f32 [hbm:s3], $0x80, s11, s23, $0xb8;
	[tilespmem:$0x12000] =	vst v63  }
0x3e: {  	_ =	swait.ge [sflag:s25], $0x4000  }
0x3f: {  	[sflag:s25] =	ssyncset.done $0x0  }
0x40: {  	s10 =	sadd.s32 $0x1080, s5;
	[sflag:s25] =	ssyncadd.s32 $0xFFFFC000  }
0x41: {  	[tilespmem:s19], [sflag:$0x2] =	stream.indirect.gather.add.f32 [hbm:s4], $0x80, s10, s23, $0xb8;
	[tilespmem:$0x12000] =	vst v63  }
0x42: {  	_ =	swait.ge [sflag:s25], $0x4000  }
0x43: {  	s8 =	sadd.s32 s2, s13;
	[sflag:s25] =	ssyncset.done $0x0  }
0x44: {  	s11 =	sadd.s32 $0x800, s8;
	[sflag:s25] =	ssyncadd.s32 $0xFFFFC000  }
0x45: {  	[hbm4b:s11+s1] =	stream.linear.scatter [tilespmem:s19], [sflag:$0x6], $0x4000, $0x38;
	[tilespmem:$0x12000] =	vst v63  }
0x46: {  	_ =	swait.ge [sflag:s26], $0x4000  }
0x47: {  	[sflag:s26] =	ssyncset.done $0x0  }
0x48: {  	s10 =	sadd.s32 @!p0 $0x2800, s7;
	s11 =	simm.s32 @!p0 $0x6000;
	[sflag:s26] =	ssyncadd.s32 $0xFFFFC000  }
0x49: {  	[tilespmem:s11], [sflag:$0x2] =	stream.linear.gather @!p0 [hbm4b:s10+s9], $0x4000, $0x38;
	[tilespmem:$0x12000] =	vst v63  }
0x4a: {  	_ =	swait.ge [sflag:s28], $0x4000  }
0x4b: {  	[sflag:s28] =	ssyncset.done $0x0  }
0x4c: {  	s11 =	sadd.s32 $0x100, s5;
	[sflag:s28] =	ssyncadd.s32 $0xFFFFC000  }
0x4d: {  	[tilespmem:s20], [sflag:$0x3] =	stream.indirect.gather.add.f32 [hbm:s3], $0x80, s11, s23, $0xb8;
	[tilespmem:$0x12000] =	vst v63  }
0x4e: {  	_ =	swait.ge [sflag:s28], $0x4000  }
0x4f: {  	[sflag:s28] =	ssyncset.done $0x0  }
0x50: {  	s11 =	sadd.s32 $0x1100, s5;
	[sflag:s28] =	ssyncadd.s32 $0xFFFFC000  }
0x51: {  	[tilespmem:s20], [sflag:$0x3] =	stream.indirect.gather.add.f32 [hbm:s4], $0x80, s11, s23, $0xb8;
	[tilespmem:$0x12000] =	vst v63  }
0x52: {  	_ =	swait.ge [sflag:s28], $0x4000  }
0x53: {  	[sflag:s28] =	ssyncset.done $0x0  }
0x54: {  	s11 =	sadd.s32 s2, s15;
	[sflag:s28] =	ssyncadd.s32 $0xFFFFC000  }
0x55: {  	[hbm4b:s11+s1] =	stream.linear.scatter [tilespmem:s20], [sflag:$0x7], $0x4000, $0x38;
	[tilespmem:$0x12000] =	vst v63  }
0x56: {  	_ =	swait.ge [sflag:s29], $0x4000  }
0x57: {  	[sflag:s29] =	ssyncset.done $0x0  }
0x58: {  	s7 =	sadd.s32 @!p0 $0x3000, s7;
	s10 =	simm.s32 @!p0 $0xA000;
	[sflag:s29] =	ssyncadd.s32 $0xFFFFC000  }
0x59: {  	[tilespmem:s10], [sflag:$0x3] =	stream.linear.gather @!p0 [hbm4b:s7+s9], $0x4000, $0x38;
	[tilespmem:$0x12000] =	vst v63  }
0x5a: {  	_ =	swait.ge [sflag:s30], $0x4000  }
0x5b: {  	[sflag:s30] =	ssyncset.done $0x0  }
0x5c: {  	s10 =	sadd.s32 $0x180, s5;
	[sflag:s30] =	ssyncadd.s32 $0xFFFFC000  }
0x5d: {  	[tilespmem:s21], [sflag:$0x4] =	stream.indirect.gather.add.f32 [hbm:s3], $0x80, s10, s23, $0xb8;
	[tilespmem:$0x12000] =	vst v63  }
0x5e: {  	_ =	swait.ge [sflag:s30], $0x4000  }
0x5f: {  	[sflag:s30] =	ssyncset.done $0x0  }
0x60: {  	s5 =	sadd.s32 $0x1180, s5;
	[sflag:s30] =	ssyncadd.s32 $0xFFFFC000  }
0x61: {  	[tilespmem:s21], [sflag:$0x4] =	stream.indirect.gather.add.f32 [hbm:s4], $0x80, s5, s23, $0xb8;
	[tilespmem:$0x12000] =	vst v63  }
0x62: {  	_ =	swait.ge [sflag:s30], $0x4000  }
0x63: {  	[sflag:s30] =	ssyncset.done $0x0  }
.Ltmp2:
0x64: {  	s11 =	sadd.s32 $0x1800, s8;
	[sflag:s30] =	ssyncadd.s32 $0xFFFFC000;
	(pc) =	sbr.rel @p0 .LBB2_4-.Ltmp2, $4  }
0x65: {  	[hbm4b:s11+s1] =	stream.linear.scatter [tilespmem:s21], [sflag:$0x8], $0x4000, $0x38;
	[tilespmem:$0x12000] =	vst v63  }
0x66: {  	_ =	swait.ge [sflag:s31], $0x4000  }
0x67: {  	[sflag:s31] =	ssyncset.done $0x0  }
0x68: {  	[sflag:s31] =	ssyncadd.s32 $0xFFFFC000  }
.Ltmp3:
0x69: {  	(pc) =	sbr.rel .LBB2_2-.Ltmp3, $4  }
0x6a: {  	_ = 	snop  }
0x6b: {  	s5 =	sadd.s32 s2, s14  }
0x6c: {  	s17 =	sadd.s32 $0x800, s17;
	s2 =	sadd.s32 $0x2000, s2;
	s5 =	sadd.s32 $0x3800, s5  }
0x6d: {  	[tilespmem:s21], [sflag:$0x4] =	stream.linear.gather [hbm4b:s5+s1], $0x4000, $0x38;
	[tilespmem:$0x12000] =	vst v63  }
.LBB2_5:
0x6e: {  	_ =	sfence.sel $0x180000  }
0x6f: {  	[bflag:$0x0] =	sbarrier.arrive $0xFFFF  }
0x70: {  	_ =	strace $0x90000050  }
0x71: {  	s0 =	stileid.u32;
	[bflag:$0x2] =	sbarrier.arrive $0xFFFF  }
0x72: {  	p0 =	sne.s32 s0, $0x0;
	s0 =	rddreg [dreg:$0x2]  }
0x73: {  	s0 =	sadd.s32 @!p0 $0x100000, s0  }
0x74: {  	[sflag:s0] =	ssyncadd.tile.s32 @!p0 $0x1;
	_ =	shalt  }
.Lfunc_end2:
_tile_overlayer_lowered:
.L_overlay_start_2:
0x75: {  	(tag) =	ssettag $0x2  }
0x76: {  	s0 =	rddreg [dreg:$0x0];
	s2 =	stileid.u32  }
0x77: {  	s1 =	rddreg [dreg:$0x1];
	p0 =	sne.s32 s2, $0x0  }
0x78: {  	s3 =	rddreg [dreg:$0x2];
	[bflag:$0x3] =	sbarrier.arrive $0xFFFF;
	s2 =	simm.s32 @!p0 $0x1C09  }
0x79: {  	[timem:s3], [sflag:s2] =	dma.local @!p0 [hbm:s0], s1  }
0x7a: {  	s0 =	simm.s32 @!p0 $0x9  }
0x7b: {  	_ =	swait.ge @!p0 [sflag:s0], s1  }
0x7c: {  	s1 =	ssub.s32 @!p0 $0x0, s1;
	[sflag:s0] =	ssyncset.done @!p0 $0x0  }
0x7d: {  	[sflag:s0] =	ssyncadd.s32 @!p0 s1  }
0x7e: {  	[bflag:$0x3] =	sbarrier.arrive $0xFFFF  }
0x7f: {  	_ =	shalt  }

// kernel: kernel.9.cloned.1.call-start
scs
__scs_entry_jumppad:
0x0: {  	(pc) =	sbr.rel $0x88, $3  }
0x1: {  	(tag) =	ssettag $0x0;
	lr =	simm.s32 $0x1  }
0x2: {  	[smem:$0x3F95] =	sst lr;
	_ =	strace $0xD0000000  }
0x3: {  	_ = 	snop  }
0x4: {  	_ = 	snop  }
0x5: {  	_ = 	snop  }
0x6: {  	_ = 	snop  }
0x7: {  	_ = 	snop  }
__scs_overlays_trampoline_lowered:
0x8: {  	[smem:$0x3FA4] =	sst s0  }
0x9: {  	[smem:$0x3FA5] =	sst s1  }
0xa: {  	[smem:$0x3FA6] =	sst s2  }
0xb: {  	[smem:$0x3FA7] =	sst s3  }
0xc: {  	[smem:$0x3FA8] =	sst s4  }
0xd: {  	[smem:$0x3FA9] =	sst s5  }
0xe: {  	[smem:$0x3FAA] =	sst s6  }
0xf: {  	[smem:$0x3FAB] =	sst s7  }
0x10: {  	[smem:$0x3FAC] =	sst s8  }
0x11: {  	[smem:$0x3FAD] =	sst s9;
	s0 =	simm.s32 @!p0 $0x0  }
0x12: {  	s1 =	sld [smem:$0x3F93];
	s0 =	simm.s32 @p0 $0x1  }
0x13: {  	[smem:$0x3FAE] =	sst s0;
	s0 =	simm.s32 @!p1 $0x0  }
0x14: {  	s2 =	sld [smem:$0x3F92];
	s0 =	simm.s32 @p1 $0x1  }
0x15: {  	[smem:$0x3FAF] =	sst s0;
	s0 =	simm.s32 @!p2 $0x0  }
0x16: {  	s3 =	sld [smem:$0x3FDB];
	s0 =	simm.s32 @p2 $0x1  }
0x17: {  	s4 =	simm.s32 $0x1BF5;
	[smem:$0x3FB1] =	sst s0  }
0x18: {  	s0 =	sld [smem:$0x3F94];
	_ =	swait.ge [sflag:s4], $0x0  }
0x19: {  	s7 =	sld [smem:$0x3F95]  }
0x1a: {  	s8 =	sadd.s32 $0xFFFFE003, lr  }
0x1b: {  	s9 =	sadd.s32 $0xFFFFFEF7, lr;
	s5 =	simm.s32 $0xFFFFFFFF;
	p2 =	slt.u32 s8, $0xFFFFF086  }
0x1c: {  	p1 =	slt.u32 s9, $0xF7A;
	s5 =	simm.s32 @!p2 $0x0  }
0x1d: {  	s5 =	simm.s32 @p1 $0x1;
	p0 =	seq.s32 s7, s2  }
0x1e: {  	s7 =	smul.u32 @!p0 $0xF7A, s2;
	p2 =	seq.s32 @!p0 s5, $0x0  }
0x1f: {  	s9 =	smul.u32 $0xF7A, s1;
	s8 =	simm.s32 @!p0 $0x1BF5;
	p2 =	por !p2, p0  }
0x20: {  	[sflag:s8] =	ssyncset.s32 @!p0 $0xFFFFF086;
	s6 =	sadd.s32 @!p0 s3, s7;
	s7 =	simm.s32 @!p0 $0x108  }
0x21: {  	s3 =	sadd.s32 s3, s9;
	s6 =	sadd.s32 @!p0 $0x88, s6;
	s7 =	simm.s32 @p2 $0x1082  }
0x22: {  	[simem:s7], [sflag:s8] =	dma.local @!p0 [hbm:s6], $0xF7A  }
0x23: {  	s9 =	sor.u32 $0xD0000000, s2;
	s6 =	simm.s32 $0x108;
	_ =	swait.ge @!p0 [sflag:s8], $0x0  }
0x24: {  	s3 =	sadd.s32 $0x88, s3;
	s6 =	simm.s32 @!p1 $0x1082;
	[sflag:s4] =	ssyncset.s32 $0xFFFFF086  }
0x25: {  	[simem:s6], [sflag:s4] =	dma.local [hbm:s3], $0xF7A  }
0x26: {  	[smem:$0x3F95] =	sst s1;
	(tag) =	ssettag s2;
	_ =	strace s9  }
0x27: {  	s1 =	sld [smem:$0x3FA5]  }
0x28: {  	s2 =	sld [smem:$0x3FA6]  }
0x29: {  	s4 =	sld [smem:$0x3FA8]  }
0x2a: {  	p0 =	seq.s32 s5, $0x0;
	s5 =	sld [smem:$0x3FA9]  }
0x2b: {  	s6 =	sld [smem:$0x3FAA]  }
0x2c: {  	s7 =	sld [smem:$0x3FAB]  }
0x2d: {  	s3 =	simm.s32 $0x108;
	s8 =	sld [smem:$0x3FAC]  }
0x2e: {  	s3 =	simm.s32 @!p0 $0x1082;
	s9 =	sld [smem:$0x3FAD]  }
0x2f: {  	lr =	sadd.s32 s0, s3;
	s0 =	sld [smem:$0x3FA4]  }
0x30: {  	s3 =	sld [smem:$0x3FA7]  }
0x31: {  	[smem:$0x3FB0] =	sst s10  }
0x32: {  	s10 =	sld [smem:$0x3FAE];
	_ =	sdelay $0x3  }
0x33: {  	p0 =	seq.s32 s10, $0x1;
	s10 =	sld [smem:$0x3FB0];
	_ =	sdelay $0x3  }
0x34: {  	[smem:$0x3FB0] =	sst s10  }
0x35: {  	s10 =	sld [smem:$0x3FAF];
	_ =	sdelay $0x3  }
0x36: {  	p1 =	seq.s32 s10, $0x1;
	s10 =	sld [smem:$0x3FB0];
	_ =	sdelay $0x3  }
0x37: {  	[smem:$0x3FB0] =	sst s10  }
0x38: {  	s10 =	sld [smem:$0x3FB1]  }
0x39: {  	_ = 	snop;
	(pc) =	sbr.ind lr, $3  }
0x3a: {  	_ = 	snop  }
0x3b: {  	_ = 	snop  }
0x3c: {  	p2 =	seq.s32 s10, $0x1;
	s10 =	sld [smem:$0x3FB0]  }
0x3d: {  	_ =	shalt  }
0x3e: {  	_ =	shalt  }
0x3f: {  	_ =	shalt  }
0x40: {  	_ =	shalt  }
0x41: {  	_ =	shalt  }
0x42: {  	_ =	shalt  }
0x43: {  	_ =	shalt  }
0x44: {  	_ =	shalt  }
0x45: {  	_ =	shalt  }
0x46: {  	_ =	shalt  }
0x47: {  	_ =	shalt  }
0x48: {  	_ =	shalt  }
0x49: {  	_ =	shalt  }
0x4a: {  	_ =	shalt  }
0x4b: {  	_ =	shalt  }
0x4c: {  	_ =	shalt  }
0x4d: {  	_ =	shalt  }
0x4e: {  	_ =	shalt  }
0x4f: {  	_ =	shalt  }
0x50: {  	_ =	shalt  }
0x51: {  	_ =	shalt  }
0x52: {  	_ =	shalt  }
0x53: {  	_ =	shalt  }
0x54: {  	_ =	shalt  }
0x55: {  	_ =	shalt  }
0x56: {  	_ =	shalt  }
0x57: {  	_ =	shalt  }
0x58: {  	_ =	shalt  }
0x59: {  	_ =	shalt  }
0x5a: {  	_ =	shalt  }
0x5b: {  	_ =	shalt  }
0x5c: {  	_ =	shalt  }
0x5d: {  	_ =	shalt  }
0x5e: {  	_ =	shalt  }
0x5f: {  	_ =	shalt  }
0x60: {  	_ =	shalt  }
0x61: {  	_ =	shalt  }
0x62: {  	_ =	shalt  }
0x63: {  	_ =	shalt  }
0x64: {  	_ =	shalt  }
0x65: {  	_ =	shalt  }
0x66: {  	_ =	shalt  }
0x67: {  	_ =	shalt  }
0x68: {  	_ =	shalt  }
0x69: {  	_ =	shalt  }
0x6a: {  	_ =	shalt  }
0x6b: {  	_ =	shalt  }
0x6c: {  	_ =	shalt  }
0x6d: {  	_ =	shalt  }
0x6e: {  	_ =	shalt  }
0x6f: {  	_ =	shalt  }
0x70: {  	_ =	shalt  }
0x71: {  	_ =	shalt  }
0x72: {  	_ =	shalt  }
0x73: {  	_ =	shalt  }
0x74: {  	_ =	shalt  }
0x75: {  	_ =	shalt  }
0x76: {  	_ =	shalt  }
0x77: {  	_ =	shalt  }
0x78: {  	_ =	shalt  }
0x79: {  	_ =	shalt  }
0x7a: {  	_ =	shalt  }
0x7b: {  	_ =	shalt  }
0x7c: {  	_ =	shalt  }
0x7d: {  	_ =	shalt  }
0x7e: {  	_ =	shalt  }
0x7f: {  	_ =	shalt  }
0x80: {  	_ =	shalt  }
0x81: {  	_ =	shalt  }
0x82: {  	_ =	shalt  }
0x83: {  	_ =	shalt  }
0x84: {  	_ =	shalt  }
0x85: {  	_ =	shalt  }
0x86: {  	_ =	shalt  }
0x87: {  	_ =	shalt  }
.Lfunc_end0:
.L_simem_size_0:
called_computation_lowered:
.L_overlay_start_0:
0x88: {  	s2 =	sld [smem:$0x3FD9]  }
0x89: {  	s3 =	sld [smem:$0x3FFE];
	_ =	sdelay $0x1  }
0x8a: {  	s1 =	srdreg.scid  }
0x8b: {  	s0 =	sand.u32 $0x1, s1  }
0x8c: {  	s17 =	sshll.u32 s0, $0xA;
	s2 =	sadd.s32 s3, s2  }
0x8d: {  	s2 =	sadd.s32 s2, s17  }
0x8e: {  	[smem:$0x3FBC] =	sst s2  }
0x8f: {  	_ = 	snop  }
0x90: {  	s2 =	sld [smem:$0x3FC5];
	(tm) =	ssettm $0x1  }
0x91: {  	s18 =	sld [smem:$0x3FFB];
	_ =	sdelay $0x3  }
0x92: {  	_ =	strace s18  }
0x93: {  	s3 =	sld [smem:$0x3FFC];
	_ =	sdelay $0x3  }
0x94: {  	_ =	strace s3  }
0x95: {  	s3 =	sld [smem:$0x3FFD];
	_ =	sdelay $0x3  }
0x96: {  	_ =	strace s3  }
0x97: {  	_ =	strace $0x8FFFFFFF  }
0x98: {  	s19 =	sld [smem:$0x3FDB];
	_ =	sdelay $0x1  }
0x99: {  	s4 =	simm.s32 $_scs_section_size  }
0x9a: {  	s5 =	simm.s32 $_size__tile_overlayer_lowered;
	s6 =	simm.s32 $_tile_overlayer_lowered  }
0x9b: {  	s22 =	simm.s32 $0x1BFF;
	s21 =	sshll.u32 s6, $0x1;
	s3 =	sadd.s32 s4, s19  }
0x9c: {  	s7 =	simm.s32 $0x0;
	s20 =	sshll.u32 s5, $0x1;
	s5 =	sadd.s32 s21, s3  }
0x9d: {  	[timem:s7], [sflag:s22] =	dma.local [hbm:s5], s20  }
0x9e: {  	_ =	swait.ge [sflag:s22], s20  }
0x9f: {  	s4 =	ssub.s32 $0x0, s20;
	[sflag:s22] =	ssyncset.done $0x0  }
0xa0: {  	[sflag:s22] =	ssyncadd.s32 s4;
	_ =	sdelay $0x1  }
0xa1: {  	s23 =	simm.s32 $0x1B8B  }
0xa2: {  	_ =	swait.ge [sflag:s23], $0x1  }
0xa3: {  	[sflag:s23] =	ssyncset.done $0x0  }
0xa4: {  	s25 =	simm.s32 $0x1B8E;
	s24 =	sld [smem:$0x3FFE];
	[sflag:s23] =	ssyncadd.s32 $0xFFFFFFFF  }
0xa5: {  	s26 =	simm.s32 $execute0_lowered;
	[smem:$0x3FD2] =	sst s25  }
0xa6: {  	s5 =	sshll.u32 s26, $0x1;
	_ =	strace $0x80000046;
	[dreg:$0x1] =	wrdreg $0xFFFFFFFF  }
0xa7: {  	s28 =	simm.s32 $_size_execute0_lowered;
	s3 =	sadd.s32 s3, s5;
	[dreg:$0x0] =	wrdreg $0x0  }
0xa8: {  	s5 =	sshll.u32 s28, $0x1;
	[dreg:$0x2] =	wrdreg s3  }
0xa9: {  	[dreg:$0x3] =	wrdreg s5  }
0xaa: {  	[dreg:$0x4] =	wrdreg $0xC0  }
0xab: {  	_ =	task [dreg:s7], $0x5FFFF  }
0xac: {  	[dreg:$0x1] =	wrdreg $0xFFFFFFFF  }
0xad: {  	[dreg:$0x0] =	wrdreg $0x60  }
0xae: {  	[dreg:$0x2] =	wrdreg s2  }
0xaf: {  	[dreg:$0x3] =	wrdreg s24  }
0xb0: {  	[dreg:$0x4] =	wrdreg $0x9  }
0xb1: {  	_ =	task.clear_ibuf [dreg:s7], $0x5FFFF;
	_ =	strace $0x90000046  }
0xb2: {  	s29 =	simm.s32 $0x9;
	_ =	strace $0x80000048  }
0xb3: {  	_ =	swait.ge [sflag:s29], $0x1  }
0xb4: {  	[sflag:s29] =	ssyncadd.s32 $0xFFFFFFFF  }
0xb5: {  	_ =	strace $0x90000048  }
0xb6: {  	_ =	sfence  }
0xb7: {  	s30 =	sld [smem:$0x0];
	_ =	sdelay $0x2  }
0xb8: {  	s31 =	sshll.u32 s1, $0xD;
	s1 =	sshrl.u32 s1, $0x2  }
0xb9: {  	s3 =	sand.u32 $0x4000, s31;
	s1 =	sadd.s32 s1, s30  }
0xba: {  	s0 =	sor.u32 s3, s0;
	s1 =	sshll.u32 s1, $0x11  }
0xbb: {  	s0 =	sor.u32 s1, s0  }
0xbc: {  	s0 =	sadd.s32 $0x8F2B, s0  }
0xbd: {  	[sflag:s0] =	ssyncadd.remote.s32 $0x1  }
0xbe: {  	_ =	sfence.sel $0xFFFF  }
0xbf: {  	[dreg:$0x0] =	wrdreg $0xFFFFFFFF;
	(pc) =	sbr.abs _section_cstart, $3  }
0xc0: {  	[dreg:$0x1] =	wrdreg $0xFFFFFFFF  }
0xc1: {  	_ =	task.clear_ibuf [dreg:s7], $0x2FFFF;
	_ =	strace $0x9FFFFFFF  }
0xc2: {  	(tm) =	ssettm $0x7FFFFFFF  }
0xc3: {  	_ =	shalt  }
tec
execute0_lowered:
.L_overlay_start_1:
0x0: {  	(tag) =	ssettag $0x1  }
0x1: {  	s0 =	srdreg.scid  }
0x2: {  	s1 =	sand.u32 $0x1, s0  }
0x3: {  	s25 =	stileid.u32;
	s3 =	sshll.u32 s1, $0x4  }
0x4: {  	s2 =	rddreg [dreg:$0x0];
	s5 =	sor.u32 s25, s3  }
0x5: {  	s4 =	rddreg [dreg:$0x1];
	s6 =	sshll.u32 s5, $0x7  }
0x6: {  	s3 =	simm.s32 $0x0;
	s5 =	sshll.u32 s5, $0xE;
	s6 =	sadd.s32 s6, s4  }
0x7: {  	[smem:$0x7FF] =	sst s3;
	s31 =	sadd.s32 s5, s4;
	s6 =	sadd.s32 $0x3A00, s6  }
0x8: {  	_ =	strace $0x80000047;
	s4 =	sadd.s32 $0x4A00, s31;
	[dreg:$0x3] =	wrdreg s6  }
0x9: {  	[dreg:$0x4] =	wrdreg s4  }
0xa: {  	s4 =	simm.s32 $0x9;
	s26 =	rddreg [dreg:$0x3]  }
0xb: {  	[tilespmem:s3], [sflag:$0x9] =	stream.linear.gather [hbm4b:s26+s3], $0x400, $0x38;
	[tilespmem:$0x10400] =	vst v63  }
0xc: {  	_ =	swait.ge [sflag:s4], $0x400  }
0xd: {  	[sflag:s4] =	ssyncset.done $0x0  }
0xe: {  	s5 =	simm.s32 $0x80;
	s6 =	simm.s32 $0x400;
	[sflag:s4] =	ssyncadd.s32 $0xFFFFFC00  }
0xf: {  	[tilespmem:s6], [sflag:$0x1] =	stream.indirect.gather [hbm4b:s2+s5], $0x80, s3, s5, $0xb8;
	[tilespmem:$0x10400] =	vst v63  }
0x10: {  	s7 =	simm.s32 $0x4400  }
0x11: {  	[tilespmem:s7], [sflag:$0x2] =	stream.indirect.gather [hbm4b:s2+s5], $0x80, s5, s5, $0xb8;
	[tilespmem:$0x10400] =	vst v63  }
0x12: {  	s8 =	simm.s32 $0x100;
	s9 =	simm.s32 $0x8400  }
0x13: {  	[tilespmem:s9], [sflag:$0x3] =	stream.indirect.gather [hbm4b:s2+s5], $0x80, s8, s5, $0xb8;
	[tilespmem:$0x10400] =	vst v63  }
0x14: {  	s10 =	simm.s32 $0x180;
	s11 =	simm.s32 $0xC400;
	s12 =	simm.s32 $0x1  }
0x15: {  	[tilespmem:s11], [sflag:$0x4] =	stream.indirect.gather [hbm4b:s2+s5], $0x80, s10, s5, $0xb8;
	[tilespmem:$0x10400] =	vst v63  }
0x16: {  	_ =	swait.ge [sflag:s12], $0x4000  }
0x17: {  	[sflag:s12] =	ssyncset.done $0x0  }
0x18: {  	s13 =	simm.s32 $0x5;
	s14 =	rddreg [dreg:$0x4];
	[sflag:s12] =	ssyncadd.s32 $0xFFFFC000  }
0x19: {  	[hbm4b:s14+s3] =	stream.linear.scatter [tilespmem:s6], [sflag:$0x5], $0x4000, $0x38;
	[tilespmem:$0x10400] =	vst v63  }
0x1a: {  	_ =	swait.ge [sflag:s13], $0x4000  }
0x1b: {  	[sflag:s13] =	ssyncset.done $0x0  }
0x1c: {  	s15 =	simm.s32 $0x2;
	s14 =	simm.s32 $0x200;
	[sflag:s13] =	ssyncadd.s32 $0xFFFFC000  }
0x1d: {  	[tilespmem:s6], [sflag:$0x1] =	stream.indirect.gather [hbm4b:s2+s5], $0x80, s14, s5, $0xb8;
	[tilespmem:$0x10400] =	vst v63  }
0x1e: {  	_ =	swait.ge [sflag:s15], $0x4000  }
0x1f: {  	[sflag:s15] =	ssyncset.done $0x0  }
0x20: {  	s17 =	simm.s32 $0x6;
	s16 =	sadd.s32 $0x5200, s31;
	[sflag:s15] =	ssyncadd.s32 $0xFFFFC000  }
0x21: {  	[hbm4b:s16+s3] =	stream.linear.scatter [tilespmem:s7], [sflag:$0x6], $0x4000, $0x38;
	[tilespmem:$0x10400] =	vst v63  }
0x22: {  	_ =	swait.ge [sflag:s17], $0x4000  }
0x23: {  	[sflag:s17] =	ssyncset.done $0x0  }
0x24: {  	s18 =	simm.s32 $0x280;
	s19 =	simm.s32 $0x3;
	[sflag:s17] =	ssyncadd.s32 $0xFFFFC000  }
0x25: {  	[tilespmem:s7], [sflag:$0x2] =	stream.indirect.gather [hbm4b:s2+s5], $0x80, s18, s5, $0xb8;
	[tilespmem:$0x10400] =	vst v63  }
0x26: {  	_ =	swait.ge [sflag:s19], $0x4000  }
0x27: {  	[sflag:s19] =	ssyncset.done $0x0  }
0x28: {  	s21 =	simm.s32 $0x7;
	s20 =	sadd.s32 $0x5A00, s31;
	[sflag:s19] =	ssyncadd.s32 $0xFFFFC000  }
0x29: {  	[hbm4b:s20+s3] =	stream.linear.scatter [tilespmem:s9], [sflag:$0x7], $0x4000, $0x38;
	[tilespmem:$0x10400] =	vst v63  }
0x2a: {  	_ =	swait.ge [sflag:s21], $0x4000  }
0x2b: {  	[sflag:s21] =	ssyncset.done $0x0  }
0x2c: {  	s22 =	simm.s32 $0x300;
	s23 =	simm.s32 $0x4;
	[sflag:s21] =	ssyncadd.s32 $0xFFFFC000  }
0x2d: {  	[tilespmem:s9], [sflag:$0x3] =	stream.indirect.gather [hbm4b:s2+s5], $0x80, s22, s5, $0xb8;
	[tilespmem:$0x10400] =	vst v63  }
0x2e: {  	_ =	swait.ge [sflag:s23], $0x4000  }
0x2f: {  	[sflag:s23] =	ssyncset.done $0x0  }
0x30: {  	s24 =	simm.s32 $0x8;
	s25 =	sadd.s32 $0x6200, s31;
	[sflag:s23] =	ssyncadd.s32 $0xFFFFC000  }
0x31: {  	[hbm4b:s25+s3] =	stream.linear.scatter [tilespmem:s11], [sflag:$0x8], $0x4000, $0x38;
	[tilespmem:$0x10400] =	vst v63  }
0x32: {  	_ =	swait.ge [sflag:s24], $0x4000  }
0x33: {  	[sflag:s24] =	ssyncset.done $0x0  }
0x34: {  	s26 =	simm.s32 $0x380;
	[sflag:s24] =	ssyncadd.s32 $0xFFFFC000  }
0x35: {  	[tilespmem:s11], [sflag:$0x4] =	stream.indirect.gather [hbm4b:s2+s5], $0x80, s26, s5, $0xb8;
	[tilespmem:$0x10400] =	vst v63  }
0x36: {  	_ =	swait.ge [sflag:s12], $0x4000  }
0x37: {  	[sflag:s12] =	ssyncset.done $0x0  }
0x38: {  	s28 =	sadd.s32 $0x6A00, s31;
	[sflag:s12] =	ssyncadd.s32 $0xFFFFC000  }
0x39: {  	[hbm4b:s28+s3] =	stream.linear.scatter [tilespmem:s6], [sflag:$0x5], $0x4000, $0x38;
	[tilespmem:$0x10400] =	vst v63  }
0x3a: {  	_ =	swait.ge [sflag:s13], $0x4000  }
0x3b: {  	[sflag:s13] =	ssyncset.done $0x0  }
0x3c: {  	[sflag:s13] =	ssyncadd.s32 $0xFFFFC000  }
0x3d: {  	_ =	swait.ge [sflag:s15], $0x4000  }
0x3e: {  	[sflag:s15] =	ssyncset.done $0x0  }
0x3f: {  	s29 =	sadd.s32 $0x7200, s31;
	[sflag:s15] =	ssyncadd.s32 $0xFFFFC000  }
0x40: {  	[hbm4b:s29+s3] =	stream.linear.scatter [tilespmem:s7], [sflag:$0x6], $0x4000, $0x38;
	[tilespmem:$0x10400] =	vst v63  }
0x41: {  	_ =	swait.ge [sflag:s17], $0x4000  }
0x42: {  	[sflag:s17] =	ssyncset.done $0x0  }
0x43: {  	[sflag:s17] =	ssyncadd.s32 $0xFFFFC000  }
0x44: {  	_ =	swait.ge [sflag:s19], $0x4000  }
0x45: {  	s1 =	ssub.s32 $0x2, s1;
	[sflag:s19] =	ssyncset.done $0x0  }
0x46: {  	s0 =	sshrl.u32 s1, $0x1;
	s30 =	sadd.s32 $0x7A00, s31;
	[sflag:s19] =	ssyncadd.s32 $0xFFFFC000  }
0x47: {  	[hbm4b:s30+s3] =	stream.linear.scatter [tilespmem:s9], [sflag:$0x7], $0x4000, $0x38;
	[tilespmem:$0x10400] =	vst v63  }
0x48: {  	s0 =	ssub.s32 s1, s0;
	_ =	swait.ge [sflag:s21], $0x4000  }
0x49: {  	s0 =	smax.u32 s0, $0x1;
	[sflag:s21] =	ssyncset.done $0x0  }
0x4a: {  	p0 =	sne.s32 s0, $0x1;
	[sflag:s21] =	ssyncadd.s32 $0xFFFFC000  }
.Ltmp0:
0x4b: {  	_ =	swait.ge [sflag:s23], $0x4000;
	(pc) =	sbr.rel @!p0 .LBB2_2-.Ltmp0, $4  }
0x4c: {  	[sflag:s23] =	ssyncset.done $0x0  }
0x4d: {  	s31 =	sadd.s32 $0x8200, s31;
	[sflag:s23] =	ssyncadd.s32 $0xFFFFC000  }
0x4e: {  	[hbm4b:s31+s3] =	stream.linear.scatter [tilespmem:s11], [sflag:$0x8], $0x4000, $0x38;
	[tilespmem:$0x10400] =	vst v63  }
0x4f: {  	s1 =	sadd.s32 $0xFFFFFFFF, s0;
	_ =	swait.ge [sflag:s24], $0x4000  }
.LBB2_1:
0x50: {  	[sflag:s24] =	ssyncset.done $0x0  }
0x51: {  	s0 =	rddreg [dreg:$0x3];
	[sflag:s24] =	ssyncadd.s32 $0xFFFFC000  }
0x52: {  	[tilespmem:s3], [sflag:$0x9] =	stream.linear.gather [hbm4b:s0+s3], $0x400, $0x38;
	[tilespmem:$0x10400] =	vst v63  }
0x53: {  	_ =	swait.ge [sflag:s4], $0x400  }
0x54: {  	[sflag:s4] =	ssyncset.done $0x0  }
0x55: {  	[sflag:s4] =	ssyncadd.s32 $0xFFFFFC00  }
0x56: {  	[tilespmem:s6], [sflag:$0x1] =	stream.indirect.gather [hbm4b:s2+s5], $0x80, s3, s5, $0xb8;
	[tilespmem:$0x10400] =	vst v63  }
0x57: {  	_ = 	snop  }
0x58: {  	[tilespmem:s7], [sflag:$0x2] =	stream.indirect.gather [hbm4b:s2+s5], $0x80, s5, s5, $0xb8;
	[tilespmem:$0x10400] =	vst v63  }
0x59: {  	_ = 	snop  }
0x5a: {  	[tilespmem:s9], [sflag:$0x3] =	stream.indirect.gather [hbm4b:s2+s5], $0x80, s8, s5, $0xb8;
	[tilespmem:$0x10400] =	vst v63  }
0x5b: {  	_ = 	snop  }
0x5c: {  	[tilespmem:s11], [sflag:$0x4] =	stream.indirect.gather [hbm4b:s2+s5], $0x80, s10, s5, $0xb8;
	[tilespmem:$0x10400] =	vst v63  }
0x5d: {  	_ =	swait.ge [sflag:s12], $0x4000  }
0x5e: {  	[sflag:s12] =	ssyncset.done $0x0  }
0x5f: {  	s0 =	rddreg [dreg:$0x4];
	[sflag:s12] =	ssyncadd.s32 $0xFFFFC000  }
0x60: {  	[hbm4b:s0+s3] =	stream.linear.scatter [tilespmem:s6], [sflag:$0x5], $0x4000, $0x38;
	[tilespmem:$0x10400] =	vst v63  }
0x61: {  	_ =	swait.ge [sflag:s13], $0x4000  }
0x62: {  	[sflag:s13] =	ssyncset.done $0x0  }
0x63: {  	[sflag:s13] =	ssyncadd.s32 $0xFFFFC000  }
0x64: {  	[tilespmem:s6], [sflag:$0x1] =	stream.indirect.gather [hbm4b:s2+s5], $0x80, s14, s5, $0xb8;
	[tilespmem:$0x10400] =	vst v63  }
0x65: {  	_ =	swait.ge [sflag:s15], $0x4000  }
0x66: {  	[sflag:s15] =	ssyncset.done $0x0  }
0x67: {  	[sflag:s15] =	ssyncadd.s32 $0xFFFFC000  }
0x68: {  	[hbm4b:s16+s3] =	stream.linear.scatter [tilespmem:s7], [sflag:$0x6], $0x4000, $0x38;
	[tilespmem:$0x10400] =	vst v63  }
0x69: {  	_ =	swait.ge [sflag:s17], $0x4000  }
0x6a: {  	[sflag:s17] =	ssyncset.done $0x0  }
0x6b: {  	[sflag:s17] =	ssyncadd.s32 $0xFFFFC000  }
0x6c: {  	[tilespmem:s7], [sflag:$0x2] =	stream.indirect.gather [hbm4b:s2+s5], $0x80, s18, s5, $0xb8;
	[tilespmem:$0x10400] =	vst v63  }
0x6d: {  	_ =	swait.ge [sflag:s19], $0x4000  }
0x6e: {  	[sflag:s19] =	ssyncset.done $0x0  }
0x6f: {  	[sflag:s19] =	ssyncadd.s32 $0xFFFFC000  }
0x70: {  	[hbm4b:s20+s3] =	stream.linear.scatter [tilespmem:s9], [sflag:$0x7], $0x4000, $0x38;
	[tilespmem:$0x10400] =	vst v63  }
0x71: {  	_ =	swait.ge [sflag:s21], $0x4000  }
0x72: {  	[sflag:s21] =	ssyncset.done $0x0  }
0x73: {  	[sflag:s21] =	ssyncadd.s32 $0xFFFFC000  }
0x74: {  	[tilespmem:s9], [sflag:$0x3] =	stream.indirect.gather [hbm4b:s2+s5], $0x80, s22, s5, $0xb8;
	[tilespmem:$0x10400] =	vst v63  }
0x75: {  	_ =	swait.ge [sflag:s23], $0x4000  }
0x76: {  	[sflag:s23] =	ssyncset.done $0x0  }
0x77: {  	[sflag:s23] =	ssyncadd.s32 $0xFFFFC000  }
0x78: {  	[hbm4b:s25+s3] =	stream.linear.scatter [tilespmem:s11], [sflag:$0x8], $0x4000, $0x38;
	[tilespmem:$0x10400] =	vst v63  }
0x79: {  	_ =	swait.ge [sflag:s24], $0x4000  }
0x7a: {  	[sflag:s24] =	ssyncset.done $0x0  }
0x7b: {  	[sflag:s24] =	ssyncadd.s32 $0xFFFFC000  }
0x7c: {  	[tilespmem:s11], [sflag:$0x4] =	stream.indirect.gather [hbm4b:s2+s5], $0x80, s26, s5, $0xb8;
	[tilespmem:$0x10400] =	vst v63  }
0x7d: {  	_ =	swait.ge [sflag:s12], $0x4000  }
0x7e: {  	[sflag:s12] =	ssyncset.done $0x0  }
0x7f: {  	[sflag:s12] =	ssyncadd.s32 $0xFFFFC000  }
0x80: {  	[hbm4b:s28+s3] =	stream.linear.scatter [tilespmem:s6], [sflag:$0x5], $0x4000, $0x38;
	[tilespmem:$0x10400] =	vst v63  }
0x81: {  	_ =	swait.ge [sflag:s13], $0x4000  }
0x82: {  	[sflag:s13] =	ssyncset.done $0x0  }
0x83: {  	[sflag:s13] =	ssyncadd.s32 $0xFFFFC000  }
0x84: {  	_ =	swait.ge [sflag:s15], $0x4000  }
0x85: {  	[sflag:s15] =	ssyncset.done $0x0  }
0x86: {  	[sflag:s15] =	ssyncadd.s32 $0xFFFFC000  }
0x87: {  	[hbm4b:s29+s3] =	stream.linear.scatter [tilespmem:s7], [sflag:$0x6], $0x4000, $0x38;
	[tilespmem:$0x10400] =	vst v63  }
0x88: {  	_ =	swait.ge [sflag:s17], $0x4000  }
0x89: {  	[sflag:s17] =	ssyncset.done $0x0  }
0x8a: {  	[sflag:s17] =	ssyncadd.s32 $0xFFFFC000  }
0x8b: {  	_ =	swait.ge [sflag:s19], $0x4000  }
0x8c: {  	[sflag:s19] =	ssyncset.done $0x0  }
0x8d: {  	[sflag:s19] =	ssyncadd.s32 $0xFFFFC000  }
0x8e: {  	[hbm4b:s30+s3] =	stream.linear.scatter [tilespmem:s9], [sflag:$0x7], $0x4000, $0x38;
	[tilespmem:$0x10400] =	vst v63  }
0x8f: {  	_ =	swait.ge [sflag:s21], $0x4000  }
0x90: {  	[sflag:s21] =	ssyncset.done $0x0  }
0x91: {  	p0 =	sne.s32 s1, $0x1;
	[sflag:s21] =	ssyncadd.s32 $0xFFFFC000  }
.Ltmp1:
0x92: {  	_ =	swait.ge [sflag:s23], $0x4000;
	(pc) =	sbr.rel @p0 .LBB2_1-.Ltmp1, $4  }
0x93: {  	[sflag:s23] =	ssyncset.done $0x0  }
0x94: {  	[sflag:s23] =	ssyncadd.s32 $0xFFFFC000  }
0x95: {  	[hbm4b:s31+s3] =	stream.linear.scatter [tilespmem:s11], [sflag:$0x8], $0x4000, $0x38;
	[tilespmem:$0x10400] =	vst v63  }
0x96: {  	s1 =	sadd.s32 $0xFFFFFFFF, s1;
	_ =	swait.ge [sflag:s24], $0x4000  }
.LBB2_2:
0x97: {  	[sflag:s24] =	ssyncset.done $0x0  }
0x98: {  	[sflag:s24] =	ssyncadd.s32 $0xFFFFC000  }
0x99: {  	_ =	sfence.sel $0x180000  }
0x9a: {  	[bflag:$0x0] =	sbarrier.arrive $0xFFFF  }
0x9b: {  	_ =	strace $0x90000047  }
0x9c: {  	s0 =	stileid.u32;
	[bflag:$0x2] =	sbarrier.arrive $0xFFFF  }
0x9d: {  	p0 =	sne.s32 s0, $0x0;
	s0 =	rddreg [dreg:$0x2]  }
0x9e: {  	s0 =	sadd.s32 @!p0 $0x100000, s0  }
0x9f: {  	[sflag:s0] =	ssyncadd.tile.s32 @!p0 $0x1;
	_ =	shalt  }
.Lfunc_end2:
_tile_overlayer_lowered:
.L_overlay_start_2:
0xa0: {  	(tag) =	ssettag $0x2  }
0xa1: {  	s0 =	rddreg [dreg:$0x0];
	s2 =	stileid.u32  }
0xa2: {  	s1 =	rddreg [dreg:$0x1];
	p0 =	sne.s32 s2, $0x0  }
0xa3: {  	s3 =	rddreg [dreg:$0x2];
	[bflag:$0x3] =	sbarrier.arrive $0xFFFF;
	s2 =	simm.s32 @!p0 $0x1C09  }
0xa4: {  	[timem:s3], [sflag:s2] =	dma.local @!p0 [hbm:s0], s1  }
0xa5: {  	s0 =	simm.s32 @!p0 $0x9  }
0xa6: {  	_ =	swait.ge @!p0 [sflag:s0], s1  }
0xa7: {  	s1 =	ssub.s32 @!p0 $0x0, s1;
	[sflag:s0] =	ssyncset.done @!p0 $0x0  }
0xa8: {  	[sflag:s0] =	ssyncadd.s32 @!p0 s1  }
0xa9: {  	[bflag:$0x3] =	sbarrier.arrive $0xFFFF  }
0xaa: {  	_ =	shalt  }

</sc_bundles>
